<compile_context>
chip_gen: v7x
topology: tpu7x:2x2x1
jax: 0.10.2.dev20260603
libtpu: 0.0.44.dev20260713+nightly
codegen_flags: <defaults>
</compile_context>

<pallas_src>
import functools

import jax
import jax.numpy as jnp
from jax import lax
from jax.experimental import pallas as pl
from jax.experimental.pallas import tpu as pltpu
from jax.experimental.pallas import tpu_sc as plsc

_NC = 2
_NS = 16
_NW = _NC * _NS

_CHUNK = 512
_NBUF = 3


def _make_gather(n_rows, vocab, d):
    n_per_w = n_rows // _NW
    n_chunks = n_per_w // _CHUNK
    mesh = plsc.VectorSubcoreMesh(core_axis_name="c", subcore_axis_name="s")

    @functools.partial(
        pl.kernel,
        mesh=mesh,
        compiler_params=pltpu.CompilerParams(use_tc_tiling_on_sc=False),
        out_type=jax.ShapeDtypeStruct((n_rows, d), jnp.float32),
        scratch_types=[
            pltpu.VMEM((n_per_w,), jnp.int32),
            pltpu.VMEM((_NBUF, _CHUNK, d), jnp.float32),
            pltpu.SemaphoreType.DMA((_NBUF,)),
            pltpu.SemaphoreType.DMA((_NBUF,)),
        ],
    )
    def k(ids_hbm, table_hbm, out_flat, idx_v, rows_v, gsem, wsem):
        cid = lax.axis_index("c")
        sid = lax.axis_index("s")
        wid = sid * _NC + cid
        base = wid * n_per_w
        pltpu.sync_copy(ids_hbm.at[pl.ds(base, n_per_w)], idx_v)

        def issue_gather(j, b):
            return pltpu.async_copy(
                table_hbm.at[idx_v.at[pl.ds(j * _CHUNK, _CHUNK)]],
                rows_v.at[b], gsem.at[b]
            )

        def issue_write(j, b):
            return pltpu.async_copy(
                rows_v.at[b],
                out_flat.at[pl.ds(base + j * _CHUNK, _CHUNK)],
                wsem.at[b],
            )

        gh = {}
        wh = {}
        gh[0] = issue_gather(0, 0)
        gh[1] = issue_gather(1, 1)
        for j in range(n_chunks):
            b = j % _NBUF
            gh.pop(j).wait()
            wh[j] = issue_write(j, b)
            jn = j + 2
            if jn < n_chunks:
                bn = jn % _NBUF
                if jn >= _NBUF:
                    wh.pop(jn - _NBUF).wait()
                gh[jn] = issue_gather(jn, bn)
        for j in sorted(wh):
            wh.pop(j).wait()

    return k


def kernel(input_ids, embeddings):
    b, s = input_ids.shape
    vocab, d = embeddings.shape
    n = b * s
    ids = input_ids.reshape(n).astype(jnp.int32)
    out = _make_gather(n, vocab, d)(ids, embeddings)
    return out.reshape(b, s, d)

# --- scband reference (transcript-rebuilt; emitter-appended) ---
"""Pipeline reference for scband-flax-roberta-embedding-34772055228580 (READ-ONLY COPY).

The authoritative reference and input builder live on the scoring server;
editing this copy changes nothing except your own understanding.
"""

import jax, jax.numpy as jnp
import numpy as np

VOCAB_SIZE = 1000000
HIDDEN_SIZE = 64
INITIALIZER_RANGE = 0.02
BATCH = 4096
SEQ = 200


def setup_inputs(seed: int = 0) -> dict:
    key = jax.random.key(seed)
    k_ids, k_emb = jax.random.split(key)
    input_ids = jax.random.randint(k_ids, (BATCH, SEQ), 0, VOCAB_SIZE, dtype=jnp.int64 if jax.config.read('jax_enable_x64') else jnp.int32)
    embeddings = jax.random.normal(k_emb, (VOCAB_SIZE, HIDDEN_SIZE), dtype=jnp.float32) * INITIALIZER_RANGE
    return {"input_ids": input_ids, "embeddings": embeddings}


def reference(input_ids, embeddings):
    # Faithful translation of FlaxRobertaEmbedding.__call__:
    # return jnp.take(self.embeddings, input_ids, axis=0)
    return jnp.take(embeddings, input_ids, axis=0)

if __name__ == "__main__":
    import jax
    _d = setup_inputs()
    print(jax.jit(kernel)(*tuple(_d.values())))

</pallas_src>

<mosaic_0001>
#map = affine_map<(d0, d1) -> (0)>
#map1 = affine_map<(d0, d1) -> (0, 0)>
module attributes {stable_mosaic.version = 14 : i64} {
  func.func @k(%arg0: i32, %arg1: i32, %arg2: memref<819200xi32, #tpu.memory_space<hbm>>, %arg3: memref<1000000x64xf32, #tpu.memory_space<hbm>>, %arg4: memref<819200x64xf32, #tpu.memory_space<hbm>>, %arg5: memref<25600xi32, #tpu.memory_space<vmem>>, %arg6: memref<3x512x64xf32, #tpu.memory_space<vmem>>, %arg7: memref<3x!tpu.dma_semaphore, #tpu.memory_space<semaphore_mem>>, %arg8: memref<3x!tpu.dma_semaphore, #tpu.memory_space<semaphore_mem>>) attributes {dimension_semantics = [#tpu.dimension_semantics<core_parallel>, #tpu.dimension_semantics<subcore_parallel>], iteration_bounds = array<i64: 2, 16>, scalar_prefetch = 0 : i64, scratch_operands = 4 : i64, tpu.core_type = #tpu.core_type<sc_vector_subcore>, window_params = [{transform_indices = #map}, {transform_indices = #map1}, {transform_indices = #map1}]} {
    %mul3A = arith.constant 2 : i32
    %mul3A_0 = arith.muli %arg1, %mul3A : i32
    %add3A = arith.addi %mul3A_0, %arg0 : i32
    %mul3A_1 = arith.constant 25600 : i32
    %mul3A_2 = arith.muli %add3A, %mul3A_1 : i32
    "tpu.region"() ({
      %run_scoped3A = tpu.sem_alloc : memref<!tpu.dma_semaphore, #tpu.memory_space<semaphore_mem>>
      %dma_start3A_3001 = tpu.memref_slice %arg2[%mul3A_2] : memref<819200xi32, #tpu.memory_space<hbm>> -> memref<25600xi32, #tpu.memory_space<hbm>>
      %dma_start3A_3002 = tpu.memref_slice %arg2[%mul3A_2] : memref<819200xi32, #tpu.memory_space<hbm>> -> memref<25600xi32, #tpu.memory_space<hbm>>
      tpu.enqueue_dma source(%dma_start3A_3002 : memref<25600xi32, #tpu.memory_space<hbm>>) target(%arg5 : memref<25600xi32, #tpu.memory_space<vmem>>) target_semaphore(%run_scoped3A : memref<!tpu.dma_semaphore, #tpu.memory_space<semaphore_mem>>)
      %dma_wait3A_3003 = tpu.memref_slice %arg2[%mul3A_2] : memref<819200xi32, #tpu.memory_space<hbm>> -> memref<25600xi32, #tpu.memory_space<hbm>>
      %dma_wait3A_3004 = tpu.memref_slice %arg2[%mul3A_2] : memref<819200xi32, #tpu.memory_space<hbm>> -> memref<25600xi32, #tpu.memory_space<hbm>>
      tpu.wait_dma2 semaphore(%run_scoped3A : memref<!tpu.dma_semaphore, #tpu.memory_space<semaphore_mem>>) src(%dma_wait3A_3004 : memref<25600xi32, #tpu.memory_space<hbm>>) dst(%arg5 : memref<25600xi32, #tpu.memory_space<vmem>>)
      tpu.yield
    }) : () -> ()
    %dma_start3A = arith.constant 0 : i32
    %dma_start3A_3 = arith.constant 0 : i32
    %dma_start3A_4 = arith.constant 0 : i32
    %dma_start3A_5 = arith.constant 0 : i32
    %dma_start3A_6 = tpu.memref_slice %arg6[%dma_start3A, %dma_start3A_4, %dma_start3A_5] : memref<3x512x64xf32, #tpu.memory_space<vmem>> -> memref<1x512x64xf32, #tpu.memory_space<vmem>>
    %dma_start3A_7 = tpu.memref_squeeze %dma_start3A_6 : memref<1x512x64xf32, #tpu.memory_space<vmem>> -> memref<512x64xf32, #tpu.memory_space<vmem>>
    %dma_start3A_8 = arith.constant 0 : i32
    %dma_start3A_9 = tpu.memref_slice %arg5[%dma_start3A_8] : memref<25600xi32, #tpu.memory_space<vmem>> -> memref<512xi32, #tpu.memory_space<vmem>>
    %dma_start3A_10 = arith.constant 0 : i32
    %dma_start3A_11 = arith.constant 0 : i32
    %dma_start3A_12 = tpu.memref_slice %arg3[%dma_start3A_10, %dma_start3A_11] : memref<1000000x64xf32, #tpu.memory_space<hbm>> -> memref<1000000x64xf32, #tpu.memory_space<hbm>>
    %dma_start3A_13 = tpu.memref_slice %arg7[%dma_start3A_3] : memref<3x!tpu.dma_semaphore, #tpu.memory_space<semaphore_mem>> -> memref<1x!tpu.dma_semaphore, #tpu.memory_space<semaphore_mem>>
    %dma_start3A_14 = tpu.memref_squeeze %dma_start3A_13 : memref<1x!tpu.dma_semaphore, #tpu.memory_space<semaphore_mem>> -> memref<!tpu.dma_semaphore, #tpu.memory_space<semaphore_mem>>
    tpu.enqueue_indirect_dma source(%dma_start3A_12 : memref<1000000x64xf32, #tpu.memory_space<hbm>>) target(%dma_start3A_7 : memref<512x64xf32, #tpu.memory_space<vmem>>) offsets(%dma_start3A_9 : memref<512xi32, #tpu.memory_space<vmem>>) semaphore(%dma_start3A_14 : memref<!tpu.dma_semaphore, #tpu.memory_space<semaphore_mem>>)
    %dma_start3A_15 = arith.constant 1 : i32
    %dma_start3A_16 = arith.constant 1 : i32
    %dma_start3A_17 = arith.constant 0 : i32
    %dma_start3A_18 = arith.constant 0 : i32
    %dma_start3A_19 = tpu.memref_slice %arg6[%dma_start3A_15, %dma_start3A_17, %dma_start3A_18] : memref<3x512x64xf32, #tpu.memory_space<vmem>> -> memref<1x512x64xf32, #tpu.memory_space<vmem>>
    %dma_start3A_20 = tpu.memref_squeeze %dma_start3A_19 : memref<1x512x64xf32, #tpu.memory_space<vmem>> -> memref<512x64xf32, #tpu.memory_space<vmem>>
    %dma_start3A_21 = arith.constant 512 : i32
    %dma_start3A_22 = tpu.memref_slice %arg5[%dma_start3A_21] : memref<25600xi32, #tpu.memory_space<vmem>> -> memref<512xi32, #tpu.memory_space<vmem>>
    %dma_start3A_23 = arith.constant 0 : i32
    %dma_start3A_24 = arith.constant 0 : i32
    %dma_start3A_25 = tpu.memref_slice %arg3[%dma_start3A_23, %dma_start3A_24] : memref<1000000x64xf32, #tpu.memory_space<hbm>> -> memref<1000000x64xf32, #tpu.memory_space<hbm>>
    %dma_start3A_26 = tpu.memref_slice %arg7[%dma_start3A_16] : memref<3x!tpu.dma_semaphore, #tpu.memory_space<semaphore_mem>> -> memref<1x!tpu.dma_semaphore, #tpu.memory_space<semaphore_mem>>
    %dma_start3A_27 = tpu.memref_squeeze %dma_start3A_26 : memref<1x!tpu.dma_semaphore, #tpu.memory_space<semaphore_mem>> -> memref<!tpu.dma_semaphore, #tpu.memory_space<semaphore_mem>>
    tpu.enqueue_indirect_dma source(%dma_start3A_25 : memref<1000000x64xf32, #tpu.memory_space<hbm>>) target(%dma_start3A_20 : memref<512x64xf32, #tpu.memory_space<vmem>>) offsets(%dma_start3A_22 : memref<512xi32, #tpu.memory_space<vmem>>) semaphore(%dma_start3A_27 : memref<!tpu.dma_semaphore, #tpu.memory_space<semaphore_mem>>)
    %dma_wait3A = arith.constant 0 : i32
    %dma_wait3A_28 = arith.constant 0 : i32
    %dma_wait3A_29 = arith.constant 0 : i32
    %dma_wait3A_30 = arith.constant 0 : i32
    %dma_wait3A_31 = tpu.memref_slice %arg6[%dma_wait3A, %dma_wait3A_29, %dma_wait3A_30] : memref<3x512x64xf32, #tpu.memory_space<vmem>> -> memref<1x512x64xf32, #tpu.memory_space<vmem>>
    %dma_wait3A_32 = tpu.memref_squeeze %dma_wait3A_31 : memref<1x512x64xf32, #tpu.memory_space<vmem>> -> memref<512x64xf32, #tpu.memory_space<vmem>>
    %dma_wait3A_33 = arith.constant 0 : i32
    %dma_wait3A_34 = tpu.memref_slice %arg5[%dma_wait3A_33] : memref<25600xi32, #tpu.memory_space<vmem>> -> memref<512xi32, #tpu.memory_space<vmem>>
    %dma_wait3A_35 = arith.constant 0 : i32
    %dma_wait3A_36 = arith.constant 0 : i32
    %dma_wait3A_37 = tpu.memref_slice %arg3[%dma_wait3A_35, %dma_wait3A_36] : memref<1000000x64xf32, #tpu.memory_space<hbm>> -> memref<1000000x64xf32, #tpu.memory_space<hbm>>
    %dma_wait3A_38 = tpu.memref_slice %arg7[%dma_wait3A_28] : memref<3x!tpu.dma_semaphore, #tpu.memory_space<semaphore_mem>> -> memref<1x!tpu.dma_semaphore, #tpu.memory_space<semaphore_mem>>
    %dma_wait3A_39 = tpu.memref_squeeze %dma_wait3A_38 : memref<1x!tpu.dma_semaphore, #tpu.memory_space<semaphore_mem>> -> memref<!tpu.dma_semaphore, #tpu.memory_space<semaphore_mem>>
    tpu.wait_indirect_dma semaphore(%dma_wait3A_39 : memref<!tpu.dma_semaphore, #tpu.memory_space<semaphore_mem>>) src(%dma_wait3A_37 : memref<1000000x64xf32, #tpu.memory_space<hbm>>) dst(%dma_wait3A_32 : memref<512x64xf32, #tpu.memory_space<vmem>>)
    %add3A_40 = arith.constant 0 : i32
    %add3A_41 = arith.addi %mul3A_2, %add3A_40 : i32
    %dma_start3A_42 = arith.constant 0 : i32
    %dma_start3A_43 = arith.constant 0 : i32
    %dma_start3A_44 = arith.constant 0 : i32
    %dma_start3A_45 = arith.constant 0 : i32
    %dma_start3A_46 = tpu.memref_slice %arg6[%dma_start3A_42, %dma_start3A_44, %dma_start3A_45] : memref<3x512x64xf32, #tpu.memory_space<vmem>> -> memref<1x512x64xf32, #tpu.memory_space<vmem>>
    %dma_start3A_47 = tpu.memref_squeeze %dma_start3A_46 : memref<1x512x64xf32, #tpu.memory_space<vmem>> -> memref<512x64xf32, #tpu.memory_space<vmem>>
    %dma_start3A_48 = arith.constant 0 : i32
    %dma_start3A_49 = tpu.memref_slice %arg4[%add3A_41, %dma_start3A_48] : memref<819200x64xf32, #tpu.memory_space<hbm>> -> memref<512x64xf32, #tpu.memory_space<hbm>>
    %dma_start3A_50 = tpu.memref_slice %arg8[%dma_start3A_43] : memref<3x!tpu.dma_semaphore, #tpu.memory_space<semaphore_mem>> -> memref<1x!tpu.dma_semaphore, #tpu.memory_space<semaphore_mem>>
    %dma_start3A_51 = tpu.memref_squeeze %dma_start3A_50 : memref<1x!tpu.dma_semaphore, #tpu.memory_space<semaphore_mem>> -> memref<!tpu.dma_semaphore, #tpu.memory_space<semaphore_mem>>
    %dma_start3A_52 = arith.constant 0 : i32
    %dma_start3A_53 = tpu.memref_slice %arg4[%add3A_41, %dma_start3A_52] : memref<819200x64xf32, #tpu.memory_space<hbm>> -> memref<512x64xf32, #tpu.memory_space<hbm>>
    %dma_start3A_54 = arith.constant 0 : i32
    %dma_start3A_55 = arith.constant 0 : i32
    %dma_start3A_56 = tpu.memref_slice %arg6[%dma_start3A_42, %dma_start3A_54, %dma_start3A_55] : memref<3x512x64xf32, #tpu.memory_space<vmem>> -> memref<1x512x64xf32, #tpu.memory_space<vmem>>
    %dma_start3A_57 = tpu.memref_squeeze %dma_start3A_56 : memref<1x512x64xf32, #tpu.memory_space<vmem>> -> memref<512x64xf32, #tpu.memory_space<vmem>>
    tpu.enqueue_dma source(%dma_start3A_57 : memref<512x64xf32, #tpu.memory_space<vmem>>) target(%dma_start3A_53 : memref<512x64xf32, #tpu.memory_space<hbm>>) target_semaphore(%dma_start3A_51 : memref<!tpu.dma_semaphore, #tpu.memory_space<semaphore_mem>>)
    %dma_start3A_58 = arith.constant 2 : i32
    %dma_start3A_59 = arith.constant 2 : i32
    %dma_start3A_60 = arith.constant 0 : i32
    %dma_start3A_61 = arith.constant 0 : i32
    %dma_start3A_62 = tpu.memref_slice %arg6[%dma_start3A_58, %dma_start3A_60, %dma_start3A_61] : memref<3x512x64xf32, #tpu.memory_space<vmem>> -> memref<1x512x64xf32, #tpu.memory_space<vmem>>
    %dma_start3A_63 = tpu.memref_squeeze %dma_start3A_62 : memref<1x512x64xf32, #tpu.memory_space<vmem>> -> memref<512x64xf32, #tpu.memory_space<vmem>>
    %dma_start3A_64 = arith.constant 1024 : i32
    %dma_start3A_65 = tpu.memref_slice %arg5[%dma_start3A_64] : memref<25600xi32, #tpu.memory_space<vmem>> -> memref<512xi32, #tpu.memory_space<vmem>>
    %dma_start3A_66 = arith.constant 0 : i32
    %dma_start3A_67 = arith.constant 0 : i32
    %dma_start3A_68 = tpu.memref_slice %arg3[%dma_start3A_66, %dma_start3A_67] : memref<1000000x64xf32, #tpu.memory_space<hbm>> -> memref<1000000x64xf32, #tpu.memory_space<hbm>>
    %dma_start3A_69 = tpu.memref_slice %arg7[%dma_start3A_59] : memref<3x!tpu.dma_semaphore, #tpu.memory_space<semaphore_mem>> -> memref<1x!tpu.dma_semaphore, #tpu.memory_space<semaphore_mem>>
    %dma_start3A_70 = tpu.memref_squeeze %dma_start3A_69 : memref<1x!tpu.dma_semaphore, #tpu.memory_space<semaphore_mem>> -> memref<!tpu.dma_semaphore, #tpu.memory_space<semaphore_mem>>
    tpu.enqueue_indirect_dma source(%dma_start3A_68 : memref<1000000x64xf32, #tpu.memory_space<hbm>>) target(%dma_start3A_63 : memref<512x64xf32, #tpu.memory_space<vmem>>) offsets(%dma_start3A_65 : memref<512xi32, #tpu.memory_space<vmem>>) semaphore(%dma_start3A_70 : memref<!tpu.dma_semaphore, #tpu.memory_space<semaphore_mem>>)
    %dma_wait3A_71 = arith.constant 1 : i32
    %dma_wait3A_72 = arith.constant 1 : i32
    %dma_wait3A_73 = arith.constant 0 : i32
    %dma_wait3A_74 = arith.constant 0 : i32
    %dma_wait3A_75 = tpu.memref_slice %arg6[%dma_wait3A_71, %dma_wait3A_73, %dma_wait3A_74] : memref<3x512x64xf32, #tpu.memory_space<vmem>> -> memref<1x512x64xf32, #tpu.memory_space<vmem>>
    %dma_wait3A_76 = tpu.memref_squeeze %dma_wait3A_75 : memref<1x512x64xf32, #tpu.memory_space<vmem>> -> memref<512x64xf32, #tpu.memory_space<vmem>>
    %dma_wait3A_77 = arith.constant 512 : i32
    %dma_wait3A_78 = tpu.memref_slice %arg5[%dma_wait3A_77] : memref<25600xi32, #tpu.memory_space<vmem>> -> memref<512xi32, #tpu.memory_space<vmem>>
    %dma_wait3A_79 = arith.constant 0 : i32
    %dma_wait3A_80 = arith.constant 0 : i32
    %dma_wait3A_81 = tpu.memref_slice %arg3[%dma_wait3A_79, %dma_wait3A_80] : memref<1000000x64xf32, #tpu.memory_space<hbm>> -> memref<1000000x64xf32, #tpu.memory_space<hbm>>
    %dma_wait3A_82 = tpu.memref_slice %arg7[%dma_wait3A_72] : memref<3x!tpu.dma_semaphore, #tpu.memory_space<semaphore_mem>> -> memref<1x!tpu.dma_semaphore, #tpu.memory_space<semaphore_mem>>
    %dma_wait3A_83 = tpu.memref_squeeze %dma_wait3A_82 : memref<1x!tpu.dma_semaphore, #tpu.memory_space<semaphore_mem>> -> memref<!tpu.dma_semaphore, #tpu.memory_space<semaphore_mem>>
    tpu.wait_indirect_dma semaphore(%dma_wait3A_83 : memref<!tpu.dma_semaphore, #tpu.memory_space<semaphore_mem>>) src(%dma_wait3A_81 : memref<1000000x64xf32, #tpu.memory_space<hbm>>) dst(%dma_wait3A_76 : memref<512x64xf32, #tpu.memory_space<vmem>>)
    %add3A_84 = arith.constant 512 : i32
    %add3A_85 = arith.addi %mul3A_2, %add3A_84 : i32
    %dma_start3A_86 = arith.constant 1 : i32
    %dma_start3A_87 = arith.constant 1 : i32
    %dma_start3A_88 = arith.constant 0 : i32
    %dma_start3A_89 = arith.constant 0 : i32
    %dma_start3A_90 = tpu.memref_slice %arg6[%dma_start3A_86, %dma_start3A_88, %dma_start3A_89] : memref<3x512x64xf32, #tpu.memory_space<vmem>> -> memref<1x512x64xf32, #tpu.memory_space<vmem>>
    %dma_start3A_91 = tpu.memref_squeeze %dma_start3A_90 : memref<1x512x64xf32, #tpu.memory_space<vmem>> -> memref<512x64xf32, #tpu.memory_space<vmem>>
    %dma_start3A_92 = arith.constant 0 : i32
    %dma_start3A_93 = tpu.memref_slice %arg4[%add3A_85, %dma_start3A_92] : memref<819200x64xf32, #tpu.memory_space<hbm>> -> memref<512x64xf32, #tpu.memory_space<hbm>>
    %dma_start3A_94 = tpu.memref_slice %arg8[%dma_start3A_87] : memref<3x!tpu.dma_semaphore, #tpu.memory_space<semaphore_mem>> -> memref<1x!tpu.dma_semaphore, #tpu.memory_space<semaphore_mem>>
    %dma_start3A_95 = tpu.memref_squeeze %dma_start3A_94 : memref<1x!tpu.dma_semaphore, #tpu.memory_space<semaphore_mem>> -> memref<!tpu.dma_semaphore, #tpu.memory_space<semaphore_mem>>
    %dma_start3A_96 = arith.constant 0 : i32
    %dma_start3A_97 = tpu.memref_slice %arg4[%add3A_85, %dma_start3A_96] : memref<819200x64xf32, #tpu.memory_space<hbm>> -> memref<512x64xf32, #tpu.memory_space<hbm>>
    %dma_start3A_98 = arith.constant 0 : i32
    %dma_start3A_99 = arith.constant 0 : i32
    %dma_start3A_100 = tpu.memref_slice %arg6[%dma_start3A_86, %dma_start3A_98, %dma_start3A_99] : memref<3x512x64xf32, #tpu.memory_space<vmem>> -> memref<1x512x64xf32, #tpu.memory_space<vmem>>
    %dma_start3A_101 = tpu.memref_squeeze %dma_start3A_100 : memref<1x512x64xf32, #tpu.memory_space<vmem>> -> memref<512x64xf32, #tpu.memory_space<vmem>>
    tpu.enqueue_dma source(%dma_start3A_101 : memref<512x64xf32, #tpu.memory_space<vmem>>) target(%dma_start3A_97 : memref<512x64xf32, #tpu.memory_space<hbm>>) target_semaphore(%dma_start3A_95 : memref<!tpu.dma_semaphore, #tpu.memory_space<semaphore_mem>>)
    %dma_wait3A_102 = arith.constant 0 : i32
    %dma_wait3A_103 = arith.constant 0 : i32
    %dma_wait3A_104 = arith.constant 0 : i32
    %dma_wait3A_105 = arith.constant 0 : i32
    %dma_wait3A_106 = tpu.memref_slice %arg6[%dma_wait3A_102, %dma_wait3A_104, %dma_wait3A_105] : memref<3x512x64xf32, #tpu.memory_space<vmem>> -> memref<1x512x64xf32, #tpu.memory_space<vmem>>
    %dma_wait3A_107 = tpu.memref_squeeze %dma_wait3A_106 : memref<1x512x64xf32, #tpu.memory_space<vmem>> -> memref<512x64xf32, #tpu.memory_space<vmem>>
    %dma_wait3A_108 = arith.constant 0 : i32
    %dma_wait3A_109 = tpu.memref_slice %arg4[%add3A_41, %dma_wait3A_108] : memref<819200x64xf32, #tpu.memory_space<hbm>> -> memref<512x64xf32, #tpu.memory_space<hbm>>
    %dma_wait3A_110 = tpu.memref_slice %arg8[%dma_wait3A_103] : memref<3x!tpu.dma_semaphore, #tpu.memory_space<semaphore_mem>> -> memref<1x!tpu.dma_semaphore, #tpu.memory_space<semaphore_mem>>
    %dma_wait3A_111 = tpu.memref_squeeze %dma_wait3A_110 : memref<1x!tpu.dma_semaphore, #tpu.memory_space<semaphore_mem>> -> memref<!tpu.dma_semaphore, #tpu.memory_space<semaphore_mem>>
    %dma_wait3A_112 = arith.constant 0 : i32
    %dma_wait3A_113 = tpu.memref_slice %arg4[%add3A_41, %dma_wait3A_112] : memref<819200x64xf32, #tpu.memory_space<hbm>> -> memref<512x64xf32, #tpu.memory_space<hbm>>
    %dma_wait3A_114 = arith.constant 0 : i32
    %dma_wait3A_115 = arith.constant 0 : i32
    %dma_wait3A_116 = tpu.memref_slice %arg6[%dma_wait3A_102, %dma_wait3A_114, %dma_wait3A_115] : memref<3x512x64xf32, #tpu.memory_space<vmem>> -> memref<1x512x64xf32, #tpu.memory_space<vmem>>
    %dma_wait3A_117 = tpu.memref_squeeze %dma_wait3A_116 : memref<1x512x64xf32, #tpu.memory_space<vmem>> -> memref<512x64xf32, #tpu.memory_space<vmem>>
    tpu.wait_dma2 semaphore(%dma_wait3A_111 : memref<!tpu.dma_semaphore, #tpu.memory_space<semaphore_mem>>) src(%dma_wait3A_117 : memref<512x64xf32, #tpu.memory_space<vmem>>) dst(%dma_wait3A_113 : memref<512x64xf32, #tpu.memory_space<hbm>>)
    %dma_start3A_118 = arith.constant 0 : i32
    %dma_start3A_119 = arith.constant 0 : i32
    %dma_start3A_120 = arith.constant 0 : i32
    %dma_start3A_121 = arith.constant 0 : i32
    %dma_start3A_122 = tpu.memref_slice %arg6[%dma_start3A_118, %dma_start3A_120, %dma_start3A_121] : memref<3x512x64xf32, #tpu.memory_space<vmem>> -> memref<1x512x64xf32, #tpu.memory_space<vmem>>
    %dma_start3A_123 = tpu.memref_squeeze %dma_start3A_122 : memref<1x512x64xf32, #tpu.memory_space<vmem>> -> memref<512x64xf32, #tpu.memory_space<vmem>>
    %dma_start3A_124 = arith.constant 1536 : i32
    %dma_start3A_125 = tpu.memref_slice %arg5[%dma_start3A_124] : memref<25600xi32, #tpu.memory_space<vmem>> -> memref<512xi32, #tpu.memory_space<vmem>>
    %dma_start3A_126 = arith.constant 0 : i32
    %dma_start3A_127 = arith.constant 0 : i32
    %dma_start3A_128 = tpu.memref_slice %arg3[%dma_start3A_126, %dma_start3A_127] : memref<1000000x64xf32, #tpu.memory_space<hbm>> -> memref<1000000x64xf32, #tpu.memory_space<hbm>>
    %dma_start3A_129 = tpu.memref_slice %arg7[%dma_start3A_119] : memref<3x!tpu.dma_semaphore, #tpu.memory_space<semaphore_mem>> -> memref<1x!tpu.dma_semaphore, #tpu.memory_space<semaphore_mem>>
    %dma_start3A_130 = tpu.memref_squeeze %dma_start3A_129 : memref<1x!tpu.dma_semaphore, #tpu.memory_space<semaphore_mem>> -> memref<!tpu.dma_semaphore, #tpu.memory_space<semaphore_mem>>
    tpu.enqueue_indirect_dma source(%dma_start3A_128 : memref<1000000x64xf32, #tpu.memory_space<hbm>>) target(%dma_start3A_123 : memref<512x64xf32, #tpu.memory_space<vmem>>) offsets(%dma_start3A_125 : memref<512xi32, #tpu.memory_space<vmem>>) semaphore(%dma_start3A_130 : memref<!tpu.dma_semaphore, #tpu.memory_space<semaphore_mem>>)
    %dma_wait3A_131 = arith.constant 2 : i32
    %dma_wait3A_132 = arith.constant 2 : i32
    %dma_wait3A_133 = arith.constant 0 : i32
    %dma_wait3A_134 = arith.constant 0 : i32
    %dma_wait3A_135 = tpu.memref_slice %arg6[%dma_wait3A_131, %dma_wait3A_133, %dma_wait3A_134] : memref<3x512x64xf32, #tpu.memory_space<vmem>> -> memref<1x512x64xf32, #tpu.memory_space<vmem>>
    %dma_wait3A_136 = tpu.memref_squeeze %dma_wait3A_135 : memref<1x512x64xf32, #tpu.memory_space<vmem>> -> memref<512x64xf32, #tpu.memory_space<vmem>>
    %dma_wait3A_137 = arith.constant 1024 : i32
    %dma_wait3A_138 = tpu.memref_slice %arg5[%dma_wait3A_137] : memref<25600xi32, #tpu.memory_space<vmem>> -> memref<512xi32, #tpu.memory_space<vmem>>
    %dma_wait3A_139 = arith.constant 0 : i32
    %dma_wait3A_140 = arith.constant 0 : i32
    %dma_wait3A_141 = tpu.memref_slice %arg3[%dma_wait3A_139, %dma_wait3A_140] : memref<1000000x64xf32, #tpu.memory_space<hbm>> -> memref<1000000x64xf32, #tpu.memory_space<hbm>>
    %dma_wait3A_142 = tpu.memref_slice %arg7[%dma_wait3A_132] : memref<3x!tpu.dma_semaphore, #tpu.memory_space<semaphore_mem>> -> memref<1x!tpu.dma_semaphore, #tpu.memory_space<semaphore_mem>>
    %dma_wait3A_143 = tpu.memref_squeeze %dma_wait3A_142 : memref<1x!tpu.dma_semaphore, #tpu.memory_space<semaphore_mem>> -> memref<!tpu.dma_semaphore, #tpu.memory_space<semaphore_mem>>
    tpu.wait_indirect_dma semaphore(%dma_wait3A_143 : memref<!tpu.dma_semaphore, #tpu.memory_space<semaphore_mem>>) src(%dma_wait3A_141 : memref<1000000x64xf32, #tpu.memory_space<hbm>>) dst(%dma_wait3A_136 : memref<512x64xf32, #tpu.memory_space<vmem>>)
    %add3A_144 = arith.constant 1024 : i32
    %add3A_145 = arith.addi %mul3A_2, %add3A_144 : i32
    %dma_start3A_146 = arith.constant 2 : i32
    %dma_start3A_147 = arith.constant 2 : i32
    %dma_start3A_148 = arith.constant 0 : i32
    %dma_start3A_149 = arith.constant 0 : i32
    %dma_start3A_150 = tpu.memref_slice %arg6[%dma_start3A_146, %dma_start3A_148, %dma_start3A_149] : memref<3x512x64xf32, #tpu.memory_space<vmem>> -> memref<1x512x64xf32, #tpu.memory_space<vmem>>
    %dma_start3A_151 = tpu.memref_squeeze %dma_start3A_150 : memref<1x512x64xf32, #tpu.memory_space<vmem>> -> memref<512x64xf32, #tpu.memory_space<vmem>>
    %dma_start3A_152 = arith.constant 0 : i32
    %dma_start3A_153 = tpu.memref_slice %arg4[%add3A_145, %dma_start3A_152] : memref<819200x64xf32, #tpu.memory_space<hbm>> -> memref<512x64xf32, #tpu.memory_space<hbm>>
    %dma_start3A_154 = tpu.memref_slice %arg8[%dma_start3A_147] : memref<3x!tpu.dma_semaphore, #tpu.memory_space<semaphore_mem>> -> memref<1x!tpu.dma_semaphore, #tpu.memory_space<semaphore_mem>>
    %dma_start3A_155 = tpu.memref_squeeze %dma_start3A_154 : memref<1x!tpu.dma_semaphore, #tpu.memory_space<semaphore_mem>> -> memref<!tpu.dma_semaphore, #tpu.memory_space<semaphore_mem>>
    %dma_start3A_156 = arith.constant 0 : i32
    %dma_start3A_157 = tpu.memref_slice %arg4[%add3A_145, %dma_start3A_156] : memref<819200x64xf32, #tpu.memory_space<hbm>> -> memref<512x64xf32, #tpu.memory_space<hbm>>
    %dma_start3A_158 = arith.constant 0 : i32
    %dma_start3A_159 = arith.constant 0 : i32
    %dma_start3A_160 = tpu.memref_slice %arg6[%dma_start3A_146, %dma_start3A_158, %dma_start3A_159] : memref<3x512x64xf32, #tpu.memory_space<vmem>> -> memref<1x512x64xf32, #tpu.memory_space<vmem>>
    %dma_start3A_161 = tpu.memref_squeeze %dma_start3A_160 : memref<1x512x64xf32, #tpu.memory_space<vmem>> -> memref<512x64xf32, #tpu.memory_space<vmem>>
    tpu.enqueue_dma source(%dma_start3A_161 : memref<512x64xf32, #tpu.memory_space<vmem>>) target(%dma_start3A_157 : memref<512x64xf32, #tpu.memory_space<hbm>>) target_semaphore(%dma_start3A_155 : memref<!tpu.dma_semaphore, #tpu.memory_space<semaphore_mem>>)
    %dma_wait3A_162 = arith.constant 1 : i32
    %dma_wait3A_163 = arith.constant 1 : i32
    %dma_wait3A_164 = arith.constant 0 : i32
    %dma_wait3A_165 = arith.constant 0 : i32
    %dma_wait3A_166 = tpu.memref_slice %arg6[%dma_wait3A_162, %dma_wait3A_164, %dma_wait3A_165] : memref<3x512x64xf32, #tpu.memory_space<vmem>> -> memref<1x512x64xf32, #tpu.memory_space<vmem>>
    %dma_wait3A_167 = tpu.memref_squeeze %dma_wait3A_166 : memref<1x512x64xf32, #tpu.memory_space<vmem>> -> memref<512x64xf32, #tpu.memory_space<vmem>>
    %dma_wait3A_168 = arith.constant 0 : i32
    %dma_wait3A_169 = tpu.memref_slice %arg4[%add3A_85, %dma_wait3A_168] : memref<819200x64xf32, #tpu.memory_space<hbm>> -> memref<512x64xf32, #tpu.memory_space<hbm>>
    %dma_wait3A_170 = tpu.memref_slice %arg8[%dma_wait3A_163] : memref<3x!tpu.dma_semaphore, #tpu.memory_space<semaphore_mem>> -> memref<1x!tpu.dma_semaphore, #tpu.memory_space<semaphore_mem>>
    %dma_wait3A_171 = tpu.memref_squeeze %dma_wait3A_170 : memref<1x!tpu.dma_semaphore, #tpu.memory_space<semaphore_mem>> -> memref<!tpu.dma_semaphore, #tpu.memory_space<semaphore_mem>>
    %dma_wait3A_172 = arith.constant 0 : i32
    %dma_wait3A_173 = tpu.memref_slice %arg4[%add3A_85, %dma_wait3A_172] : memref<819200x64xf32, #tpu.memory_space<hbm>> -> memref<512x64xf32, #tpu.memory_space<hbm>>
    %dma_wait3A_174 = arith.constant 0 : i32
    %dma_wait3A_175 = arith.constant 0 : i32
    %dma_wait3A_176 = tpu.memref_slice %arg6[%dma_wait3A_162, %dma_wait3A_174, %dma_wait3A_175] : memref<3x512x64xf32, #tpu.memory_space<vmem>> -> memref<1x512x64xf32, #tpu.memory_space<vmem>>
    %dma_wait3A_177 = tpu.memref_squeeze %dma_wait3A_176 : memref<1x512x64xf32, #tpu.memory_space<vmem>> -> memref<512x64xf32, #tpu.memory_space<vmem>>
    tpu.wait_dma2 semaphore(%dma_wait3A_171 : memref<!tpu.dma_semaphore, #tpu.memory_space<semaphore_mem>>) src(%dma_wait3A_177 : memref<512x64xf32, #tpu.memory_space<vmem>>) dst(%dma_wait3A_173 : memref<512x64xf32, #tpu.memory_space<hbm>>)
    %dma_start3A_178 = arith.constant 1 : i32
    %dma_start3A_179 = arith.constant 1 : i32
    %dma_start3A_180 = arith.constant 0 : i32
    %dma_start3A_181 = arith.constant 0 : i32
    %dma_start3A_182 = tpu.memref_slice %arg6[%dma_start3A_178, %dma_start3A_180, %dma_start3A_181] : memref<3x512x64xf32, #tpu.memory_space<vmem>> -> memref<1x512x64xf32, #tpu.memory_space<vmem>>
    %dma_start3A_183 = tpu.memref_squeeze %dma_start3A_182 : memref<1x512x64xf32, #tpu.memory_space<vmem>> -> memref<512x64xf32, #tpu.memory_space<vmem>>
    %dma_start3A_184 = arith.constant 2048 : i32
    %dma_start3A_185 = tpu.memref_slice %arg5[%dma_start3A_184] : memref<25600xi32, #tpu.memory_space<vmem>> -> memref<512xi32, #tpu.memory_space<vmem>>
    %dma_start3A_186 = arith.constant 0 : i32
    %dma_start3A_187 = arith.constant 0 : i32
    %dma_start3A_188 = tpu.memref_slice %arg3[%dma_start3A_186, %dma_start3A_187] : memref<1000000x64xf32, #tpu.memory_space<hbm>> -> memref<1000000x64xf32, #tpu.memory_space<hbm>>
    %dma_start3A_189 = tpu.memref_slice %arg7[%dma_start3A_179] : memref<3x!tpu.dma_semaphore, #tpu.memory_space<semaphore_mem>> -> memref<1x!tpu.dma_semaphore, #tpu.memory_space<semaphore_mem>>
    %dma_start3A_190 = tpu.memref_squeeze %dma_start3A_189 : memref<1x!tpu.dma_semaphore, #tpu.memory_space<semaphore_mem>> -> memref<!tpu.dma_semaphore, #tpu.memory_space<semaphore_mem>>
    tpu.enqueue_indirect_dma source(%dma_start3A_188 : memref<1000000x64xf32, #tpu.memory_space<hbm>>) target(%dma_start3A_183 : memref<512x64xf32, #tpu.memory_space<vmem>>) offsets(%dma_start3A_185 : memref<512xi32, #tpu.memory_space<vmem>>) semaphore(%dma_start3A_190 : memref<!tpu.dma_semaphore, #tpu.memory_space<semaphore_mem>>)
    %dma_wait3A_191 = arith.constant 0 : i32
    %dma_wait3A_192 = arith.constant 0 : i32
    %dma_wait3A_193 = arith.constant 0 : i32
    %dma_wait3A_194 = arith.constant 0 : i32
    %dma_wait3A_195 = tpu.memref_slice %arg6[%dma_wait3A_191, %dma_wait3A_193, %dma_wait3A_194] : memref<3x512x64xf32, #tpu.memory_space<vmem>> -> memref<1x512x64xf32, #tpu.memory_space<vmem>>
    %dma_wait3A_196 = tpu.memref_squeeze %dma_wait3A_195 : memref<1x512x64xf32, #tpu.memory_space<vmem>> -> memref<512x64xf32, #tpu.memory_space<vmem>>
    %dma_wait3A_197 = arith.constant 1536 : i32
    %dma_wait3A_198 = tpu.memref_slice %arg5[%dma_wait3A_197] : memref<25600xi32, #tpu.memory_space<vmem>> -> memref<512xi32, #tpu.memory_space<vmem>>
    %dma_wait3A_199 = arith.constant 0 : i32
    %dma_wait3A_200 = arith.constant 0 : i32
    %dma_wait3A_201 = tpu.memref_slice %arg3[%dma_wait3A_199, %dma_wait3A_200] : memref<1000000x64xf32, #tpu.memory_space<hbm>> -> memref<1000000x64xf32, #tpu.memory_space<hbm>>
    %dma_wait3A_202 = tpu.memref_slice %arg7[%dma_wait3A_192] : memref<3x!tpu.dma_semaphore, #tpu.memory_space<semaphore_mem>> -> memref<1x!tpu.dma_semaphore, #tpu.memory_space<semaphore_mem>>
    %dma_wait3A_203 = tpu.memref_squeeze %dma_wait3A_202 : memref<1x!tpu.dma_semaphore, #tpu.memory_space<semaphore_mem>> -> memref<!tpu.dma_semaphore, #tpu.memory_space<semaphore_mem>>
    tpu.wait_indirect_dma semaphore(%dma_wait3A_203 : memref<!tpu.dma_semaphore, #tpu.memory_space<semaphore_mem>>) src(%dma_wait3A_201 : memref<1000000x64xf32, #tpu.memory_space<hbm>>) dst(%dma_wait3A_196 : memref<512x64xf32, #tpu.memory_space<vmem>>)
    %add3A_204 = arith.constant 1536 : i32
    %add3A_205 = arith.addi %mul3A_2, %add3A_204 : i32
    %dma_start3A_206 = arith.constant 0 : i32
    %dma_start3A_207 = arith.constant 0 : i32
    %dma_start3A_208 = arith.constant 0 : i32
    %dma_start3A_209 = arith.constant 0 : i32
    %dma_start3A_210 = tpu.memref_slice %arg6[%dma_start3A_206, %dma_start3A_208, %dma_start3A_209] : memref<3x512x64xf32, #tpu.memory_space<vmem>> -> memref<1x512x64xf32, #tpu.memory_space<vmem>>
    %dma_start3A_211 = tpu.memref_squeeze %dma_start3A_210 : memref<1x512x64xf32, #tpu.memory_space<vmem>> -> memref<512x64xf32, #tpu.memory_space<vmem>>
    %dma_start3A_212 = arith.constant 0 : i32
    %dma_start3A_213 = tpu.memref_slice %arg4[%add3A_205, %dma_start3A_212] : memref<819200x64xf32, #tpu.memory_space<hbm>> -> memref<512x64xf32, #tpu.memory_space<hbm>>
    %dma_start3A_214 = tpu.memref_slice %arg8[%dma_start3A_207] : memref<3x!tpu.dma_semaphore, #tpu.memory_space<semaphore_mem>> -> memref<1x!tpu.dma_semaphore, #tpu.memory_space<semaphore_mem>>
    %dma_start3A_215 = tpu.memref_squeeze %dma_start3A_214 : memref<1x!tpu.dma_semaphore, #tpu.memory_space<semaphore_mem>> -> memref<!tpu.dma_semaphore, #tpu.memory_space<semaphore_mem>>
    %dma_start3A_216 = arith.constant 0 : i32
    %dma_start3A_217 = tpu.memref_slice %arg4[%add3A_205, %dma_start3A_216] : memref<819200x64xf32, #tpu.memory_space<hbm>> -> memref<512x64xf32, #tpu.memory_space<hbm>>
    %dma_start3A_218 = arith.constant 0 : i32
    %dma_start3A_219 = arith.constant 0 : i32
    %dma_start3A_220 = tpu.memref_slice %arg6[%dma_start3A_206, %dma_start3A_218, %dma_start3A_219] : memref<3x512x64xf32, #tpu.memory_space<vmem>> -> memref<1x512x64xf32, #tpu.memory_space<vmem>>
    %dma_start3A_221 = tpu.memref_squeeze %dma_start3A_220 : memref<1x512x64xf32, #tpu.memory_space<vmem>> -> memref<512x64xf32, #tpu.memory_space<vmem>>
    tpu.enqueue_dma source(%dma_start3A_221 : memref<512x64xf32, #tpu.memory_space<vmem>>) target(%dma_start3A_217 : memref<512x64xf32, #tpu.memory_space<hbm>>) target_semaphore(%dma_start3A_215 : memref<!tpu.dma_semaphore, #tpu.memory_space<semaphore_mem>>)
    %dma_wait3A_222 = arith.constant 2 : i32
    %dma_wait3A_223 = arith.constant 2 : i32
    %dma_wait3A_224 = arith.constant 0 : i32
    %dma_wait3A_225 = arith.constant 0 : i32
    %dma_wait3A_226 = tpu.memref_slice %arg6[%dma_wait3A_222, %dma_wait3A_224, %dma_wait3A_225] : memref<3x512x64xf32, #tpu.memory_space<vmem>> -> memref<1x512x64xf32, #tpu.memory_space<vmem>>
    %dma_wait3A_227 = tpu.memref_squeeze %dma_wait3A_226 : memref<1x512x64xf32, #tpu.memory_space<vmem>> -> memref<512x64xf32, #tpu.memory_space<vmem>>
    %dma_wait3A_228 = arith.constant 0 : i32
    %dma_wait3A_229 = tpu.memref_slice %arg4[%add3A_145, %dma_wait3A_228] : memref<819200x64xf32, #tpu.memory_space<hbm>> -> memref<512x64xf32, #tpu.memory_space<hbm>>
    %dma_wait3A_230 = tpu.memref_slice %arg8[%dma_wait3A_223] : memref<3x!tpu.dma_semaphore, #tpu.memory_space<semaphore_mem>> -> memref<1x!tpu.dma_semaphore, #tpu.memory_space<semaphore_mem>>
    %dma_wait3A_231 = tpu.memref_squeeze %dma_wait3A_230 : memref<1x!tpu.dma_semaphore, #tpu.memory_space<semaphore_mem>> -> memref<!tpu.dma_semaphore, #tpu.memory_space<semaphore_mem>>
    %dma_wait3A_232 = arith.constant 0 : i32
    %dma_wait3A_233 = tpu.memref_slice %arg4[%add3A_145, %dma_wait3A_232] : memref<819200x64xf32, #tpu.memory_space<hbm>> -> memref<512x64xf32, #tpu.memory_space<hbm>>
    %dma_wait3A_234 = arith.constant 0 : i32
    %dma_wait3A_235 = arith.constant 0 : i32
    %dma_wait3A_236 = tpu.memref_slice %arg6[%dma_wait3A_222, %dma_wait3A_234, %dma_wait3A_235] : memref<3x512x64xf32, #tpu.memory_space<vmem>> -> memref<1x512x64xf32, #tpu.memory_space<vmem>>
    %dma_wait3A_237 = tpu.memref_squeeze %dma_wait3A_236 : memref<1x512x64xf32, #tpu.memory_space<vmem>> -> memref<512x64xf32, #tpu.memory_space<vmem>>
    tpu.wait_dma2 semaphore(%dma_wait3A_231 : memref<!tpu.dma_semaphore, #tpu.memory_space<semaphore_mem>>) src(%dma_wait3A_237 : memref<512x64xf32, #tpu.memory_space<vmem>>) dst(%dma_wait3A_233 : memref<512x64xf32, #tpu.memory_space<hbm>>)
    %dma_start3A_238 = arith.constant 2 : i32
    %dma_start3A_239 = arith.constant 2 : i32
    %dma_start3A_240 = arith.constant 0 : i32
    %dma_start3A_241 = arith.constant 0 : i32
    %dma_start3A_242 = tpu.memref_slice %arg6[%dma_start3A_238, %dma_start3A_240, %dma_start3A_241] : memref<3x512x64xf32, #tpu.memory_space<vmem>> -> memref<1x512x64xf32, #tpu.memory_space<vmem>>
    %dma_start3A_243 = tpu.memref_squeeze %dma_start3A_242 : memref<1x512x64xf32, #tpu.memory_space<vmem>> -> memref<512x64xf32, #tpu.memory_space<vmem>>
    %dma_start3A_244 = arith.constant 2560 : i32
    %dma_start3A_245 = tpu.memref_slice %arg5[%dma_start3A_244] : memref<25600xi32, #tpu.memory_space<vmem>> -> memref<512xi32, #tpu.memory_space<vmem>>
    %dma_start3A_246 = arith.constant 0 : i32
    %dma_start3A_247 = arith.constant 0 : i32
    %dma_start3A_248 = tpu.memref_slice %arg3[%dma_start3A_246, %dma_start3A_247] : memref<1000000x64xf32, #tpu.memory_space<hbm>> -> memref<1000000x64xf32, #tpu.memory_space<hbm>>
    %dma_start3A_249 = tpu.memref_slice %arg7[%dma_start3A_239] : memref<3x!tpu.dma_semaphore, #tpu.memory_space<semaphore_mem>> -> memref<1x!tpu.dma_semaphore, #tpu.memory_space<semaphore_mem>>
    %dma_start3A_250 = tpu.memref_squeeze %dma_start3A_249 : memref<1x!tpu.dma_semaphore, #tpu.memory_space<semaphore_mem>> -> memref<!tpu.dma_semaphore, #tpu.memory_space<semaphore_mem>>
    tpu.enqueue_indirect_dma source(%dma_start3A_248 : memref<1000000x64xf32, #tpu.memory_space<hbm>>) target(%dma_start3A_243 : memref<512x64xf32, #tpu.memory_space<vmem>>) offsets(%dma_start3A_245 : memref<512xi32, #tpu.memory_space<vmem>>) semaphore(%dma_start3A_250 : memref<!tpu.dma_semaphore, #tpu.memory_space<semaphore_mem>>)
    %dma_wait3A_251 = arith.constant 1 : i32
    %dma_wait3A_252 = arith.constant 1 : i32
    %dma_wait3A_253 = arith.constant 0 : i32
    %dma_wait3A_254 = arith.constant 0 : i32
    %dma_wait3A_255 = tpu.memref_slice %arg6[%dma_wait3A_251, %dma_wait3A_253, %dma_wait3A_254] : memref<3x512x64xf32, #tpu.memory_space<vmem>> -> memref<1x512x64xf32, #tpu.memory_space<vmem>>
    %dma_wait3A_256 = tpu.memref_squeeze %dma_wait3A_255 : memref<1x512x64xf32, #tpu.memory_space<vmem>> -> memref<512x64xf32, #tpu.memory_space<vmem>>
    %dma_wait3A_257 = arith.constant 2048 : i32
    %dma_wait3A_258 = tpu.memref_slice %arg5[%dma_wait3A_257] : memref<25600xi32, #tpu.memory_space<vmem>> -> memref<512xi32, #tpu.memory_space<vmem>>
    %dma_wait3A_259 = arith.constant 0 : i32
    %dma_wait3A_260 = arith.constant 0 : i32
    %dma_wait3A_261 = tpu.memref_slice %arg3[%dma_wait3A_259, %dma_wait3A_260] : memref<1000000x64xf32, #tpu.memory_space<hbm>> -> memref<1000000x64xf32, #tpu.memory_space<hbm>>
    %dma_wait3A_262 = tpu.memref_slice %arg7[%dma_wait3A_252] : memref<3x!tpu.dma_semaphore, #tpu.memory_space<semaphore_mem>> -> memref<1x!tpu.dma_semaphore, #tpu.memory_space<semaphore_mem>>
    %dma_wait3A_263 = tpu.memref_squeeze %dma_wait3A_262 : memref<1x!tpu.dma_semaphore, #tpu.memory_space<semaphore_mem>> -> memref<!tpu.dma_semaphore, #tpu.memory_space<semaphore_mem>>
    tpu.wait_indirect_dma semaphore(%dma_wait3A_263 : memref<!tpu.dma_semaphore, #tpu.memory_space<semaphore_mem>>) src(%dma_wait3A_261 : memref<1000000x64xf32, #tpu.memory_space<hbm>>) dst(%dma_wait3A_256 : memref<512x64xf32, #tpu.memory_space<vmem>>)
    %add3A_264 = arith.constant 2048 : i32
    %add3A_265 = arith.addi %mul3A_2, %add3A_264 : i32
    %dma_start3A_266 = arith.constant 1 : i32
    %dma_start3A_267 = arith.constant 1 : i32
    %dma_start3A_268 = arith.constant 0 : i32
    %dma_start3A_269 = arith.constant 0 : i32
    %dma_start3A_270 = tpu.memref_slice %arg6[%dma_start3A_266, %dma_start3A_268, %dma_start3A_269] : memref<3x512x64xf32, #tpu.memory_space<vmem>> -> memref<1x512x64xf32, #tpu.memory_space<vmem>>
    %dma_start3A_271 = tpu.memref_squeeze %dma_start3A_270 : memref<1x512x64xf32, #tpu.memory_space<vmem>> -> memref<512x64xf32, #tpu.memory_space<vmem>>
    %dma_start3A_272 = arith.constant 0 : i32
    %dma_start3A_273 = tpu.memref_slice %arg4[%add3A_265, %dma_start3A_272] : memref<819200x64xf32, #tpu.memory_space<hbm>> -> memref<512x64xf32, #tpu.memory_space<hbm>>
    %dma_start3A_274 = tpu.memref_slice %arg8[%dma_start3A_267] : memref<3x!tpu.dma_semaphore, #tpu.memory_space<semaphore_mem>> -> memref<1x!tpu.dma_semaphore, #tpu.memory_space<semaphore_mem>>
    %dma_start3A_275 = tpu.memref_squeeze %dma_start3A_274 : memref<1x!tpu.dma_semaphore, #tpu.memory_space<semaphore_mem>> -> memref<!tpu.dma_semaphore, #tpu.memory_space<semaphore_mem>>
    %dma_start3A_276 = arith.constant 0 : i32
    %dma_start3A_277 = tpu.memref_slice %arg4[%add3A_265, %dma_start3A_276] : memref<819200x64xf32, #tpu.memory_space<hbm>> -> memref<512x64xf32, #tpu.memory_space<hbm>>
    %dma_start3A_278 = arith.constant 0 : i32
    %dma_start3A_279 = arith.constant 0 : i32
    %dma_start3A_280 = tpu.memref_slice %arg6[%dma_start3A_266, %dma_start3A_278, %dma_start3A_279] : memref<3x512x64xf32, #tpu.memory_space<vmem>> -> memref<1x512x64xf32, #tpu.memory_space<vmem>>
    %dma_start3A_281 = tpu.memref_squeeze %dma_start3A_280 : memref<1x512x64xf32, #tpu.memory_space<vmem>> -> memref<512x64xf32, #tpu.memory_space<vmem>>
    tpu.enqueue_dma source(%dma_start3A_281 : memref<512x64xf32, #tpu.memory_space<vmem>>) target(%dma_start3A_277 : memref<512x64xf32, #tpu.memory_space<hbm>>) target_semaphore(%dma_start3A_275 : memref<!tpu.dma_semaphore, #tpu.memory_space<semaphore_mem>>)
    %dma_wait3A_282 = arith.constant 0 : i32
    %dma_wait3A_283 = arith.constant 0 : i32
    %dma_wait3A_284 = arith.constant 0 : i32
    %dma_wait3A_285 = arith.constant 0 : i32
    %dma_wait3A_286 = tpu.memref_slice %arg6[%dma_wait3A_282, %dma_wait3A_284, %dma_wait3A_285] : memref<3x512x64xf32, #tpu.memory_space<vmem>> -> memref<1x512x64xf32, #tpu.memory_space<vmem>>
    %dma_wait3A_287 = tpu.memref_squeeze %dma_wait3A_286 : memref<1x512x64xf32, #tpu.memory_space<vmem>> -> memref<512x64xf32, #tpu.memory_space<vmem>>
    %dma_wait3A_288 = arith.constant 0 : i32
    %dma_wait3A_289 = tpu.memref_slice %arg4[%add3A_205, %dma_wait3A_288] : memref<819200x64xf32, #tpu.memory_space<hbm>> -> memref<512x64xf32, #tpu.memory_space<hbm>>
    %dma_wait3A_290 = tpu.memref_slice %arg8[%dma_wait3A_283] : memref<3x!tpu.dma_semaphore, #tpu.memory_space<semaphore_mem>> -> memref<1x!tpu.dma_semaphore, #tpu.memory_space<semaphore_mem>>
    %dma_wait3A_291 = tpu.memref_squeeze %dma_wait3A_290 : memref<1x!tpu.dma_semaphore, #tpu.memory_space<semaphore_mem>> -> memref<!tpu.dma_semaphore, #tpu.memory_space<semaphore_mem>>
    %dma_wait3A_292 = arith.constant 0 : i32
    %dma_wait3A_293 = tpu.memref_slice %arg4[%add3A_205, %dma_wait3A_292] : memref<819200x64xf32, #tpu.memory_space<hbm>> -> memref<512x64xf32, #tpu.memory_space<hbm>>
    %dma_wait3A_294 = arith.constant 0 : i32
    %dma_wait3A_295 = arith.constant 0 : i32
    %dma_wait3A_296 = tpu.memref_slice %arg6[%dma_wait3A_282, %dma_wait3A_294, %dma_wait3A_295] : memref<3x512x64xf32, #tpu.memory_space<vmem>> -> memref<1x512x64xf32, #tpu.memory_space<vmem>>
    %dma_wait3A_297 = tpu.memref_squeeze %dma_wait3A_296 : memref<1x512x64xf32, #tpu.memory_space<vmem>> -> memref<512x64xf32, #tpu.memory_space<vmem>>
    tpu.wait_dma2 semaphore(%dma_wait3A_291 : memref<!tpu.dma_semaphore, #tpu.memory_space<semaphore_mem>>) src(%dma_wait3A_297 : memref<512x64xf32, #tpu.memory_space<vmem>>) dst(%dma_wait3A_293 : memref<512x64xf32, #tpu.memory_space<hbm>>)
    %dma_start3A_298 = arith.constant 0 : i32
    %dma_start3A_299 = arith.constant 0 : i32
    %dma_start3A_300 = arith.constant 0 : i32
    %dma_start3A_301 = arith.constant 0 : i32
    %dma_start3A_302 = tpu.memref_slice %arg6[%dma_start3A_298, %dma_start3A_300, %dma_start3A_301] : memref<3x512x64xf32, #tpu.memory_space<vmem>> -> memref<1x512x64xf32, #tpu.memory_space<vmem>>
    %dma_start3A_303 = tpu.memref_squeeze %dma_start3A_302 : memref<1x512x64xf32, #tpu.memory_space<vmem>> -> memref<512x64xf32, #tpu.memory_space<vmem>>
    %dma_start3A_304 = arith.constant 3072 : i32
    %dma_start3A_305 = tpu.memref_slice %arg5[%dma_start3A_304] : memref<25600xi32, #tpu.memory_space<vmem>> -> memref<512xi32, #tpu.memory_space<vmem>>
    %dma_start3A_306 = arith.constant 0 : i32
    %dma_start3A_307 = arith.constant 0 : i32
    %dma_start3A_308 = tpu.memref_slice %arg3[%dma_start3A_306, %dma_start3A_307] : memref<1000000x64xf32, #tpu.memory_space<hbm>> -> memref<1000000x64xf32, #tpu.memory_space<hbm>>
    %dma_start3A_309 = tpu.memref_slice %arg7[%dma_start3A_299] : memref<3x!tpu.dma_semaphore, #tpu.memory_space<semaphore_mem>> -> memref<1x!tpu.dma_semaphore, #tpu.memory_space<semaphore_mem>>
    %dma_start3A_310 = tpu.memref_squeeze %dma_start3A_309 : memref<1x!tpu.dma_semaphore, #tpu.memory_space<semaphore_mem>> -> memref<!tpu.dma_semaphore, #tpu.memory_space<semaphore_mem>>
    tpu.enqueue_indirect_dma source(%dma_start3A_308 : memref<1000000x64xf32, #tpu.memory_space<hbm>>) target(%dma_start3A_303 : memref<512x64xf32, #tpu.memory_space<vmem>>) offsets(%dma_start3A_305 : memref<512xi32, #tpu.memory_space<vmem>>) semaphore(%dma_start3A_310 : memref<!tpu.dma_semaphore, #tpu.memory_space<semaphore_mem>>)
    %dma_wait3A_311 = arith.constant 2 : i32
    %dma_wait3A_312 = arith.constant 2 : i32
    %dma_wait3A_313 = arith.constant 0 : i32
    %dma_wait3A_314 = arith.constant 0 : i32
    %dma_wait3A_315 = tpu.memref_slice %arg6[%dma_wait3A_311, %dma_wait3A_313, %dma_wait3A_314] : memref<3x512x64xf32, #tpu.memory_space<vmem>> -> memref<1x512x64xf32, #tpu.memory_space<vmem>>
    %dma_wait3A_316 = tpu.memref_squeeze %dma_wait3A_315 : memref<1x512x64xf32, #tpu.memory_space<vmem>> -> memref<512x64xf32, #tpu.memory_space<vmem>>
    %dma_wait3A_317 = arith.constant 2560 : i32
    %dma_wait3A_318 = tpu.memref_slice %arg5[%dma_wait3A_317] : memref<25600xi32, #tpu.memory_space<vmem>> -> memref<512xi32, #tpu.memory_space<vmem>>
    %dma_wait3A_319 = arith.constant 0 : i32
    %dma_wait3A_320 = arith.constant 0 : i32
    %dma_wait3A_321 = tpu.memref_slice %arg3[%dma_wait3A_319, %dma_wait3A_320] : memref<1000000x64xf32, #tpu.memory_space<hbm>> -> memref<1000000x64xf32, #tpu.memory_space<hbm>>
    %dma_wait3A_322 = tpu.memref_slice %arg7[%dma_wait3A_312] : memref<3x!tpu.dma_semaphore, #tpu.memory_space<semaphore_mem>> -> memref<1x!tpu.dma_semaphore, #tpu.memory_space<semaphore_mem>>
    %dma_wait3A_323 = tpu.memref_squeeze %dma_wait3A_322 : memref<1x!tpu.dma_semaphore, #tpu.memory_space<semaphore_mem>> -> memref<!tpu.dma_semaphore, #tpu.memory_space<semaphore_mem>>
    tpu.wait_indirect_dma semaphore(%dma_wait3A_323 : memref<!tpu.dma_semaphore, #tpu.memory_space<semaphore_mem>>) src(%dma_wait3A_321 : memref<1000000x64xf32, #tpu.memory_space<hbm>>) dst(%dma_wait3A_316 : memref<512x64xf32, #tpu.memory_space<vmem>>)
    %add3A_324 = arith.constant 2560 : i32
    %add3A_325 = arith.addi %mul3A_2, %add3A_324 : i32
    %dma_start3A_326 = arith.constant 2 : i32
    %dma_start3A_327 = arith.constant 2 : i32
    %dma_start3A_328 = arith.constant 0 : i32
    %dma_start3A_329 = arith.constant 0 : i32
    %dma_start3A_330 = tpu.memref_slice %arg6[%dma_start3A_326, %dma_start3A_328, %dma_start3A_329] : memref<3x512x64xf32, #tpu.memory_space<vmem>> -> memref<1x512x64xf32, #tpu.memory_space<vmem>>
    %dma_start3A_331 = tpu.memref_squeeze %dma_start3A_330 : memref<1x512x64xf32, #tpu.memory_space<vmem>> -> memref<512x64xf32, #tpu.memory_space<vmem>>
    %dma_start3A_332 = arith.constant 0 : i32
    %dma_start3A_333 = tpu.memref_slice %arg4[%add3A_325, %dma_start3A_332] : memref<819200x64xf32, #tpu.memory_space<hbm>> -> memref<512x64xf32, #tpu.memory_space<hbm>>
    %dma_start3A_334 = tpu.memref_slice %arg8[%dma_start3A_327] : memref<3x!tpu.dma_semaphore, #tpu.memory_space<semaphore_mem>> -> memref<1x!tpu.dma_semaphore, #tpu.memory_space<semaphore_mem>>
    %dma_start3A_335 = tpu.memref_squeeze %dma_start3A_334 : memref<1x!tpu.dma_semaphore, #tpu.memory_space<semaphore_mem>> -> memref<!tpu.dma_semaphore, #tpu.memory_space<semaphore_mem>>
    %dma_start3A_336 = arith.constant 0 : i32
    %dma_start3A_337 = tpu.memref_slice %arg4[%add3A_325, %dma_start3A_336] : memref<819200x64xf32, #tpu.memory_space<hbm>> -> memref<512x64xf32, #tpu.memory_space<hbm>>
    %dma_start3A_338 = arith.constant 0 : i32
    %dma_start3A_339 = arith.constant 0 : i32
    %dma_start3A_340 = tpu.memref_slice %arg6[%dma_start3A_326, %dma_start3A_338, %dma_start3A_339] : memref<3x512x64xf32, #tpu.memory_space<vmem>> -> memref<1x512x64xf32, #tpu.memory_space<vmem>>
    %dma_start3A_341 = tpu.memref_squeeze %dma_start3A_340 : memref<1x512x64xf32, #tpu.memory_space<vmem>> -> memref<512x64xf32, #tpu.memory_space<vmem>>
    tpu.enqueue_dma source(%dma_start3A_341 : memref<512x64xf32, #tpu.memory_space<vmem>>) target(%dma_start3A_337 : memref<512x64xf32, #tpu.memory_space<hbm>>) target_semaphore(%dma_start3A_335 : memref<!tpu.dma_semaphore, #tpu.memory_space<semaphore_mem>>)
    %dma_wait3A_342 = arith.constant 1 : i32
    %dma_wait3A_343 = arith.constant 1 : i32
    %dma_wait3A_344 = arith.constant 0 : i32
    %dma_wait3A_345 = arith.constant 0 : i32
    %dma_wait3A_346 = tpu.memref_slice %arg6[%dma_wait3A_342, %dma_wait3A_344, %dma_wait3A_345] : memref<3x512x64xf32, #tpu.memory_space<vmem>> -> memref<1x512x64xf32, #tpu.memory_space<vmem>>
    %dma_wait3A_347 = tpu.memref_squeeze %dma_wait3A_346 : memref<1x512x64xf32, #tpu.memory_space<vmem>> -> memref<512x64xf32, #tpu.memory_space<vmem>>
    %dma_wait3A_348 = arith.constant 0 : i32
    %dma_wait3A_349 = tpu.memref_slice %arg4[%add3A_265, %dma_wait3A_348] : memref<819200x64xf32, #tpu.memory_space<hbm>> -> memref<512x64xf32, #tpu.memory_space<hbm>>
    %dma_wait3A_350 = tpu.memref_slice %arg8[%dma_wait3A_343] : memref<3x!tpu.dma_semaphore, #tpu.memory_space<semaphore_mem>> -> memref<1x!tpu.dma_semaphore, #tpu.memory_space<semaphore_mem>>
    %dma_wait3A_351 = tpu.memref_squeeze %dma_wait3A_350 : memref<1x!tpu.dma_semaphore, #tpu.memory_space<semaphore_mem>> -> memref<!tpu.dma_semaphore, #tpu.memory_space<semaphore_mem>>
    %dma_wait3A_352 = arith.constant 0 : i32
    %dma_wait3A_353 = tpu.memref_slice %arg4[%add3A_265, %dma_wait3A_352] : memref<819200x64xf32, #tpu.memory_space<hbm>> -> memref<512x64xf32, #tpu.memory_space<hbm>>
    %dma_wait3A_354 = arith.constant 0 : i32
    %dma_wait3A_355 = arith.constant 0 : i32
    %dma_wait3A_356 = tpu.memref_slice %arg6[%dma_wait3A_342, %dma_wait3A_354, %dma_wait3A_355] : memref<3x512x64xf32, #tpu.memory_space<vmem>> -> memref<1x512x64xf32, #tpu.memory_space<vmem>>
    %dma_wait3A_357 = tpu.memref_squeeze %dma_wait3A_356 : memref<1x512x64xf32, #tpu.memory_space<vmem>> -> memref<512x64xf32, #tpu.memory_space<vmem>>
    tpu.wait_dma2 semaphore(%dma_wait3A_351 : memref<!tpu.dma_semaphore, #tpu.memory_space<semaphore_mem>>) src(%dma_wait3A_357 : memref<512x64xf32, #tpu.memory_space<vmem>>) dst(%dma_wait3A_353 : memref<512x64xf32, #tpu.memory_space<hbm>>)
    %dma_start3A_358 = arith.constant 1 : i32
    %dma_start3A_359 = arith.constant 1 : i32
    %dma_start3A_360 = arith.constant 0 : i32
    %dma_start3A_361 = arith.constant 0 : i32
    %dma_start3A_362 = tpu.memref_slice %arg6[%dma_start3A_358, %dma_start3A_360, %dma_start3A_361] : memref<3x512x64xf32, #tpu.memory_space<vmem>> -> memref<1x512x64xf32, #tpu.memory_space<vmem>>
    %dma_start3A_363 = tpu.memref_squeeze %dma_start3A_362 : memref<1x512x64xf32, #tpu.memory_space<vmem>> -> memref<512x64xf32, #tpu.memory_space<vmem>>
    %dma_start3A_364 = arith.constant 3584 : i32
    %dma_start3A_365 = tpu.memref_slice %arg5[%dma_start3A_364] : memref<25600xi32, #tpu.memory_space<vmem>> -> memref<512xi32, #tpu.memory_space<vmem>>
    %dma_start3A_366 = arith.constant 0 : i32
    %dma_start3A_367 = arith.constant 0 : i32
    %dma_start3A_368 = tpu.memref_slice %arg3[%dma_start3A_366, %dma_start3A_367] : memref<1000000x64xf32, #tpu.memory_space<hbm>> -> memref<1000000x64xf32, #tpu.memory_space<hbm>>
    %dma_start3A_369 = tpu.memref_slice %arg7[%dma_start3A_359] : memref<3x!tpu.dma_semaphore, #tpu.memory_space<semaphore_mem>> -> memref<1x!tpu.dma_semaphore, #tpu.memory_space<semaphore_mem>>
    %dma_start3A_370 = tpu.memref_squeeze %dma_start3A_369 : memref<1x!tpu.dma_semaphore, #tpu.memory_space<semaphore_mem>> -> memref<!tpu.dma_semaphore, #tpu.memory_space<semaphore_mem>>
    tpu.enqueue_indirect_dma source(%dma_start3A_368 : memref<1000000x64xf32, #tpu.memory_space<hbm>>) target(%dma_start3A_363 : memref<512x64xf32, #tpu.memory_space<vmem>>) offsets(%dma_start3A_365 : memref<512xi32, #tpu.memory_space<vmem>>) semaphore(%dma_start3A_370 : memref<!tpu.dma_semaphore, #tpu.memory_space<semaphore_mem>>)
    %dma_wait3A_371 = arith.constant 0 : i32
    %dma_wait3A_372 = arith.constant 0 : i32
    %dma_wait3A_373 = arith.constant 0 : i32
    %dma_wait3A_374 = arith.constant 0 : i32
    %dma_wait3A_375 = tpu.memref_slice %arg6[%dma_wait3A_371, %dma_wait3A_373, %dma_wait3A_374] : memref<3x512x64xf32, #tpu.memory_space<vmem>> -> memref<1x512x64xf32, #tpu.memory_space<vmem>>
    %dma_wait3A_376 = tpu.memref_squeeze %dma_wait3A_375 : memref<1x512x64xf32, #tpu.memory_space<vmem>> -> memref<512x64xf32, #tpu.memory_space<vmem>>
    %dma_wait3A_377 = arith.constant 3072 : i32
    %dma_wait3A_378 = tpu.memref_slice %arg5[%dma_wait3A_377] : memref<25600xi32, #tpu.memory_space<vmem>> -> memref<512xi32, #tpu.memory_space<vmem>>
    %dma_wait3A_379 = arith.constant 0 : i32
    %dma_wait3A_380 = arith.constant 0 : i32
    %dma_wait3A_381 = tpu.memref_slice %arg3[%dma_wait3A_379, %dma_wait3A_380] : memref<1000000x64xf32, #tpu.memory_space<hbm>> -> memref<1000000x64xf32, #tpu.memory_space<hbm>>
    %dma_wait3A_382 = tpu.memref_slice %arg7[%dma_wait3A_372] : memref<3x!tpu.dma_semaphore, #tpu.memory_space<semaphore_mem>> -> memref<1x!tpu.dma_semaphore, #tpu.memory_space<semaphore_mem>>
    %dma_wait3A_383 = tpu.memref_squeeze %dma_wait3A_382 : memref<1x!tpu.dma_semaphore, #tpu.memory_space<semaphore_mem>> -> memref<!tpu.dma_semaphore, #tpu.memory_space<semaphore_mem>>
    tpu.wait_indirect_dma semaphore(%dma_wait3A_383 : memref<!tpu.dma_semaphore, #tpu.memory_space<semaphore_mem>>) src(%dma_wait3A_381 : memref<1000000x64xf32, #tpu.memory_space<hbm>>) dst(%dma_wait3A_376 : memref<512x64xf32, #tpu.memory_space<vmem>>)
    %add3A_384 = arith.constant 3072 : i32
    %add3A_385 = arith.addi %mul3A_2, %add3A_384 : i32
    %dma_start3A_386 = arith.constant 0 : i32
    %dma_start3A_387 = arith.constant 0 : i32
    %dma_start3A_388 = arith.constant 0 : i32
    %dma_start3A_389 = arith.constant 0 : i32
    %dma_start3A_390 = tpu.memref_slice %arg6[%dma_start3A_386, %dma_start3A_388, %dma_start3A_389] : memref<3x512x64xf32, #tpu.memory_space<vmem>> -> memref<1x512x64xf32, #tpu.memory_space<vmem>>
    %dma_start3A_391 = tpu.memref_squeeze %dma_start3A_390 : memref<1x512x64xf32, #tpu.memory_space<vmem>> -> memref<512x64xf32, #tpu.memory_space<vmem>>
    %dma_start3A_392 = arith.constant 0 : i32
    %dma_start3A_393 = tpu.memref_slice %arg4[%add3A_385, %dma_start3A_392] : memref<819200x64xf32, #tpu.memory_space<hbm>> -> memref<512x64xf32, #tpu.memory_space<hbm>>
    %dma_start3A_394 = tpu.memref_slice %arg8[%dma_start3A_387] : memref<3x!tpu.dma_semaphore, #tpu.memory_space<semaphore_mem>> -> memref<1x!tpu.dma_semaphore, #tpu.memory_space<semaphore_mem>>
    %dma_start3A_395 = tpu.memref_squeeze %dma_start3A_394 : memref<1x!tpu.dma_semaphore, #tpu.memory_space<semaphore_mem>> -> memref<!tpu.dma_semaphore, #tpu.memory_space<semaphore_mem>>
    %dma_start3A_396 = arith.constant 0 : i32
    %dma_start3A_397 = tpu.memref_slice %arg4[%add3A_385, %dma_start3A_396] : memref<819200x64xf32, #tpu.memory_space<hbm>> -> memref<512x64xf32, #tpu.memory_space<hbm>>
    %dma_start3A_398 = arith.constant 0 : i32
    %dma_start3A_399 = arith.constant 0 : i32
    %dma_start3A_400 = tpu.memref_slice %arg6[%dma_start3A_386, %dma_start3A_398, %dma_start3A_399] : memref<3x512x64xf32, #tpu.memory_space<vmem>> -> memref<1x512x64xf32, #tpu.memory_space<vmem>>
    %dma_start3A_401 = tpu.memref_squeeze %dma_start3A_400 : memref<1x512x64xf32, #tpu.memory_space<vmem>> -> memref<512x64xf32, #tpu.memory_space<vmem>>
    tpu.enqueue_dma source(%dma_start3A_401 : memref<512x64xf32, #tpu.memory_space<vmem>>) target(%dma_start3A_397 : memref<512x64xf32, #tpu.memory_space<hbm>>) target_semaphore(%dma_start3A_395 : memref<!tpu.dma_semaphore, #tpu.memory_space<semaphore_mem>>)
    %dma_wait3A_402 = arith.constant 2 : i32
    %dma_wait3A_403 = arith.constant 2 : i32
    %dma_wait3A_404 = arith.constant 0 : i32
    %dma_wait3A_405 = arith.constant 0 : i32
    %dma_wait3A_406 = tpu.memref_slice %arg6[%dma_wait3A_402, %dma_wait3A_404, %dma_wait3A_405] : memref<3x512x64xf32, #tpu.memory_space<vmem>> -> memref<1x512x64xf32, #tpu.memory_space<vmem>>
    %dma_wait3A_407 = tpu.memref_squeeze %dma_wait3A_406 : memref<1x512x64xf32, #tpu.memory_space<vmem>> -> memref<512x64xf32, #tpu.memory_space<vmem>>
    %dma_wait3A_408 = arith.constant 0 : i32
    %dma_wait3A_409 = tpu.memref_slice %arg4[%add3A_325, %dma_wait3A_408] : memref<819200x64xf32, #tpu.memory_space<hbm>> -> memref<512x64xf32, #tpu.memory_space<hbm>>
    %dma_wait3A_410 = tpu.memref_slice %arg8[%dma_wait3A_403] : memref<3x!tpu.dma_semaphore, #tpu.memory_space<semaphore_mem>> -> memref<1x!tpu.dma_semaphore, #tpu.memory_space<semaphore_mem>>
    %dma_wait3A_411 = tpu.memref_squeeze %dma_wait3A_410 : memref<1x!tpu.dma_semaphore, #tpu.memory_space<semaphore_mem>> -> memref<!tpu.dma_semaphore, #tpu.memory_space<semaphore_mem>>
    %dma_wait3A_412 = arith.constant 0 : i32
    %dma_wait3A_413 = tpu.memref_slice %arg4[%add3A_325, %dma_wait3A_412] : memref<819200x64xf32, #tpu.memory_space<hbm>> -> memref<512x64xf32, #tpu.memory_space<hbm>>
    %dma_wait3A_414 = arith.constant 0 : i32
    %dma_wait3A_415 = arith.constant 0 : i32
    %dma_wait3A_416 = tpu.memref_slice %arg6[%dma_wait3A_402, %dma_wait3A_414, %dma_wait3A_415] : memref<3x512x64xf32, #tpu.memory_space<vmem>> -> memref<1x512x64xf32, #tpu.memory_space<vmem>>
    %dma_wait3A_417 = tpu.memref_squeeze %dma_wait3A_416 : memref<1x512x64xf32, #tpu.memory_space<vmem>> -> memref<512x64xf32, #tpu.memory_space<vmem>>
    tpu.wait_dma2 semaphore(%dma_wait3A_411 : memref<!tpu.dma_semaphore, #tpu.memory_space<semaphore_mem>>) src(%dma_wait3A_417 : memref<512x64xf32, #tpu.memory_space<vmem>>) dst(%dma_wait3A_413 : memref<512x64xf32, #tpu.memory_space<hbm>>)
    %dma_start3A_418 = arith.constant 2 : i32
    %dma_start3A_419 = arith.constant 2 : i32
    %dma_start3A_420 = arith.constant 0 : i32
    %dma_start3A_421 = arith.constant 0 : i32
    %dma_start3A_422 = tpu.memref_slice %arg6[%dma_start3A_418, %dma_start3A_420, %dma_start3A_421] : memref<3x512x64xf32, #tpu.memory_space<vmem>> -> memref<1x512x64xf32, #tpu.memory_space<vmem>>
    %dma_start3A_423 = tpu.memref_squeeze %dma_start3A_422 : memref<1x512x64xf32, #tpu.memory_space<vmem>> -> memref<512x64xf32, #tpu.memory_space<vmem>>
    %dma_start3A_424 = arith.constant 4096 : i32
    %dma_start3A_425 = tpu.memref_slice %arg5[%dma_start3A_424] : memref<25600xi32, #tpu.memory_space<vmem>> -> memref<512xi32, #tpu.memory_space<vmem>>
    %dma_start3A_426 = arith.constant 0 : i32
    %dma_start3A_427 = arith.constant 0 : i32
    %dma_start3A_428 = tpu.memref_slice %arg3[%dma_start3A_426, %dma_start3A_427] : memref<1000000x64xf32, #tpu.memory_space<hbm>> -> memref<1000000x64xf32, #tpu.memory_space<hbm>>
    %dma_start3A_429 = tpu.memref_slice %arg7[%dma_start3A_419] : memref<3x!tpu.dma_semaphore, #tpu.memory_space<semaphore_mem>> -> memref<1x!tpu.dma_semaphore, #tpu.memory_space<semaphore_mem>>
    %dma_start3A_430 = tpu.memref_squeeze %dma_start3A_429 : memref<1x!tpu.dma_semaphore, #tpu.memory_space<semaphore_mem>> -> memref<!tpu.dma_semaphore, #tpu.memory_space<semaphore_mem>>
    tpu.enqueue_indirect_dma source(%dma_start3A_428 : memref<1000000x64xf32, #tpu.memory_space<hbm>>) target(%dma_start3A_423 : memref<512x64xf32, #tpu.memory_space<vmem>>) offsets(%dma_start3A_425 : memref<512xi32, #tpu.memory_space<vmem>>) semaphore(%dma_start3A_430 : memref<!tpu.dma_semaphore, #tpu.memory_space<semaphore_mem>>)
    %dma_wait3A_431 = arith.constant 1 : i32
    %dma_wait3A_432 = arith.constant 1 : i32
    %dma_wait3A_433 = arith.constant 0 : i32
    %dma_wait3A_434 = arith.constant 0 : i32
    %dma_wait3A_435 = tpu.memref_slice %arg6[%dma_wait3A_431, %dma_wait3A_433, %dma_wait3A_434] : memref<3x512x64xf32, #tpu.memory_space<vmem>> -> memref<1x512x64xf32, #tpu.memory_space<vmem>>
    %dma_wait3A_436 = tpu.memref_squeeze %dma_wait3A_435 : memref<1x512x64xf32, #tpu.memory_space<vmem>> -> memref<512x64xf32, #tpu.memory_space<vmem>>
    %dma_wait3A_437 = arith.constant 3584 : i32
    %dma_wait3A_438 = tpu.memref_slice %arg5[%dma_wait3A_437] : memref<25600xi32, #tpu.memory_space<vmem>> -> memref<512xi32, #tpu.memory_space<vmem>>
    %dma_wait3A_439 = arith.constant 0 : i32
    %dma_wait3A_440 = arith.constant 0 : i32
    %dma_wait3A_441 = tpu.memref_slice %arg3[%dma_wait3A_439, %dma_wait3A_440] : memref<1000000x64xf32, #tpu.memory_space<hbm>> -> memref<1000000x64xf32, #tpu.memory_space<hbm>>
    %dma_wait3A_442 = tpu.memref_slice %arg7[%dma_wait3A_432] : memref<3x!tpu.dma_semaphore, #tpu.memory_space<semaphore_mem>> -> memref<1x!tpu.dma_semaphore, #tpu.memory_space<semaphore_mem>>
    %dma_wait3A_443 = tpu.memref_squeeze %dma_wait3A_442 : memref<1x!tpu.dma_semaphore, #tpu.memory_space<semaphore_mem>> -> memref<!tpu.dma_semaphore, #tpu.memory_space<semaphore_mem>>
    tpu.wait_indirect_dma semaphore(%dma_wait3A_443 : memref<!tpu.dma_semaphore, #tpu.memory_space<semaphore_mem>>) src(%dma_wait3A_441 : memref<1000000x64xf32, #tpu.memory_space<hbm>>) dst(%dma_wait3A_436 : memref<512x64xf32, #tpu.memory_space<vmem>>)
    %add3A_444 = arith.constant 3584 : i32
    %add3A_445 = arith.addi %mul3A_2, %add3A_444 : i32
    %dma_start3A_446 = arith.constant 1 : i32
    %dma_start3A_447 = arith.constant 1 : i32
    %dma_start3A_448 = arith.constant 0 : i32
    %dma_start3A_449 = arith.constant 0 : i32
    %dma_start3A_450 = tpu.memref_slice %arg6[%dma_start3A_446, %dma_start3A_448, %dma_start3A_449] : memref<3x512x64xf32, #tpu.memory_space<vmem>> -> memref<1x512x64xf32, #tpu.memory_space<vmem>>
    %dma_start3A_451 = tpu.memref_squeeze %dma_start3A_450 : memref<1x512x64xf32, #tpu.memory_space<vmem>> -> memref<512x64xf32, #tpu.memory_space<vmem>>
    %dma_start3A_452 = arith.constant 0 : i32
    %dma_start3A_453 = tpu.memref_slice %arg4[%add3A_445, %dma_start3A_452] : memref<819200x64xf32, #tpu.memory_space<hbm>> -> memref<512x64xf32, #tpu.memory_space<hbm>>
    %dma_start3A_454 = tpu.memref_slice %arg8[%dma_start3A_447] : memref<3x!tpu.dma_semaphore, #tpu.memory_space<semaphore_mem>> -> memref<1x!tpu.dma_semaphore, #tpu.memory_space<semaphore_mem>>
    %dma_start3A_455 = tpu.memref_squeeze %dma_start3A_454 : memref<1x!tpu.dma_semaphore, #tpu.memory_space<semaphore_mem>> -> memref<!tpu.dma_semaphore, #tpu.memory_space<semaphore_mem>>
    %dma_start3A_456 = arith.constant 0 : i32
    %dma_start3A_457 = tpu.memref_slice %arg4[%add3A_445, %dma_start3A_456] : memref<819200x64xf32, #tpu.memory_space<hbm>> -> memref<512x64xf32, #tpu.memory_space<hbm>>
    %dma_start3A_458 = arith.constant 0 : i32
    %dma_start3A_459 = arith.constant 0 : i32
    %dma_start3A_460 = tpu.memref_slice %arg6[%dma_start3A_446, %dma_start3A_458, %dma_start3A_459] : memref<3x512x64xf32, #tpu.memory_space<vmem>> -> memref<1x512x64xf32, #tpu.memory_space<vmem>>
    %dma_start3A_461 = tpu.memref_squeeze %dma_start3A_460 : memref<1x512x64xf32, #tpu.memory_space<vmem>> -> memref<512x64xf32, #tpu.memory_space<vmem>>
    tpu.enqueue_dma source(%dma_start3A_461 : memref<512x64xf32, #tpu.memory_space<vmem>>) target(%dma_start3A_457 : memref<512x64xf32, #tpu.memory_space<hbm>>) target_semaphore(%dma_start3A_455 : memref<!tpu.dma_semaphore, #tpu.memory_space<semaphore_mem>>)
    %dma_wait3A_462 = arith.constant 0 : i32
    %dma_wait3A_463 = arith.constant 0 : i32
    %dma_wait3A_464 = arith.constant 0 : i32
    %dma_wait3A_465 = arith.constant 0 : i32
    %dma_wait3A_466 = tpu.memref_slice %arg6[%dma_wait3A_462, %dma_wait3A_464, %dma_wait3A_465] : memref<3x512x64xf32, #tpu.memory_space<vmem>> -> memref<1x512x64xf32, #tpu.memory_space<vmem>>
    %dma_wait3A_467 = tpu.memref_squeeze %dma_wait3A_466 : memref<1x512x64xf32, #tpu.memory_space<vmem>> -> memref<512x64xf32, #tpu.memory_space<vmem>>
    %dma_wait3A_468 = arith.constant 0 : i32
    %dma_wait3A_469 = tpu.memref_slice %arg4[%add3A_385, %dma_wait3A_468] : memref<819200x64xf32, #tpu.memory_space<hbm>> -> memref<512x64xf32, #tpu.memory_space<hbm>>
    %dma_wait3A_470 = tpu.memref_slice %arg8[%dma_wait3A_463] : memref<3x!tpu.dma_semaphore, #tpu.memory_space<semaphore_mem>> -> memref<1x!tpu.dma_semaphore, #tpu.memory_space<semaphore_mem>>
    %dma_wait3A_471 = tpu.memref_squeeze %dma_wait3A_470 : memref<1x!tpu.dma_semaphore, #tpu.memory_space<semaphore_mem>> -> memref<!tpu.dma_semaphore, #tpu.memory_space<semaphore_mem>>
    %dma_wait3A_472 = arith.constant 0 : i32
    %dma_wait3A_473 = tpu.memref_slice %arg4[%add3A_385, %dma_wait3A_472] : memref<819200x64xf32, #tpu.memory_space<hbm>> -> memref<512x64xf32, #tpu.memory_space<hbm>>
    %dma_wait3A_474 = arith.constant 0 : i32
    %dma_wait3A_475 = arith.constant 0 : i32
    %dma_wait3A_476 = tpu.memref_slice %arg6[%dma_wait3A_462, %dma_wait3A_474, %dma_wait3A_475] : memref<3x512x64xf32, #tpu.memory_space<vmem>> -> memref<1x512x64xf32, #tpu.memory_space<vmem>>
    %dma_wait3A_477 = tpu.memref_squeeze %dma_wait3A_476 : memref<1x512x64xf32, #tpu.memory_space<vmem>> -> memref<512x64xf32, #tpu.memory_space<vmem>>
    tpu.wait_dma2 semaphore(%dma_wait3A_471 : memref<!tpu.dma_semaphore, #tpu.memory_space<semaphore_mem>>) src(%dma_wait3A_477 : memref<512x64xf32, #tpu.memory_space<vmem>>) dst(%dma_wait3A_473 : memref<512x64xf32, #tpu.memory_space<hbm>>)
    %dma_start3A_478 = arith.constant 0 : i32
    %dma_start3A_479 = arith.constant 0 : i32
    %dma_start3A_480 = arith.constant 0 : i32
    %dma_start3A_481 = arith.constant 0 : i32
    %dma_start3A_482 = tpu.memref_slice %arg6[%dma_start3A_478, %dma_start3A_480, %dma_start3A_481] : memref<3x512x64xf32, #tpu.memory_space<vmem>> -> memref<1x512x64xf32, #tpu.memory_space<vmem>>
    %dma_start3A_483 = tpu.memref_squeeze %dma_start3A_482 : memref<1x512x64xf32, #tpu.memory_space<vmem>> -> memref<512x64xf32, #tpu.memory_space<vmem>>
    %dma_start3A_484 = arith.constant 4608 : i32
    %dma_start3A_485 = tpu.memref_slice %arg5[%dma_start3A_484] : memref<25600xi32, #tpu.memory_space<vmem>> -> memref<512xi32, #tpu.memory_space<vmem>>
    %dma_start3A_486 = arith.constant 0 : i32
    %dma_start3A_487 = arith.constant 0 : i32
    %dma_start3A_488 = tpu.memref_slice %arg3[%dma_start3A_486, %dma_start3A_487] : memref<1000000x64xf32, #tpu.memory_space<hbm>> -> memref<1000000x64xf32, #tpu.memory_space<hbm>>
    %dma_start3A_489 = tpu.memref_slice %arg7[%dma_start3A_479] : memref<3x!tpu.dma_semaphore, #tpu.memory_space<semaphore_mem>> -> memref<1x!tpu.dma_semaphore, #tpu.memory_space<semaphore_mem>>
    %dma_start3A_490 = tpu.memref_squeeze %dma_start3A_489 : memref<1x!tpu.dma_semaphore, #tpu.memory_space<semaphore_mem>> -> memref<!tpu.dma_semaphore, #tpu.memory_space<semaphore_mem>>
    tpu.enqueue_indirect_dma source(%dma_start3A_488 : memref<1000000x64xf32, #tpu.memory_space<hbm>>) target(%dma_start3A_483 : memref<512x64xf32, #tpu.memory_space<vmem>>) offsets(%dma_start3A_485 : memref<512xi32, #tpu.memory_space<vmem>>) semaphore(%dma_start3A_490 : memref<!tpu.dma_semaphore, #tpu.memory_space<semaphore_mem>>)
    %dma_wait3A_491 = arith.constant 2 : i32
    %dma_wait3A_492 = arith.constant 2 : i32
    %dma_wait3A_493 = arith.constant 0 : i32
    %dma_wait3A_494 = arith.constant 0 : i32
    %dma_wait3A_495 = tpu.memref_slice %arg6[%dma_wait3A_491, %dma_wait3A_493, %dma_wait3A_494] : memref<3x512x64xf32, #tpu.memory_space<vmem>> -> memref<1x512x64xf32, #tpu.memory_space<vmem>>
    %dma_wait3A_496 = tpu.memref_squeeze %dma_wait3A_495 : memref<1x512x64xf32, #tpu.memory_space<vmem>> -> memref<512x64xf32, #tpu.memory_space<vmem>>
    %dma_wait3A_497 = arith.constant 4096 : i32
    %dma_wait3A_498 = tpu.memref_slice %arg5[%dma_wait3A_497] : memref<25600xi32, #tpu.memory_space<vmem>> -> memref<512xi32, #tpu.memory_space<vmem>>
    %dma_wait3A_499 = arith.constant 0 : i32
    %dma_wait3A_500 = arith.constant 0 : i32
    %dma_wait3A_501 = tpu.memref_slice %arg3[%dma_wait3A_499, %dma_wait3A_500] : memref<1000000x64xf32, #tpu.memory_space<hbm>> -> memref<1000000x64xf32, #tpu.memory_space<hbm>>
    %dma_wait3A_502 = tpu.memref_slice %arg7[%dma_wait3A_492] : memref<3x!tpu.dma_semaphore, #tpu.memory_space<semaphore_mem>> -> memref<1x!tpu.dma_semaphore, #tpu.memory_space<semaphore_mem>>
    %dma_wait3A_503 = tpu.memref_squeeze %dma_wait3A_502 : memref<1x!tpu.dma_semaphore, #tpu.memory_space<semaphore_mem>> -> memref<!tpu.dma_semaphore, #tpu.memory_space<semaphore_mem>>
    tpu.wait_indirect_dma semaphore(%dma_wait3A_503 : memref<!tpu.dma_semaphore, #tpu.memory_space<semaphore_mem>>) src(%dma_wait3A_501 : memref<1000000x64xf32, #tpu.memory_space<hbm>>) dst(%dma_wait3A_496 : memref<512x64xf32, #tpu.memory_space<vmem>>)
    %add3A_504 = arith.constant 4096 : i32
    %add3A_505 = arith.addi %mul3A_2, %add3A_504 : i32
    %dma_start3A_506 = arith.constant 2 : i32
    %dma_start3A_507 = arith.constant 2 : i32
    %dma_start3A_508 = arith.constant 0 : i32
    %dma_start3A_509 = arith.constant 0 : i32
    %dma_start3A_510 = tpu.memref_slice %arg6[%dma_start3A_506, %dma_start3A_508, %dma_start3A_509] : memref<3x512x64xf32, #tpu.memory_space<vmem>> -> memref<1x512x64xf32, #tpu.memory_space<vmem>>
    %dma_start3A_511 = tpu.memref_squeeze %dma_start3A_510 : memref<1x512x64xf32, #tpu.memory_space<vmem>> -> memref<512x64xf32, #tpu.memory_space<vmem>>
    %dma_start3A_512 = arith.constant 0 : i32
    %dma_start3A_513 = tpu.memref_slice %arg4[%add3A_505, %dma_start3A_512] : memref<819200x64xf32, #tpu.memory_space<hbm>> -> memref<512x64xf32, #tpu.memory_space<hbm>>
    %dma_start3A_514 = tpu.memref_slice %arg8[%dma_start3A_507] : memref<3x!tpu.dma_semaphore, #tpu.memory_space<semaphore_mem>> -> memref<1x!tpu.dma_semaphore, #tpu.memory_space<semaphore_mem>>
    %dma_start3A_515 = tpu.memref_squeeze %dma_start3A_514 : memref<1x!tpu.dma_semaphore, #tpu.memory_space<semaphore_mem>> -> memref<!tpu.dma_semaphore, #tpu.memory_space<semaphore_mem>>
    %dma_start3A_516 = arith.constant 0 : i32
    %dma_start3A_517 = tpu.memref_slice %arg4[%add3A_505, %dma_start3A_516] : memref<819200x64xf32, #tpu.memory_space<hbm>> -> memref<512x64xf32, #tpu.memory_space<hbm>>
    %dma_start3A_518 = arith.constant 0 : i32
    %dma_start3A_519 = arith.constant 0 : i32
    %dma_start3A_520 = tpu.memref_slice %arg6[%dma_start3A_506, %dma_start3A_518, %dma_start3A_519] : memref<3x512x64xf32, #tpu.memory_space<vmem>> -> memref<1x512x64xf32, #tpu.memory_space<vmem>>
    %dma_start3A_521 = tpu.memref_squeeze %dma_start3A_520 : memref<1x512x64xf32, #tpu.memory_space<vmem>> -> memref<512x64xf32, #tpu.memory_space<vmem>>
    tpu.enqueue_dma source(%dma_start3A_521 : memref<512x64xf32, #tpu.memory_space<vmem>>) target(%dma_start3A_517 : memref<512x64xf32, #tpu.memory_space<hbm>>) target_semaphore(%dma_start3A_515 : memref<!tpu.dma_semaphore, #tpu.memory_space<semaphore_mem>>)
    %dma_wait3A_522 = arith.constant 1 : i32
    %dma_wait3A_523 = arith.constant 1 : i32
    %dma_wait3A_524 = arith.constant 0 : i32
    %dma_wait3A_525 = arith.constant 0 : i32
    %dma_wait3A_526 = tpu.memref_slice %arg6[%dma_wait3A_522, %dma_wait3A_524, %dma_wait3A_525] : memref<3x512x64xf32, #tpu.memory_space<vmem>> -> memref<1x512x64xf32, #tpu.memory_space<vmem>>
    %dma_wait3A_527 = tpu.memref_squeeze %dma_wait3A_526 : memref<1x512x64xf32, #tpu.memory_space<vmem>> -> memref<512x64xf32, #tpu.memory_space<vmem>>
    %dma_wait3A_528 = arith.constant 0 : i32
    %dma_wait3A_529 = tpu.memref_slice %arg4[%add3A_445, %dma_wait3A_528] : memref<819200x64xf32, #tpu.memory_space<hbm>> -> memref<512x64xf32, #tpu.memory_space<hbm>>
    %dma_wait3A_530 = tpu.memref_slice %arg8[%dma_wait3A_523] : memref<3x!tpu.dma_semaphore, #tpu.memory_space<semaphore_mem>> -> memref<1x!tpu.dma_semaphore, #tpu.memory_space<semaphore_mem>>
    %dma_wait3A_531 = tpu.memref_squeeze %dma_wait3A_530 : memref<1x!tpu.dma_semaphore, #tpu.memory_space<semaphore_mem>> -> memref<!tpu.dma_semaphore, #tpu.memory_space<semaphore_mem>>
    %dma_wait3A_532 = arith.constant 0 : i32
    %dma_wait3A_533 = tpu.memref_slice %arg4[%add3A_445, %dma_wait3A_532] : memref<819200x64xf32, #tpu.memory_space<hbm>> -> memref<512x64xf32, #tpu.memory_space<hbm>>
    %dma_wait3A_534 = arith.constant 0 : i32
    %dma_wait3A_535 = arith.constant 0 : i32
    %dma_wait3A_536 = tpu.memref_slice %arg6[%dma_wait3A_522, %dma_wait3A_534, %dma_wait3A_535] : memref<3x512x64xf32, #tpu.memory_space<vmem>> -> memref<1x512x64xf32, #tpu.memory_space<vmem>>
    %dma_wait3A_537 = tpu.memref_squeeze %dma_wait3A_536 : memref<1x512x64xf32, #tpu.memory_space<vmem>> -> memref<512x64xf32, #tpu.memory_space<vmem>>
    tpu.wait_dma2 semaphore(%dma_wait3A_531 : memref<!tpu.dma_semaphore, #tpu.memory_space<semaphore_mem>>) src(%dma_wait3A_537 : memref<512x64xf32, #tpu.memory_space<vmem>>) dst(%dma_wait3A_533 : memref<512x64xf32, #tpu.memory_space<hbm>>)
    %dma_start3A_538 = arith.constant 1 : i32
    %dma_start3A_539 = arith.constant 1 : i32
    %dma_start3A_540 = arith.constant 0 : i32
    %dma_start3A_541 = arith.constant 0 : i32
    %dma_start3A_542 = tpu.memref_slice %arg6[%dma_start3A_538, %dma_start3A_540, %dma_start3A_541] : memref<3x512x64xf32, #tpu.memory_space<vmem>> -> memref<1x512x64xf32, #tpu.memory_space<vmem>>
    %dma_start3A_543 = tpu.memref_squeeze %dma_start3A_542 : memref<1x512x64xf32, #tpu.memory_space<vmem>> -> memref<512x64xf32, #tpu.memory_space<vmem>>
    %dma_start3A_544 = arith.constant 5120 : i32
    %dma_start3A_545 = tpu.memref_slice %arg5[%dma_start3A_544] : memref<25600xi32, #tpu.memory_space<vmem>> -> memref<512xi32, #tpu.memory_space<vmem>>
    %dma_start3A_546 = arith.constant 0 : i32
    %dma_start3A_547 = arith.constant 0 : i32
    %dma_start3A_548 = tpu.memref_slice %arg3[%dma_start3A_546, %dma_start3A_547] : memref<1000000x64xf32, #tpu.memory_space<hbm>> -> memref<1000000x64xf32, #tpu.memory_space<hbm>>
    %dma_start3A_549 = tpu.memref_slice %arg7[%dma_start3A_539] : memref<3x!tpu.dma_semaphore, #tpu.memory_space<semaphore_mem>> -> memref<1x!tpu.dma_semaphore, #tpu.memory_space<semaphore_mem>>
    %dma_start3A_550 = tpu.memref_squeeze %dma_start3A_549 : memref<1x!tpu.dma_semaphore, #tpu.memory_space<semaphore_mem>> -> memref<!tpu.dma_semaphore, #tpu.memory_space<semaphore_mem>>
    tpu.enqueue_indirect_dma source(%dma_start3A_548 : memref<1000000x64xf32, #tpu.memory_space<hbm>>) target(%dma_start3A_543 : memref<512x64xf32, #tpu.memory_space<vmem>>) offsets(%dma_start3A_545 : memref<512xi32, #tpu.memory_space<vmem>>) semaphore(%dma_start3A_550 : memref<!tpu.dma_semaphore, #tpu.memory_space<semaphore_mem>>)
    %dma_wait3A_551 = arith.constant 0 : i32
    %dma_wait3A_552 = arith.constant 0 : i32
    %dma_wait3A_553 = arith.constant 0 : i32
    %dma_wait3A_554 = arith.constant 0 : i32
    %dma_wait3A_555 = tpu.memref_slice %arg6[%dma_wait3A_551, %dma_wait3A_553, %dma_wait3A_554] : memref<3x512x64xf32, #tpu.memory_space<vmem>> -> memref<1x512x64xf32, #tpu.memory_space<vmem>>
    %dma_wait3A_556 = tpu.memref_squeeze %dma_wait3A_555 : memref<1x512x64xf32, #tpu.memory_space<vmem>> -> memref<512x64xf32, #tpu.memory_space<vmem>>
    %dma_wait3A_557 = arith.constant 4608 : i32
    %dma_wait3A_558 = tpu.memref_slice %arg5[%dma_wait3A_557] : memref<25600xi32, #tpu.memory_space<vmem>> -> memref<512xi32, #tpu.memory_space<vmem>>
    %dma_wait3A_559 = arith.constant 0 : i32
    %dma_wait3A_560 = arith.constant 0 : i32
    %dma_wait3A_561 = tpu.memref_slice %arg3[%dma_wait3A_559, %dma_wait3A_560] : memref<1000000x64xf32, #tpu.memory_space<hbm>> -> memref<1000000x64xf32, #tpu.memory_space<hbm>>
    %dma_wait3A_562 = tpu.memref_slice %arg7[%dma_wait3A_552] : memref<3x!tpu.dma_semaphore, #tpu.memory_space<semaphore_mem>> -> memref<1x!tpu.dma_semaphore, #tpu.memory_space<semaphore_mem>>
    %dma_wait3A_563 = tpu.memref_squeeze %dma_wait3A_562 : memref<1x!tpu.dma_semaphore, #tpu.memory_space<semaphore_mem>> -> memref<!tpu.dma_semaphore, #tpu.memory_space<semaphore_mem>>
    tpu.wait_indirect_dma semaphore(%dma_wait3A_563 : memref<!tpu.dma_semaphore, #tpu.memory_space<semaphore_mem>>) src(%dma_wait3A_561 : memref<1000000x64xf32, #tpu.memory_space<hbm>>) dst(%dma_wait3A_556 : memref<512x64xf32, #tpu.memory_space<vmem>>)
    %add3A_564 = arith.constant 4608 : i32
    %add3A_565 = arith.addi %mul3A_2, %add3A_564 : i32
    %dma_start3A_566 = arith.constant 0 : i32
    %dma_start3A_567 = arith.constant 0 : i32
    %dma_start3A_568 = arith.constant 0 : i32
    %dma_start3A_569 = arith.constant 0 : i32
    %dma_start3A_570 = tpu.memref_slice %arg6[%dma_start3A_566, %dma_start3A_568, %dma_start3A_569] : memref<3x512x64xf32, #tpu.memory_space<vmem>> -> memref<1x512x64xf32, #tpu.memory_space<vmem>>
    %dma_start3A_571 = tpu.memref_squeeze %dma_start3A_570 : memref<1x512x64xf32, #tpu.memory_space<vmem>> -> memref<512x64xf32, #tpu.memory_space<vmem>>
    %dma_start3A_572 = arith.constant 0 : i32
    %dma_start3A_573 = tpu.memref_slice %arg4[%add3A_565, %dma_start3A_572] : memref<819200x64xf32, #tpu.memory_space<hbm>> -> memref<512x64xf32, #tpu.memory_space<hbm>>
    %dma_start3A_574 = tpu.memref_slice %arg8[%dma_start3A_567] : memref<3x!tpu.dma_semaphore, #tpu.memory_space<semaphore_mem>> -> memref<1x!tpu.dma_semaphore, #tpu.memory_space<semaphore_mem>>
    %dma_start3A_575 = tpu.memref_squeeze %dma_start3A_574 : memref<1x!tpu.dma_semaphore, #tpu.memory_space<semaphore_mem>> -> memref<!tpu.dma_semaphore, #tpu.memory_space<semaphore_mem>>
    %dma_start3A_576 = arith.constant 0 : i32
    %dma_start3A_577 = tpu.memref_slice %arg4[%add3A_565, %dma_start3A_576] : memref<819200x64xf32, #tpu.memory_space<hbm>> -> memref<512x64xf32, #tpu.memory_space<hbm>>
    %dma_start3A_578 = arith.constant 0 : i32
    %dma_start3A_579 = arith.constant 0 : i32
    %dma_start3A_580 = tpu.memref_slice %arg6[%dma_start3A_566, %dma_start3A_578, %dma_start3A_579] : memref<3x512x64xf32, #tpu.memory_space<vmem>> -> memref<1x512x64xf32, #tpu.memory_space<vmem>>
    %dma_start3A_581 = tpu.memref_squeeze %dma_start3A_580 : memref<1x512x64xf32, #tpu.memory_space<vmem>> -> memref<512x64xf32, #tpu.memory_space<vmem>>
    tpu.enqueue_dma source(%dma_start3A_581 : memref<512x64xf32, #tpu.memory_space<vmem>>) target(%dma_start3A_577 : memref<512x64xf32, #tpu.memory_space<hbm>>) target_semaphore(%dma_start3A_575 : memref<!tpu.dma_semaphore, #tpu.memory_space<semaphore_mem>>)
    %dma_wait3A_582 = arith.constant 2 : i32
    %dma_wait3A_583 = arith.constant 2 : i32
    %dma_wait3A_584 = arith.constant 0 : i32
    %dma_wait3A_585 = arith.constant 0 : i32
    %dma_wait3A_586 = tpu.memref_slice %arg6[%dma_wait3A_582, %dma_wait3A_584, %dma_wait3A_585] : memref<3x512x64xf32, #tpu.memory_space<vmem>> -> memref<1x512x64xf32, #tpu.memory_space<vmem>>
    %dma_wait3A_587 = tpu.memref_squeeze %dma_wait3A_586 : memref<1x512x64xf32, #tpu.memory_space<vmem>> -> memref<512x64xf32, #tpu.memory_space<vmem>>
    %dma_wait3A_588 = arith.constant 0 : i32
    %dma_wait3A_589 = tpu.memref_slice %arg4[%add3A_505, %dma_wait3A_588] : memref<819200x64xf32, #tpu.memory_space<hbm>> -> memref<512x64xf32, #tpu.memory_space<hbm>>
    %dma_wait3A_590 = tpu.memref_slice %arg8[%dma_wait3A_583] : memref<3x!tpu.dma_semaphore, #tpu.memory_space<semaphore_mem>> -> memref<1x!tpu.dma_semaphore, #tpu.memory_space<semaphore_mem>>
    %dma_wait3A_591 = tpu.memref_squeeze %dma_wait3A_590 : memref<1x!tpu.dma_semaphore, #tpu.memory_space<semaphore_mem>> -> memref<!tpu.dma_semaphore, #tpu.memory_space<semaphore_mem>>
    %dma_wait3A_592 = arith.constant 0 : i32
    %dma_wait3A_593 = tpu.memref_slice %arg4[%add3A_505, %dma_wait3A_592] : memref<819200x64xf32, #tpu.memory_space<hbm>> -> memref<512x64xf32, #tpu.memory_space<hbm>>
    %dma_wait3A_594 = arith.constant 0 : i32
    %dma_wait3A_595 = arith.constant 0 : i32
    %dma_wait3A_596 = tpu.memref_slice %arg6[%dma_wait3A_582, %dma_wait3A_594, %dma_wait3A_595] : memref<3x512x64xf32, #tpu.memory_space<vmem>> -> memref<1x512x64xf32, #tpu.memory_space<vmem>>
    %dma_wait3A_597 = tpu.memref_squeeze %dma_wait3A_596 : memref<1x512x64xf32, #tpu.memory_space<vmem>> -> memref<512x64xf32, #tpu.memory_space<vmem>>
    tpu.wait_dma2 semaphore(%dma_wait3A_591 : memref<!tpu.dma_semaphore, #tpu.memory_space<semaphore_mem>>) src(%dma_wait3A_597 : memref<512x64xf32, #tpu.memory_space<vmem>>) dst(%dma_wait3A_593 : memref<512x64xf32, #tpu.memory_space<hbm>>)
    %dma_start3A_598 = arith.constant 2 : i32
    %dma_start3A_599 = arith.constant 2 : i32
    %dma_start3A_600 = arith.constant 0 : i32
    %dma_start3A_601 = arith.constant 0 : i32
    %dma_start3A_602 = tpu.memref_slice %arg6[%dma_start3A_598, %dma_start3A_600, %dma_start3A_601] : memref<3x512x64xf32, #tpu.memory_space<vmem>> -> memref<1x512x64xf32, #tpu.memory_space<vmem>>
    %dma_start3A_603 = tpu.memref_squeeze %dma_start3A_602 : memref<1x512x64xf32, #tpu.memory_space<vmem>> -> memref<512x64xf32, #tpu.memory_space<vmem>>
    %dma_start3A_604 = arith.constant 5632 : i32
    %dma_start3A_605 = tpu.memref_slice %arg5[%dma_start3A_604] : memref<25600xi32, #tpu.memory_space<vmem>> -> memref<512xi32, #tpu.memory_space<vmem>>
    %dma_start3A_606 = arith.constant 0 : i32
    %dma_start3A_607 = arith.constant 0 : i32
    %dma_start3A_608 = tpu.memref_slice %arg3[%dma_start3A_606, %dma_start3A_607] : memref<1000000x64xf32, #tpu.memory_space<hbm>> -> memref<1000000x64xf32, #tpu.memory_space<hbm>>
    %dma_start3A_609 = tpu.memref_slice %arg7[%dma_start3A_599] : memref<3x!tpu.dma_semaphore, #tpu.memory_space<semaphore_mem>> -> memref<1x!tpu.dma_semaphore, #tpu.memory_space<semaphore_mem>>
    %dma_start3A_610 = tpu.memref_squeeze %dma_start3A_609 : memref<1x!tpu.dma_semaphore, #tpu.memory_space<semaphore_mem>> -> memref<!tpu.dma_semaphore, #tpu.memory_space<semaphore_mem>>
    tpu.enqueue_indirect_dma source(%dma_start3A_608 : memref<1000000x64xf32, #tpu.memory_space<hbm>>) target(%dma_start3A_603 : memref<512x64xf32, #tpu.memory_space<vmem>>) offsets(%dma_start3A_605 : memref<512xi32, #tpu.memory_space<vmem>>) semaphore(%dma_start3A_610 : memref<!tpu.dma_semaphore, #tpu.memory_space<semaphore_mem>>)
    %dma_wait3A_611 = arith.constant 1 : i32
    %dma_wait3A_612 = arith.constant 1 : i32
    %dma_wait3A_613 = arith.constant 0 : i32
    %dma_wait3A_614 = arith.constant 0 : i32
    %dma_wait3A_615 = tpu.memref_slice %arg6[%dma_wait3A_611, %dma_wait3A_613, %dma_wait3A_614] : memref<3x512x64xf32, #tpu.memory_space<vmem>> -> memref<1x512x64xf32, #tpu.memory_space<vmem>>
    %dma_wait3A_616 = tpu.memref_squeeze %dma_wait3A_615 : memref<1x512x64xf32, #tpu.memory_space<vmem>> -> memref<512x64xf32, #tpu.memory_space<vmem>>
    %dma_wait3A_617 = arith.constant 5120 : i32
    %dma_wait3A_618 = tpu.memref_slice %arg5[%dma_wait3A_617] : memref<25600xi32, #tpu.memory_space<vmem>> -> memref<512xi32, #tpu.memory_space<vmem>>
    %dma_wait3A_619 = arith.constant 0 : i32
    %dma_wait3A_620 = arith.constant 0 : i32
    %dma_wait3A_621 = tpu.memref_slice %arg3[%dma_wait3A_619, %dma_wait3A_620] : memref<1000000x64xf32, #tpu.memory_space<hbm>> -> memref<1000000x64xf32, #tpu.memory_space<hbm>>
    %dma_wait3A_622 = tpu.memref_slice %arg7[%dma_wait3A_612] : memref<3x!tpu.dma_semaphore, #tpu.memory_space<semaphore_mem>> -> memref<1x!tpu.dma_semaphore, #tpu.memory_space<semaphore_mem>>
    %dma_wait3A_623 = tpu.memref_squeeze %dma_wait3A_622 : memref<1x!tpu.dma_semaphore, #tpu.memory_space<semaphore_mem>> -> memref<!tpu.dma_semaphore, #tpu.memory_space<semaphore_mem>>
    tpu.wait_indirect_dma semaphore(%dma_wait3A_623 : memref<!tpu.dma_semaphore, #tpu.memory_space<semaphore_mem>>) src(%dma_wait3A_621 : memref<1000000x64xf32, #tpu.memory_space<hbm>>) dst(%dma_wait3A_616 : memref<512x64xf32, #tpu.memory_space<vmem>>)
    %add3A_624 = arith.constant 5120 : i32
    %add3A_625 = arith.addi %mul3A_2, %add3A_624 : i32
    %dma_start3A_626 = arith.constant 1 : i32
    %dma_start3A_627 = arith.constant 1 : i32
    %dma_start3A_628 = arith.constant 0 : i32
    %dma_start3A_629 = arith.constant 0 : i32
    %dma_start3A_630 = tpu.memref_slice %arg6[%dma_start3A_626, %dma_start3A_628, %dma_start3A_629] : memref<3x512x64xf32, #tpu.memory_space<vmem>> -> memref<1x512x64xf32, #tpu.memory_space<vmem>>
    %dma_start3A_631 = tpu.memref_squeeze %dma_start3A_630 : memref<1x512x64xf32, #tpu.memory_space<vmem>> -> memref<512x64xf32, #tpu.memory_space<vmem>>
    %dma_start3A_632 = arith.constant 0 : i32
    %dma_start3A_633 = tpu.memref_slice %arg4[%add3A_625, %dma_start3A_632] : memref<819200x64xf32, #tpu.memory_space<hbm>> -> memref<512x64xf32, #tpu.memory_space<hbm>>
    %dma_start3A_634 = tpu.memref_slice %arg8[%dma_start3A_627] : memref<3x!tpu.dma_semaphore, #tpu.memory_space<semaphore_mem>> -> memref<1x!tpu.dma_semaphore, #tpu.memory_space<semaphore_mem>>
    %dma_start3A_635 = tpu.memref_squeeze %dma_start3A_634 : memref<1x!tpu.dma_semaphore, #tpu.memory_space<semaphore_mem>> -> memref<!tpu.dma_semaphore, #tpu.memory_space<semaphore_mem>>
    %dma_start3A_636 = arith.constant 0 : i32
    %dma_start3A_637 = tpu.memref_slice %arg4[%add3A_625, %dma_start3A_636] : memref<819200x64xf32, #tpu.memory_space<hbm>> -> memref<512x64xf32, #tpu.memory_space<hbm>>
    %dma_start3A_638 = arith.constant 0 : i32
    %dma_start3A_639 = arith.constant 0 : i32
    %dma_start3A_640 = tpu.memref_slice %arg6[%dma_start3A_626, %dma_start3A_638, %dma_start3A_639] : memref<3x512x64xf32, #tpu.memory_space<vmem>> -> memref<1x512x64xf32, #tpu.memory_space<vmem>>
    %dma_start3A_641 = tpu.memref_squeeze %dma_start3A_640 : memref<1x512x64xf32, #tpu.memory_space<vmem>> -> memref<512x64xf32, #tpu.memory_space<vmem>>
    tpu.enqueue_dma source(%dma_start3A_641 : memref<512x64xf32, #tpu.memory_space<vmem>>) target(%dma_start3A_637 : memref<512x64xf32, #tpu.memory_space<hbm>>) target_semaphore(%dma_start3A_635 : memref<!tpu.dma_semaphore, #tpu.memory_space<semaphore_mem>>)
    %dma_wait3A_642 = arith.constant 0 : i32
    %dma_wait3A_643 = arith.constant 0 : i32
    %dma_wait3A_644 = arith.constant 0 : i32
    %dma_wait3A_645 = arith.constant 0 : i32
    %dma_wait3A_646 = tpu.memref_slice %arg6[%dma_wait3A_642, %dma_wait3A_644, %dma_wait3A_645] : memref<3x512x64xf32, #tpu.memory_space<vmem>> -> memref<1x512x64xf32, #tpu.memory_space<vmem>>
    %dma_wait3A_647 = tpu.memref_squeeze %dma_wait3A_646 : memref<1x512x64xf32, #tpu.memory_space<vmem>> -> memref<512x64xf32, #tpu.memory_space<vmem>>
    %dma_wait3A_648 = arith.constant 0 : i32
    %dma_wait3A_649 = tpu.memref_slice %arg4[%add3A_565, %dma_wait3A_648] : memref<819200x64xf32, #tpu.memory_space<hbm>> -> memref<512x64xf32, #tpu.memory_space<hbm>>
    %dma_wait3A_650 = tpu.memref_slice %arg8[%dma_wait3A_643] : memref<3x!tpu.dma_semaphore, #tpu.memory_space<semaphore_mem>> -> memref<1x!tpu.dma_semaphore, #tpu.memory_space<semaphore_mem>>
    %dma_wait3A_651 = tpu.memref_squeeze %dma_wait3A_650 : memref<1x!tpu.dma_semaphore, #tpu.memory_space<semaphore_mem>> -> memref<!tpu.dma_semaphore, #tpu.memory_space<semaphore_mem>>
    %dma_wait3A_652 = arith.constant 0 : i32
    %dma_wait3A_653 = tpu.memref_slice %arg4[%add3A_565, %dma_wait3A_652] : memref<819200x64xf32, #tpu.memory_space<hbm>> -> memref<512x64xf32, #tpu.memory_space<hbm>>
    %dma_wait3A_654 = arith.constant 0 : i32
    %dma_wait3A_655 = arith.constant 0 : i32
    %dma_wait3A_656 = tpu.memref_slice %arg6[%dma_wait3A_642, %dma_wait3A_654, %dma_wait3A_655] : memref<3x512x64xf32, #tpu.memory_space<vmem>> -> memref<1x512x64xf32, #tpu.memory_space<vmem>>
    %dma_wait3A_657 = tpu.memref_squeeze %dma_wait3A_656 : memref<1x512x64xf32, #tpu.memory_space<vmem>> -> memref<512x64xf32, #tpu.memory_space<vmem>>
    tpu.wait_dma2 semaphore(%dma_wait3A_651 : memref<!tpu.dma_semaphore, #tpu.memory_space<semaphore_mem>>) src(%dma_wait3A_657 : memref<512x64xf32, #tpu.memory_space<vmem>>) dst(%dma_wait3A_653 : memref<512x64xf32, #tpu.memory_space<hbm>>)
    %dma_start3A_658 = arith.constant 0 : i32
    %dma_start3A_659 = arith.constant 0 : i32
    %dma_start3A_660 = arith.constant 0 : i32
    %dma_start3A_661 = arith.constant 0 : i32
    %dma_start3A_662 = tpu.memref_slice %arg6[%dma_start3A_658, %dma_start3A_660, %dma_start3A_661] : memref<3x512x64xf32, #tpu.memory_space<vmem>> -> memref<1x512x64xf32, #tpu.memory_space<vmem>>
    %dma_start3A_663 = tpu.memref_squeeze %dma_start3A_662 : memref<1x512x64xf32, #tpu.memory_space<vmem>> -> memref<512x64xf32, #tpu.memory_space<vmem>>
    %dma_start3A_664 = arith.constant 6144 : i32
    %dma_start3A_665 = tpu.memref_slice %arg5[%dma_start3A_664] : memref<25600xi32, #tpu.memory_space<vmem>> -> memref<512xi32, #tpu.memory_space<vmem>>
    %dma_start3A_666 = arith.constant 0 : i32
    %dma_start3A_667 = arith.constant 0 : i32
    %dma_start3A_668 = tpu.memref_slice %arg3[%dma_start3A_666, %dma_start3A_667] : memref<1000000x64xf32, #tpu.memory_space<hbm>> -> memref<1000000x64xf32, #tpu.memory_space<hbm>>
    %dma_start3A_669 = tpu.memref_slice %arg7[%dma_start3A_659] : memref<3x!tpu.dma_semaphore, #tpu.memory_space<semaphore_mem>> -> memref<1x!tpu.dma_semaphore, #tpu.memory_space<semaphore_mem>>
    %dma_start3A_670 = tpu.memref_squeeze %dma_start3A_669 : memref<1x!tpu.dma_semaphore, #tpu.memory_space<semaphore_mem>> -> memref<!tpu.dma_semaphore, #tpu.memory_space<semaphore_mem>>
    tpu.enqueue_indirect_dma source(%dma_start3A_668 : memref<1000000x64xf32, #tpu.memory_space<hbm>>) target(%dma_start3A_663 : memref<512x64xf32, #tpu.memory_space<vmem>>) offsets(%dma_start3A_665 : memref<512xi32, #tpu.memory_space<vmem>>) semaphore(%dma_start3A_670 : memref<!tpu.dma_semaphore, #tpu.memory_space<semaphore_mem>>)
    %dma_wait3A_671 = arith.constant 2 : i32
    %dma_wait3A_672 = arith.constant 2 : i32
    %dma_wait3A_673 = arith.constant 0 : i32
    %dma_wait3A_674 = arith.constant 0 : i32
    %dma_wait3A_675 = tpu.memref_slice %arg6[%dma_wait3A_671, %dma_wait3A_673, %dma_wait3A_674] : memref<3x512x64xf32, #tpu.memory_space<vmem>> -> memref<1x512x64xf32, #tpu.memory_space<vmem>>
    %dma_wait3A_676 = tpu.memref_squeeze %dma_wait3A_675 : memref<1x512x64xf32, #tpu.memory_space<vmem>> -> memref<512x64xf32, #tpu.memory_space<vmem>>
    %dma_wait3A_677 = arith.constant 5632 : i32
    %dma_wait3A_678 = tpu.memref_slice %arg5[%dma_wait3A_677] : memref<25600xi32, #tpu.memory_space<vmem>> -> memref<512xi32, #tpu.memory_space<vmem>>
    %dma_wait3A_679 = arith.constant 0 : i32
    %dma_wait3A_680 = arith.constant 0 : i32
    %dma_wait3A_681 = tpu.memref_slice %arg3[%dma_wait3A_679, %dma_wait3A_680] : memref<1000000x64xf32, #tpu.memory_space<hbm>> -> memref<1000000x64xf32, #tpu.memory_space<hbm>>
    %dma_wait3A_682 = tpu.memref_slice %arg7[%dma_wait3A_672] : memref<3x!tpu.dma_semaphore, #tpu.memory_space<semaphore_mem>> -> memref<1x!tpu.dma_semaphore, #tpu.memory_space<semaphore_mem>>
    %dma_wait3A_683 = tpu.memref_squeeze %dma_wait3A_682 : memref<1x!tpu.dma_semaphore, #tpu.memory_space<semaphore_mem>> -> memref<!tpu.dma_semaphore, #tpu.memory_space<semaphore_mem>>
    tpu.wait_indirect_dma semaphore(%dma_wait3A_683 : memref<!tpu.dma_semaphore, #tpu.memory_space<semaphore_mem>>) src(%dma_wait3A_681 : memref<1000000x64xf32, #tpu.memory_space<hbm>>) dst(%dma_wait3A_676 : memref<512x64xf32, #tpu.memory_space<vmem>>)
    %add3A_684 = arith.constant 5632 : i32
    %add3A_685 = arith.addi %mul3A_2, %add3A_684 : i32
    %dma_start3A_686 = arith.constant 2 : i32
    %dma_start3A_687 = arith.constant 2 : i32
    %dma_start3A_688 = arith.constant 0 : i32
    %dma_start3A_689 = arith.constant 0 : i32
    %dma_start3A_690 = tpu.memref_slice %arg6[%dma_start3A_686, %dma_start3A_688, %dma_start3A_689] : memref<3x512x64xf32, #tpu.memory_space<vmem>> -> memref<1x512x64xf32, #tpu.memory_space<vmem>>
    %dma_start3A_691 = tpu.memref_squeeze %dma_start3A_690 : memref<1x512x64xf32, #tpu.memory_space<vmem>> -> memref<512x64xf32, #tpu.memory_space<vmem>>
    %dma_start3A_692 = arith.constant 0 : i32
    %dma_start3A_693 = tpu.memref_slice %arg4[%add3A_685, %dma_start3A_692] : memref<819200x64xf32, #tpu.memory_space<hbm>> -> memref<512x64xf32, #tpu.memory_space<hbm>>
    %dma_start3A_694 = tpu.memref_slice %arg8[%dma_start3A_687] : memref<3x!tpu.dma_semaphore, #tpu.memory_space<semaphore_mem>> -> memref<1x!tpu.dma_semaphore, #tpu.memory_space<semaphore_mem>>
    %dma_start3A_695 = tpu.memref_squeeze %dma_start3A_694 : memref<1x!tpu.dma_semaphore, #tpu.memory_space<semaphore_mem>> -> memref<!tpu.dma_semaphore, #tpu.memory_space<semaphore_mem>>
    %dma_start3A_696 = arith.constant 0 : i32
    %dma_start3A_697 = tpu.memref_slice %arg4[%add3A_685, %dma_start3A_696] : memref<819200x64xf32, #tpu.memory_space<hbm>> -> memref<512x64xf32, #tpu.memory_space<hbm>>
    %dma_start3A_698 = arith.constant 0 : i32
    %dma_start3A_699 = arith.constant 0 : i32
    %dma_start3A_700 = tpu.memref_slice %arg6[%dma_start3A_686, %dma_start3A_698, %dma_start3A_699] : memref<3x512x64xf32, #tpu.memory_space<vmem>> -> memref<1x512x64xf32, #tpu.memory_space<vmem>>
    %dma_start3A_701 = tpu.memref_squeeze %dma_start3A_700 : memref<1x512x64xf32, #tpu.memory_space<vmem>> -> memref<512x64xf32, #tpu.memory_space<vmem>>
    tpu.enqueue_dma source(%dma_start3A_701 : memref<512x64xf32, #tpu.memory_space<vmem>>) target(%dma_start3A_697 : memref<512x64xf32, #tpu.memory_space<hbm>>) target_semaphore(%dma_start3A_695 : memref<!tpu.dma_semaphore, #tpu.memory_space<semaphore_mem>>)
    %dma_wait3A_702 = arith.constant 1 : i32
    %dma_wait3A_703 = arith.constant 1 : i32
    %dma_wait3A_704 = arith.constant 0 : i32
    %dma_wait3A_705 = arith.constant 0 : i32
    %dma_wait3A_706 = tpu.memref_slice %arg6[%dma_wait3A_702, %dma_wait3A_704, %dma_wait3A_705] : memref<3x512x64xf32, #tpu.memory_space<vmem>> -> memref<1x512x64xf32, #tpu.memory_space<vmem>>
    %dma_wait3A_707 = tpu.memref_squeeze %dma_wait3A_706 : memref<1x512x64xf32, #tpu.memory_space<vmem>> -> memref<512x64xf32, #tpu.memory_space<vmem>>
    %dma_wait3A_708 = arith.constant 0 : i32
    %dma_wait3A_709 = tpu.memref_slice %arg4[%add3A_625, %dma_wait3A_708] : memref<819200x64xf32, #tpu.memory_space<hbm>> -> memref<512x64xf32, #tpu.memory_space<hbm>>
    %dma_wait3A_710 = tpu.memref_slice %arg8[%dma_wait3A_703] : memref<3x!tpu.dma_semaphore, #tpu.memory_space<semaphore_mem>> -> memref<1x!tpu.dma_semaphore, #tpu.memory_space<semaphore_mem>>
    %dma_wait3A_711 = tpu.memref_squeeze %dma_wait3A_710 : memref<1x!tpu.dma_semaphore, #tpu.memory_space<semaphore_mem>> -> memref<!tpu.dma_semaphore, #tpu.memory_space<semaphore_mem>>
    %dma_wait3A_712 = arith.constant 0 : i32
    %dma_wait3A_713 = tpu.memref_slice %arg4[%add3A_625, %dma_wait3A_712] : memref<819200x64xf32, #tpu.memory_space<hbm>> -> memref<512x64xf32, #tpu.memory_space<hbm>>
    %dma_wait3A_714 = arith.constant 0 : i32
    %dma_wait3A_715 = arith.constant 0 : i32
    %dma_wait3A_716 = tpu.memref_slice %arg6[%dma_wait3A_702, %dma_wait3A_714, %dma_wait3A_715] : memref<3x512x64xf32, #tpu.memory_space<vmem>> -> memref<1x512x64xf32, #tpu.memory_space<vmem>>
    %dma_wait3A_717 = tpu.memref_squeeze %dma_wait3A_716 : memref<1x512x64xf32, #tpu.memory_space<vmem>> -> memref<512x64xf32, #tpu.memory_space<vmem>>
    tpu.wait_dma2 semaphore(%dma_wait3A_711 : memref<!tpu.dma_semaphore, #tpu.memory_space<semaphore_mem>>) src(%dma_wait3A_717 : memref<512x64xf32, #tpu.memory_space<vmem>>) dst(%dma_wait3A_713 : memref<512x64xf32, #tpu.memory_space<hbm>>)
    %dma_start3A_718 = arith.constant 1 : i32
    %dma_start3A_719 = arith.constant 1 : i32
    %dma_start3A_720 = arith.constant 0 : i32
    %dma_start3A_721 = arith.constant 0 : i32
    %dma_start3A_722 = tpu.memref_slice %arg6[%dma_start3A_718, %dma_start3A_720, %dma_start3A_721] : memref<3x512x64xf32, #tpu.memory_space<vmem>> -> memref<1x512x64xf32, #tpu.memory_space<vmem>>
    %dma_start3A_723 = tpu.memref_squeeze %dma_start3A_722 : memref<1x512x64xf32, #tpu.memory_space<vmem>> -> memref<512x64xf32, #tpu.memory_space<vmem>>
    %dma_start3A_724 = arith.constant 6656 : i32
    %dma_start3A_725 = tpu.memref_slice %arg5[%dma_start3A_724] : memref<25600xi32, #tpu.memory_space<vmem>> -> memref<512xi32, #tpu.memory_space<vmem>>
    %dma_start3A_726 = arith.constant 0 : i32
    %dma_start3A_727 = arith.constant 0 : i32
    %dma_start3A_728 = tpu.memref_slice %arg3[%dma_start3A_726, %dma_start3A_727] : memref<1000000x64xf32, #tpu.memory_space<hbm>> -> memref<1000000x64xf32, #tpu.memory_space<hbm>>
    %dma_start3A_729 = tpu.memref_slice %arg7[%dma_start3A_719] : memref<3x!tpu.dma_semaphore, #tpu.memory_space<semaphore_mem>> -> memref<1x!tpu.dma_semaphore, #tpu.memory_space<semaphore_mem>>
    %dma_start3A_730 = tpu.memref_squeeze %dma_start3A_729 : memref<1x!tpu.dma_semaphore, #tpu.memory_space<semaphore_mem>> -> memref<!tpu.dma_semaphore, #tpu.memory_space<semaphore_mem>>
    tpu.enqueue_indirect_dma source(%dma_start3A_728 : memref<1000000x64xf32, #tpu.memory_space<hbm>>) target(%dma_start3A_723 : memref<512x64xf32, #tpu.memory_space<vmem>>) offsets(%dma_start3A_725 : memref<512xi32, #tpu.memory_space<vmem>>) semaphore(%dma_start3A_730 : memref<!tpu.dma_semaphore, #tpu.memory_space<semaphore_mem>>)
    %dma_wait3A_731 = arith.constant 0 : i32
    %dma_wait3A_732 = arith.constant 0 : i32
    %dma_wait3A_733 = arith.constant 0 : i32
    %dma_wait3A_734 = arith.constant 0 : i32
    %dma_wait3A_735 = tpu.memref_slice %arg6[%dma_wait3A_731, %dma_wait3A_733, %dma_wait3A_734] : memref<3x512x64xf32, #tpu.memory_space<vmem>> -> memref<1x512x64xf32, #tpu.memory_space<vmem>>
    %dma_wait3A_736 = tpu.memref_squeeze %dma_wait3A_735 : memref<1x512x64xf32, #tpu.memory_space<vmem>> -> memref<512x64xf32, #tpu.memory_space<vmem>>
    %dma_wait3A_737 = arith.constant 6144 : i32
    %dma_wait3A_738 = tpu.memref_slice %arg5[%dma_wait3A_737] : memref<25600xi32, #tpu.memory_space<vmem>> -> memref<512xi32, #tpu.memory_space<vmem>>
    %dma_wait3A_739 = arith.constant 0 : i32
    %dma_wait3A_740 = arith.constant 0 : i32
    %dma_wait3A_741 = tpu.memref_slice %arg3[%dma_wait3A_739, %dma_wait3A_740] : memref<1000000x64xf32, #tpu.memory_space<hbm>> -> memref<1000000x64xf32, #tpu.memory_space<hbm>>
    %dma_wait3A_742 = tpu.memref_slice %arg7[%dma_wait3A_732] : memref<3x!tpu.dma_semaphore, #tpu.memory_space<semaphore_mem>> -> memref<1x!tpu.dma_semaphore, #tpu.memory_space<semaphore_mem>>
    %dma_wait3A_743 = tpu.memref_squeeze %dma_wait3A_742 : memref<1x!tpu.dma_semaphore, #tpu.memory_space<semaphore_mem>> -> memref<!tpu.dma_semaphore, #tpu.memory_space<semaphore_mem>>
    tpu.wait_indirect_dma semaphore(%dma_wait3A_743 : memref<!tpu.dma_semaphore, #tpu.memory_space<semaphore_mem>>) src(%dma_wait3A_741 : memref<1000000x64xf32, #tpu.memory_space<hbm>>) dst(%dma_wait3A_736 : memref<512x64xf32, #tpu.memory_space<vmem>>)
    %add3A_744 = arith.constant 6144 : i32
    %add3A_745 = arith.addi %mul3A_2, %add3A_744 : i32
    %dma_start3A_746 = arith.constant 0 : i32
    %dma_start3A_747 = arith.constant 0 : i32
    %dma_start3A_748 = arith.constant 0 : i32
    %dma_start3A_749 = arith.constant 0 : i32
    %dma_start3A_750 = tpu.memref_slice %arg6[%dma_start3A_746, %dma_start3A_748, %dma_start3A_749] : memref<3x512x64xf32, #tpu.memory_space<vmem>> -> memref<1x512x64xf32, #tpu.memory_space<vmem>>
    %dma_start3A_751 = tpu.memref_squeeze %dma_start3A_750 : memref<1x512x64xf32, #tpu.memory_space<vmem>> -> memref<512x64xf32, #tpu.memory_space<vmem>>
    %dma_start3A_752 = arith.constant 0 : i32
    %dma_start3A_753 = tpu.memref_slice %arg4[%add3A_745, %dma_start3A_752] : memref<819200x64xf32, #tpu.memory_space<hbm>> -> memref<512x64xf32, #tpu.memory_space<hbm>>
    %dma_start3A_754 = tpu.memref_slice %arg8[%dma_start3A_747] : memref<3x!tpu.dma_semaphore, #tpu.memory_space<semaphore_mem>> -> memref<1x!tpu.dma_semaphore, #tpu.memory_space<semaphore_mem>>
    %dma_start3A_755 = tpu.memref_squeeze %dma_start3A_754 : memref<1x!tpu.dma_semaphore, #tpu.memory_space<semaphore_mem>> -> memref<!tpu.dma_semaphore, #tpu.memory_space<semaphore_mem>>
    %dma_start3A_756 = arith.constant 0 : i32
    %dma_start3A_757 = tpu.memref_slice %arg4[%add3A_745, %dma_start3A_756] : memref<819200x64xf32, #tpu.memory_space<hbm>> -> memref<512x64xf32, #tpu.memory_space<hbm>>
    %dma_start3A_758 = arith.constant 0 : i32
    %dma_start3A_759 = arith.constant 0 : i32
    %dma_start3A_760 = tpu.memref_slice %arg6[%dma_start3A_746, %dma_start3A_758, %dma_start3A_759] : memref<3x512x64xf32, #tpu.memory_space<vmem>> -> memref<1x512x64xf32, #tpu.memory_space<vmem>>
    %dma_start3A_761 = tpu.memref_squeeze %dma_start3A_760 : memref<1x512x64xf32, #tpu.memory_space<vmem>> -> memref<512x64xf32, #tpu.memory_space<vmem>>
    tpu.enqueue_dma source(%dma_start3A_761 : memref<512x64xf32, #tpu.memory_space<vmem>>) target(%dma_start3A_757 : memref<512x64xf32, #tpu.memory_space<hbm>>) target_semaphore(%dma_start3A_755 : memref<!tpu.dma_semaphore, #tpu.memory_space<semaphore_mem>>)
    %dma_wait3A_762 = arith.constant 2 : i32
    %dma_wait3A_763 = arith.constant 2 : i32
    %dma_wait3A_764 = arith.constant 0 : i32
    %dma_wait3A_765 = arith.constant 0 : i32
    %dma_wait3A_766 = tpu.memref_slice %arg6[%dma_wait3A_762, %dma_wait3A_764, %dma_wait3A_765] : memref<3x512x64xf32, #tpu.memory_space<vmem>> -> memref<1x512x64xf32, #tpu.memory_space<vmem>>
    %dma_wait3A_767 = tpu.memref_squeeze %dma_wait3A_766 : memref<1x512x64xf32, #tpu.memory_space<vmem>> -> memref<512x64xf32, #tpu.memory_space<vmem>>
    %dma_wait3A_768 = arith.constant 0 : i32
    %dma_wait3A_769 = tpu.memref_slice %arg4[%add3A_685, %dma_wait3A_768] : memref<819200x64xf32, #tpu.memory_space<hbm>> -> memref<512x64xf32, #tpu.memory_space<hbm>>
    %dma_wait3A_770 = tpu.memref_slice %arg8[%dma_wait3A_763] : memref<3x!tpu.dma_semaphore, #tpu.memory_space<semaphore_mem>> -> memref<1x!tpu.dma_semaphore, #tpu.memory_space<semaphore_mem>>
    %dma_wait3A_771 = tpu.memref_squeeze %dma_wait3A_770 : memref<1x!tpu.dma_semaphore, #tpu.memory_space<semaphore_mem>> -> memref<!tpu.dma_semaphore, #tpu.memory_space<semaphore_mem>>
    %dma_wait3A_772 = arith.constant 0 : i32
    %dma_wait3A_773 = tpu.memref_slice %arg4[%add3A_685, %dma_wait3A_772] : memref<819200x64xf32, #tpu.memory_space<hbm>> -> memref<512x64xf32, #tpu.memory_space<hbm>>
    %dma_wait3A_774 = arith.constant 0 : i32
    %dma_wait3A_775 = arith.constant 0 : i32
    %dma_wait3A_776 = tpu.memref_slice %arg6[%dma_wait3A_762, %dma_wait3A_774, %dma_wait3A_775] : memref<3x512x64xf32, #tpu.memory_space<vmem>> -> memref<1x512x64xf32, #tpu.memory_space<vmem>>
    %dma_wait3A_777 = tpu.memref_squeeze %dma_wait3A_776 : memref<1x512x64xf32, #tpu.memory_space<vmem>> -> memref<512x64xf32, #tpu.memory_space<vmem>>
    tpu.wait_dma2 semaphore(%dma_wait3A_771 : memref<!tpu.dma_semaphore, #tpu.memory_space<semaphore_mem>>) src(%dma_wait3A_777 : memref<512x64xf32, #tpu.memory_space<vmem>>) dst(%dma_wait3A_773 : memref<512x64xf32, #tpu.memory_space<hbm>>)
    %dma_start3A_778 = arith.constant 2 : i32
    %dma_start3A_779 = arith.constant 2 : i32
    %dma_start3A_780 = arith.constant 0 : i32
    %dma_start3A_781 = arith.constant 0 : i32
    %dma_start3A_782 = tpu.memref_slice %arg6[%dma_start3A_778, %dma_start3A_780, %dma_start3A_781] : memref<3x512x64xf32, #tpu.memory_space<vmem>> -> memref<1x512x64xf32, #tpu.memory_space<vmem>>
    %dma_start3A_783 = tpu.memref_squeeze %dma_start3A_782 : memref<1x512x64xf32, #tpu.memory_space<vmem>> -> memref<512x64xf32, #tpu.memory_space<vmem>>
    %dma_start3A_784 = arith.constant 7168 : i32
    %dma_start3A_785 = tpu.memref_slice %arg5[%dma_start3A_784] : memref<25600xi32, #tpu.memory_space<vmem>> -> memref<512xi32, #tpu.memory_space<vmem>>
    %dma_start3A_786 = arith.constant 0 : i32
    %dma_start3A_787 = arith.constant 0 : i32
    %dma_start3A_788 = tpu.memref_slice %arg3[%dma_start3A_786, %dma_start3A_787] : memref<1000000x64xf32, #tpu.memory_space<hbm>> -> memref<1000000x64xf32, #tpu.memory_space<hbm>>
    %dma_start3A_789 = tpu.memref_slice %arg7[%dma_start3A_779] : memref<3x!tpu.dma_semaphore, #tpu.memory_space<semaphore_mem>> -> memref<1x!tpu.dma_semaphore, #tpu.memory_space<semaphore_mem>>
    %dma_start3A_790 = tpu.memref_squeeze %dma_start3A_789 : memref<1x!tpu.dma_semaphore, #tpu.memory_space<semaphore_mem>> -> memref<!tpu.dma_semaphore, #tpu.memory_space<semaphore_mem>>
    tpu.enqueue_indirect_dma source(%dma_start3A_788 : memref<1000000x64xf32, #tpu.memory_space<hbm>>) target(%dma_start3A_783 : memref<512x64xf32, #tpu.memory_space<vmem>>) offsets(%dma_start3A_785 : memref<512xi32, #tpu.memory_space<vmem>>) semaphore(%dma_start3A_790 : memref<!tpu.dma_semaphore, #tpu.memory_space<semaphore_mem>>)
    %dma_wait3A_791 = arith.constant 1 : i32
    %dma_wait3A_792 = arith.constant 1 : i32
    %dma_wait3A_793 = arith.constant 0 : i32
    %dma_wait3A_794 = arith.constant 0 : i32
    %dma_wait3A_795 = tpu.memref_slice %arg6[%dma_wait3A_791, %dma_wait3A_793, %dma_wait3A_794] : memref<3x512x64xf32, #tpu.memory_space<vmem>> -> memref<1x512x64xf32, #tpu.memory_space<vmem>>
    %dma_wait3A_796 = tpu.memref_squeeze %dma_wait3A_795 : memref<1x512x64xf32, #tpu.memory_space<vmem>> -> memref<512x64xf32, #tpu.memory_space<vmem>>
    %dma_wait3A_797 = arith.constant 6656 : i32
    %dma_wait3A_798 = tpu.memref_slice %arg5[%dma_wait3A_797] : memref<25600xi32, #tpu.memory_space<vmem>> -> memref<512xi32, #tpu.memory_space<vmem>>
    %dma_wait3A_799 = arith.constant 0 : i32
    %dma_wait3A_800 = arith.constant 0 : i32
    %dma_wait3A_801 = tpu.memref_slice %arg3[%dma_wait3A_799, %dma_wait3A_800] : memref<1000000x64xf32, #tpu.memory_space<hbm>> -> memref<1000000x64xf32, #tpu.memory_space<hbm>>
    %dma_wait3A_802 = tpu.memref_slice %arg7[%dma_wait3A_792] : memref<3x!tpu.dma_semaphore, #tpu.memory_space<semaphore_mem>> -> memref<1x!tpu.dma_semaphore, #tpu.memory_space<semaphore_mem>>
    %dma_wait3A_803 = tpu.memref_squeeze %dma_wait3A_802 : memref<1x!tpu.dma_semaphore, #tpu.memory_space<semaphore_mem>> -> memref<!tpu.dma_semaphore, #tpu.memory_space<semaphore_mem>>
    tpu.wait_indirect_dma semaphore(%dma_wait3A_803 : memref<!tpu.dma_semaphore, #tpu.memory_space<semaphore_mem>>) src(%dma_wait3A_801 : memref<1000000x64xf32, #tpu.memory_space<hbm>>) dst(%dma_wait3A_796 : memref<512x64xf32, #tpu.memory_space<vmem>>)
    %add3A_804 = arith.constant 6656 : i32
    %add3A_805 = arith.addi %mul3A_2, %add3A_804 : i32
    %dma_start3A_806 = arith.constant 1 : i32
    %dma_start3A_807 = arith.constant 1 : i32
    %dma_start3A_808 = arith.constant 0 : i32
    %dma_start3A_809 = arith.constant 0 : i32
    %dma_start3A_810 = tpu.memref_slice %arg6[%dma_start3A_806, %dma_start3A_808, %dma_start3A_809] : memref<3x512x64xf32, #tpu.memory_space<vmem>> -> memref<1x512x64xf32, #tpu.memory_space<vmem>>
    %dma_start3A_811 = tpu.memref_squeeze %dma_start3A_810 : memref<1x512x64xf32, #tpu.memory_space<vmem>> -> memref<512x64xf32, #tpu.memory_space<vmem>>
    %dma_start3A_812 = arith.constant 0 : i32
    %dma_start3A_813 = tpu.memref_slice %arg4[%add3A_805, %dma_start3A_812] : memref<819200x64xf32, #tpu.memory_space<hbm>> -> memref<512x64xf32, #tpu.memory_space<hbm>>
    %dma_start3A_814 = tpu.memref_slice %arg8[%dma_start3A_807] : memref<3x!tpu.dma_semaphore, #tpu.memory_space<semaphore_mem>> -> memref<1x!tpu.dma_semaphore, #tpu.memory_space<semaphore_mem>>
    %dma_start3A_815 = tpu.memref_squeeze %dma_start3A_814 : memref<1x!tpu.dma_semaphore, #tpu.memory_space<semaphore_mem>> -> memref<!tpu.dma_semaphore, #tpu.memory_space<semaphore_mem>>
    %dma_start3A_816 = arith.constant 0 : i32
    %dma_start3A_817 = tpu.memref_slice %arg4[%add3A_805, %dma_start3A_816] : memref<819200x64xf32, #tpu.memory_space<hbm>> -> memref<512x64xf32, #tpu.memory_space<hbm>>
    %dma_start3A_818 = arith.constant 0 : i32
    %dma_start3A_819 = arith.constant 0 : i32
    %dma_start3A_820 = tpu.memref_slice %arg6[%dma_start3A_806, %dma_start3A_818, %dma_start3A_819] : memref<3x512x64xf32, #tpu.memory_space<vmem>> -> memref<1x512x64xf32, #tpu.memory_space<vmem>>
    %dma_start3A_821 = tpu.memref_squeeze %dma_start3A_820 : memref<1x512x64xf32, #tpu.memory_space<vmem>> -> memref<512x64xf32, #tpu.memory_space<vmem>>
    tpu.enqueue_dma source(%dma_start3A_821 : memref<512x64xf32, #tpu.memory_space<vmem>>) target(%dma_start3A_817 : memref<512x64xf32, #tpu.memory_space<hbm>>) target_semaphore(%dma_start3A_815 : memref<!tpu.dma_semaphore, #tpu.memory_space<semaphore_mem>>)
    %dma_wait3A_822 = arith.constant 0 : i32
    %dma_wait3A_823 = arith.constant 0 : i32
    %dma_wait3A_824 = arith.constant 0 : i32
    %dma_wait3A_825 = arith.constant 0 : i32
    %dma_wait3A_826 = tpu.memref_slice %arg6[%dma_wait3A_822, %dma_wait3A_824, %dma_wait3A_825] : memref<3x512x64xf32, #tpu.memory_space<vmem>> -> memref<1x512x64xf32, #tpu.memory_space<vmem>>
    %dma_wait3A_827 = tpu.memref_squeeze %dma_wait3A_826 : memref<1x512x64xf32, #tpu.memory_space<vmem>> -> memref<512x64xf32, #tpu.memory_space<vmem>>
    %dma_wait3A_828 = arith.constant 0 : i32
    %dma_wait3A_829 = tpu.memref_slice %arg4[%add3A_745, %dma_wait3A_828] : memref<819200x64xf32, #tpu.memory_space<hbm>> -> memref<512x64xf32, #tpu.memory_space<hbm>>
    %dma_wait3A_830 = tpu.memref_slice %arg8[%dma_wait3A_823] : memref<3x!tpu.dma_semaphore, #tpu.memory_space<semaphore_mem>> -> memref<1x!tpu.dma_semaphore, #tpu.memory_space<semaphore_mem>>
    %dma_wait3A_831 = tpu.memref_squeeze %dma_wait3A_830 : memref<1x!tpu.dma_semaphore, #tpu.memory_space<semaphore_mem>> -> memref<!tpu.dma_semaphore, #tpu.memory_space<semaphore_mem>>
    %dma_wait3A_832 = arith.constant 0 : i32
    %dma_wait3A_833 = tpu.memref_slice %arg4[%add3A_745, %dma_wait3A_832] : memref<819200x64xf32, #tpu.memory_space<hbm>> -> memref<512x64xf32, #tpu.memory_space<hbm>>
    %dma_wait3A_834 = arith.constant 0 : i32
    %dma_wait3A_835 = arith.constant 0 : i32
    %dma_wait3A_836 = tpu.memref_slice %arg6[%dma_wait3A_822, %dma_wait3A_834, %dma_wait3A_835] : memref<3x512x64xf32, #tpu.memory_space<vmem>> -> memref<1x512x64xf32, #tpu.memory_space<vmem>>
    %dma_wait3A_837 = tpu.memref_squeeze %dma_wait3A_836 : memref<1x512x64xf32, #tpu.memory_space<vmem>> -> memref<512x64xf32, #tpu.memory_space<vmem>>
    tpu.wait_dma2 semaphore(%dma_wait3A_831 : memref<!tpu.dma_semaphore, #tpu.memory_space<semaphore_mem>>) src(%dma_wait3A_837 : memref<512x64xf32, #tpu.memory_space<vmem>>) dst(%dma_wait3A_833 : memref<512x64xf32, #tpu.memory_space<hbm>>)
    %dma_start3A_838 = arith.constant 0 : i32
    %dma_start3A_839 = arith.constant 0 : i32
    %dma_start3A_840 = arith.constant 0 : i32
    %dma_start3A_841 = arith.constant 0 : i32
    %dma_start3A_842 = tpu.memref_slice %arg6[%dma_start3A_838, %dma_start3A_840, %dma_start3A_841] : memref<3x512x64xf32, #tpu.memory_space<vmem>> -> memref<1x512x64xf32, #tpu.memory_space<vmem>>
    %dma_start3A_843 = tpu.memref_squeeze %dma_start3A_842 : memref<1x512x64xf32, #tpu.memory_space<vmem>> -> memref<512x64xf32, #tpu.memory_space<vmem>>
    %dma_start3A_844 = arith.constant 7680 : i32
    %dma_start3A_845 = tpu.memref_slice %arg5[%dma_start3A_844] : memref<25600xi32, #tpu.memory_space<vmem>> -> memref<512xi32, #tpu.memory_space<vmem>>
    %dma_start3A_846 = arith.constant 0 : i32
    %dma_start3A_847 = arith.constant 0 : i32
    %dma_start3A_848 = tpu.memref_slice %arg3[%dma_start3A_846, %dma_start3A_847] : memref<1000000x64xf32, #tpu.memory_space<hbm>> -> memref<1000000x64xf32, #tpu.memory_space<hbm>>
    %dma_start3A_849 = tpu.memref_slice %arg7[%dma_start3A_839] : memref<3x!tpu.dma_semaphore, #tpu.memory_space<semaphore_mem>> -> memref<1x!tpu.dma_semaphore, #tpu.memory_space<semaphore_mem>>
    %dma_start3A_850 = tpu.memref_squeeze %dma_start3A_849 : memref<1x!tpu.dma_semaphore, #tpu.memory_space<semaphore_mem>> -> memref<!tpu.dma_semaphore, #tpu.memory_space<semaphore_mem>>
    tpu.enqueue_indirect_dma source(%dma_start3A_848 : memref<1000000x64xf32, #tpu.memory_space<hbm>>) target(%dma_start3A_843 : memref<512x64xf32, #tpu.memory_space<vmem>>) offsets(%dma_start3A_845 : memref<512xi32, #tpu.memory_space<vmem>>) semaphore(%dma_start3A_850 : memref<!tpu.dma_semaphore, #tpu.memory_space<semaphore_mem>>)
    %dma_wait3A_851 = arith.constant 2 : i32
    %dma_wait3A_852 = arith.constant 2 : i32
    %dma_wait3A_853 = arith.constant 0 : i32
    %dma_wait3A_854 = arith.constant 0 : i32
    %dma_wait3A_855 = tpu.memref_slice %arg6[%dma_wait3A_851, %dma_wait3A_853, %dma_wait3A_854] : memref<3x512x64xf32, #tpu.memory_space<vmem>> -> memref<1x512x64xf32, #tpu.memory_space<vmem>>
    %dma_wait3A_856 = tpu.memref_squeeze %dma_wait3A_855 : memref<1x512x64xf32, #tpu.memory_space<vmem>> -> memref<512x64xf32, #tpu.memory_space<vmem>>
    %dma_wait3A_857 = arith.constant 7168 : i32
    %dma_wait3A_858 = tpu.memref_slice %arg5[%dma_wait3A_857] : memref<25600xi32, #tpu.memory_space<vmem>> -> memref<512xi32, #tpu.memory_space<vmem>>
    %dma_wait3A_859 = arith.constant 0 : i32
    %dma_wait3A_860 = arith.constant 0 : i32
    %dma_wait3A_861 = tpu.memref_slice %arg3[%dma_wait3A_859, %dma_wait3A_860] : memref<1000000x64xf32, #tpu.memory_space<hbm>> -> memref<1000000x64xf32, #tpu.memory_space<hbm>>
    %dma_wait3A_862 = tpu.memref_slice %arg7[%dma_wait3A_852] : memref<3x!tpu.dma_semaphore, #tpu.memory_space<semaphore_mem>> -> memref<1x!tpu.dma_semaphore, #tpu.memory_space<semaphore_mem>>
    %dma_wait3A_863 = tpu.memref_squeeze %dma_wait3A_862 : memref<1x!tpu.dma_semaphore, #tpu.memory_space<semaphore_mem>> -> memref<!tpu.dma_semaphore, #tpu.memory_space<semaphore_mem>>
    tpu.wait_indirect_dma semaphore(%dma_wait3A_863 : memref<!tpu.dma_semaphore, #tpu.memory_space<semaphore_mem>>) src(%dma_wait3A_861 : memref<1000000x64xf32, #tpu.memory_space<hbm>>) dst(%dma_wait3A_856 : memref<512x64xf32, #tpu.memory_space<vmem>>)
    %add3A_864 = arith.constant 7168 : i32
    %add3A_865 = arith.addi %mul3A_2, %add3A_864 : i32
    %dma_start3A_866 = arith.constant 2 : i32
    %dma_start3A_867 = arith.constant 2 : i32
    %dma_start3A_868 = arith.constant 0 : i32
    %dma_start3A_869 = arith.constant 0 : i32
    %dma_start3A_870 = tpu.memref_slice %arg6[%dma_start3A_866, %dma_start3A_868, %dma_start3A_869] : memref<3x512x64xf32, #tpu.memory_space<vmem>> -> memref<1x512x64xf32, #tpu.memory_space<vmem>>
    %dma_start3A_871 = tpu.memref_squeeze %dma_start3A_870 : memref<1x512x64xf32, #tpu.memory_space<vmem>> -> memref<512x64xf32, #tpu.memory_space<vmem>>
    %dma_start3A_872 = arith.constant 0 : i32
    %dma_start3A_873 = tpu.memref_slice %arg4[%add3A_865, %dma_start3A_872] : memref<819200x64xf32, #tpu.memory_space<hbm>> -> memref<512x64xf32, #tpu.memory_space<hbm>>
    %dma_start3A_874 = tpu.memref_slice %arg8[%dma_start3A_867] : memref<3x!tpu.dma_semaphore, #tpu.memory_space<semaphore_mem>> -> memref<1x!tpu.dma_semaphore, #tpu.memory_space<semaphore_mem>>
    %dma_start3A_875 = tpu.memref_squeeze %dma_start3A_874 : memref<1x!tpu.dma_semaphore, #tpu.memory_space<semaphore_mem>> -> memref<!tpu.dma_semaphore, #tpu.memory_space<semaphore_mem>>
    %dma_start3A_876 = arith.constant 0 : i32
    %dma_start3A_877 = tpu.memref_slice %arg4[%add3A_865, %dma_start3A_876] : memref<819200x64xf32, #tpu.memory_space<hbm>> -> memref<512x64xf32, #tpu.memory_space<hbm>>
    %dma_start3A_878 = arith.constant 0 : i32
    %dma_start3A_879 = arith.constant 0 : i32
    %dma_start3A_880 = tpu.memref_slice %arg6[%dma_start3A_866, %dma_start3A_878, %dma_start3A_879] : memref<3x512x64xf32, #tpu.memory_space<vmem>> -> memref<1x512x64xf32, #tpu.memory_space<vmem>>
    %dma_start3A_881 = tpu.memref_squeeze %dma_start3A_880 : memref<1x512x64xf32, #tpu.memory_space<vmem>> -> memref<512x64xf32, #tpu.memory_space<vmem>>
    tpu.enqueue_dma source(%dma_start3A_881 : memref<512x64xf32, #tpu.memory_space<vmem>>) target(%dma_start3A_877 : memref<512x64xf32, #tpu.memory_space<hbm>>) target_semaphore(%dma_start3A_875 : memref<!tpu.dma_semaphore, #tpu.memory_space<semaphore_mem>>)
    %dma_wait3A_882 = arith.constant 1 : i32
    %dma_wait3A_883 = arith.constant 1 : i32
    %dma_wait3A_884 = arith.constant 0 : i32
    %dma_wait3A_885 = arith.constant 0 : i32
    %dma_wait3A_886 = tpu.memref_slice %arg6[%dma_wait3A_882, %dma_wait3A_884, %dma_wait3A_885] : memref<3x512x64xf32, #tpu.memory_space<vmem>> -> memref<1x512x64xf32, #tpu.memory_space<vmem>>
    %dma_wait3A_887 = tpu.memref_squeeze %dma_wait3A_886 : memref<1x512x64xf32, #tpu.memory_space<vmem>> -> memref<512x64xf32, #tpu.memory_space<vmem>>
    %dma_wait3A_888 = arith.constant 0 : i32
    %dma_wait3A_889 = tpu.memref_slice %arg4[%add3A_805, %dma_wait3A_888] : memref<819200x64xf32, #tpu.memory_space<hbm>> -> memref<512x64xf32, #tpu.memory_space<hbm>>
    %dma_wait3A_890 = tpu.memref_slice %arg8[%dma_wait3A_883] : memref<3x!tpu.dma_semaphore, #tpu.memory_space<semaphore_mem>> -> memref<1x!tpu.dma_semaphore, #tpu.memory_space<semaphore_mem>>
    %dma_wait3A_891 = tpu.memref_squeeze %dma_wait3A_890 : memref<1x!tpu.dma_semaphore, #tpu.memory_space<semaphore_mem>> -> memref<!tpu.dma_semaphore, #tpu.memory_space<semaphore_mem>>
    %dma_wait3A_892 = arith.constant 0 : i32
    %dma_wait3A_893 = tpu.memref_slice %arg4[%add3A_805, %dma_wait3A_892] : memref<819200x64xf32, #tpu.memory_space<hbm>> -> memref<512x64xf32, #tpu.memory_space<hbm>>
    %dma_wait3A_894 = arith.constant 0 : i32
    %dma_wait3A_895 = arith.constant 0 : i32
    %dma_wait3A_896 = tpu.memref_slice %arg6[%dma_wait3A_882, %dma_wait3A_894, %dma_wait3A_895] : memref<3x512x64xf32, #tpu.memory_space<vmem>> -> memref<1x512x64xf32, #tpu.memory_space<vmem>>
    %dma_wait3A_897 = tpu.memref_squeeze %dma_wait3A_896 : memref<1x512x64xf32, #tpu.memory_space<vmem>> -> memref<512x64xf32, #tpu.memory_space<vmem>>
    tpu.wait_dma2 semaphore(%dma_wait3A_891 : memref<!tpu.dma_semaphore, #tpu.memory_space<semaphore_mem>>) src(%dma_wait3A_897 : memref<512x64xf32, #tpu.memory_space<vmem>>) dst(%dma_wait3A_893 : memref<512x64xf32, #tpu.memory_space<hbm>>)
    %dma_start3A_898 = arith.constant 1 : i32
    %dma_start3A_899 = arith.constant 1 : i32
    %dma_start3A_900 = arith.constant 0 : i32
    %dma_start3A_901 = arith.constant 0 : i32
    %dma_start3A_902 = tpu.memref_slice %arg6[%dma_start3A_898, %dma_start3A_900, %dma_start3A_901] : memref<3x512x64xf32, #tpu.memory_space<vmem>> -> memref<1x512x64xf32, #tpu.memory_space<vmem>>
    %dma_start3A_903 = tpu.memref_squeeze %dma_start3A_902 : memref<1x512x64xf32, #tpu.memory_space<vmem>> -> memref<512x64xf32, #tpu.memory_space<vmem>>
    %dma_start3A_904 = arith.constant 8192 : i32
    %dma_start3A_905 = tpu.memref_slice %arg5[%dma_start3A_904] : memref<25600xi32, #tpu.memory_space<vmem>> -> memref<512xi32, #tpu.memory_space<vmem>>
    %dma_start3A_906 = arith.constant 0 : i32
    %dma_start3A_907 = arith.constant 0 : i32
    %dma_start3A_908 = tpu.memref_slice %arg3[%dma_start3A_906, %dma_start3A_907] : memref<1000000x64xf32, #tpu.memory_space<hbm>> -> memref<1000000x64xf32, #tpu.memory_space<hbm>>
    %dma_start3A_909 = tpu.memref_slice %arg7[%dma_start3A_899] : memref<3x!tpu.dma_semaphore, #tpu.memory_space<semaphore_mem>> -> memref<1x!tpu.dma_semaphore, #tpu.memory_space<semaphore_mem>>
    %dma_start3A_910 = tpu.memref_squeeze %dma_start3A_909 : memref<1x!tpu.dma_semaphore, #tpu.memory_space<semaphore_mem>> -> memref<!tpu.dma_semaphore, #tpu.memory_space<semaphore_mem>>
    tpu.enqueue_indirect_dma source(%dma_start3A_908 : memref<1000000x64xf32, #tpu.memory_space<hbm>>) target(%dma_start3A_903 : memref<512x64xf32, #tpu.memory_space<vmem>>) offsets(%dma_start3A_905 : memref<512xi32, #tpu.memory_space<vmem>>) semaphore(%dma_start3A_910 : memref<!tpu.dma_semaphore, #tpu.memory_space<semaphore_mem>>)
    %dma_wait3A_911 = arith.constant 0 : i32
    %dma_wait3A_912 = arith.constant 0 : i32
    %dma_wait3A_913 = arith.constant 0 : i32
    %dma_wait3A_914 = arith.constant 0 : i32
    %dma_wait3A_915 = tpu.memref_slice %arg6[%dma_wait3A_911, %dma_wait3A_913, %dma_wait3A_914] : memref<3x512x64xf32, #tpu.memory_space<vmem>> -> memref<1x512x64xf32, #tpu.memory_space<vmem>>
    %dma_wait3A_916 = tpu.memref_squeeze %dma_wait3A_915 : memref<1x512x64xf32, #tpu.memory_space<vmem>> -> memref<512x64xf32, #tpu.memory_space<vmem>>
    %dma_wait3A_917 = arith.constant 7680 : i32
    %dma_wait3A_918 = tpu.memref_slice %arg5[%dma_wait3A_917] : memref<25600xi32, #tpu.memory_space<vmem>> -> memref<512xi32, #tpu.memory_space<vmem>>
    %dma_wait3A_919 = arith.constant 0 : i32
    %dma_wait3A_920 = arith.constant 0 : i32
    %dma_wait3A_921 = tpu.memref_slice %arg3[%dma_wait3A_919, %dma_wait3A_920] : memref<1000000x64xf32, #tpu.memory_space<hbm>> -> memref<1000000x64xf32, #tpu.memory_space<hbm>>
    %dma_wait3A_922 = tpu.memref_slice %arg7[%dma_wait3A_912] : memref<3x!tpu.dma_semaphore, #tpu.memory_space<semaphore_mem>> -> memref<1x!tpu.dma_semaphore, #tpu.memory_space<semaphore_mem>>
    %dma_wait3A_923 = tpu.memref_squeeze %dma_wait3A_922 : memref<1x!tpu.dma_semaphore, #tpu.memory_space<semaphore_mem>> -> memref<!tpu.dma_semaphore, #tpu.memory_space<semaphore_mem>>
    tpu.wait_indirect_dma semaphore(%dma_wait3A_923 : memref<!tpu.dma_semaphore, #tpu.memory_space<semaphore_mem>>) src(%dma_wait3A_921 : memref<1000000x64xf32, #tpu.memory_space<hbm>>) dst(%dma_wait3A_916 : memref<512x64xf32, #tpu.memory_space<vmem>>)
    %add3A_924 = arith.constant 7680 : i32
    %add3A_925 = arith.addi %mul3A_2, %add3A_924 : i32
    %dma_start3A_926 = arith.constant 0 : i32
    %dma_start3A_927 = arith.constant 0 : i32
    %dma_start3A_928 = arith.constant 0 : i32
    %dma_start3A_929 = arith.constant 0 : i32
    %dma_start3A_930 = tpu.memref_slice %arg6[%dma_start3A_926, %dma_start3A_928, %dma_start3A_929] : memref<3x512x64xf32, #tpu.memory_space<vmem>> -> memref<1x512x64xf32, #tpu.memory_space<vmem>>
    %dma_start3A_931 = tpu.memref_squeeze %dma_start3A_930 : memref<1x512x64xf32, #tpu.memory_space<vmem>> -> memref<512x64xf32, #tpu.memory_space<vmem>>
    %dma_start3A_932 = arith.constant 0 : i32
    %dma_start3A_933 = tpu.memref_slice %arg4[%add3A_925, %dma_start3A_932] : memref<819200x64xf32, #tpu.memory_space<hbm>> -> memref<512x64xf32, #tpu.memory_space<hbm>>
    %dma_start3A_934 = tpu.memref_slice %arg8[%dma_start3A_927] : memref<3x!tpu.dma_semaphore, #tpu.memory_space<semaphore_mem>> -> memref<1x!tpu.dma_semaphore, #tpu.memory_space<semaphore_mem>>
    %dma_start3A_935 = tpu.memref_squeeze %dma_start3A_934 : memref<1x!tpu.dma_semaphore, #tpu.memory_space<semaphore_mem>> -> memref<!tpu.dma_semaphore, #tpu.memory_space<semaphore_mem>>
    %dma_start3A_936 = arith.constant 0 : i32
    %dma_start3A_937 = tpu.memref_slice %arg4[%add3A_925, %dma_start3A_936] : memref<819200x64xf32, #tpu.memory_space<hbm>> -> memref<512x64xf32, #tpu.memory_space<hbm>>
    %dma_start3A_938 = arith.constant 0 : i32
    %dma_start3A_939 = arith.constant 0 : i32
    %dma_start3A_940 = tpu.memref_slice %arg6[%dma_start3A_926, %dma_start3A_938, %dma_start3A_939] : memref<3x512x64xf32, #tpu.memory_space<vmem>> -> memref<1x512x64xf32, #tpu.memory_space<vmem>>
    %dma_start3A_941 = tpu.memref_squeeze %dma_start3A_940 : memref<1x512x64xf32, #tpu.memory_space<vmem>> -> memref<512x64xf32, #tpu.memory_space<vmem>>
    tpu.enqueue_dma source(%dma_start3A_941 : memref<512x64xf32, #tpu.memory_space<vmem>>) target(%dma_start3A_937 : memref<512x64xf32, #tpu.memory_space<hbm>>) target_semaphore(%dma_start3A_935 : memref<!tpu.dma_semaphore, #tpu.memory_space<semaphore_mem>>)
    %dma_wait3A_942 = arith.constant 2 : i32
    %dma_wait3A_943 = arith.constant 2 : i32
    %dma_wait3A_944 = arith.constant 0 : i32
    %dma_wait3A_945 = arith.constant 0 : i32
    %dma_wait3A_946 = tpu.memref_slice %arg6[%dma_wait3A_942, %dma_wait3A_944, %dma_wait3A_945] : memref<3x512x64xf32, #tpu.memory_space<vmem>> -> memref<1x512x64xf32, #tpu.memory_space<vmem>>
    %dma_wait3A_947 = tpu.memref_squeeze %dma_wait3A_946 : memref<1x512x64xf32, #tpu.memory_space<vmem>> -> memref<512x64xf32, #tpu.memory_space<vmem>>
    %dma_wait3A_948 = arith.constant 0 : i32
    %dma_wait3A_949 = tpu.memref_slice %arg4[%add3A_865, %dma_wait3A_948] : memref<819200x64xf32, #tpu.memory_space<hbm>> -> memref<512x64xf32, #tpu.memory_space<hbm>>
    %dma_wait3A_950 = tpu.memref_slice %arg8[%dma_wait3A_943] : memref<3x!tpu.dma_semaphore, #tpu.memory_space<semaphore_mem>> -> memref<1x!tpu.dma_semaphore, #tpu.memory_space<semaphore_mem>>
    %dma_wait3A_951 = tpu.memref_squeeze %dma_wait3A_950 : memref<1x!tpu.dma_semaphore, #tpu.memory_space<semaphore_mem>> -> memref<!tpu.dma_semaphore, #tpu.memory_space<semaphore_mem>>
    %dma_wait3A_952 = arith.constant 0 : i32
    %dma_wait3A_953 = tpu.memref_slice %arg4[%add3A_865, %dma_wait3A_952] : memref<819200x64xf32, #tpu.memory_space<hbm>> -> memref<512x64xf32, #tpu.memory_space<hbm>>
    %dma_wait3A_954 = arith.constant 0 : i32
    %dma_wait3A_955 = arith.constant 0 : i32
    %dma_wait3A_956 = tpu.memref_slice %arg6[%dma_wait3A_942, %dma_wait3A_954, %dma_wait3A_955] : memref<3x512x64xf32, #tpu.memory_space<vmem>> -> memref<1x512x64xf32, #tpu.memory_space<vmem>>
    %dma_wait3A_957 = tpu.memref_squeeze %dma_wait3A_956 : memref<1x512x64xf32, #tpu.memory_space<vmem>> -> memref<512x64xf32, #tpu.memory_space<vmem>>
    tpu.wait_dma2 semaphore(%dma_wait3A_951 : memref<!tpu.dma_semaphore, #tpu.memory_space<semaphore_mem>>) src(%dma_wait3A_957 : memref<512x64xf32, #tpu.memory_space<vmem>>) dst(%dma_wait3A_953 : memref<512x64xf32, #tpu.memory_space<hbm>>)
    %dma_start3A_958 = arith.constant 2 : i32
    %dma_start3A_959 = arith.constant 2 : i32
    %dma_start3A_960 = arith.constant 0 : i32
    %dma_start3A_961 = arith.constant 0 : i32
    %dma_start3A_962 = tpu.memref_slice %arg6[%dma_start3A_958, %dma_start3A_960, %dma_start3A_961] : memref<3x512x64xf32, #tpu.memory_space<vmem>> -> memref<1x512x64xf32, #tpu.memory_space<vmem>>
    %dma_start3A_963 = tpu.memref_squeeze %dma_start3A_962 : memref<1x512x64xf32, #tpu.memory_space<vmem>> -> memref<512x64xf32, #tpu.memory_space<vmem>>
    %dma_start3A_964 = arith.constant 8704 : i32
    %dma_start3A_965 = tpu.memref_slice %arg5[%dma_start3A_964] : memref<25600xi32, #tpu.memory_space<vmem>> -> memref<512xi32, #tpu.memory_space<vmem>>
    %dma_start3A_966 = arith.constant 0 : i32
    %dma_start3A_967 = arith.constant 0 : i32
    %dma_start3A_968 = tpu.memref_slice %arg3[%dma_start3A_966, %dma_start3A_967] : memref<1000000x64xf32, #tpu.memory_space<hbm>> -> memref<1000000x64xf32, #tpu.memory_space<hbm>>
    %dma_start3A_969 = tpu.memref_slice %arg7[%dma_start3A_959] : memref<3x!tpu.dma_semaphore, #tpu.memory_space<semaphore_mem>> -> memref<1x!tpu.dma_semaphore, #tpu.memory_space<semaphore_mem>>
    %dma_start3A_970 = tpu.memref_squeeze %dma_start3A_969 : memref<1x!tpu.dma_semaphore, #tpu.memory_space<semaphore_mem>> -> memref<!tpu.dma_semaphore, #tpu.memory_space<semaphore_mem>>
    tpu.enqueue_indirect_dma source(%dma_start3A_968 : memref<1000000x64xf32, #tpu.memory_space<hbm>>) target(%dma_start3A_963 : memref<512x64xf32, #tpu.memory_space<vmem>>) offsets(%dma_start3A_965 : memref<512xi32, #tpu.memory_space<vmem>>) semaphore(%dma_start3A_970 : memref<!tpu.dma_semaphore, #tpu.memory_space<semaphore_mem>>)
    %dma_wait3A_971 = arith.constant 1 : i32
    %dma_wait3A_972 = arith.constant 1 : i32
    %dma_wait3A_973 = arith.constant 0 : i32
    %dma_wait3A_974 = arith.constant 0 : i32
    %dma_wait3A_975 = tpu.memref_slice %arg6[%dma_wait3A_971, %dma_wait3A_973, %dma_wait3A_974] : memref<3x512x64xf32, #tpu.memory_space<vmem>> -> memref<1x512x64xf32, #tpu.memory_space<vmem>>
    %dma_wait3A_976 = tpu.memref_squeeze %dma_wait3A_975 : memref<1x512x64xf32, #tpu.memory_space<vmem>> -> memref<512x64xf32, #tpu.memory_space<vmem>>
    %dma_wait3A_977 = arith.constant 8192 : i32
    %dma_wait3A_978 = tpu.memref_slice %arg5[%dma_wait3A_977] : memref<25600xi32, #tpu.memory_space<vmem>> -> memref<512xi32, #tpu.memory_space<vmem>>
    %dma_wait3A_979 = arith.constant 0 : i32
    %dma_wait3A_980 = arith.constant 0 : i32
    %dma_wait3A_981 = tpu.memref_slice %arg3[%dma_wait3A_979, %dma_wait3A_980] : memref<1000000x64xf32, #tpu.memory_space<hbm>> -> memref<1000000x64xf32, #tpu.memory_space<hbm>>
    %dma_wait3A_982 = tpu.memref_slice %arg7[%dma_wait3A_972] : memref<3x!tpu.dma_semaphore, #tpu.memory_space<semaphore_mem>> -> memref<1x!tpu.dma_semaphore, #tpu.memory_space<semaphore_mem>>
    %dma_wait3A_983 = tpu.memref_squeeze %dma_wait3A_982 : memref<1x!tpu.dma_semaphore, #tpu.memory_space<semaphore_mem>> -> memref<!tpu.dma_semaphore, #tpu.memory_space<semaphore_mem>>
    tpu.wait_indirect_dma semaphore(%dma_wait3A_983 : memref<!tpu.dma_semaphore, #tpu.memory_space<semaphore_mem>>) src(%dma_wait3A_981 : memref<1000000x64xf32, #tpu.memory_space<hbm>>) dst(%dma_wait3A_976 : memref<512x64xf32, #tpu.memory_space<vmem>>)
    %add3A_984 = arith.constant 8192 : i32
    %add3A_985 = arith.addi %mul3A_2, %add3A_984 : i32
    %dma_start3A_986 = arith.constant 1 : i32
    %dma_start3A_987 = arith.constant 1 : i32
    %dma_start3A_988 = arith.constant 0 : i32
    %dma_start3A_989 = arith.constant 0 : i32
    %dma_start3A_990 = tpu.memref_slice %arg6[%dma_start3A_986, %dma_start3A_988, %dma_start3A_989] : memref<3x512x64xf32, #tpu.memory_space<vmem>> -> memref<1x512x64xf32, #tpu.memory_space<vmem>>
    %dma_start3A_991 = tpu.memref_squeeze %dma_start3A_990 : memref<1x512x64xf32, #tpu.memory_space<vmem>> -> memref<512x64xf32, #tpu.memory_space<vmem>>
    %dma_start3A_992 = arith.constant 0 : i32
    %dma_start3A_993 = tpu.memref_slice %arg4[%add3A_985, %dma_start3A_992] : memref<819200x64xf32, #tpu.memory_space<hbm>> -> memref<512x64xf32, #tpu.memory_space<hbm>>
    %dma_start3A_994 = tpu.memref_slice %arg8[%dma_start3A_987] : memref<3x!tpu.dma_semaphore, #tpu.memory_space<semaphore_mem>> -> memref<1x!tpu.dma_semaphore, #tpu.memory_space<semaphore_mem>>
    %dma_start3A_995 = tpu.memref_squeeze %dma_start3A_994 : memref<1x!tpu.dma_semaphore, #tpu.memory_space<semaphore_mem>> -> memref<!tpu.dma_semaphore, #tpu.memory_space<semaphore_mem>>
    %dma_start3A_996 = arith.constant 0 : i32
    %dma_start3A_997 = tpu.memref_slice %arg4[%add3A_985, %dma_start3A_996] : memref<819200x64xf32, #tpu.memory_space<hbm>> -> memref<512x64xf32, #tpu.memory_space<hbm>>
    %dma_start3A_998 = arith.constant 0 : i32
    %dma_start3A_999 = arith.constant 0 : i32
    %dma_start3A_1000 = tpu.memref_slice %arg6[%dma_start3A_986, %dma_start3A_998, %dma_start3A_999] : memref<3x512x64xf32, #tpu.memory_space<vmem>> -> memref<1x512x64xf32, #tpu.memory_space<vmem>>
    %dma_start3A_1001 = tpu.memref_squeeze %dma_start3A_1000 : memref<1x512x64xf32, #tpu.memory_space<vmem>> -> memref<512x64xf32, #tpu.memory_space<vmem>>
    tpu.enqueue_dma source(%dma_start3A_1001 : memref<512x64xf32, #tpu.memory_space<vmem>>) target(%dma_start3A_997 : memref<512x64xf32, #tpu.memory_space<hbm>>) target_semaphore(%dma_start3A_995 : memref<!tpu.dma_semaphore, #tpu.memory_space<semaphore_mem>>)
    %dma_wait3A_1002 = arith.constant 0 : i32
    %dma_wait3A_1003 = arith.constant 0 : i32
    %dma_wait3A_1004 = arith.constant 0 : i32
    %dma_wait3A_1005 = arith.constant 0 : i32
    %dma_wait3A_1006 = tpu.memref_slice %arg6[%dma_wait3A_1002, %dma_wait3A_1004, %dma_wait3A_1005] : memref<3x512x64xf32, #tpu.memory_space<vmem>> -> memref<1x512x64xf32, #tpu.memory_space<vmem>>
    %dma_wait3A_1007 = tpu.memref_squeeze %dma_wait3A_1006 : memref<1x512x64xf32, #tpu.memory_space<vmem>> -> memref<512x64xf32, #tpu.memory_space<vmem>>
    %dma_wait3A_1008 = arith.constant 0 : i32
    %dma_wait3A_1009 = tpu.memref_slice %arg4[%add3A_925, %dma_wait3A_1008] : memref<819200x64xf32, #tpu.memory_space<hbm>> -> memref<512x64xf32, #tpu.memory_space<hbm>>
    %dma_wait3A_1010 = tpu.memref_slice %arg8[%dma_wait3A_1003] : memref<3x!tpu.dma_semaphore, #tpu.memory_space<semaphore_mem>> -> memref<1x!tpu.dma_semaphore, #tpu.memory_space<semaphore_mem>>
    %dma_wait3A_1011 = tpu.memref_squeeze %dma_wait3A_1010 : memref<1x!tpu.dma_semaphore, #tpu.memory_space<semaphore_mem>> -> memref<!tpu.dma_semaphore, #tpu.memory_space<semaphore_mem>>
    %dma_wait3A_1012 = arith.constant 0 : i32
    %dma_wait3A_1013 = tpu.memref_slice %arg4[%add3A_925, %dma_wait3A_1012] : memref<819200x64xf32, #tpu.memory_space<hbm>> -> memref<512x64xf32, #tpu.memory_space<hbm>>
    %dma_wait3A_1014 = arith.constant 0 : i32
    %dma_wait3A_1015 = arith.constant 0 : i32
    %dma_wait3A_1016 = tpu.memref_slice %arg6[%dma_wait3A_1002, %dma_wait3A_1014, %dma_wait3A_1015] : memref<3x512x64xf32, #tpu.memory_space<vmem>> -> memref<1x512x64xf32, #tpu.memory_space<vmem>>
    %dma_wait3A_1017 = tpu.memref_squeeze %dma_wait3A_1016 : memref<1x512x64xf32, #tpu.memory_space<vmem>> -> memref<512x64xf32, #tpu.memory_space<vmem>>
    tpu.wait_dma2 semaphore(%dma_wait3A_1011 : memref<!tpu.dma_semaphore, #tpu.memory_space<semaphore_mem>>) src(%dma_wait3A_1017 : memref<512x64xf32, #tpu.memory_space<vmem>>) dst(%dma_wait3A_1013 : memref<512x64xf32, #tpu.memory_space<hbm>>)
    %dma_start3A_1018 = arith.constant 0 : i32
    %dma_start3A_1019 = arith.constant 0 : i32
    %dma_start3A_1020 = arith.constant 0 : i32
    %dma_start3A_1021 = arith.constant 0 : i32
    %dma_start3A_1022 = tpu.memref_slice %arg6[%dma_start3A_1018, %dma_start3A_1020, %dma_start3A_1021] : memref<3x512x64xf32, #tpu.memory_space<vmem>> -> memref<1x512x64xf32, #tpu.memory_space<vmem>>
    %dma_start3A_1023 = tpu.memref_squeeze %dma_start3A_1022 : memref<1x512x64xf32, #tpu.memory_space<vmem>> -> memref<512x64xf32, #tpu.memory_space<vmem>>
    %dma_start3A_1024 = arith.constant 9216 : i32
    %dma_start3A_1025 = tpu.memref_slice %arg5[%dma_start3A_1024] : memref<25600xi32, #tpu.memory_space<vmem>> -> memref<512xi32, #tpu.memory_space<vmem>>
    %dma_start3A_1026 = arith.constant 0 : i32
    %dma_start3A_1027 = arith.constant 0 : i32
    %dma_start3A_1028 = tpu.memref_slice %arg3[%dma_start3A_1026, %dma_start3A_1027] : memref<1000000x64xf32, #tpu.memory_space<hbm>> -> memref<1000000x64xf32, #tpu.memory_space<hbm>>
    %dma_start3A_1029 = tpu.memref_slice %arg7[%dma_start3A_1019] : memref<3x!tpu.dma_semaphore, #tpu.memory_space<semaphore_mem>> -> memref<1x!tpu.dma_semaphore, #tpu.memory_space<semaphore_mem>>
    %dma_start3A_1030 = tpu.memref_squeeze %dma_start3A_1029 : memref<1x!tpu.dma_semaphore, #tpu.memory_space<semaphore_mem>> -> memref<!tpu.dma_semaphore, #tpu.memory_space<semaphore_mem>>
    tpu.enqueue_indirect_dma source(%dma_start3A_1028 : memref<1000000x64xf32, #tpu.memory_space<hbm>>) target(%dma_start3A_1023 : memref<512x64xf32, #tpu.memory_space<vmem>>) offsets(%dma_start3A_1025 : memref<512xi32, #tpu.memory_space<vmem>>) semaphore(%dma_start3A_1030 : memref<!tpu.dma_semaphore, #tpu.memory_space<semaphore_mem>>)
    %dma_wait3A_1031 = arith.constant 2 : i32
    %dma_wait3A_1032 = arith.constant 2 : i32
    %dma_wait3A_1033 = arith.constant 0 : i32
    %dma_wait3A_1034 = arith.constant 0 : i32
    %dma_wait3A_1035 = tpu.memref_slice %arg6[%dma_wait3A_1031, %dma_wait3A_1033, %dma_wait3A_1034] : memref<3x512x64xf32, #tpu.memory_space<vmem>> -> memref<1x512x64xf32, #tpu.memory_space<vmem>>
    %dma_wait3A_1036 = tpu.memref_squeeze %dma_wait3A_1035 : memref<1x512x64xf32, #tpu.memory_space<vmem>> -> memref<512x64xf32, #tpu.memory_space<vmem>>
    %dma_wait3A_1037 = arith.constant 8704 : i32
    %dma_wait3A_1038 = tpu.memref_slice %arg5[%dma_wait3A_1037] : memref<25600xi32, #tpu.memory_space<vmem>> -> memref<512xi32, #tpu.memory_space<vmem>>
    %dma_wait3A_1039 = arith.constant 0 : i32
    %dma_wait3A_1040 = arith.constant 0 : i32
    %dma_wait3A_1041 = tpu.memref_slice %arg3[%dma_wait3A_1039, %dma_wait3A_1040] : memref<1000000x64xf32, #tpu.memory_space<hbm>> -> memref<1000000x64xf32, #tpu.memory_space<hbm>>
    %dma_wait3A_1042 = tpu.memref_slice %arg7[%dma_wait3A_1032] : memref<3x!tpu.dma_semaphore, #tpu.memory_space<semaphore_mem>> -> memref<1x!tpu.dma_semaphore, #tpu.memory_space<semaphore_mem>>
    %dma_wait3A_1043 = tpu.memref_squeeze %dma_wait3A_1042 : memref<1x!tpu.dma_semaphore, #tpu.memory_space<semaphore_mem>> -> memref<!tpu.dma_semaphore, #tpu.memory_space<semaphore_mem>>
    tpu.wait_indirect_dma semaphore(%dma_wait3A_1043 : memref<!tpu.dma_semaphore, #tpu.memory_space<semaphore_mem>>) src(%dma_wait3A_1041 : memref<1000000x64xf32, #tpu.memory_space<hbm>>) dst(%dma_wait3A_1036 : memref<512x64xf32, #tpu.memory_space<vmem>>)
    %add3A_1044 = arith.constant 8704 : i32
    %add3A_1045 = arith.addi %mul3A_2, %add3A_1044 : i32
    %dma_start3A_1046 = arith.constant 2 : i32
    %dma_start3A_1047 = arith.constant 2 : i32
    %dma_start3A_1048 = arith.constant 0 : i32
    %dma_start3A_1049 = arith.constant 0 : i32
    %dma_start3A_1050 = tpu.memref_slice %arg6[%dma_start3A_1046, %dma_start3A_1048, %dma_start3A_1049] : memref<3x512x64xf32, #tpu.memory_space<vmem>> -> memref<1x512x64xf32, #tpu.memory_space<vmem>>
    %dma_start3A_1051 = tpu.memref_squeeze %dma_start3A_1050 : memref<1x512x64xf32, #tpu.memory_space<vmem>> -> memref<512x64xf32, #tpu.memory_space<vmem>>
    %dma_start3A_1052 = arith.constant 0 : i32
    %dma_start3A_1053 = tpu.memref_slice %arg4[%add3A_1045, %dma_start3A_1052] : memref<819200x64xf32, #tpu.memory_space<hbm>> -> memref<512x64xf32, #tpu.memory_space<hbm>>
    %dma_start3A_1054 = tpu.memref_slice %arg8[%dma_start3A_1047] : memref<3x!tpu.dma_semaphore, #tpu.memory_space<semaphore_mem>> -> memref<1x!tpu.dma_semaphore, #tpu.memory_space<semaphore_mem>>
    %dma_start3A_1055 = tpu.memref_squeeze %dma_start3A_1054 : memref<1x!tpu.dma_semaphore, #tpu.memory_space<semaphore_mem>> -> memref<!tpu.dma_semaphore, #tpu.memory_space<semaphore_mem>>
    %dma_start3A_1056 = arith.constant 0 : i32
    %dma_start3A_1057 = tpu.memref_slice %arg4[%add3A_1045, %dma_start3A_1056] : memref<819200x64xf32, #tpu.memory_space<hbm>> -> memref<512x64xf32, #tpu.memory_space<hbm>>
    %dma_start3A_1058 = arith.constant 0 : i32
    %dma_start3A_1059 = arith.constant 0 : i32
    %dma_start3A_1060 = tpu.memref_slice %arg6[%dma_start3A_1046, %dma_start3A_1058, %dma_start3A_1059] : memref<3x512x64xf32, #tpu.memory_space<vmem>> -> memref<1x512x64xf32, #tpu.memory_space<vmem>>
    %dma_start3A_1061 = tpu.memref_squeeze %dma_start3A_1060 : memref<1x512x64xf32, #tpu.memory_space<vmem>> -> memref<512x64xf32, #tpu.memory_space<vmem>>
    tpu.enqueue_dma source(%dma_start3A_1061 : memref<512x64xf32, #tpu.memory_space<vmem>>) target(%dma_start3A_1057 : memref<512x64xf32, #tpu.memory_space<hbm>>) target_semaphore(%dma_start3A_1055 : memref<!tpu.dma_semaphore, #tpu.memory_space<semaphore_mem>>)
    %dma_wait3A_1062 = arith.constant 1 : i32
    %dma_wait3A_1063 = arith.constant 1 : i32
    %dma_wait3A_1064 = arith.constant 0 : i32
    %dma_wait3A_1065 = arith.constant 0 : i32
    %dma_wait3A_1066 = tpu.memref_slice %arg6[%dma_wait3A_1062, %dma_wait3A_1064, %dma_wait3A_1065] : memref<3x512x64xf32, #tpu.memory_space<vmem>> -> memref<1x512x64xf32, #tpu.memory_space<vmem>>
    %dma_wait3A_1067 = tpu.memref_squeeze %dma_wait3A_1066 : memref<1x512x64xf32, #tpu.memory_space<vmem>> -> memref<512x64xf32, #tpu.memory_space<vmem>>
    %dma_wait3A_1068 = arith.constant 0 : i32
    %dma_wait3A_1069 = tpu.memref_slice %arg4[%add3A_985, %dma_wait3A_1068] : memref<819200x64xf32, #tpu.memory_space<hbm>> -> memref<512x64xf32, #tpu.memory_space<hbm>>
    %dma_wait3A_1070 = tpu.memref_slice %arg8[%dma_wait3A_1063] : memref<3x!tpu.dma_semaphore, #tpu.memory_space<semaphore_mem>> -> memref<1x!tpu.dma_semaphore, #tpu.memory_space<semaphore_mem>>
    %dma_wait3A_1071 = tpu.memref_squeeze %dma_wait3A_1070 : memref<1x!tpu.dma_semaphore, #tpu.memory_space<semaphore_mem>> -> memref<!tpu.dma_semaphore, #tpu.memory_space<semaphore_mem>>
    %dma_wait3A_1072 = arith.constant 0 : i32
    %dma_wait3A_1073 = tpu.memref_slice %arg4[%add3A_985, %dma_wait3A_1072] : memref<819200x64xf32, #tpu.memory_space<hbm>> -> memref<512x64xf32, #tpu.memory_space<hbm>>
    %dma_wait3A_1074 = arith.constant 0 : i32
    %dma_wait3A_1075 = arith.constant 0 : i32
    %dma_wait3A_1076 = tpu.memref_slice %arg6[%dma_wait3A_1062, %dma_wait3A_1074, %dma_wait3A_1075] : memref<3x512x64xf32, #tpu.memory_space<vmem>> -> memref<1x512x64xf32, #tpu.memory_space<vmem>>
    %dma_wait3A_1077 = tpu.memref_squeeze %dma_wait3A_1076 : memref<1x512x64xf32, #tpu.memory_space<vmem>> -> memref<512x64xf32, #tpu.memory_space<vmem>>
    tpu.wait_dma2 semaphore(%dma_wait3A_1071 : memref<!tpu.dma_semaphore, #tpu.memory_space<semaphore_mem>>) src(%dma_wait3A_1077 : memref<512x64xf32, #tpu.memory_space<vmem>>) dst(%dma_wait3A_1073 : memref<512x64xf32, #tpu.memory_space<hbm>>)
    %dma_start3A_1078 = arith.constant 1 : i32
    %dma_start3A_1079 = arith.constant 1 : i32
    %dma_start3A_1080 = arith.constant 0 : i32
    %dma_start3A_1081 = arith.constant 0 : i32
    %dma_start3A_1082 = tpu.memref_slice %arg6[%dma_start3A_1078, %dma_start3A_1080, %dma_start3A_1081] : memref<3x512x64xf32, #tpu.memory_space<vmem>> -> memref<1x512x64xf32, #tpu.memory_space<vmem>>
    %dma_start3A_1083 = tpu.memref_squeeze %dma_start3A_1082 : memref<1x512x64xf32, #tpu.memory_space<vmem>> -> memref<512x64xf32, #tpu.memory_space<vmem>>
    %dma_start3A_1084 = arith.constant 9728 : i32
    %dma_start3A_1085 = tpu.memref_slice %arg5[%dma_start3A_1084] : memref<25600xi32, #tpu.memory_space<vmem>> -> memref<512xi32, #tpu.memory_space<vmem>>
    %dma_start3A_1086 = arith.constant 0 : i32
    %dma_start3A_1087 = arith.constant 0 : i32
    %dma_start3A_1088 = tpu.memref_slice %arg3[%dma_start3A_1086, %dma_start3A_1087] : memref<1000000x64xf32, #tpu.memory_space<hbm>> -> memref<1000000x64xf32, #tpu.memory_space<hbm>>
    %dma_start3A_1089 = tpu.memref_slice %arg7[%dma_start3A_1079] : memref<3x!tpu.dma_semaphore, #tpu.memory_space<semaphore_mem>> -> memref<1x!tpu.dma_semaphore, #tpu.memory_space<semaphore_mem>>
    %dma_start3A_1090 = tpu.memref_squeeze %dma_start3A_1089 : memref<1x!tpu.dma_semaphore, #tpu.memory_space<semaphore_mem>> -> memref<!tpu.dma_semaphore, #tpu.memory_space<semaphore_mem>>
    tpu.enqueue_indirect_dma source(%dma_start3A_1088 : memref<1000000x64xf32, #tpu.memory_space<hbm>>) target(%dma_start3A_1083 : memref<512x64xf32, #tpu.memory_space<vmem>>) offsets(%dma_start3A_1085 : memref<512xi32, #tpu.memory_space<vmem>>) semaphore(%dma_start3A_1090 : memref<!tpu.dma_semaphore, #tpu.memory_space<semaphore_mem>>)
    %dma_wait3A_1091 = arith.constant 0 : i32
    %dma_wait3A_1092 = arith.constant 0 : i32
    %dma_wait3A_1093 = arith.constant 0 : i32
    %dma_wait3A_1094 = arith.constant 0 : i32
    %dma_wait3A_1095 = tpu.memref_slice %arg6[%dma_wait3A_1091, %dma_wait3A_1093, %dma_wait3A_1094] : memref<3x512x64xf32, #tpu.memory_space<vmem>> -> memref<1x512x64xf32, #tpu.memory_space<vmem>>
    %dma_wait3A_1096 = tpu.memref_squeeze %dma_wait3A_1095 : memref<1x512x64xf32, #tpu.memory_space<vmem>> -> memref<512x64xf32, #tpu.memory_space<vmem>>
    %dma_wait3A_1097 = arith.constant 9216 : i32
    %dma_wait3A_1098 = tpu.memref_slice %arg5[%dma_wait3A_1097] : memref<25600xi32, #tpu.memory_space<vmem>> -> memref<512xi32, #tpu.memory_space<vmem>>
    %dma_wait3A_1099 = arith.constant 0 : i32
    %dma_wait3A_1100 = arith.constant 0 : i32
    %dma_wait3A_1101 = tpu.memref_slice %arg3[%dma_wait3A_1099, %dma_wait3A_1100] : memref<1000000x64xf32, #tpu.memory_space<hbm>> -> memref<1000000x64xf32, #tpu.memory_space<hbm>>
    %dma_wait3A_1102 = tpu.memref_slice %arg7[%dma_wait3A_1092] : memref<3x!tpu.dma_semaphore, #tpu.memory_space<semaphore_mem>> -> memref<1x!tpu.dma_semaphore, #tpu.memory_space<semaphore_mem>>
    %dma_wait3A_1103 = tpu.memref_squeeze %dma_wait3A_1102 : memref<1x!tpu.dma_semaphore, #tpu.memory_space<semaphore_mem>> -> memref<!tpu.dma_semaphore, #tpu.memory_space<semaphore_mem>>
    tpu.wait_indirect_dma semaphore(%dma_wait3A_1103 : memref<!tpu.dma_semaphore, #tpu.memory_space<semaphore_mem>>) src(%dma_wait3A_1101 : memref<1000000x64xf32, #tpu.memory_space<hbm>>) dst(%dma_wait3A_1096 : memref<512x64xf32, #tpu.memory_space<vmem>>)
    %add3A_1104 = arith.constant 9216 : i32
    %add3A_1105 = arith.addi %mul3A_2, %add3A_1104 : i32
    %dma_start3A_1106 = arith.constant 0 : i32
    %dma_start3A_1107 = arith.constant 0 : i32
    %dma_start3A_1108 = arith.constant 0 : i32
    %dma_start3A_1109 = arith.constant 0 : i32
    %dma_start3A_1110 = tpu.memref_slice %arg6[%dma_start3A_1106, %dma_start3A_1108, %dma_start3A_1109] : memref<3x512x64xf32, #tpu.memory_space<vmem>> -> memref<1x512x64xf32, #tpu.memory_space<vmem>>
    %dma_start3A_1111 = tpu.memref_squeeze %dma_start3A_1110 : memref<1x512x64xf32, #tpu.memory_space<vmem>> -> memref<512x64xf32, #tpu.memory_space<vmem>>
    %dma_start3A_1112 = arith.constant 0 : i32
    %dma_start3A_1113 = tpu.memref_slice %arg4[%add3A_1105, %dma_start3A_1112] : memref<819200x64xf32, #tpu.memory_space<hbm>> -> memref<512x64xf32, #tpu.memory_space<hbm>>
    %dma_start3A_1114 = tpu.memref_slice %arg8[%dma_start3A_1107] : memref<3x!tpu.dma_semaphore, #tpu.memory_space<semaphore_mem>> -> memref<1x!tpu.dma_semaphore, #tpu.memory_space<semaphore_mem>>
    %dma_start3A_1115 = tpu.memref_squeeze %dma_start3A_1114 : memref<1x!tpu.dma_semaphore, #tpu.memory_space<semaphore_mem>> -> memref<!tpu.dma_semaphore, #tpu.memory_space<semaphore_mem>>
    %dma_start3A_1116 = arith.constant 0 : i32
    %dma_start3A_1117 = tpu.memref_slice %arg4[%add3A_1105, %dma_start3A_1116] : memref<819200x64xf32, #tpu.memory_space<hbm>> -> memref<512x64xf32, #tpu.memory_space<hbm>>
    %dma_start3A_1118 = arith.constant 0 : i32
    %dma_start3A_1119 = arith.constant 0 : i32
    %dma_start3A_1120 = tpu.memref_slice %arg6[%dma_start3A_1106, %dma_start3A_1118, %dma_start3A_1119] : memref<3x512x64xf32, #tpu.memory_space<vmem>> -> memref<1x512x64xf32, #tpu.memory_space<vmem>>
    %dma_start3A_1121 = tpu.memref_squeeze %dma_start3A_1120 : memref<1x512x64xf32, #tpu.memory_space<vmem>> -> memref<512x64xf32, #tpu.memory_space<vmem>>
    tpu.enqueue_dma source(%dma_start3A_1121 : memref<512x64xf32, #tpu.memory_space<vmem>>) target(%dma_start3A_1117 : memref<512x64xf32, #tpu.memory_space<hbm>>) target_semaphore(%dma_start3A_1115 : memref<!tpu.dma_semaphore, #tpu.memory_space<semaphore_mem>>)
    %dma_wait3A_1122 = arith.constant 2 : i32
    %dma_wait3A_1123 = arith.constant 2 : i32
    %dma_wait3A_1124 = arith.constant 0 : i32
    %dma_wait3A_1125 = arith.constant 0 : i32
    %dma_wait3A_1126 = tpu.memref_slice %arg6[%dma_wait3A_1122, %dma_wait3A_1124, %dma_wait3A_1125] : memref<3x512x64xf32, #tpu.memory_space<vmem>> -> memref<1x512x64xf32, #tpu.memory_space<vmem>>
    %dma_wait3A_1127 = tpu.memref_squeeze %dma_wait3A_1126 : memref<1x512x64xf32, #tpu.memory_space<vmem>> -> memref<512x64xf32, #tpu.memory_space<vmem>>
    %dma_wait3A_1128 = arith.constant 0 : i32
    %dma_wait3A_1129 = tpu.memref_slice %arg4[%add3A_1045, %dma_wait3A_1128] : memref<819200x64xf32, #tpu.memory_space<hbm>> -> memref<512x64xf32, #tpu.memory_space<hbm>>
    %dma_wait3A_1130 = tpu.memref_slice %arg8[%dma_wait3A_1123] : memref<3x!tpu.dma_semaphore, #tpu.memory_space<semaphore_mem>> -> memref<1x!tpu.dma_semaphore, #tpu.memory_space<semaphore_mem>>
    %dma_wait3A_1131 = tpu.memref_squeeze %dma_wait3A_1130 : memref<1x!tpu.dma_semaphore, #tpu.memory_space<semaphore_mem>> -> memref<!tpu.dma_semaphore, #tpu.memory_space<semaphore_mem>>
    %dma_wait3A_1132 = arith.constant 0 : i32
    %dma_wait3A_1133 = tpu.memref_slice %arg4[%add3A_1045, %dma_wait3A_1132] : memref<819200x64xf32, #tpu.memory_space<hbm>> -> memref<512x64xf32, #tpu.memory_space<hbm>>
    %dma_wait3A_1134 = arith.constant 0 : i32
    %dma_wait3A_1135 = arith.constant 0 : i32
    %dma_wait3A_1136 = tpu.memref_slice %arg6[%dma_wait3A_1122, %dma_wait3A_1134, %dma_wait3A_1135] : memref<3x512x64xf32, #tpu.memory_space<vmem>> -> memref<1x512x64xf32, #tpu.memory_space<vmem>>
    %dma_wait3A_1137 = tpu.memref_squeeze %dma_wait3A_1136 : memref<1x512x64xf32, #tpu.memory_space<vmem>> -> memref<512x64xf32, #tpu.memory_space<vmem>>
    tpu.wait_dma2 semaphore(%dma_wait3A_1131 : memref<!tpu.dma_semaphore, #tpu.memory_space<semaphore_mem>>) src(%dma_wait3A_1137 : memref<512x64xf32, #tpu.memory_space<vmem>>) dst(%dma_wait3A_1133 : memref<512x64xf32, #tpu.memory_space<hbm>>)
    %dma_start3A_1138 = arith.constant 2 : i32
    %dma_start3A_1139 = arith.constant 2 : i32
    %dma_start3A_1140 = arith.constant 0 : i32
    %dma_start3A_1141 = arith.constant 0 : i32
    %dma_start3A_1142 = tpu.memref_slice %arg6[%dma_start3A_1138, %dma_start3A_1140, %dma_start3A_1141] : memref<3x512x64xf32, #tpu.memory_space<vmem>> -> memref<1x512x64xf32, #tpu.memory_space<vmem>>
    %dma_start3A_1143 = tpu.memref_squeeze %dma_start3A_1142 : memref<1x512x64xf32, #tpu.memory_space<vmem>> -> memref<512x64xf32, #tpu.memory_space<vmem>>
    %dma_start3A_1144 = arith.constant 10240 : i32
    %dma_start3A_1145 = tpu.memref_slice %arg5[%dma_start3A_1144] : memref<25600xi32, #tpu.memory_space<vmem>> -> memref<512xi32, #tpu.memory_space<vmem>>
    %dma_start3A_1146 = arith.constant 0 : i32
    %dma_start3A_1147 = arith.constant 0 : i32
    %dma_start3A_1148 = tpu.memref_slice %arg3[%dma_start3A_1146, %dma_start3A_1147] : memref<1000000x64xf32, #tpu.memory_space<hbm>> -> memref<1000000x64xf32, #tpu.memory_space<hbm>>
    %dma_start3A_1149 = tpu.memref_slice %arg7[%dma_start3A_1139] : memref<3x!tpu.dma_semaphore, #tpu.memory_space<semaphore_mem>> -> memref<1x!tpu.dma_semaphore, #tpu.memory_space<semaphore_mem>>
    %dma_start3A_1150 = tpu.memref_squeeze %dma_start3A_1149 : memref<1x!tpu.dma_semaphore, #tpu.memory_space<semaphore_mem>> -> memref<!tpu.dma_semaphore, #tpu.memory_space<semaphore_mem>>
    tpu.enqueue_indirect_dma source(%dma_start3A_1148 : memref<1000000x64xf32, #tpu.memory_space<hbm>>) target(%dma_start3A_1143 : memref<512x64xf32, #tpu.memory_space<vmem>>) offsets(%dma_start3A_1145 : memref<512xi32, #tpu.memory_space<vmem>>) semaphore(%dma_start3A_1150 : memref<!tpu.dma_semaphore, #tpu.memory_space<semaphore_mem>>)
    %dma_wait3A_1151 = arith.constant 1 : i32
    %dma_wait3A_1152 = arith.constant 1 : i32
    %dma_wait3A_1153 = arith.constant 0 : i32
    %dma_wait3A_1154 = arith.constant 0 : i32
    %dma_wait3A_1155 = tpu.memref_slice %arg6[%dma_wait3A_1151, %dma_wait3A_1153, %dma_wait3A_1154] : memref<3x512x64xf32, #tpu.memory_space<vmem>> -> memref<1x512x64xf32, #tpu.memory_space<vmem>>
    %dma_wait3A_1156 = tpu.memref_squeeze %dma_wait3A_1155 : memref<1x512x64xf32, #tpu.memory_space<vmem>> -> memref<512x64xf32, #tpu.memory_space<vmem>>
    %dma_wait3A_1157 = arith.constant 9728 : i32
    %dma_wait3A_1158 = tpu.memref_slice %arg5[%dma_wait3A_1157] : memref<25600xi32, #tpu.memory_space<vmem>> -> memref<512xi32, #tpu.memory_space<vmem>>
    %dma_wait3A_1159 = arith.constant 0 : i32
    %dma_wait3A_1160 = arith.constant 0 : i32
    %dma_wait3A_1161 = tpu.memref_slice %arg3[%dma_wait3A_1159, %dma_wait3A_1160] : memref<1000000x64xf32, #tpu.memory_space<hbm>> -> memref<1000000x64xf32, #tpu.memory_space<hbm>>
    %dma_wait3A_1162 = tpu.memref_slice %arg7[%dma_wait3A_1152] : memref<3x!tpu.dma_semaphore, #tpu.memory_space<semaphore_mem>> -> memref<1x!tpu.dma_semaphore, #tpu.memory_space<semaphore_mem>>
    %dma_wait3A_1163 = tpu.memref_squeeze %dma_wait3A_1162 : memref<1x!tpu.dma_semaphore, #tpu.memory_space<semaphore_mem>> -> memref<!tpu.dma_semaphore, #tpu.memory_space<semaphore_mem>>
    tpu.wait_indirect_dma semaphore(%dma_wait3A_1163 : memref<!tpu.dma_semaphore, #tpu.memory_space<semaphore_mem>>) src(%dma_wait3A_1161 : memref<1000000x64xf32, #tpu.memory_space<hbm>>) dst(%dma_wait3A_1156 : memref<512x64xf32, #tpu.memory_space<vmem>>)
    %add3A_1164 = arith.constant 9728 : i32
    %add3A_1165 = arith.addi %mul3A_2, %add3A_1164 : i32
    %dma_start3A_1166 = arith.constant 1 : i32
    %dma_start3A_1167 = arith.constant 1 : i32
    %dma_start3A_1168 = arith.constant 0 : i32
    %dma_start3A_1169 = arith.constant 0 : i32
    %dma_start3A_1170 = tpu.memref_slice %arg6[%dma_start3A_1166, %dma_start3A_1168, %dma_start3A_1169] : memref<3x512x64xf32, #tpu.memory_space<vmem>> -> memref<1x512x64xf32, #tpu.memory_space<vmem>>
    %dma_start3A_1171 = tpu.memref_squeeze %dma_start3A_1170 : memref<1x512x64xf32, #tpu.memory_space<vmem>> -> memref<512x64xf32, #tpu.memory_space<vmem>>
    %dma_start3A_1172 = arith.constant 0 : i32
    %dma_start3A_1173 = tpu.memref_slice %arg4[%add3A_1165, %dma_start3A_1172] : memref<819200x64xf32, #tpu.memory_space<hbm>> -> memref<512x64xf32, #tpu.memory_space<hbm>>
    %dma_start3A_1174 = tpu.memref_slice %arg8[%dma_start3A_1167] : memref<3x!tpu.dma_semaphore, #tpu.memory_space<semaphore_mem>> -> memref<1x!tpu.dma_semaphore, #tpu.memory_space<semaphore_mem>>
    %dma_start3A_1175 = tpu.memref_squeeze %dma_start3A_1174 : memref<1x!tpu.dma_semaphore, #tpu.memory_space<semaphore_mem>> -> memref<!tpu.dma_semaphore, #tpu.memory_space<semaphore_mem>>
    %dma_start3A_1176 = arith.constant 0 : i32
    %dma_start3A_1177 = tpu.memref_slice %arg4[%add3A_1165, %dma_start3A_1176] : memref<819200x64xf32, #tpu.memory_space<hbm>> -> memref<512x64xf32, #tpu.memory_space<hbm>>
    %dma_start3A_1178 = arith.constant 0 : i32
    %dma_start3A_1179 = arith.constant 0 : i32
    %dma_start3A_1180 = tpu.memref_slice %arg6[%dma_start3A_1166, %dma_start3A_1178, %dma_start3A_1179] : memref<3x512x64xf32, #tpu.memory_space<vmem>> -> memref<1x512x64xf32, #tpu.memory_space<vmem>>
    %dma_start3A_1181 = tpu.memref_squeeze %dma_start3A_1180 : memref<1x512x64xf32, #tpu.memory_space<vmem>> -> memref<512x64xf32, #tpu.memory_space<vmem>>
    tpu.enqueue_dma source(%dma_start3A_1181 : memref<512x64xf32, #tpu.memory_space<vmem>>) target(%dma_start3A_1177 : memref<512x64xf32, #tpu.memory_space<hbm>>) target_semaphore(%dma_start3A_1175 : memref<!tpu.dma_semaphore, #tpu.memory_space<semaphore_mem>>)
    %dma_wait3A_1182 = arith.constant 0 : i32
    %dma_wait3A_1183 = arith.constant 0 : i32
    %dma_wait3A_1184 = arith.constant 0 : i32
    %dma_wait3A_1185 = arith.constant 0 : i32
    %dma_wait3A_1186 = tpu.memref_slice %arg6[%dma_wait3A_1182, %dma_wait3A_1184, %dma_wait3A_1185] : memref<3x512x64xf32, #tpu.memory_space<vmem>> -> memref<1x512x64xf32, #tpu.memory_space<vmem>>
    %dma_wait3A_1187 = tpu.memref_squeeze %dma_wait3A_1186 : memref<1x512x64xf32, #tpu.memory_space<vmem>> -> memref<512x64xf32, #tpu.memory_space<vmem>>
    %dma_wait3A_1188 = arith.constant 0 : i32
    %dma_wait3A_1189 = tpu.memref_slice %arg4[%add3A_1105, %dma_wait3A_1188] : memref<819200x64xf32, #tpu.memory_space<hbm>> -> memref<512x64xf32, #tpu.memory_space<hbm>>
    %dma_wait3A_1190 = tpu.memref_slice %arg8[%dma_wait3A_1183] : memref<3x!tpu.dma_semaphore, #tpu.memory_space<semaphore_mem>> -> memref<1x!tpu.dma_semaphore, #tpu.memory_space<semaphore_mem>>
    %dma_wait3A_1191 = tpu.memref_squeeze %dma_wait3A_1190 : memref<1x!tpu.dma_semaphore, #tpu.memory_space<semaphore_mem>> -> memref<!tpu.dma_semaphore, #tpu.memory_space<semaphore_mem>>
    %dma_wait3A_1192 = arith.constant 0 : i32
    %dma_wait3A_1193 = tpu.memref_slice %arg4[%add3A_1105, %dma_wait3A_1192] : memref<819200x64xf32, #tpu.memory_space<hbm>> -> memref<512x64xf32, #tpu.memory_space<hbm>>
    %dma_wait3A_1194 = arith.constant 0 : i32
    %dma_wait3A_1195 = arith.constant 0 : i32
    %dma_wait3A_1196 = tpu.memref_slice %arg6[%dma_wait3A_1182, %dma_wait3A_1194, %dma_wait3A_1195] : memref<3x512x64xf32, #tpu.memory_space<vmem>> -> memref<1x512x64xf32, #tpu.memory_space<vmem>>
    %dma_wait3A_1197 = tpu.memref_squeeze %dma_wait3A_1196 : memref<1x512x64xf32, #tpu.memory_space<vmem>> -> memref<512x64xf32, #tpu.memory_space<vmem>>
    tpu.wait_dma2 semaphore(%dma_wait3A_1191 : memref<!tpu.dma_semaphore, #tpu.memory_space<semaphore_mem>>) src(%dma_wait3A_1197 : memref<512x64xf32, #tpu.memory_space<vmem>>) dst(%dma_wait3A_1193 : memref<512x64xf32, #tpu.memory_space<hbm>>)
    %dma_start3A_1198 = arith.constant 0 : i32
    %dma_start3A_1199 = arith.constant 0 : i32
    %dma_start3A_1200 = arith.constant 0 : i32
    %dma_start3A_1201 = arith.constant 0 : i32
    %dma_start3A_1202 = tpu.memref_slice %arg6[%dma_start3A_1198, %dma_start3A_1200, %dma_start3A_1201] : memref<3x512x64xf32, #tpu.memory_space<vmem>> -> memref<1x512x64xf32, #tpu.memory_space<vmem>>
    %dma_start3A_1203 = tpu.memref_squeeze %dma_start3A_1202 : memref<1x512x64xf32, #tpu.memory_space<vmem>> -> memref<512x64xf32, #tpu.memory_space<vmem>>
    %dma_start3A_1204 = arith.constant 10752 : i32
    %dma_start3A_1205 = tpu.memref_slice %arg5[%dma_start3A_1204] : memref<25600xi32, #tpu.memory_space<vmem>> -> memref<512xi32, #tpu.memory_space<vmem>>
    %dma_start3A_1206 = arith.constant 0 : i32
    %dma_start3A_1207 = arith.constant 0 : i32
    %dma_start3A_1208 = tpu.memref_slice %arg3[%dma_start3A_1206, %dma_start3A_1207] : memref<1000000x64xf32, #tpu.memory_space<hbm>> -> memref<1000000x64xf32, #tpu.memory_space<hbm>>
    %dma_start3A_1209 = tpu.memref_slice %arg7[%dma_start3A_1199] : memref<3x!tpu.dma_semaphore, #tpu.memory_space<semaphore_mem>> -> memref<1x!tpu.dma_semaphore, #tpu.memory_space<semaphore_mem>>
    %dma_start3A_1210 = tpu.memref_squeeze %dma_start3A_1209 : memref<1x!tpu.dma_semaphore, #tpu.memory_space<semaphore_mem>> -> memref<!tpu.dma_semaphore, #tpu.memory_space<semaphore_mem>>
    tpu.enqueue_indirect_dma source(%dma_start3A_1208 : memref<1000000x64xf32, #tpu.memory_space<hbm>>) target(%dma_start3A_1203 : memref<512x64xf32, #tpu.memory_space<vmem>>) offsets(%dma_start3A_1205 : memref<512xi32, #tpu.memory_space<vmem>>) semaphore(%dma_start3A_1210 : memref<!tpu.dma_semaphore, #tpu.memory_space<semaphore_mem>>)
    %dma_wait3A_1211 = arith.constant 2 : i32
    %dma_wait3A_1212 = arith.constant 2 : i32
    %dma_wait3A_1213 = arith.constant 0 : i32
    %dma_wait3A_1214 = arith.constant 0 : i32
    %dma_wait3A_1215 = tpu.memref_slice %arg6[%dma_wait3A_1211, %dma_wait3A_1213, %dma_wait3A_1214] : memref<3x512x64xf32, #tpu.memory_space<vmem>> -> memref<1x512x64xf32, #tpu.memory_space<vmem>>
    %dma_wait3A_1216 = tpu.memref_squeeze %dma_wait3A_1215 : memref<1x512x64xf32, #tpu.memory_space<vmem>> -> memref<512x64xf32, #tpu.memory_space<vmem>>
    %dma_wait3A_1217 = arith.constant 10240 : i32
    %dma_wait3A_1218 = tpu.memref_slice %arg5[%dma_wait3A_1217] : memref<25600xi32, #tpu.memory_space<vmem>> -> memref<512xi32, #tpu.memory_space<vmem>>
    %dma_wait3A_1219 = arith.constant 0 : i32
    %dma_wait3A_1220 = arith.constant 0 : i32
    %dma_wait3A_1221 = tpu.memref_slice %arg3[%dma_wait3A_1219, %dma_wait3A_1220] : memref<1000000x64xf32, #tpu.memory_space<hbm>> -> memref<1000000x64xf32, #tpu.memory_space<hbm>>
    %dma_wait3A_1222 = tpu.memref_slice %arg7[%dma_wait3A_1212] : memref<3x!tpu.dma_semaphore, #tpu.memory_space<semaphore_mem>> -> memref<1x!tpu.dma_semaphore, #tpu.memory_space<semaphore_mem>>
    %dma_wait3A_1223 = tpu.memref_squeeze %dma_wait3A_1222 : memref<1x!tpu.dma_semaphore, #tpu.memory_space<semaphore_mem>> -> memref<!tpu.dma_semaphore, #tpu.memory_space<semaphore_mem>>
    tpu.wait_indirect_dma semaphore(%dma_wait3A_1223 : memref<!tpu.dma_semaphore, #tpu.memory_space<semaphore_mem>>) src(%dma_wait3A_1221 : memref<1000000x64xf32, #tpu.memory_space<hbm>>) dst(%dma_wait3A_1216 : memref<512x64xf32, #tpu.memory_space<vmem>>)
    %add3A_1224 = arith.constant 10240 : i32
    %add3A_1225 = arith.addi %mul3A_2, %add3A_1224 : i32
    %dma_start3A_1226 = arith.constant 2 : i32
    %dma_start3A_1227 = arith.constant 2 : i32
    %dma_start3A_1228 = arith.constant 0 : i32
    %dma_start3A_1229 = arith.constant 0 : i32
    %dma_start3A_1230 = tpu.memref_slice %arg6[%dma_start3A_1226, %dma_start3A_1228, %dma_start3A_1229] : memref<3x512x64xf32, #tpu.memory_space<vmem>> -> memref<1x512x64xf32, #tpu.memory_space<vmem>>
    %dma_start3A_1231 = tpu.memref_squeeze %dma_start3A_1230 : memref<1x512x64xf32, #tpu.memory_space<vmem>> -> memref<512x64xf32, #tpu.memory_space<vmem>>
    %dma_start3A_1232 = arith.constant 0 : i32
    %dma_start3A_1233 = tpu.memref_slice %arg4[%add3A_1225, %dma_start3A_1232] : memref<819200x64xf32, #tpu.memory_space<hbm>> -> memref<512x64xf32, #tpu.memory_space<hbm>>
    %dma_start3A_1234 = tpu.memref_slice %arg8[%dma_start3A_1227] : memref<3x!tpu.dma_semaphore, #tpu.memory_space<semaphore_mem>> -> memref<1x!tpu.dma_semaphore, #tpu.memory_space<semaphore_mem>>
    %dma_start3A_1235 = tpu.memref_squeeze %dma_start3A_1234 : memref<1x!tpu.dma_semaphore, #tpu.memory_space<semaphore_mem>> -> memref<!tpu.dma_semaphore, #tpu.memory_space<semaphore_mem>>
    %dma_start3A_1236 = arith.constant 0 : i32
    %dma_start3A_1237 = tpu.memref_slice %arg4[%add3A_1225, %dma_start3A_1236] : memref<819200x64xf32, #tpu.memory_space<hbm>> -> memref<512x64xf32, #tpu.memory_space<hbm>>
    %dma_start3A_1238 = arith.constant 0 : i32
    %dma_start3A_1239 = arith.constant 0 : i32
    %dma_start3A_1240 = tpu.memref_slice %arg6[%dma_start3A_1226, %dma_start3A_1238, %dma_start3A_1239] : memref<3x512x64xf32, #tpu.memory_space<vmem>> -> memref<1x512x64xf32, #tpu.memory_space<vmem>>
    %dma_start3A_1241 = tpu.memref_squeeze %dma_start3A_1240 : memref<1x512x64xf32, #tpu.memory_space<vmem>> -> memref<512x64xf32, #tpu.memory_space<vmem>>
    tpu.enqueue_dma source(%dma_start3A_1241 : memref<512x64xf32, #tpu.memory_space<vmem>>) target(%dma_start3A_1237 : memref<512x64xf32, #tpu.memory_space<hbm>>) target_semaphore(%dma_start3A_1235 : memref<!tpu.dma_semaphore, #tpu.memory_space<semaphore_mem>>)
    %dma_wait3A_1242 = arith.constant 1 : i32
    %dma_wait3A_1243 = arith.constant 1 : i32
    %dma_wait3A_1244 = arith.constant 0 : i32
    %dma_wait3A_1245 = arith.constant 0 : i32
    %dma_wait3A_1246 = tpu.memref_slice %arg6[%dma_wait3A_1242, %dma_wait3A_1244, %dma_wait3A_1245] : memref<3x512x64xf32, #tpu.memory_space<vmem>> -> memref<1x512x64xf32, #tpu.memory_space<vmem>>
    %dma_wait3A_1247 = tpu.memref_squeeze %dma_wait3A_1246 : memref<1x512x64xf32, #tpu.memory_space<vmem>> -> memref<512x64xf32, #tpu.memory_space<vmem>>
    %dma_wait3A_1248 = arith.constant 0 : i32
    %dma_wait3A_1249 = tpu.memref_slice %arg4[%add3A_1165, %dma_wait3A_1248] : memref<819200x64xf32, #tpu.memory_space<hbm>> -> memref<512x64xf32, #tpu.memory_space<hbm>>
    %dma_wait3A_1250 = tpu.memref_slice %arg8[%dma_wait3A_1243] : memref<3x!tpu.dma_semaphore, #tpu.memory_space<semaphore_mem>> -> memref<1x!tpu.dma_semaphore, #tpu.memory_space<semaphore_mem>>
    %dma_wait3A_1251 = tpu.memref_squeeze %dma_wait3A_1250 : memref<1x!tpu.dma_semaphore, #tpu.memory_space<semaphore_mem>> -> memref<!tpu.dma_semaphore, #tpu.memory_space<semaphore_mem>>
    %dma_wait3A_1252 = arith.constant 0 : i32
    %dma_wait3A_1253 = tpu.memref_slice %arg4[%add3A_1165, %dma_wait3A_1252] : memref<819200x64xf32, #tpu.memory_space<hbm>> -> memref<512x64xf32, #tpu.memory_space<hbm>>
    %dma_wait3A_1254 = arith.constant 0 : i32
    %dma_wait3A_1255 = arith.constant 0 : i32
    %dma_wait3A_1256 = tpu.memref_slice %arg6[%dma_wait3A_1242, %dma_wait3A_1254, %dma_wait3A_1255] : memref<3x512x64xf32, #tpu.memory_space<vmem>> -> memref<1x512x64xf32, #tpu.memory_space<vmem>>
    %dma_wait3A_1257 = tpu.memref_squeeze %dma_wait3A_1256 : memref<1x512x64xf32, #tpu.memory_space<vmem>> -> memref<512x64xf32, #tpu.memory_space<vmem>>
    tpu.wait_dma2 semaphore(%dma_wait3A_1251 : memref<!tpu.dma_semaphore, #tpu.memory_space<semaphore_mem>>) src(%dma_wait3A_1257 : memref<512x64xf32, #tpu.memory_space<vmem>>) dst(%dma_wait3A_1253 : memref<512x64xf32, #tpu.memory_space<hbm>>)
    %dma_start3A_1258 = arith.constant 1 : i32
    %dma_start3A_1259 = arith.constant 1 : i32
    %dma_start3A_1260 = arith.constant 0 : i32
    %dma_start3A_1261 = arith.constant 0 : i32
    %dma_start3A_1262 = tpu.memref_slice %arg6[%dma_start3A_1258, %dma_start3A_1260, %dma_start3A_1261] : memref<3x512x64xf32, #tpu.memory_space<vmem>> -> memref<1x512x64xf32, #tpu.memory_space<vmem>>
    %dma_start3A_1263 = tpu.memref_squeeze %dma_start3A_1262 : memref<1x512x64xf32, #tpu.memory_space<vmem>> -> memref<512x64xf32, #tpu.memory_space<vmem>>
    %dma_start3A_1264 = arith.constant 11264 : i32
    %dma_start3A_1265 = tpu.memref_slice %arg5[%dma_start3A_1264] : memref<25600xi32, #tpu.memory_space<vmem>> -> memref<512xi32, #tpu.memory_space<vmem>>
    %dma_start3A_1266 = arith.constant 0 : i32
    %dma_start3A_1267 = arith.constant 0 : i32
    %dma_start3A_1268 = tpu.memref_slice %arg3[%dma_start3A_1266, %dma_start3A_1267] : memref<1000000x64xf32, #tpu.memory_space<hbm>> -> memref<1000000x64xf32, #tpu.memory_space<hbm>>
    %dma_start3A_1269 = tpu.memref_slice %arg7[%dma_start3A_1259] : memref<3x!tpu.dma_semaphore, #tpu.memory_space<semaphore_mem>> -> memref<1x!tpu.dma_semaphore, #tpu.memory_space<semaphore_mem>>
    %dma_start3A_1270 = tpu.memref_squeeze %dma_start3A_1269 : memref<1x!tpu.dma_semaphore, #tpu.memory_space<semaphore_mem>> -> memref<!tpu.dma_semaphore, #tpu.memory_space<semaphore_mem>>
    tpu.enqueue_indirect_dma source(%dma_start3A_1268 : memref<1000000x64xf32, #tpu.memory_space<hbm>>) target(%dma_start3A_1263 : memref<512x64xf32, #tpu.memory_space<vmem>>) offsets(%dma_start3A_1265 : memref<512xi32, #tpu.memory_space<vmem>>) semaphore(%dma_start3A_1270 : memref<!tpu.dma_semaphore, #tpu.memory_space<semaphore_mem>>)
    %dma_wait3A_1271 = arith.constant 0 : i32
    %dma_wait3A_1272 = arith.constant 0 : i32
    %dma_wait3A_1273 = arith.constant 0 : i32
    %dma_wait3A_1274 = arith.constant 0 : i32
    %dma_wait3A_1275 = tpu.memref_slice %arg6[%dma_wait3A_1271, %dma_wait3A_1273, %dma_wait3A_1274] : memref<3x512x64xf32, #tpu.memory_space<vmem>> -> memref<1x512x64xf32, #tpu.memory_space<vmem>>
    %dma_wait3A_1276 = tpu.memref_squeeze %dma_wait3A_1275 : memref<1x512x64xf32, #tpu.memory_space<vmem>> -> memref<512x64xf32, #tpu.memory_space<vmem>>
    %dma_wait3A_1277 = arith.constant 10752 : i32
    %dma_wait3A_1278 = tpu.memref_slice %arg5[%dma_wait3A_1277] : memref<25600xi32, #tpu.memory_space<vmem>> -> memref<512xi32, #tpu.memory_space<vmem>>
    %dma_wait3A_1279 = arith.constant 0 : i32
    %dma_wait3A_1280 = arith.constant 0 : i32
    %dma_wait3A_1281 = tpu.memref_slice %arg3[%dma_wait3A_1279, %dma_wait3A_1280] : memref<1000000x64xf32, #tpu.memory_space<hbm>> -> memref<1000000x64xf32, #tpu.memory_space<hbm>>
    %dma_wait3A_1282 = tpu.memref_slice %arg7[%dma_wait3A_1272] : memref<3x!tpu.dma_semaphore, #tpu.memory_space<semaphore_mem>> -> memref<1x!tpu.dma_semaphore, #tpu.memory_space<semaphore_mem>>
    %dma_wait3A_1283 = tpu.memref_squeeze %dma_wait3A_1282 : memref<1x!tpu.dma_semaphore, #tpu.memory_space<semaphore_mem>> -> memref<!tpu.dma_semaphore, #tpu.memory_space<semaphore_mem>>
    tpu.wait_indirect_dma semaphore(%dma_wait3A_1283 : memref<!tpu.dma_semaphore, #tpu.memory_space<semaphore_mem>>) src(%dma_wait3A_1281 : memref<1000000x64xf32, #tpu.memory_space<hbm>>) dst(%dma_wait3A_1276 : memref<512x64xf32, #tpu.memory_space<vmem>>)
    %add3A_1284 = arith.constant 10752 : i32
    %add3A_1285 = arith.addi %mul3A_2, %add3A_1284 : i32
    %dma_start3A_1286 = arith.constant 0 : i32
    %dma_start3A_1287 = arith.constant 0 : i32
    %dma_start3A_1288 = arith.constant 0 : i32
    %dma_start3A_1289 = arith.constant 0 : i32
    %dma_start3A_1290 = tpu.memref_slice %arg6[%dma_start3A_1286, %dma_start3A_1288, %dma_start3A_1289] : memref<3x512x64xf32, #tpu.memory_space<vmem>> -> memref<1x512x64xf32, #tpu.memory_space<vmem>>
    %dma_start3A_1291 = tpu.memref_squeeze %dma_start3A_1290 : memref<1x512x64xf32, #tpu.memory_space<vmem>> -> memref<512x64xf32, #tpu.memory_space<vmem>>
    %dma_start3A_1292 = arith.constant 0 : i32
    %dma_start3A_1293 = tpu.memref_slice %arg4[%add3A_1285, %dma_start3A_1292] : memref<819200x64xf32, #tpu.memory_space<hbm>> -> memref<512x64xf32, #tpu.memory_space<hbm>>
    %dma_start3A_1294 = tpu.memref_slice %arg8[%dma_start3A_1287] : memref<3x!tpu.dma_semaphore, #tpu.memory_space<semaphore_mem>> -> memref<1x!tpu.dma_semaphore, #tpu.memory_space<semaphore_mem>>
    %dma_start3A_1295 = tpu.memref_squeeze %dma_start3A_1294 : memref<1x!tpu.dma_semaphore, #tpu.memory_space<semaphore_mem>> -> memref<!tpu.dma_semaphore, #tpu.memory_space<semaphore_mem>>
    %dma_start3A_1296 = arith.constant 0 : i32
    %dma_start3A_1297 = tpu.memref_slice %arg4[%add3A_1285, %dma_start3A_1296] : memref<819200x64xf32, #tpu.memory_space<hbm>> -> memref<512x64xf32, #tpu.memory_space<hbm>>
    %dma_start3A_1298 = arith.constant 0 : i32
    %dma_start3A_1299 = arith.constant 0 : i32
    %dma_start3A_1300 = tpu.memref_slice %arg6[%dma_start3A_1286, %dma_start3A_1298, %dma_start3A_1299] : memref<3x512x64xf32, #tpu.memory_space<vmem>> -> memref<1x512x64xf32, #tpu.memory_space<vmem>>
    %dma_start3A_1301 = tpu.memref_squeeze %dma_start3A_1300 : memref<1x512x64xf32, #tpu.memory_space<vmem>> -> memref<512x64xf32, #tpu.memory_space<vmem>>
    tpu.enqueue_dma source(%dma_start3A_1301 : memref<512x64xf32, #tpu.memory_space<vmem>>) target(%dma_start3A_1297 : memref<512x64xf32, #tpu.memory_space<hbm>>) target_semaphore(%dma_start3A_1295 : memref<!tpu.dma_semaphore, #tpu.memory_space<semaphore_mem>>)
    %dma_wait3A_1302 = arith.constant 2 : i32
    %dma_wait3A_1303 = arith.constant 2 : i32
    %dma_wait3A_1304 = arith.constant 0 : i32
    %dma_wait3A_1305 = arith.constant 0 : i32
    %dma_wait3A_1306 = tpu.memref_slice %arg6[%dma_wait3A_1302, %dma_wait3A_1304, %dma_wait3A_1305] : memref<3x512x64xf32, #tpu.memory_space<vmem>> -> memref<1x512x64xf32, #tpu.memory_space<vmem>>
    %dma_wait3A_1307 = tpu.memref_squeeze %dma_wait3A_1306 : memref<1x512x64xf32, #tpu.memory_space<vmem>> -> memref<512x64xf32, #tpu.memory_space<vmem>>
    %dma_wait3A_1308 = arith.constant 0 : i32
    %dma_wait3A_1309 = tpu.memref_slice %arg4[%add3A_1225, %dma_wait3A_1308] : memref<819200x64xf32, #tpu.memory_space<hbm>> -> memref<512x64xf32, #tpu.memory_space<hbm>>
    %dma_wait3A_1310 = tpu.memref_slice %arg8[%dma_wait3A_1303] : memref<3x!tpu.dma_semaphore, #tpu.memory_space<semaphore_mem>> -> memref<1x!tpu.dma_semaphore, #tpu.memory_space<semaphore_mem>>
    %dma_wait3A_1311 = tpu.memref_squeeze %dma_wait3A_1310 : memref<1x!tpu.dma_semaphore, #tpu.memory_space<semaphore_mem>> -> memref<!tpu.dma_semaphore, #tpu.memory_space<semaphore_mem>>
    %dma_wait3A_1312 = arith.constant 0 : i32
    %dma_wait3A_1313 = tpu.memref_slice %arg4[%add3A_1225, %dma_wait3A_1312] : memref<819200x64xf32, #tpu.memory_space<hbm>> -> memref<512x64xf32, #tpu.memory_space<hbm>>
    %dma_wait3A_1314 = arith.constant 0 : i32
    %dma_wait3A_1315 = arith.constant 0 : i32
    %dma_wait3A_1316 = tpu.memref_slice %arg6[%dma_wait3A_1302, %dma_wait3A_1314, %dma_wait3A_1315] : memref<3x512x64xf32, #tpu.memory_space<vmem>> -> memref<1x512x64xf32, #tpu.memory_space<vmem>>
    %dma_wait3A_1317 = tpu.memref_squeeze %dma_wait3A_1316 : memref<1x512x64xf32, #tpu.memory_space<vmem>> -> memref<512x64xf32, #tpu.memory_space<vmem>>
    tpu.wait_dma2 semaphore(%dma_wait3A_1311 : memref<!tpu.dma_semaphore, #tpu.memory_space<semaphore_mem>>) src(%dma_wait3A_1317 : memref<512x64xf32, #tpu.memory_space<vmem>>) dst(%dma_wait3A_1313 : memref<512x64xf32, #tpu.memory_space<hbm>>)
    %dma_start3A_1318 = arith.constant 2 : i32
    %dma_start3A_1319 = arith.constant 2 : i32
    %dma_start3A_1320 = arith.constant 0 : i32
    %dma_start3A_1321 = arith.constant 0 : i32
    %dma_start3A_1322 = tpu.memref_slice %arg6[%dma_start3A_1318, %dma_start3A_1320, %dma_start3A_1321] : memref<3x512x64xf32, #tpu.memory_space<vmem>> -> memref<1x512x64xf32, #tpu.memory_space<vmem>>
    %dma_start3A_1323 = tpu.memref_squeeze %dma_start3A_1322 : memref<1x512x64xf32, #tpu.memory_space<vmem>> -> memref<512x64xf32, #tpu.memory_space<vmem>>
    %dma_start3A_1324 = arith.constant 11776 : i32
    %dma_start3A_1325 = tpu.memref_slice %arg5[%dma_start3A_1324] : memref<25600xi32, #tpu.memory_space<vmem>> -> memref<512xi32, #tpu.memory_space<vmem>>
    %dma_start3A_1326 = arith.constant 0 : i32
    %dma_start3A_1327 = arith.constant 0 : i32
    %dma_start3A_1328 = tpu.memref_slice %arg3[%dma_start3A_1326, %dma_start3A_1327] : memref<1000000x64xf32, #tpu.memory_space<hbm>> -> memref<1000000x64xf32, #tpu.memory_space<hbm>>
    %dma_start3A_1329 = tpu.memref_slice %arg7[%dma_start3A_1319] : memref<3x!tpu.dma_semaphore, #tpu.memory_space<semaphore_mem>> -> memref<1x!tpu.dma_semaphore, #tpu.memory_space<semaphore_mem>>
    %dma_start3A_1330 = tpu.memref_squeeze %dma_start3A_1329 : memref<1x!tpu.dma_semaphore, #tpu.memory_space<semaphore_mem>> -> memref<!tpu.dma_semaphore, #tpu.memory_space<semaphore_mem>>
    tpu.enqueue_indirect_dma source(%dma_start3A_1328 : memref<1000000x64xf32, #tpu.memory_space<hbm>>) target(%dma_start3A_1323 : memref<512x64xf32, #tpu.memory_space<vmem>>) offsets(%dma_start3A_1325 : memref<512xi32, #tpu.memory_space<vmem>>) semaphore(%dma_start3A_1330 : memref<!tpu.dma_semaphore, #tpu.memory_space<semaphore_mem>>)
    %dma_wait3A_1331 = arith.constant 1 : i32
    %dma_wait3A_1332 = arith.constant 1 : i32
    %dma_wait3A_1333 = arith.constant 0 : i32
    %dma_wait3A_1334 = arith.constant 0 : i32
    %dma_wait3A_1335 = tpu.memref_slice %arg6[%dma_wait3A_1331, %dma_wait3A_1333, %dma_wait3A_1334] : memref<3x512x64xf32, #tpu.memory_space<vmem>> -> memref<1x512x64xf32, #tpu.memory_space<vmem>>
    %dma_wait3A_1336 = tpu.memref_squeeze %dma_wait3A_1335 : memref<1x512x64xf32, #tpu.memory_space<vmem>> -> memref<512x64xf32, #tpu.memory_space<vmem>>
    %dma_wait3A_1337 = arith.constant 11264 : i32
    %dma_wait3A_1338 = tpu.memref_slice %arg5[%dma_wait3A_1337] : memref<25600xi32, #tpu.memory_space<vmem>> -> memref<512xi32, #tpu.memory_space<vmem>>
    %dma_wait3A_1339 = arith.constant 0 : i32
    %dma_wait3A_1340 = arith.constant 0 : i32
    %dma_wait3A_1341 = tpu.memref_slice %arg3[%dma_wait3A_1339, %dma_wait3A_1340] : memref<1000000x64xf32, #tpu.memory_space<hbm>> -> memref<1000000x64xf32, #tpu.memory_space<hbm>>
    %dma_wait3A_1342 = tpu.memref_slice %arg7[%dma_wait3A_1332] : memref<3x!tpu.dma_semaphore, #tpu.memory_space<semaphore_mem>> -> memref<1x!tpu.dma_semaphore, #tpu.memory_space<semaphore_mem>>
    %dma_wait3A_1343 = tpu.memref_squeeze %dma_wait3A_1342 : memref<1x!tpu.dma_semaphore, #tpu.memory_space<semaphore_mem>> -> memref<!tpu.dma_semaphore, #tpu.memory_space<semaphore_mem>>
    tpu.wait_indirect_dma semaphore(%dma_wait3A_1343 : memref<!tpu.dma_semaphore, #tpu.memory_space<semaphore_mem>>) src(%dma_wait3A_1341 : memref<1000000x64xf32, #tpu.memory_space<hbm>>) dst(%dma_wait3A_1336 : memref<512x64xf32, #tpu.memory_space<vmem>>)
    %add3A_1344 = arith.constant 11264 : i32
    %add3A_1345 = arith.addi %mul3A_2, %add3A_1344 : i32
    %dma_start3A_1346 = arith.constant 1 : i32
    %dma_start3A_1347 = arith.constant 1 : i32
    %dma_start3A_1348 = arith.constant 0 : i32
    %dma_start3A_1349 = arith.constant 0 : i32
    %dma_start3A_1350 = tpu.memref_slice %arg6[%dma_start3A_1346, %dma_start3A_1348, %dma_start3A_1349] : memref<3x512x64xf32, #tpu.memory_space<vmem>> -> memref<1x512x64xf32, #tpu.memory_space<vmem>>
    %dma_start3A_1351 = tpu.memref_squeeze %dma_start3A_1350 : memref<1x512x64xf32, #tpu.memory_space<vmem>> -> memref<512x64xf32, #tpu.memory_space<vmem>>
    %dma_start3A_1352 = arith.constant 0 : i32
    %dma_start3A_1353 = tpu.memref_slice %arg4[%add3A_1345, %dma_start3A_1352] : memref<819200x64xf32, #tpu.memory_space<hbm>> -> memref<512x64xf32, #tpu.memory_space<hbm>>
    %dma_start3A_1354 = tpu.memref_slice %arg8[%dma_start3A_1347] : memref<3x!tpu.dma_semaphore, #tpu.memory_space<semaphore_mem>> -> memref<1x!tpu.dma_semaphore, #tpu.memory_space<semaphore_mem>>
    %dma_start3A_1355 = tpu.memref_squeeze %dma_start3A_1354 : memref<1x!tpu.dma_semaphore, #tpu.memory_space<semaphore_mem>> -> memref<!tpu.dma_semaphore, #tpu.memory_space<semaphore_mem>>
    %dma_start3A_1356 = arith.constant 0 : i32
    %dma_start3A_1357 = tpu.memref_slice %arg4[%add3A_1345, %dma_start3A_1356] : memref<819200x64xf32, #tpu.memory_space<hbm>> -> memref<512x64xf32, #tpu.memory_space<hbm>>
    %dma_start3A_1358 = arith.constant 0 : i32
    %dma_start3A_1359 = arith.constant 0 : i32
    %dma_start3A_1360 = tpu.memref_slice %arg6[%dma_start3A_1346, %dma_start3A_1358, %dma_start3A_1359] : memref<3x512x64xf32, #tpu.memory_space<vmem>> -> memref<1x512x64xf32, #tpu.memory_space<vmem>>
    %dma_start3A_1361 = tpu.memref_squeeze %dma_start3A_1360 : memref<1x512x64xf32, #tpu.memory_space<vmem>> -> memref<512x64xf32, #tpu.memory_space<vmem>>
    tpu.enqueue_dma source(%dma_start3A_1361 : memref<512x64xf32, #tpu.memory_space<vmem>>) target(%dma_start3A_1357 : memref<512x64xf32, #tpu.memory_space<hbm>>) target_semaphore(%dma_start3A_1355 : memref<!tpu.dma_semaphore, #tpu.memory_space<semaphore_mem>>)
    %dma_wait3A_1362 = arith.constant 0 : i32
    %dma_wait3A_1363 = arith.constant 0 : i32
    %dma_wait3A_1364 = arith.constant 0 : i32
    %dma_wait3A_1365 = arith.constant 0 : i32
    %dma_wait3A_1366 = tpu.memref_slice %arg6[%dma_wait3A_1362, %dma_wait3A_1364, %dma_wait3A_1365] : memref<3x512x64xf32, #tpu.memory_space<vmem>> -> memref<1x512x64xf32, #tpu.memory_space<vmem>>
    %dma_wait3A_1367 = tpu.memref_squeeze %dma_wait3A_1366 : memref<1x512x64xf32, #tpu.memory_space<vmem>> -> memref<512x64xf32, #tpu.memory_space<vmem>>
    %dma_wait3A_1368 = arith.constant 0 : i32
    %dma_wait3A_1369 = tpu.memref_slice %arg4[%add3A_1285, %dma_wait3A_1368] : memref<819200x64xf32, #tpu.memory_space<hbm>> -> memref<512x64xf32, #tpu.memory_space<hbm>>
    %dma_wait3A_1370 = tpu.memref_slice %arg8[%dma_wait3A_1363] : memref<3x!tpu.dma_semaphore, #tpu.memory_space<semaphore_mem>> -> memref<1x!tpu.dma_semaphore, #tpu.memory_space<semaphore_mem>>
    %dma_wait3A_1371 = tpu.memref_squeeze %dma_wait3A_1370 : memref<1x!tpu.dma_semaphore, #tpu.memory_space<semaphore_mem>> -> memref<!tpu.dma_semaphore, #tpu.memory_space<semaphore_mem>>
    %dma_wait3A_1372 = arith.constant 0 : i32
    %dma_wait3A_1373 = tpu.memref_slice %arg4[%add3A_1285, %dma_wait3A_1372] : memref<819200x64xf32, #tpu.memory_space<hbm>> -> memref<512x64xf32, #tpu.memory_space<hbm>>
    %dma_wait3A_1374 = arith.constant 0 : i32
    %dma_wait3A_1375 = arith.constant 0 : i32
    %dma_wait3A_1376 = tpu.memref_slice %arg6[%dma_wait3A_1362, %dma_wait3A_1374, %dma_wait3A_1375] : memref<3x512x64xf32, #tpu.memory_space<vmem>> -> memref<1x512x64xf32, #tpu.memory_space<vmem>>
    %dma_wait3A_1377 = tpu.memref_squeeze %dma_wait3A_1376 : memref<1x512x64xf32, #tpu.memory_space<vmem>> -> memref<512x64xf32, #tpu.memory_space<vmem>>
    tpu.wait_dma2 semaphore(%dma_wait3A_1371 : memref<!tpu.dma_semaphore, #tpu.memory_space<semaphore_mem>>) src(%dma_wait3A_1377 : memref<512x64xf32, #tpu.memory_space<vmem>>) dst(%dma_wait3A_1373 : memref<512x64xf32, #tpu.memory_space<hbm>>)
    %dma_start3A_1378 = arith.constant 0 : i32
    %dma_start3A_1379 = arith.constant 0 : i32
    %dma_start3A_1380 = arith.constant 0 : i32
    %dma_start3A_1381 = arith.constant 0 : i32
    %dma_start3A_1382 = tpu.memref_slice %arg6[%dma_start3A_1378, %dma_start3A_1380, %dma_start3A_1381] : memref<3x512x64xf32, #tpu.memory_space<vmem>> -> memref<1x512x64xf32, #tpu.memory_space<vmem>>
    %dma_start3A_1383 = tpu.memref_squeeze %dma_start3A_1382 : memref<1x512x64xf32, #tpu.memory_space<vmem>> -> memref<512x64xf32, #tpu.memory_space<vmem>>
    %dma_start3A_1384 = arith.constant 12288 : i32
    %dma_start3A_1385 = tpu.memref_slice %arg5[%dma_start3A_1384] : memref<25600xi32, #tpu.memory_space<vmem>> -> memref<512xi32, #tpu.memory_space<vmem>>
    %dma_start3A_1386 = arith.constant 0 : i32
    %dma_start3A_1387 = arith.constant 0 : i32
    %dma_start3A_1388 = tpu.memref_slice %arg3[%dma_start3A_1386, %dma_start3A_1387] : memref<1000000x64xf32, #tpu.memory_space<hbm>> -> memref<1000000x64xf32, #tpu.memory_space<hbm>>
    %dma_start3A_1389 = tpu.memref_slice %arg7[%dma_start3A_1379] : memref<3x!tpu.dma_semaphore, #tpu.memory_space<semaphore_mem>> -> memref<1x!tpu.dma_semaphore, #tpu.memory_space<semaphore_mem>>
    %dma_start3A_1390 = tpu.memref_squeeze %dma_start3A_1389 : memref<1x!tpu.dma_semaphore, #tpu.memory_space<semaphore_mem>> -> memref<!tpu.dma_semaphore, #tpu.memory_space<semaphore_mem>>
    tpu.enqueue_indirect_dma source(%dma_start3A_1388 : memref<1000000x64xf32, #tpu.memory_space<hbm>>) target(%dma_start3A_1383 : memref<512x64xf32, #tpu.memory_space<vmem>>) offsets(%dma_start3A_1385 : memref<512xi32, #tpu.memory_space<vmem>>) semaphore(%dma_start3A_1390 : memref<!tpu.dma_semaphore, #tpu.memory_space<semaphore_mem>>)
    %dma_wait3A_1391 = arith.constant 2 : i32
    %dma_wait3A_1392 = arith.constant 2 : i32
    %dma_wait3A_1393 = arith.constant 0 : i32
    %dma_wait3A_1394 = arith.constant 0 : i32
    %dma_wait3A_1395 = tpu.memref_slice %arg6[%dma_wait3A_1391, %dma_wait3A_1393, %dma_wait3A_1394] : memref<3x512x64xf32, #tpu.memory_space<vmem>> -> memref<1x512x64xf32, #tpu.memory_space<vmem>>
    %dma_wait3A_1396 = tpu.memref_squeeze %dma_wait3A_1395 : memref<1x512x64xf32, #tpu.memory_space<vmem>> -> memref<512x64xf32, #tpu.memory_space<vmem>>
    %dma_wait3A_1397 = arith.constant 11776 : i32
    %dma_wait3A_1398 = tpu.memref_slice %arg5[%dma_wait3A_1397] : memref<25600xi32, #tpu.memory_space<vmem>> -> memref<512xi32, #tpu.memory_space<vmem>>
    %dma_wait3A_1399 = arith.constant 0 : i32
    %dma_wait3A_1400 = arith.constant 0 : i32
    %dma_wait3A_1401 = tpu.memref_slice %arg3[%dma_wait3A_1399, %dma_wait3A_1400] : memref<1000000x64xf32, #tpu.memory_space<hbm>> -> memref<1000000x64xf32, #tpu.memory_space<hbm>>
    %dma_wait3A_1402 = tpu.memref_slice %arg7[%dma_wait3A_1392] : memref<3x!tpu.dma_semaphore, #tpu.memory_space<semaphore_mem>> -> memref<1x!tpu.dma_semaphore, #tpu.memory_space<semaphore_mem>>
    %dma_wait3A_1403 = tpu.memref_squeeze %dma_wait3A_1402 : memref<1x!tpu.dma_semaphore, #tpu.memory_space<semaphore_mem>> -> memref<!tpu.dma_semaphore, #tpu.memory_space<semaphore_mem>>
    tpu.wait_indirect_dma semaphore(%dma_wait3A_1403 : memref<!tpu.dma_semaphore, #tpu.memory_space<semaphore_mem>>) src(%dma_wait3A_1401 : memref<1000000x64xf32, #tpu.memory_space<hbm>>) dst(%dma_wait3A_1396 : memref<512x64xf32, #tpu.memory_space<vmem>>)
    %add3A_1404 = arith.constant 11776 : i32
    %add3A_1405 = arith.addi %mul3A_2, %add3A_1404 : i32
    %dma_start3A_1406 = arith.constant 2 : i32
    %dma_start3A_1407 = arith.constant 2 : i32
    %dma_start3A_1408 = arith.constant 0 : i32
    %dma_start3A_1409 = arith.constant 0 : i32
    %dma_start3A_1410 = tpu.memref_slice %arg6[%dma_start3A_1406, %dma_start3A_1408, %dma_start3A_1409] : memref<3x512x64xf32, #tpu.memory_space<vmem>> -> memref<1x512x64xf32, #tpu.memory_space<vmem>>
    %dma_start3A_1411 = tpu.memref_squeeze %dma_start3A_1410 : memref<1x512x64xf32, #tpu.memory_space<vmem>> -> memref<512x64xf32, #tpu.memory_space<vmem>>
    %dma_start3A_1412 = arith.constant 0 : i32
    %dma_start3A_1413 = tpu.memref_slice %arg4[%add3A_1405, %dma_start3A_1412] : memref<819200x64xf32, #tpu.memory_space<hbm>> -> memref<512x64xf32, #tpu.memory_space<hbm>>
    %dma_start3A_1414 = tpu.memref_slice %arg8[%dma_start3A_1407] : memref<3x!tpu.dma_semaphore, #tpu.memory_space<semaphore_mem>> -> memref<1x!tpu.dma_semaphore, #tpu.memory_space<semaphore_mem>>
    %dma_start3A_1415 = tpu.memref_squeeze %dma_start3A_1414 : memref<1x!tpu.dma_semaphore, #tpu.memory_space<semaphore_mem>> -> memref<!tpu.dma_semaphore, #tpu.memory_space<semaphore_mem>>
    %dma_start3A_1416 = arith.constant 0 : i32
    %dma_start3A_1417 = tpu.memref_slice %arg4[%add3A_1405, %dma_start3A_1416] : memref<819200x64xf32, #tpu.memory_space<hbm>> -> memref<512x64xf32, #tpu.memory_space<hbm>>
    %dma_start3A_1418 = arith.constant 0 : i32
    %dma_start3A_1419 = arith.constant 0 : i32
    %dma_start3A_1420 = tpu.memref_slice %arg6[%dma_start3A_1406, %dma_start3A_1418, %dma_start3A_1419] : memref<3x512x64xf32, #tpu.memory_space<vmem>> -> memref<1x512x64xf32, #tpu.memory_space<vmem>>
    %dma_start3A_1421 = tpu.memref_squeeze %dma_start3A_1420 : memref<1x512x64xf32, #tpu.memory_space<vmem>> -> memref<512x64xf32, #tpu.memory_space<vmem>>
    tpu.enqueue_dma source(%dma_start3A_1421 : memref<512x64xf32, #tpu.memory_space<vmem>>) target(%dma_start3A_1417 : memref<512x64xf32, #tpu.memory_space<hbm>>) target_semaphore(%dma_start3A_1415 : memref<!tpu.dma_semaphore, #tpu.memory_space<semaphore_mem>>)
    %dma_wait3A_1422 = arith.constant 1 : i32
    %dma_wait3A_1423 = arith.constant 1 : i32
    %dma_wait3A_1424 = arith.constant 0 : i32
    %dma_wait3A_1425 = arith.constant 0 : i32
    %dma_wait3A_1426 = tpu.memref_slice %arg6[%dma_wait3A_1422, %dma_wait3A_1424, %dma_wait3A_1425] : memref<3x512x64xf32, #tpu.memory_space<vmem>> -> memref<1x512x64xf32, #tpu.memory_space<vmem>>
    %dma_wait3A_1427 = tpu.memref_squeeze %dma_wait3A_1426 : memref<1x512x64xf32, #tpu.memory_space<vmem>> -> memref<512x64xf32, #tpu.memory_space<vmem>>
    %dma_wait3A_1428 = arith.constant 0 : i32
    %dma_wait3A_1429 = tpu.memref_slice %arg4[%add3A_1345, %dma_wait3A_1428] : memref<819200x64xf32, #tpu.memory_space<hbm>> -> memref<512x64xf32, #tpu.memory_space<hbm>>
    %dma_wait3A_1430 = tpu.memref_slice %arg8[%dma_wait3A_1423] : memref<3x!tpu.dma_semaphore, #tpu.memory_space<semaphore_mem>> -> memref<1x!tpu.dma_semaphore, #tpu.memory_space<semaphore_mem>>
    %dma_wait3A_1431 = tpu.memref_squeeze %dma_wait3A_1430 : memref<1x!tpu.dma_semaphore, #tpu.memory_space<semaphore_mem>> -> memref<!tpu.dma_semaphore, #tpu.memory_space<semaphore_mem>>
    %dma_wait3A_1432 = arith.constant 0 : i32
    %dma_wait3A_1433 = tpu.memref_slice %arg4[%add3A_1345, %dma_wait3A_1432] : memref<819200x64xf32, #tpu.memory_space<hbm>> -> memref<512x64xf32, #tpu.memory_space<hbm>>
    %dma_wait3A_1434 = arith.constant 0 : i32
    %dma_wait3A_1435 = arith.constant 0 : i32
    %dma_wait3A_1436 = tpu.memref_slice %arg6[%dma_wait3A_1422, %dma_wait3A_1434, %dma_wait3A_1435] : memref<3x512x64xf32, #tpu.memory_space<vmem>> -> memref<1x512x64xf32, #tpu.memory_space<vmem>>
    %dma_wait3A_1437 = tpu.memref_squeeze %dma_wait3A_1436 : memref<1x512x64xf32, #tpu.memory_space<vmem>> -> memref<512x64xf32, #tpu.memory_space<vmem>>
    tpu.wait_dma2 semaphore(%dma_wait3A_1431 : memref<!tpu.dma_semaphore, #tpu.memory_space<semaphore_mem>>) src(%dma_wait3A_1437 : memref<512x64xf32, #tpu.memory_space<vmem>>) dst(%dma_wait3A_1433 : memref<512x64xf32, #tpu.memory_space<hbm>>)
    %dma_start3A_1438 = arith.constant 1 : i32
    %dma_start3A_1439 = arith.constant 1 : i32
    %dma_start3A_1440 = arith.constant 0 : i32
    %dma_start3A_1441 = arith.constant 0 : i32
    %dma_start3A_1442 = tpu.memref_slice %arg6[%dma_start3A_1438, %dma_start3A_1440, %dma_start3A_1441] : memref<3x512x64xf32, #tpu.memory_space<vmem>> -> memref<1x512x64xf32, #tpu.memory_space<vmem>>
    %dma_start3A_1443 = tpu.memref_squeeze %dma_start3A_1442 : memref<1x512x64xf32, #tpu.memory_space<vmem>> -> memref<512x64xf32, #tpu.memory_space<vmem>>
    %dma_start3A_1444 = arith.constant 12800 : i32
    %dma_start3A_1445 = tpu.memref_slice %arg5[%dma_start3A_1444] : memref<25600xi32, #tpu.memory_space<vmem>> -> memref<512xi32, #tpu.memory_space<vmem>>
    %dma_start3A_1446 = arith.constant 0 : i32
    %dma_start3A_1447 = arith.constant 0 : i32
    %dma_start3A_1448 = tpu.memref_slice %arg3[%dma_start3A_1446, %dma_start3A_1447] : memref<1000000x64xf32, #tpu.memory_space<hbm>> -> memref<1000000x64xf32, #tpu.memory_space<hbm>>
    %dma_start3A_1449 = tpu.memref_slice %arg7[%dma_start3A_1439] : memref<3x!tpu.dma_semaphore, #tpu.memory_space<semaphore_mem>> -> memref<1x!tpu.dma_semaphore, #tpu.memory_space<semaphore_mem>>
    %dma_start3A_1450 = tpu.memref_squeeze %dma_start3A_1449 : memref<1x!tpu.dma_semaphore, #tpu.memory_space<semaphore_mem>> -> memref<!tpu.dma_semaphore, #tpu.memory_space<semaphore_mem>>
    tpu.enqueue_indirect_dma source(%dma_start3A_1448 : memref<1000000x64xf32, #tpu.memory_space<hbm>>) target(%dma_start3A_1443 : memref<512x64xf32, #tpu.memory_space<vmem>>) offsets(%dma_start3A_1445 : memref<512xi32, #tpu.memory_space<vmem>>) semaphore(%dma_start3A_1450 : memref<!tpu.dma_semaphore, #tpu.memory_space<semaphore_mem>>)
    %dma_wait3A_1451 = arith.constant 0 : i32
    %dma_wait3A_1452 = arith.constant 0 : i32
    %dma_wait3A_1453 = arith.constant 0 : i32
    %dma_wait3A_1454 = arith.constant 0 : i32
    %dma_wait3A_1455 = tpu.memref_slice %arg6[%dma_wait3A_1451, %dma_wait3A_1453, %dma_wait3A_1454] : memref<3x512x64xf32, #tpu.memory_space<vmem>> -> memref<1x512x64xf32, #tpu.memory_space<vmem>>
    %dma_wait3A_1456 = tpu.memref_squeeze %dma_wait3A_1455 : memref<1x512x64xf32, #tpu.memory_space<vmem>> -> memref<512x64xf32, #tpu.memory_space<vmem>>
    %dma_wait3A_1457 = arith.constant 12288 : i32
    %dma_wait3A_1458 = tpu.memref_slice %arg5[%dma_wait3A_1457] : memref<25600xi32, #tpu.memory_space<vmem>> -> memref<512xi32, #tpu.memory_space<vmem>>
    %dma_wait3A_1459 = arith.constant 0 : i32
    %dma_wait3A_1460 = arith.constant 0 : i32
    %dma_wait3A_1461 = tpu.memref_slice %arg3[%dma_wait3A_1459, %dma_wait3A_1460] : memref<1000000x64xf32, #tpu.memory_space<hbm>> -> memref<1000000x64xf32, #tpu.memory_space<hbm>>
    %dma_wait3A_1462 = tpu.memref_slice %arg7[%dma_wait3A_1452] : memref<3x!tpu.dma_semaphore, #tpu.memory_space<semaphore_mem>> -> memref<1x!tpu.dma_semaphore, #tpu.memory_space<semaphore_mem>>
    %dma_wait3A_1463 = tpu.memref_squeeze %dma_wait3A_1462 : memref<1x!tpu.dma_semaphore, #tpu.memory_space<semaphore_mem>> -> memref<!tpu.dma_semaphore, #tpu.memory_space<semaphore_mem>>
    tpu.wait_indirect_dma semaphore(%dma_wait3A_1463 : memref<!tpu.dma_semaphore, #tpu.memory_space<semaphore_mem>>) src(%dma_wait3A_1461 : memref<1000000x64xf32, #tpu.memory_space<hbm>>) dst(%dma_wait3A_1456 : memref<512x64xf32, #tpu.memory_space<vmem>>)
    %add3A_1464 = arith.constant 12288 : i32
    %add3A_1465 = arith.addi %mul3A_2, %add3A_1464 : i32
    %dma_start3A_1466 = arith.constant 0 : i32
    %dma_start3A_1467 = arith.constant 0 : i32
    %dma_start3A_1468 = arith.constant 0 : i32
    %dma_start3A_1469 = arith.constant 0 : i32
    %dma_start3A_1470 = tpu.memref_slice %arg6[%dma_start3A_1466, %dma_start3A_1468, %dma_start3A_1469] : memref<3x512x64xf32, #tpu.memory_space<vmem>> -> memref<1x512x64xf32, #tpu.memory_space<vmem>>
    %dma_start3A_1471 = tpu.memref_squeeze %dma_start3A_1470 : memref<1x512x64xf32, #tpu.memory_space<vmem>> -> memref<512x64xf32, #tpu.memory_space<vmem>>
    %dma_start3A_1472 = arith.constant 0 : i32
    %dma_start3A_1473 = tpu.memref_slice %arg4[%add3A_1465, %dma_start3A_1472] : memref<819200x64xf32, #tpu.memory_space<hbm>> -> memref<512x64xf32, #tpu.memory_space<hbm>>
    %dma_start3A_1474 = tpu.memref_slice %arg8[%dma_start3A_1467] : memref<3x!tpu.dma_semaphore, #tpu.memory_space<semaphore_mem>> -> memref<1x!tpu.dma_semaphore, #tpu.memory_space<semaphore_mem>>
    %dma_start3A_1475 = tpu.memref_squeeze %dma_start3A_1474 : memref<1x!tpu.dma_semaphore, #tpu.memory_space<semaphore_mem>> -> memref<!tpu.dma_semaphore, #tpu.memory_space<semaphore_mem>>
    %dma_start3A_1476 = arith.constant 0 : i32
    %dma_start3A_1477 = tpu.memref_slice %arg4[%add3A_1465, %dma_start3A_1476] : memref<819200x64xf32, #tpu.memory_space<hbm>> -> memref<512x64xf32, #tpu.memory_space<hbm>>
    %dma_start3A_1478 = arith.constant 0 : i32
    %dma_start3A_1479 = arith.constant 0 : i32
    %dma_start3A_1480 = tpu.memref_slice %arg6[%dma_start3A_1466, %dma_start3A_1478, %dma_start3A_1479] : memref<3x512x64xf32, #tpu.memory_space<vmem>> -> memref<1x512x64xf32, #tpu.memory_space<vmem>>
    %dma_start3A_1481 = tpu.memref_squeeze %dma_start3A_1480 : memref<1x512x64xf32, #tpu.memory_space<vmem>> -> memref<512x64xf32, #tpu.memory_space<vmem>>
    tpu.enqueue_dma source(%dma_start3A_1481 : memref<512x64xf32, #tpu.memory_space<vmem>>) target(%dma_start3A_1477 : memref<512x64xf32, #tpu.memory_space<hbm>>) target_semaphore(%dma_start3A_1475 : memref<!tpu.dma_semaphore, #tpu.memory_space<semaphore_mem>>)
    %dma_wait3A_1482 = arith.constant 2 : i32
    %dma_wait3A_1483 = arith.constant 2 : i32
    %dma_wait3A_1484 = arith.constant 0 : i32
    %dma_wait3A_1485 = arith.constant 0 : i32
    %dma_wait3A_1486 = tpu.memref_slice %arg6[%dma_wait3A_1482, %dma_wait3A_1484, %dma_wait3A_1485] : memref<3x512x64xf32, #tpu.memory_space<vmem>> -> memref<1x512x64xf32, #tpu.memory_space<vmem>>
    %dma_wait3A_1487 = tpu.memref_squeeze %dma_wait3A_1486 : memref<1x512x64xf32, #tpu.memory_space<vmem>> -> memref<512x64xf32, #tpu.memory_space<vmem>>
    %dma_wait3A_1488 = arith.constant 0 : i32
    %dma_wait3A_1489 = tpu.memref_slice %arg4[%add3A_1405, %dma_wait3A_1488] : memref<819200x64xf32, #tpu.memory_space<hbm>> -> memref<512x64xf32, #tpu.memory_space<hbm>>
    %dma_wait3A_1490 = tpu.memref_slice %arg8[%dma_wait3A_1483] : memref<3x!tpu.dma_semaphore, #tpu.memory_space<semaphore_mem>> -> memref<1x!tpu.dma_semaphore, #tpu.memory_space<semaphore_mem>>
    %dma_wait3A_1491 = tpu.memref_squeeze %dma_wait3A_1490 : memref<1x!tpu.dma_semaphore, #tpu.memory_space<semaphore_mem>> -> memref<!tpu.dma_semaphore, #tpu.memory_space<semaphore_mem>>
    %dma_wait3A_1492 = arith.constant 0 : i32
    %dma_wait3A_1493 = tpu.memref_slice %arg4[%add3A_1405, %dma_wait3A_1492] : memref<819200x64xf32, #tpu.memory_space<hbm>> -> memref<512x64xf32, #tpu.memory_space<hbm>>
    %dma_wait3A_1494 = arith.constant 0 : i32
    %dma_wait3A_1495 = arith.constant 0 : i32
    %dma_wait3A_1496 = tpu.memref_slice %arg6[%dma_wait3A_1482, %dma_wait3A_1494, %dma_wait3A_1495] : memref<3x512x64xf32, #tpu.memory_space<vmem>> -> memref<1x512x64xf32, #tpu.memory_space<vmem>>
    %dma_wait3A_1497 = tpu.memref_squeeze %dma_wait3A_1496 : memref<1x512x64xf32, #tpu.memory_space<vmem>> -> memref<512x64xf32, #tpu.memory_space<vmem>>
    tpu.wait_dma2 semaphore(%dma_wait3A_1491 : memref<!tpu.dma_semaphore, #tpu.memory_space<semaphore_mem>>) src(%dma_wait3A_1497 : memref<512x64xf32, #tpu.memory_space<vmem>>) dst(%dma_wait3A_1493 : memref<512x64xf32, #tpu.memory_space<hbm>>)
    %dma_start3A_1498 = arith.constant 2 : i32
    %dma_start3A_1499 = arith.constant 2 : i32
    %dma_start3A_1500 = arith.constant 0 : i32
    %dma_start3A_1501 = arith.constant 0 : i32
    %dma_start3A_1502 = tpu.memref_slice %arg6[%dma_start3A_1498, %dma_start3A_1500, %dma_start3A_1501] : memref<3x512x64xf32, #tpu.memory_space<vmem>> -> memref<1x512x64xf32, #tpu.memory_space<vmem>>
    %dma_start3A_1503 = tpu.memref_squeeze %dma_start3A_1502 : memref<1x512x64xf32, #tpu.memory_space<vmem>> -> memref<512x64xf32, #tpu.memory_space<vmem>>
    %dma_start3A_1504 = arith.constant 13312 : i32
    %dma_start3A_1505 = tpu.memref_slice %arg5[%dma_start3A_1504] : memref<25600xi32, #tpu.memory_space<vmem>> -> memref<512xi32, #tpu.memory_space<vmem>>
    %dma_start3A_1506 = arith.constant 0 : i32
    %dma_start3A_1507 = arith.constant 0 : i32
    %dma_start3A_1508 = tpu.memref_slice %arg3[%dma_start3A_1506, %dma_start3A_1507] : memref<1000000x64xf32, #tpu.memory_space<hbm>> -> memref<1000000x64xf32, #tpu.memory_space<hbm>>
    %dma_start3A_1509 = tpu.memref_slice %arg7[%dma_start3A_1499] : memref<3x!tpu.dma_semaphore, #tpu.memory_space<semaphore_mem>> -> memref<1x!tpu.dma_semaphore, #tpu.memory_space<semaphore_mem>>
    %dma_start3A_1510 = tpu.memref_squeeze %dma_start3A_1509 : memref<1x!tpu.dma_semaphore, #tpu.memory_space<semaphore_mem>> -> memref<!tpu.dma_semaphore, #tpu.memory_space<semaphore_mem>>
    tpu.enqueue_indirect_dma source(%dma_start3A_1508 : memref<1000000x64xf32, #tpu.memory_space<hbm>>) target(%dma_start3A_1503 : memref<512x64xf32, #tpu.memory_space<vmem>>) offsets(%dma_start3A_1505 : memref<512xi32, #tpu.memory_space<vmem>>) semaphore(%dma_start3A_1510 : memref<!tpu.dma_semaphore, #tpu.memory_space<semaphore_mem>>)
    %dma_wait3A_1511 = arith.constant 1 : i32
    %dma_wait3A_1512 = arith.constant 1 : i32
    %dma_wait3A_1513 = arith.constant 0 : i32
    %dma_wait3A_1514 = arith.constant 0 : i32
    %dma_wait3A_1515 = tpu.memref_slice %arg6[%dma_wait3A_1511, %dma_wait3A_1513, %dma_wait3A_1514] : memref<3x512x64xf32, #tpu.memory_space<vmem>> -> memref<1x512x64xf32, #tpu.memory_space<vmem>>
    %dma_wait3A_1516 = tpu.memref_squeeze %dma_wait3A_1515 : memref<1x512x64xf32, #tpu.memory_space<vmem>> -> memref<512x64xf32, #tpu.memory_space<vmem>>
    %dma_wait3A_1517 = arith.constant 12800 : i32
    %dma_wait3A_1518 = tpu.memref_slice %arg5[%dma_wait3A_1517] : memref<25600xi32, #tpu.memory_space<vmem>> -> memref<512xi32, #tpu.memory_space<vmem>>
    %dma_wait3A_1519 = arith.constant 0 : i32
    %dma_wait3A_1520 = arith.constant 0 : i32
    %dma_wait3A_1521 = tpu.memref_slice %arg3[%dma_wait3A_1519, %dma_wait3A_1520] : memref<1000000x64xf32, #tpu.memory_space<hbm>> -> memref<1000000x64xf32, #tpu.memory_space<hbm>>
    %dma_wait3A_1522 = tpu.memref_slice %arg7[%dma_wait3A_1512] : memref<3x!tpu.dma_semaphore, #tpu.memory_space<semaphore_mem>> -> memref<1x!tpu.dma_semaphore, #tpu.memory_space<semaphore_mem>>
    %dma_wait3A_1523 = tpu.memref_squeeze %dma_wait3A_1522 : memref<1x!tpu.dma_semaphore, #tpu.memory_space<semaphore_mem>> -> memref<!tpu.dma_semaphore, #tpu.memory_space<semaphore_mem>>
    tpu.wait_indirect_dma semaphore(%dma_wait3A_1523 : memref<!tpu.dma_semaphore, #tpu.memory_space<semaphore_mem>>) src(%dma_wait3A_1521 : memref<1000000x64xf32, #tpu.memory_space<hbm>>) dst(%dma_wait3A_1516 : memref<512x64xf32, #tpu.memory_space<vmem>>)
    %add3A_1524 = arith.constant 12800 : i32
    %add3A_1525 = arith.addi %mul3A_2, %add3A_1524 : i32
    %dma_start3A_1526 = arith.constant 1 : i32
    %dma_start3A_1527 = arith.constant 1 : i32
    %dma_start3A_1528 = arith.constant 0 : i32
    %dma_start3A_1529 = arith.constant 0 : i32
    %dma_start3A_1530 = tpu.memref_slice %arg6[%dma_start3A_1526, %dma_start3A_1528, %dma_start3A_1529] : memref<3x512x64xf32, #tpu.memory_space<vmem>> -> memref<1x512x64xf32, #tpu.memory_space<vmem>>
    %dma_start3A_1531 = tpu.memref_squeeze %dma_start3A_1530 : memref<1x512x64xf32, #tpu.memory_space<vmem>> -> memref<512x64xf32, #tpu.memory_space<vmem>>
    %dma_start3A_1532 = arith.constant 0 : i32
    %dma_start3A_1533 = tpu.memref_slice %arg4[%add3A_1525, %dma_start3A_1532] : memref<819200x64xf32, #tpu.memory_space<hbm>> -> memref<512x64xf32, #tpu.memory_space<hbm>>
    %dma_start3A_1534 = tpu.memref_slice %arg8[%dma_start3A_1527] : memref<3x!tpu.dma_semaphore, #tpu.memory_space<semaphore_mem>> -> memref<1x!tpu.dma_semaphore, #tpu.memory_space<semaphore_mem>>
    %dma_start3A_1535 = tpu.memref_squeeze %dma_start3A_1534 : memref<1x!tpu.dma_semaphore, #tpu.memory_space<semaphore_mem>> -> memref<!tpu.dma_semaphore, #tpu.memory_space<semaphore_mem>>
    %dma_start3A_1536 = arith.constant 0 : i32
    %dma_start3A_1537 = tpu.memref_slice %arg4[%add3A_1525, %dma_start3A_1536] : memref<819200x64xf32, #tpu.memory_space<hbm>> -> memref<512x64xf32, #tpu.memory_space<hbm>>
    %dma_start3A_1538 = arith.constant 0 : i32
    %dma_start3A_1539 = arith.constant 0 : i32
    %dma_start3A_1540 = tpu.memref_slice %arg6[%dma_start3A_1526, %dma_start3A_1538, %dma_start3A_1539] : memref<3x512x64xf32, #tpu.memory_space<vmem>> -> memref<1x512x64xf32, #tpu.memory_space<vmem>>
    %dma_start3A_1541 = tpu.memref_squeeze %dma_start3A_1540 : memref<1x512x64xf32, #tpu.memory_space<vmem>> -> memref<512x64xf32, #tpu.memory_space<vmem>>
    tpu.enqueue_dma source(%dma_start3A_1541 : memref<512x64xf32, #tpu.memory_space<vmem>>) target(%dma_start3A_1537 : memref<512x64xf32, #tpu.memory_space<hbm>>) target_semaphore(%dma_start3A_1535 : memref<!tpu.dma_semaphore, #tpu.memory_space<semaphore_mem>>)
    %dma_wait3A_1542 = arith.constant 0 : i32
    %dma_wait3A_1543 = arith.constant 0 : i32
    %dma_wait3A_1544 = arith.constant 0 : i32
    %dma_wait3A_1545 = arith.constant 0 : i32
    %dma_wait3A_1546 = tpu.memref_slice %arg6[%dma_wait3A_1542, %dma_wait3A_1544, %dma_wait3A_1545] : memref<3x512x64xf32, #tpu.memory_space<vmem>> -> memref<1x512x64xf32, #tpu.memory_space<vmem>>
    %dma_wait3A_1547 = tpu.memref_squeeze %dma_wait3A_1546 : memref<1x512x64xf32, #tpu.memory_space<vmem>> -> memref<512x64xf32, #tpu.memory_space<vmem>>
    %dma_wait3A_1548 = arith.constant 0 : i32
    %dma_wait3A_1549 = tpu.memref_slice %arg4[%add3A_1465, %dma_wait3A_1548] : memref<819200x64xf32, #tpu.memory_space<hbm>> -> memref<512x64xf32, #tpu.memory_space<hbm>>
    %dma_wait3A_1550 = tpu.memref_slice %arg8[%dma_wait3A_1543] : memref<3x!tpu.dma_semaphore, #tpu.memory_space<semaphore_mem>> -> memref<1x!tpu.dma_semaphore, #tpu.memory_space<semaphore_mem>>
    %dma_wait3A_1551 = tpu.memref_squeeze %dma_wait3A_1550 : memref<1x!tpu.dma_semaphore, #tpu.memory_space<semaphore_mem>> -> memref<!tpu.dma_semaphore, #tpu.memory_space<semaphore_mem>>
    %dma_wait3A_1552 = arith.constant 0 : i32
    %dma_wait3A_1553 = tpu.memref_slice %arg4[%add3A_1465, %dma_wait3A_1552] : memref<819200x64xf32, #tpu.memory_space<hbm>> -> memref<512x64xf32, #tpu.memory_space<hbm>>
    %dma_wait3A_1554 = arith.constant 0 : i32
    %dma_wait3A_1555 = arith.constant 0 : i32
    %dma_wait3A_1556 = tpu.memref_slice %arg6[%dma_wait3A_1542, %dma_wait3A_1554, %dma_wait3A_1555] : memref<3x512x64xf32, #tpu.memory_space<vmem>> -> memref<1x512x64xf32, #tpu.memory_space<vmem>>
    %dma_wait3A_1557 = tpu.memref_squeeze %dma_wait3A_1556 : memref<1x512x64xf32, #tpu.memory_space<vmem>> -> memref<512x64xf32, #tpu.memory_space<vmem>>
    tpu.wait_dma2 semaphore(%dma_wait3A_1551 : memref<!tpu.dma_semaphore, #tpu.memory_space<semaphore_mem>>) src(%dma_wait3A_1557 : memref<512x64xf32, #tpu.memory_space<vmem>>) dst(%dma_wait3A_1553 : memref<512x64xf32, #tpu.memory_space<hbm>>)
    %dma_start3A_1558 = arith.constant 0 : i32
    %dma_start3A_1559 = arith.constant 0 : i32
    %dma_start3A_1560 = arith.constant 0 : i32
    %dma_start3A_1561 = arith.constant 0 : i32
    %dma_start3A_1562 = tpu.memref_slice %arg6[%dma_start3A_1558, %dma_start3A_1560, %dma_start3A_1561] : memref<3x512x64xf32, #tpu.memory_space<vmem>> -> memref<1x512x64xf32, #tpu.memory_space<vmem>>
    %dma_start3A_1563 = tpu.memref_squeeze %dma_start3A_1562 : memref<1x512x64xf32, #tpu.memory_space<vmem>> -> memref<512x64xf32, #tpu.memory_space<vmem>>
    %dma_start3A_1564 = arith.constant 13824 : i32
    %dma_start3A_1565 = tpu.memref_slice %arg5[%dma_start3A_1564] : memref<25600xi32, #tpu.memory_space<vmem>> -> memref<512xi32, #tpu.memory_space<vmem>>
    %dma_start3A_1566 = arith.constant 0 : i32
    %dma_start3A_1567 = arith.constant 0 : i32
    %dma_start3A_1568 = tpu.memref_slice %arg3[%dma_start3A_1566, %dma_start3A_1567] : memref<1000000x64xf32, #tpu.memory_space<hbm>> -> memref<1000000x64xf32, #tpu.memory_space<hbm>>
    %dma_start3A_1569 = tpu.memref_slice %arg7[%dma_start3A_1559] : memref<3x!tpu.dma_semaphore, #tpu.memory_space<semaphore_mem>> -> memref<1x!tpu.dma_semaphore, #tpu.memory_space<semaphore_mem>>
    %dma_start3A_1570 = tpu.memref_squeeze %dma_start3A_1569 : memref<1x!tpu.dma_semaphore, #tpu.memory_space<semaphore_mem>> -> memref<!tpu.dma_semaphore, #tpu.memory_space<semaphore_mem>>
    tpu.enqueue_indirect_dma source(%dma_start3A_1568 : memref<1000000x64xf32, #tpu.memory_space<hbm>>) target(%dma_start3A_1563 : memref<512x64xf32, #tpu.memory_space<vmem>>) offsets(%dma_start3A_1565 : memref<512xi32, #tpu.memory_space<vmem>>) semaphore(%dma_start3A_1570 : memref<!tpu.dma_semaphore, #tpu.memory_space<semaphore_mem>>)
    %dma_wait3A_1571 = arith.constant 2 : i32
    %dma_wait3A_1572 = arith.constant 2 : i32
    %dma_wait3A_1573 = arith.constant 0 : i32
    %dma_wait3A_1574 = arith.constant 0 : i32
    %dma_wait3A_1575 = tpu.memref_slice %arg6[%dma_wait3A_1571, %dma_wait3A_1573, %dma_wait3A_1574] : memref<3x512x64xf32, #tpu.memory_space<vmem>> -> memref<1x512x64xf32, #tpu.memory_space<vmem>>
    %dma_wait3A_1576 = tpu.memref_squeeze %dma_wait3A_1575 : memref<1x512x64xf32, #tpu.memory_space<vmem>> -> memref<512x64xf32, #tpu.memory_space<vmem>>
    %dma_wait3A_1577 = arith.constant 13312 : i32
    %dma_wait3A_1578 = tpu.memref_slice %arg5[%dma_wait3A_1577] : memref<25600xi32, #tpu.memory_space<vmem>> -> memref<512xi32, #tpu.memory_space<vmem>>
    %dma_wait3A_1579 = arith.constant 0 : i32
    %dma_wait3A_1580 = arith.constant 0 : i32
    %dma_wait3A_1581 = tpu.memref_slice %arg3[%dma_wait3A_1579, %dma_wait3A_1580] : memref<1000000x64xf32, #tpu.memory_space<hbm>> -> memref<1000000x64xf32, #tpu.memory_space<hbm>>
    %dma_wait3A_1582 = tpu.memref_slice %arg7[%dma_wait3A_1572] : memref<3x!tpu.dma_semaphore, #tpu.memory_space<semaphore_mem>> -> memref<1x!tpu.dma_semaphore, #tpu.memory_space<semaphore_mem>>
    %dma_wait3A_1583 = tpu.memref_squeeze %dma_wait3A_1582 : memref<1x!tpu.dma_semaphore, #tpu.memory_space<semaphore_mem>> -> memref<!tpu.dma_semaphore, #tpu.memory_space<semaphore_mem>>
    tpu.wait_indirect_dma semaphore(%dma_wait3A_1583 : memref<!tpu.dma_semaphore, #tpu.memory_space<semaphore_mem>>) src(%dma_wait3A_1581 : memref<1000000x64xf32, #tpu.memory_space<hbm>>) dst(%dma_wait3A_1576 : memref<512x64xf32, #tpu.memory_space<vmem>>)
    %add3A_1584 = arith.constant 13312 : i32
    %add3A_1585 = arith.addi %mul3A_2, %add3A_1584 : i32
    %dma_start3A_1586 = arith.constant 2 : i32
    %dma_start3A_1587 = arith.constant 2 : i32
    %dma_start3A_1588 = arith.constant 0 : i32
    %dma_start3A_1589 = arith.constant 0 : i32
    %dma_start3A_1590 = tpu.memref_slice %arg6[%dma_start3A_1586, %dma_start3A_1588, %dma_start3A_1589] : memref<3x512x64xf32, #tpu.memory_space<vmem>> -> memref<1x512x64xf32, #tpu.memory_space<vmem>>
    %dma_start3A_1591 = tpu.memref_squeeze %dma_start3A_1590 : memref<1x512x64xf32, #tpu.memory_space<vmem>> -> memref<512x64xf32, #tpu.memory_space<vmem>>
    %dma_start3A_1592 = arith.constant 0 : i32
    %dma_start3A_1593 = tpu.memref_slice %arg4[%add3A_1585, %dma_start3A_1592] : memref<819200x64xf32, #tpu.memory_space<hbm>> -> memref<512x64xf32, #tpu.memory_space<hbm>>
    %dma_start3A_1594 = tpu.memref_slice %arg8[%dma_start3A_1587] : memref<3x!tpu.dma_semaphore, #tpu.memory_space<semaphore_mem>> -> memref<1x!tpu.dma_semaphore, #tpu.memory_space<semaphore_mem>>
    %dma_start3A_1595 = tpu.memref_squeeze %dma_start3A_1594 : memref<1x!tpu.dma_semaphore, #tpu.memory_space<semaphore_mem>> -> memref<!tpu.dma_semaphore, #tpu.memory_space<semaphore_mem>>
    %dma_start3A_1596 = arith.constant 0 : i32
    %dma_start3A_1597 = tpu.memref_slice %arg4[%add3A_1585, %dma_start3A_1596] : memref<819200x64xf32, #tpu.memory_space<hbm>> -> memref<512x64xf32, #tpu.memory_space<hbm>>
    %dma_start3A_1598 = arith.constant 0 : i32
    %dma_start3A_1599 = arith.constant 0 : i32
    %dma_start3A_1600 = tpu.memref_slice %arg6[%dma_start3A_1586, %dma_start3A_1598, %dma_start3A_1599] : memref<3x512x64xf32, #tpu.memory_space<vmem>> -> memref<1x512x64xf32, #tpu.memory_space<vmem>>
    %dma_start3A_1601 = tpu.memref_squeeze %dma_start3A_1600 : memref<1x512x64xf32, #tpu.memory_space<vmem>> -> memref<512x64xf32, #tpu.memory_space<vmem>>
    tpu.enqueue_dma source(%dma_start3A_1601 : memref<512x64xf32, #tpu.memory_space<vmem>>) target(%dma_start3A_1597 : memref<512x64xf32, #tpu.memory_space<hbm>>) target_semaphore(%dma_start3A_1595 : memref<!tpu.dma_semaphore, #tpu.memory_space<semaphore_mem>>)
    %dma_wait3A_1602 = arith.constant 1 : i32
    %dma_wait3A_1603 = arith.constant 1 : i32
    %dma_wait3A_1604 = arith.constant 0 : i32
    %dma_wait3A_1605 = arith.constant 0 : i32
    %dma_wait3A_1606 = tpu.memref_slice %arg6[%dma_wait3A_1602, %dma_wait3A_1604, %dma_wait3A_1605] : memref<3x512x64xf32, #tpu.memory_space<vmem>> -> memref<1x512x64xf32, #tpu.memory_space<vmem>>
    %dma_wait3A_1607 = tpu.memref_squeeze %dma_wait3A_1606 : memref<1x512x64xf32, #tpu.memory_space<vmem>> -> memref<512x64xf32, #tpu.memory_space<vmem>>
    %dma_wait3A_1608 = arith.constant 0 : i32
    %dma_wait3A_1609 = tpu.memref_slice %arg4[%add3A_1525, %dma_wait3A_1608] : memref<819200x64xf32, #tpu.memory_space<hbm>> -> memref<512x64xf32, #tpu.memory_space<hbm>>
    %dma_wait3A_1610 = tpu.memref_slice %arg8[%dma_wait3A_1603] : memref<3x!tpu.dma_semaphore, #tpu.memory_space<semaphore_mem>> -> memref<1x!tpu.dma_semaphore, #tpu.memory_space<semaphore_mem>>
    %dma_wait3A_1611 = tpu.memref_squeeze %dma_wait3A_1610 : memref<1x!tpu.dma_semaphore, #tpu.memory_space<semaphore_mem>> -> memref<!tpu.dma_semaphore, #tpu.memory_space<semaphore_mem>>
    %dma_wait3A_1612 = arith.constant 0 : i32
    %dma_wait3A_1613 = tpu.memref_slice %arg4[%add3A_1525, %dma_wait3A_1612] : memref<819200x64xf32, #tpu.memory_space<hbm>> -> memref<512x64xf32, #tpu.memory_space<hbm>>
    %dma_wait3A_1614 = arith.constant 0 : i32
    %dma_wait3A_1615 = arith.constant 0 : i32
    %dma_wait3A_1616 = tpu.memref_slice %arg6[%dma_wait3A_1602, %dma_wait3A_1614, %dma_wait3A_1615] : memref<3x512x64xf32, #tpu.memory_space<vmem>> -> memref<1x512x64xf32, #tpu.memory_space<vmem>>
    %dma_wait3A_1617 = tpu.memref_squeeze %dma_wait3A_1616 : memref<1x512x64xf32, #tpu.memory_space<vmem>> -> memref<512x64xf32, #tpu.memory_space<vmem>>
    tpu.wait_dma2 semaphore(%dma_wait3A_1611 : memref<!tpu.dma_semaphore, #tpu.memory_space<semaphore_mem>>) src(%dma_wait3A_1617 : memref<512x64xf32, #tpu.memory_space<vmem>>) dst(%dma_wait3A_1613 : memref<512x64xf32, #tpu.memory_space<hbm>>)
    %dma_start3A_1618 = arith.constant 1 : i32
    %dma_start3A_1619 = arith.constant 1 : i32
    %dma_start3A_1620 = arith.constant 0 : i32
    %dma_start3A_1621 = arith.constant 0 : i32
    %dma_start3A_1622 = tpu.memref_slice %arg6[%dma_start3A_1618, %dma_start3A_1620, %dma_start3A_1621] : memref<3x512x64xf32, #tpu.memory_space<vmem>> -> memref<1x512x64xf32, #tpu.memory_space<vmem>>
    %dma_start3A_1623 = tpu.memref_squeeze %dma_start3A_1622 : memref<1x512x64xf32, #tpu.memory_space<vmem>> -> memref<512x64xf32, #tpu.memory_space<vmem>>
    %dma_start3A_1624 = arith.constant 14336 : i32
    %dma_start3A_1625 = tpu.memref_slice %arg5[%dma_start3A_1624] : memref<25600xi32, #tpu.memory_space<vmem>> -> memref<512xi32, #tpu.memory_space<vmem>>
    %dma_start3A_1626 = arith.constant 0 : i32
    %dma_start3A_1627 = arith.constant 0 : i32
    %dma_start3A_1628 = tpu.memref_slice %arg3[%dma_start3A_1626, %dma_start3A_1627] : memref<1000000x64xf32, #tpu.memory_space<hbm>> -> memref<1000000x64xf32, #tpu.memory_space<hbm>>
    %dma_start3A_1629 = tpu.memref_slice %arg7[%dma_start3A_1619] : memref<3x!tpu.dma_semaphore, #tpu.memory_space<semaphore_mem>> -> memref<1x!tpu.dma_semaphore, #tpu.memory_space<semaphore_mem>>
    %dma_start3A_1630 = tpu.memref_squeeze %dma_start3A_1629 : memref<1x!tpu.dma_semaphore, #tpu.memory_space<semaphore_mem>> -> memref<!tpu.dma_semaphore, #tpu.memory_space<semaphore_mem>>
    tpu.enqueue_indirect_dma source(%dma_start3A_1628 : memref<1000000x64xf32, #tpu.memory_space<hbm>>) target(%dma_start3A_1623 : memref<512x64xf32, #tpu.memory_space<vmem>>) offsets(%dma_start3A_1625 : memref<512xi32, #tpu.memory_space<vmem>>) semaphore(%dma_start3A_1630 : memref<!tpu.dma_semaphore, #tpu.memory_space<semaphore_mem>>)
    %dma_wait3A_1631 = arith.constant 0 : i32
    %dma_wait3A_1632 = arith.constant 0 : i32
    %dma_wait3A_1633 = arith.constant 0 : i32
    %dma_wait3A_1634 = arith.constant 0 : i32
    %dma_wait3A_1635 = tpu.memref_slice %arg6[%dma_wait3A_1631, %dma_wait3A_1633, %dma_wait3A_1634] : memref<3x512x64xf32, #tpu.memory_space<vmem>> -> memref<1x512x64xf32, #tpu.memory_space<vmem>>
    %dma_wait3A_1636 = tpu.memref_squeeze %dma_wait3A_1635 : memref<1x512x64xf32, #tpu.memory_space<vmem>> -> memref<512x64xf32, #tpu.memory_space<vmem>>
    %dma_wait3A_1637 = arith.constant 13824 : i32
    %dma_wait3A_1638 = tpu.memref_slice %arg5[%dma_wait3A_1637] : memref<25600xi32, #tpu.memory_space<vmem>> -> memref<512xi32, #tpu.memory_space<vmem>>
    %dma_wait3A_1639 = arith.constant 0 : i32
    %dma_wait3A_1640 = arith.constant 0 : i32
    %dma_wait3A_1641 = tpu.memref_slice %arg3[%dma_wait3A_1639, %dma_wait3A_1640] : memref<1000000x64xf32, #tpu.memory_space<hbm>> -> memref<1000000x64xf32, #tpu.memory_space<hbm>>
    %dma_wait3A_1642 = tpu.memref_slice %arg7[%dma_wait3A_1632] : memref<3x!tpu.dma_semaphore, #tpu.memory_space<semaphore_mem>> -> memref<1x!tpu.dma_semaphore, #tpu.memory_space<semaphore_mem>>
    %dma_wait3A_1643 = tpu.memref_squeeze %dma_wait3A_1642 : memref<1x!tpu.dma_semaphore, #tpu.memory_space<semaphore_mem>> -> memref<!tpu.dma_semaphore, #tpu.memory_space<semaphore_mem>>
    tpu.wait_indirect_dma semaphore(%dma_wait3A_1643 : memref<!tpu.dma_semaphore, #tpu.memory_space<semaphore_mem>>) src(%dma_wait3A_1641 : memref<1000000x64xf32, #tpu.memory_space<hbm>>) dst(%dma_wait3A_1636 : memref<512x64xf32, #tpu.memory_space<vmem>>)
    %add3A_1644 = arith.constant 13824 : i32
    %add3A_1645 = arith.addi %mul3A_2, %add3A_1644 : i32
    %dma_start3A_1646 = arith.constant 0 : i32
    %dma_start3A_1647 = arith.constant 0 : i32
    %dma_start3A_1648 = arith.constant 0 : i32
    %dma_start3A_1649 = arith.constant 0 : i32
    %dma_start3A_1650 = tpu.memref_slice %arg6[%dma_start3A_1646, %dma_start3A_1648, %dma_start3A_1649] : memref<3x512x64xf32, #tpu.memory_space<vmem>> -> memref<1x512x64xf32, #tpu.memory_space<vmem>>
    %dma_start3A_1651 = tpu.memref_squeeze %dma_start3A_1650 : memref<1x512x64xf32, #tpu.memory_space<vmem>> -> memref<512x64xf32, #tpu.memory_space<vmem>>
    %dma_start3A_1652 = arith.constant 0 : i32
    %dma_start3A_1653 = tpu.memref_slice %arg4[%add3A_1645, %dma_start3A_1652] : memref<819200x64xf32, #tpu.memory_space<hbm>> -> memref<512x64xf32, #tpu.memory_space<hbm>>
    %dma_start3A_1654 = tpu.memref_slice %arg8[%dma_start3A_1647] : memref<3x!tpu.dma_semaphore, #tpu.memory_space<semaphore_mem>> -> memref<1x!tpu.dma_semaphore, #tpu.memory_space<semaphore_mem>>
    %dma_start3A_1655 = tpu.memref_squeeze %dma_start3A_1654 : memref<1x!tpu.dma_semaphore, #tpu.memory_space<semaphore_mem>> -> memref<!tpu.dma_semaphore, #tpu.memory_space<semaphore_mem>>
    %dma_start3A_1656 = arith.constant 0 : i32
    %dma_start3A_1657 = tpu.memref_slice %arg4[%add3A_1645, %dma_start3A_1656] : memref<819200x64xf32, #tpu.memory_space<hbm>> -> memref<512x64xf32, #tpu.memory_space<hbm>>
    %dma_start3A_1658 = arith.constant 0 : i32
    %dma_start3A_1659 = arith.constant 0 : i32
    %dma_start3A_1660 = tpu.memref_slice %arg6[%dma_start3A_1646, %dma_start3A_1658, %dma_start3A_1659] : memref<3x512x64xf32, #tpu.memory_space<vmem>> -> memref<1x512x64xf32, #tpu.memory_space<vmem>>
    %dma_start3A_1661 = tpu.memref_squeeze %dma_start3A_1660 : memref<1x512x64xf32, #tpu.memory_space<vmem>> -> memref<512x64xf32, #tpu.memory_space<vmem>>
    tpu.enqueue_dma source(%dma_start3A_1661 : memref<512x64xf32, #tpu.memory_space<vmem>>) target(%dma_start3A_1657 : memref<512x64xf32, #tpu.memory_space<hbm>>) target_semaphore(%dma_start3A_1655 : memref<!tpu.dma_semaphore, #tpu.memory_space<semaphore_mem>>)
    %dma_wait3A_1662 = arith.constant 2 : i32
    %dma_wait3A_1663 = arith.constant 2 : i32
    %dma_wait3A_1664 = arith.constant 0 : i32
    %dma_wait3A_1665 = arith.constant 0 : i32
    %dma_wait3A_1666 = tpu.memref_slice %arg6[%dma_wait3A_1662, %dma_wait3A_1664, %dma_wait3A_1665] : memref<3x512x64xf32, #tpu.memory_space<vmem>> -> memref<1x512x64xf32, #tpu.memory_space<vmem>>
    %dma_wait3A_1667 = tpu.memref_squeeze %dma_wait3A_1666 : memref<1x512x64xf32, #tpu.memory_space<vmem>> -> memref<512x64xf32, #tpu.memory_space<vmem>>
    %dma_wait3A_1668 = arith.constant 0 : i32
    %dma_wait3A_1669 = tpu.memref_slice %arg4[%add3A_1585, %dma_wait3A_1668] : memref<819200x64xf32, #tpu.memory_space<hbm>> -> memref<512x64xf32, #tpu.memory_space<hbm>>
    %dma_wait3A_1670 = tpu.memref_slice %arg8[%dma_wait3A_1663] : memref<3x!tpu.dma_semaphore, #tpu.memory_space<semaphore_mem>> -> memref<1x!tpu.dma_semaphore, #tpu.memory_space<semaphore_mem>>
    %dma_wait3A_1671 = tpu.memref_squeeze %dma_wait3A_1670 : memref<1x!tpu.dma_semaphore, #tpu.memory_space<semaphore_mem>> -> memref<!tpu.dma_semaphore, #tpu.memory_space<semaphore_mem>>
    %dma_wait3A_1672 = arith.constant 0 : i32
    %dma_wait3A_1673 = tpu.memref_slice %arg4[%add3A_1585, %dma_wait3A_1672] : memref<819200x64xf32, #tpu.memory_space<hbm>> -> memref<512x64xf32, #tpu.memory_space<hbm>>
    %dma_wait3A_1674 = arith.constant 0 : i32
    %dma_wait3A_1675 = arith.constant 0 : i32
    %dma_wait3A_1676 = tpu.memref_slice %arg6[%dma_wait3A_1662, %dma_wait3A_1674, %dma_wait3A_1675] : memref<3x512x64xf32, #tpu.memory_space<vmem>> -> memref<1x512x64xf32, #tpu.memory_space<vmem>>
    %dma_wait3A_1677 = tpu.memref_squeeze %dma_wait3A_1676 : memref<1x512x64xf32, #tpu.memory_space<vmem>> -> memref<512x64xf32, #tpu.memory_space<vmem>>
    tpu.wait_dma2 semaphore(%dma_wait3A_1671 : memref<!tpu.dma_semaphore, #tpu.memory_space<semaphore_mem>>) src(%dma_wait3A_1677 : memref<512x64xf32, #tpu.memory_space<vmem>>) dst(%dma_wait3A_1673 : memref<512x64xf32, #tpu.memory_space<hbm>>)
    %dma_start3A_1678 = arith.constant 2 : i32
    %dma_start3A_1679 = arith.constant 2 : i32
    %dma_start3A_1680 = arith.constant 0 : i32
    %dma_start3A_1681 = arith.constant 0 : i32
    %dma_start3A_1682 = tpu.memref_slice %arg6[%dma_start3A_1678, %dma_start3A_1680, %dma_start3A_1681] : memref<3x512x64xf32, #tpu.memory_space<vmem>> -> memref<1x512x64xf32, #tpu.memory_space<vmem>>
    %dma_start3A_1683 = tpu.memref_squeeze %dma_start3A_1682 : memref<1x512x64xf32, #tpu.memory_space<vmem>> -> memref<512x64xf32, #tpu.memory_space<vmem>>
    %dma_start3A_1684 = arith.constant 14848 : i32
    %dma_start3A_1685 = tpu.memref_slice %arg5[%dma_start3A_1684] : memref<25600xi32, #tpu.memory_space<vmem>> -> memref<512xi32, #tpu.memory_space<vmem>>
    %dma_start3A_1686 = arith.constant 0 : i32
    %dma_start3A_1687 = arith.constant 0 : i32
    %dma_start3A_1688 = tpu.memref_slice %arg3[%dma_start3A_1686, %dma_start3A_1687] : memref<1000000x64xf32, #tpu.memory_space<hbm>> -> memref<1000000x64xf32, #tpu.memory_space<hbm>>
    %dma_start3A_1689 = tpu.memref_slice %arg7[%dma_start3A_1679] : memref<3x!tpu.dma_semaphore, #tpu.memory_space<semaphore_mem>> -> memref<1x!tpu.dma_semaphore, #tpu.memory_space<semaphore_mem>>
    %dma_start3A_1690 = tpu.memref_squeeze %dma_start3A_1689 : memref<1x!tpu.dma_semaphore, #tpu.memory_space<semaphore_mem>> -> memref<!tpu.dma_semaphore, #tpu.memory_space<semaphore_mem>>
    tpu.enqueue_indirect_dma source(%dma_start3A_1688 : memref<1000000x64xf32, #tpu.memory_space<hbm>>) target(%dma_start3A_1683 : memref<512x64xf32, #tpu.memory_space<vmem>>) offsets(%dma_start3A_1685 : memref<512xi32, #tpu.memory_space<vmem>>) semaphore(%dma_start3A_1690 : memref<!tpu.dma_semaphore, #tpu.memory_space<semaphore_mem>>)
    %dma_wait3A_1691 = arith.constant 1 : i32
    %dma_wait3A_1692 = arith.constant 1 : i32
    %dma_wait3A_1693 = arith.constant 0 : i32
    %dma_wait3A_1694 = arith.constant 0 : i32
    %dma_wait3A_1695 = tpu.memref_slice %arg6[%dma_wait3A_1691, %dma_wait3A_1693, %dma_wait3A_1694] : memref<3x512x64xf32, #tpu.memory_space<vmem>> -> memref<1x512x64xf32, #tpu.memory_space<vmem>>
    %dma_wait3A_1696 = tpu.memref_squeeze %dma_wait3A_1695 : memref<1x512x64xf32, #tpu.memory_space<vmem>> -> memref<512x64xf32, #tpu.memory_space<vmem>>
    %dma_wait3A_1697 = arith.constant 14336 : i32
    %dma_wait3A_1698 = tpu.memref_slice %arg5[%dma_wait3A_1697] : memref<25600xi32, #tpu.memory_space<vmem>> -> memref<512xi32, #tpu.memory_space<vmem>>
    %dma_wait3A_1699 = arith.constant 0 : i32
    %dma_wait3A_1700 = arith.constant 0 : i32
    %dma_wait3A_1701 = tpu.memref_slice %arg3[%dma_wait3A_1699, %dma_wait3A_1700] : memref<1000000x64xf32, #tpu.memory_space<hbm>> -> memref<1000000x64xf32, #tpu.memory_space<hbm>>
    %dma_wait3A_1702 = tpu.memref_slice %arg7[%dma_wait3A_1692] : memref<3x!tpu.dma_semaphore, #tpu.memory_space<semaphore_mem>> -> memref<1x!tpu.dma_semaphore, #tpu.memory_space<semaphore_mem>>
    %dma_wait3A_1703 = tpu.memref_squeeze %dma_wait3A_1702 : memref<1x!tpu.dma_semaphore, #tpu.memory_space<semaphore_mem>> -> memref<!tpu.dma_semaphore, #tpu.memory_space<semaphore_mem>>
    tpu.wait_indirect_dma semaphore(%dma_wait3A_1703 : memref<!tpu.dma_semaphore, #tpu.memory_space<semaphore_mem>>) src(%dma_wait3A_1701 : memref<1000000x64xf32, #tpu.memory_space<hbm>>) dst(%dma_wait3A_1696 : memref<512x64xf32, #tpu.memory_space<vmem>>)
    %add3A_1704 = arith.constant 14336 : i32
    %add3A_1705 = arith.addi %mul3A_2, %add3A_1704 : i32
    %dma_start3A_1706 = arith.constant 1 : i32
    %dma_start3A_1707 = arith.constant 1 : i32
    %dma_start3A_1708 = arith.constant 0 : i32
    %dma_start3A_1709 = arith.constant 0 : i32
    %dma_start3A_1710 = tpu.memref_slice %arg6[%dma_start3A_1706, %dma_start3A_1708, %dma_start3A_1709] : memref<3x512x64xf32, #tpu.memory_space<vmem>> -> memref<1x512x64xf32, #tpu.memory_space<vmem>>
    %dma_start3A_1711 = tpu.memref_squeeze %dma_start3A_1710 : memref<1x512x64xf32, #tpu.memory_space<vmem>> -> memref<512x64xf32, #tpu.memory_space<vmem>>
    %dma_start3A_1712 = arith.constant 0 : i32
    %dma_start3A_1713 = tpu.memref_slice %arg4[%add3A_1705, %dma_start3A_1712] : memref<819200x64xf32, #tpu.memory_space<hbm>> -> memref<512x64xf32, #tpu.memory_space<hbm>>
    %dma_start3A_1714 = tpu.memref_slice %arg8[%dma_start3A_1707] : memref<3x!tpu.dma_semaphore, #tpu.memory_space<semaphore_mem>> -> memref<1x!tpu.dma_semaphore, #tpu.memory_space<semaphore_mem>>
    %dma_start3A_1715 = tpu.memref_squeeze %dma_start3A_1714 : memref<1x!tpu.dma_semaphore, #tpu.memory_space<semaphore_mem>> -> memref<!tpu.dma_semaphore, #tpu.memory_space<semaphore_mem>>
    %dma_start3A_1716 = arith.constant 0 : i32
    %dma_start3A_1717 = tpu.memref_slice %arg4[%add3A_1705, %dma_start3A_1716] : memref<819200x64xf32, #tpu.memory_space<hbm>> -> memref<512x64xf32, #tpu.memory_space<hbm>>
    %dma_start3A_1718 = arith.constant 0 : i32
    %dma_start3A_1719 = arith.constant 0 : i32
    %dma_start3A_1720 = tpu.memref_slice %arg6[%dma_start3A_1706, %dma_start3A_1718, %dma_start3A_1719] : memref<3x512x64xf32, #tpu.memory_space<vmem>> -> memref<1x512x64xf32, #tpu.memory_space<vmem>>
    %dma_start3A_1721 = tpu.memref_squeeze %dma_start3A_1720 : memref<1x512x64xf32, #tpu.memory_space<vmem>> -> memref<512x64xf32, #tpu.memory_space<vmem>>
    tpu.enqueue_dma source(%dma_start3A_1721 : memref<512x64xf32, #tpu.memory_space<vmem>>) target(%dma_start3A_1717 : memref<512x64xf32, #tpu.memory_space<hbm>>) target_semaphore(%dma_start3A_1715 : memref<!tpu.dma_semaphore, #tpu.memory_space<semaphore_mem>>)
    %dma_wait3A_1722 = arith.constant 0 : i32
    %dma_wait3A_1723 = arith.constant 0 : i32
    %dma_wait3A_1724 = arith.constant 0 : i32
    %dma_wait3A_1725 = arith.constant 0 : i32
    %dma_wait3A_1726 = tpu.memref_slice %arg6[%dma_wait3A_1722, %dma_wait3A_1724, %dma_wait3A_1725] : memref<3x512x64xf32, #tpu.memory_space<vmem>> -> memref<1x512x64xf32, #tpu.memory_space<vmem>>
    %dma_wait3A_1727 = tpu.memref_squeeze %dma_wait3A_1726 : memref<1x512x64xf32, #tpu.memory_space<vmem>> -> memref<512x64xf32, #tpu.memory_space<vmem>>
    %dma_wait3A_1728 = arith.constant 0 : i32
    %dma_wait3A_1729 = tpu.memref_slice %arg4[%add3A_1645, %dma_wait3A_1728] : memref<819200x64xf32, #tpu.memory_space<hbm>> -> memref<512x64xf32, #tpu.memory_space<hbm>>
    %dma_wait3A_1730 = tpu.memref_slice %arg8[%dma_wait3A_1723] : memref<3x!tpu.dma_semaphore, #tpu.memory_space<semaphore_mem>> -> memref<1x!tpu.dma_semaphore, #tpu.memory_space<semaphore_mem>>
    %dma_wait3A_1731 = tpu.memref_squeeze %dma_wait3A_1730 : memref<1x!tpu.dma_semaphore, #tpu.memory_space<semaphore_mem>> -> memref<!tpu.dma_semaphore, #tpu.memory_space<semaphore_mem>>
    %dma_wait3A_1732 = arith.constant 0 : i32
    %dma_wait3A_1733 = tpu.memref_slice %arg4[%add3A_1645, %dma_wait3A_1732] : memref<819200x64xf32, #tpu.memory_space<hbm>> -> memref<512x64xf32, #tpu.memory_space<hbm>>
    %dma_wait3A_1734 = arith.constant 0 : i32
    %dma_wait3A_1735 = arith.constant 0 : i32
    %dma_wait3A_1736 = tpu.memref_slice %arg6[%dma_wait3A_1722, %dma_wait3A_1734, %dma_wait3A_1735] : memref<3x512x64xf32, #tpu.memory_space<vmem>> -> memref<1x512x64xf32, #tpu.memory_space<vmem>>
    %dma_wait3A_1737 = tpu.memref_squeeze %dma_wait3A_1736 : memref<1x512x64xf32, #tpu.memory_space<vmem>> -> memref<512x64xf32, #tpu.memory_space<vmem>>
    tpu.wait_dma2 semaphore(%dma_wait3A_1731 : memref<!tpu.dma_semaphore, #tpu.memory_space<semaphore_mem>>) src(%dma_wait3A_1737 : memref<512x64xf32, #tpu.memory_space<vmem>>) dst(%dma_wait3A_1733 : memref<512x64xf32, #tpu.memory_space<hbm>>)
    %dma_start3A_1738 = arith.constant 0 : i32
    %dma_start3A_1739 = arith.constant 0 : i32
    %dma_start3A_1740 = arith.constant 0 : i32
    %dma_start3A_1741 = arith.constant 0 : i32
    %dma_start3A_1742 = tpu.memref_slice %arg6[%dma_start3A_1738, %dma_start3A_1740, %dma_start3A_1741] : memref<3x512x64xf32, #tpu.memory_space<vmem>> -> memref<1x512x64xf32, #tpu.memory_space<vmem>>
    %dma_start3A_1743 = tpu.memref_squeeze %dma_start3A_1742 : memref<1x512x64xf32, #tpu.memory_space<vmem>> -> memref<512x64xf32, #tpu.memory_space<vmem>>
    %dma_start3A_1744 = arith.constant 15360 : i32
    %dma_start3A_1745 = tpu.memref_slice %arg5[%dma_start3A_1744] : memref<25600xi32, #tpu.memory_space<vmem>> -> memref<512xi32, #tpu.memory_space<vmem>>
    %dma_start3A_1746 = arith.constant 0 : i32
    %dma_start3A_1747 = arith.constant 0 : i32
    %dma_start3A_1748 = tpu.memref_slice %arg3[%dma_start3A_1746, %dma_start3A_1747] : memref<1000000x64xf32, #tpu.memory_space<hbm>> -> memref<1000000x64xf32, #tpu.memory_space<hbm>>
    %dma_start3A_1749 = tpu.memref_slice %arg7[%dma_start3A_1739] : memref<3x!tpu.dma_semaphore, #tpu.memory_space<semaphore_mem>> -> memref<1x!tpu.dma_semaphore, #tpu.memory_space<semaphore_mem>>
    %dma_start3A_1750 = tpu.memref_squeeze %dma_start3A_1749 : memref<1x!tpu.dma_semaphore, #tpu.memory_space<semaphore_mem>> -> memref<!tpu.dma_semaphore, #tpu.memory_space<semaphore_mem>>
    tpu.enqueue_indirect_dma source(%dma_start3A_1748 : memref<1000000x64xf32, #tpu.memory_space<hbm>>) target(%dma_start3A_1743 : memref<512x64xf32, #tpu.memory_space<vmem>>) offsets(%dma_start3A_1745 : memref<512xi32, #tpu.memory_space<vmem>>) semaphore(%dma_start3A_1750 : memref<!tpu.dma_semaphore, #tpu.memory_space<semaphore_mem>>)
    %dma_wait3A_1751 = arith.constant 2 : i32
    %dma_wait3A_1752 = arith.constant 2 : i32
    %dma_wait3A_1753 = arith.constant 0 : i32
    %dma_wait3A_1754 = arith.constant 0 : i32
    %dma_wait3A_1755 = tpu.memref_slice %arg6[%dma_wait3A_1751, %dma_wait3A_1753, %dma_wait3A_1754] : memref<3x512x64xf32, #tpu.memory_space<vmem>> -> memref<1x512x64xf32, #tpu.memory_space<vmem>>
    %dma_wait3A_1756 = tpu.memref_squeeze %dma_wait3A_1755 : memref<1x512x64xf32, #tpu.memory_space<vmem>> -> memref<512x64xf32, #tpu.memory_space<vmem>>
    %dma_wait3A_1757 = arith.constant 14848 : i32
    %dma_wait3A_1758 = tpu.memref_slice %arg5[%dma_wait3A_1757] : memref<25600xi32, #tpu.memory_space<vmem>> -> memref<512xi32, #tpu.memory_space<vmem>>
    %dma_wait3A_1759 = arith.constant 0 : i32
    %dma_wait3A_1760 = arith.constant 0 : i32
    %dma_wait3A_1761 = tpu.memref_slice %arg3[%dma_wait3A_1759, %dma_wait3A_1760] : memref<1000000x64xf32, #tpu.memory_space<hbm>> -> memref<1000000x64xf32, #tpu.memory_space<hbm>>
    %dma_wait3A_1762 = tpu.memref_slice %arg7[%dma_wait3A_1752] : memref<3x!tpu.dma_semaphore, #tpu.memory_space<semaphore_mem>> -> memref<1x!tpu.dma_semaphore, #tpu.memory_space<semaphore_mem>>
    %dma_wait3A_1763 = tpu.memref_squeeze %dma_wait3A_1762 : memref<1x!tpu.dma_semaphore, #tpu.memory_space<semaphore_mem>> -> memref<!tpu.dma_semaphore, #tpu.memory_space<semaphore_mem>>
    tpu.wait_indirect_dma semaphore(%dma_wait3A_1763 : memref<!tpu.dma_semaphore, #tpu.memory_space<semaphore_mem>>) src(%dma_wait3A_1761 : memref<1000000x64xf32, #tpu.memory_space<hbm>>) dst(%dma_wait3A_1756 : memref<512x64xf32, #tpu.memory_space<vmem>>)
    %add3A_1764 = arith.constant 14848 : i32
    %add3A_1765 = arith.addi %mul3A_2, %add3A_1764 : i32
    %dma_start3A_1766 = arith.constant 2 : i32
    %dma_start3A_1767 = arith.constant 2 : i32
    %dma_start3A_1768 = arith.constant 0 : i32
    %dma_start3A_1769 = arith.constant 0 : i32
    %dma_start3A_1770 = tpu.memref_slice %arg6[%dma_start3A_1766, %dma_start3A_1768, %dma_start3A_1769] : memref<3x512x64xf32, #tpu.memory_space<vmem>> -> memref<1x512x64xf32, #tpu.memory_space<vmem>>
    %dma_start3A_1771 = tpu.memref_squeeze %dma_start3A_1770 : memref<1x512x64xf32, #tpu.memory_space<vmem>> -> memref<512x64xf32, #tpu.memory_space<vmem>>
    %dma_start3A_1772 = arith.constant 0 : i32
    %dma_start3A_1773 = tpu.memref_slice %arg4[%add3A_1765, %dma_start3A_1772] : memref<819200x64xf32, #tpu.memory_space<hbm>> -> memref<512x64xf32, #tpu.memory_space<hbm>>
    %dma_start3A_1774 = tpu.memref_slice %arg8[%dma_start3A_1767] : memref<3x!tpu.dma_semaphore, #tpu.memory_space<semaphore_mem>> -> memref<1x!tpu.dma_semaphore, #tpu.memory_space<semaphore_mem>>
    %dma_start3A_1775 = tpu.memref_squeeze %dma_start3A_1774 : memref<1x!tpu.dma_semaphore, #tpu.memory_space<semaphore_mem>> -> memref<!tpu.dma_semaphore, #tpu.memory_space<semaphore_mem>>
    %dma_start3A_1776 = arith.constant 0 : i32
    %dma_start3A_1777 = tpu.memref_slice %arg4[%add3A_1765, %dma_start3A_1776] : memref<819200x64xf32, #tpu.memory_space<hbm>> -> memref<512x64xf32, #tpu.memory_space<hbm>>
    %dma_start3A_1778 = arith.constant 0 : i32
    %dma_start3A_1779 = arith.constant 0 : i32
    %dma_start3A_1780 = tpu.memref_slice %arg6[%dma_start3A_1766, %dma_start3A_1778, %dma_start3A_1779] : memref<3x512x64xf32, #tpu.memory_space<vmem>> -> memref<1x512x64xf32, #tpu.memory_space<vmem>>
    %dma_start3A_1781 = tpu.memref_squeeze %dma_start3A_1780 : memref<1x512x64xf32, #tpu.memory_space<vmem>> -> memref<512x64xf32, #tpu.memory_space<vmem>>
    tpu.enqueue_dma source(%dma_start3A_1781 : memref<512x64xf32, #tpu.memory_space<vmem>>) target(%dma_start3A_1777 : memref<512x64xf32, #tpu.memory_space<hbm>>) target_semaphore(%dma_start3A_1775 : memref<!tpu.dma_semaphore, #tpu.memory_space<semaphore_mem>>)
    %dma_wait3A_1782 = arith.constant 1 : i32
    %dma_wait3A_1783 = arith.constant 1 : i32
    %dma_wait3A_1784 = arith.constant 0 : i32
    %dma_wait3A_1785 = arith.constant 0 : i32
    %dma_wait3A_1786 = tpu.memref_slice %arg6[%dma_wait3A_1782, %dma_wait3A_1784, %dma_wait3A_1785] : memref<3x512x64xf32, #tpu.memory_space<vmem>> -> memref<1x512x64xf32, #tpu.memory_space<vmem>>
    %dma_wait3A_1787 = tpu.memref_squeeze %dma_wait3A_1786 : memref<1x512x64xf32, #tpu.memory_space<vmem>> -> memref<512x64xf32, #tpu.memory_space<vmem>>
    %dma_wait3A_1788 = arith.constant 0 : i32
    %dma_wait3A_1789 = tpu.memref_slice %arg4[%add3A_1705, %dma_wait3A_1788] : memref<819200x64xf32, #tpu.memory_space<hbm>> -> memref<512x64xf32, #tpu.memory_space<hbm>>
    %dma_wait3A_1790 = tpu.memref_slice %arg8[%dma_wait3A_1783] : memref<3x!tpu.dma_semaphore, #tpu.memory_space<semaphore_mem>> -> memref<1x!tpu.dma_semaphore, #tpu.memory_space<semaphore_mem>>
    %dma_wait3A_1791 = tpu.memref_squeeze %dma_wait3A_1790 : memref<1x!tpu.dma_semaphore, #tpu.memory_space<semaphore_mem>> -> memref<!tpu.dma_semaphore, #tpu.memory_space<semaphore_mem>>
    %dma_wait3A_1792 = arith.constant 0 : i32
    %dma_wait3A_1793 = tpu.memref_slice %arg4[%add3A_1705, %dma_wait3A_1792] : memref<819200x64xf32, #tpu.memory_space<hbm>> -> memref<512x64xf32, #tpu.memory_space<hbm>>
    %dma_wait3A_1794 = arith.constant 0 : i32
    %dma_wait3A_1795 = arith.constant 0 : i32
    %dma_wait3A_1796 = tpu.memref_slice %arg6[%dma_wait3A_1782, %dma_wait3A_1794, %dma_wait3A_1795] : memref<3x512x64xf32, #tpu.memory_space<vmem>> -> memref<1x512x64xf32, #tpu.memory_space<vmem>>
    %dma_wait3A_1797 = tpu.memref_squeeze %dma_wait3A_1796 : memref<1x512x64xf32, #tpu.memory_space<vmem>> -> memref<512x64xf32, #tpu.memory_space<vmem>>
    tpu.wait_dma2 semaphore(%dma_wait3A_1791 : memref<!tpu.dma_semaphore, #tpu.memory_space<semaphore_mem>>) src(%dma_wait3A_1797 : memref<512x64xf32, #tpu.memory_space<vmem>>) dst(%dma_wait3A_1793 : memref<512x64xf32, #tpu.memory_space<hbm>>)
    %dma_start3A_1798 = arith.constant 1 : i32
    %dma_start3A_1799 = arith.constant 1 : i32
    %dma_start3A_1800 = arith.constant 0 : i32
    %dma_start3A_1801 = arith.constant 0 : i32
    %dma_start3A_1802 = tpu.memref_slice %arg6[%dma_start3A_1798, %dma_start3A_1800, %dma_start3A_1801] : memref<3x512x64xf32, #tpu.memory_space<vmem>> -> memref<1x512x64xf32, #tpu.memory_space<vmem>>
    %dma_start3A_1803 = tpu.memref_squeeze %dma_start3A_1802 : memref<1x512x64xf32, #tpu.memory_space<vmem>> -> memref<512x64xf32, #tpu.memory_space<vmem>>
    %dma_start3A_1804 = arith.constant 15872 : i32
    %dma_start3A_1805 = tpu.memref_slice %arg5[%dma_start3A_1804] : memref<25600xi32, #tpu.memory_space<vmem>> -> memref<512xi32, #tpu.memory_space<vmem>>
    %dma_start3A_1806 = arith.constant 0 : i32
    %dma_start3A_1807 = arith.constant 0 : i32
    %dma_start3A_1808 = tpu.memref_slice %arg3[%dma_start3A_1806, %dma_start3A_1807] : memref<1000000x64xf32, #tpu.memory_space<hbm>> -> memref<1000000x64xf32, #tpu.memory_space<hbm>>
    %dma_start3A_1809 = tpu.memref_slice %arg7[%dma_start3A_1799] : memref<3x!tpu.dma_semaphore, #tpu.memory_space<semaphore_mem>> -> memref<1x!tpu.dma_semaphore, #tpu.memory_space<semaphore_mem>>
    %dma_start3A_1810 = tpu.memref_squeeze %dma_start3A_1809 : memref<1x!tpu.dma_semaphore, #tpu.memory_space<semaphore_mem>> -> memref<!tpu.dma_semaphore, #tpu.memory_space<semaphore_mem>>
    tpu.enqueue_indirect_dma source(%dma_start3A_1808 : memref<1000000x64xf32, #tpu.memory_space<hbm>>) target(%dma_start3A_1803 : memref<512x64xf32, #tpu.memory_space<vmem>>) offsets(%dma_start3A_1805 : memref<512xi32, #tpu.memory_space<vmem>>) semaphore(%dma_start3A_1810 : memref<!tpu.dma_semaphore, #tpu.memory_space<semaphore_mem>>)
    %dma_wait3A_1811 = arith.constant 0 : i32
    %dma_wait3A_1812 = arith.constant 0 : i32
    %dma_wait3A_1813 = arith.constant 0 : i32
    %dma_wait3A_1814 = arith.constant 0 : i32
    %dma_wait3A_1815 = tpu.memref_slice %arg6[%dma_wait3A_1811, %dma_wait3A_1813, %dma_wait3A_1814] : memref<3x512x64xf32, #tpu.memory_space<vmem>> -> memref<1x512x64xf32, #tpu.memory_space<vmem>>
    %dma_wait3A_1816 = tpu.memref_squeeze %dma_wait3A_1815 : memref<1x512x64xf32, #tpu.memory_space<vmem>> -> memref<512x64xf32, #tpu.memory_space<vmem>>
    %dma_wait3A_1817 = arith.constant 15360 : i32
    %dma_wait3A_1818 = tpu.memref_slice %arg5[%dma_wait3A_1817] : memref<25600xi32, #tpu.memory_space<vmem>> -> memref<512xi32, #tpu.memory_space<vmem>>
    %dma_wait3A_1819 = arith.constant 0 : i32
    %dma_wait3A_1820 = arith.constant 0 : i32
    %dma_wait3A_1821 = tpu.memref_slice %arg3[%dma_wait3A_1819, %dma_wait3A_1820] : memref<1000000x64xf32, #tpu.memory_space<hbm>> -> memref<1000000x64xf32, #tpu.memory_space<hbm>>
    %dma_wait3A_1822 = tpu.memref_slice %arg7[%dma_wait3A_1812] : memref<3x!tpu.dma_semaphore, #tpu.memory_space<semaphore_mem>> -> memref<1x!tpu.dma_semaphore, #tpu.memory_space<semaphore_mem>>
    %dma_wait3A_1823 = tpu.memref_squeeze %dma_wait3A_1822 : memref<1x!tpu.dma_semaphore, #tpu.memory_space<semaphore_mem>> -> memref<!tpu.dma_semaphore, #tpu.memory_space<semaphore_mem>>
    tpu.wait_indirect_dma semaphore(%dma_wait3A_1823 : memref<!tpu.dma_semaphore, #tpu.memory_space<semaphore_mem>>) src(%dma_wait3A_1821 : memref<1000000x64xf32, #tpu.memory_space<hbm>>) dst(%dma_wait3A_1816 : memref<512x64xf32, #tpu.memory_space<vmem>>)
    %add3A_1824 = arith.constant 15360 : i32
    %add3A_1825 = arith.addi %mul3A_2, %add3A_1824 : i32
    %dma_start3A_1826 = arith.constant 0 : i32
    %dma_start3A_1827 = arith.constant 0 : i32
    %dma_start3A_1828 = arith.constant 0 : i32
    %dma_start3A_1829 = arith.constant 0 : i32
    %dma_start3A_1830 = tpu.memref_slice %arg6[%dma_start3A_1826, %dma_start3A_1828, %dma_start3A_1829] : memref<3x512x64xf32, #tpu.memory_space<vmem>> -> memref<1x512x64xf32, #tpu.memory_space<vmem>>
    %dma_start3A_1831 = tpu.memref_squeeze %dma_start3A_1830 : memref<1x512x64xf32, #tpu.memory_space<vmem>> -> memref<512x64xf32, #tpu.memory_space<vmem>>
    %dma_start3A_1832 = arith.constant 0 : i32
    %dma_start3A_1833 = tpu.memref_slice %arg4[%add3A_1825, %dma_start3A_1832] : memref<819200x64xf32, #tpu.memory_space<hbm>> -> memref<512x64xf32, #tpu.memory_space<hbm>>
    %dma_start3A_1834 = tpu.memref_slice %arg8[%dma_start3A_1827] : memref<3x!tpu.dma_semaphore, #tpu.memory_space<semaphore_mem>> -> memref<1x!tpu.dma_semaphore, #tpu.memory_space<semaphore_mem>>
    %dma_start3A_1835 = tpu.memref_squeeze %dma_start3A_1834 : memref<1x!tpu.dma_semaphore, #tpu.memory_space<semaphore_mem>> -> memref<!tpu.dma_semaphore, #tpu.memory_space<semaphore_mem>>
    %dma_start3A_1836 = arith.constant 0 : i32
    %dma_start3A_1837 = tpu.memref_slice %arg4[%add3A_1825, %dma_start3A_1836] : memref<819200x64xf32, #tpu.memory_space<hbm>> -> memref<512x64xf32, #tpu.memory_space<hbm>>
    %dma_start3A_1838 = arith.constant 0 : i32
    %dma_start3A_1839 = arith.constant 0 : i32
    %dma_start3A_1840 = tpu.memref_slice %arg6[%dma_start3A_1826, %dma_start3A_1838, %dma_start3A_1839] : memref<3x512x64xf32, #tpu.memory_space<vmem>> -> memref<1x512x64xf32, #tpu.memory_space<vmem>>
    %dma_start3A_1841 = tpu.memref_squeeze %dma_start3A_1840 : memref<1x512x64xf32, #tpu.memory_space<vmem>> -> memref<512x64xf32, #tpu.memory_space<vmem>>
    tpu.enqueue_dma source(%dma_start3A_1841 : memref<512x64xf32, #tpu.memory_space<vmem>>) target(%dma_start3A_1837 : memref<512x64xf32, #tpu.memory_space<hbm>>) target_semaphore(%dma_start3A_1835 : memref<!tpu.dma_semaphore, #tpu.memory_space<semaphore_mem>>)
    %dma_wait3A_1842 = arith.constant 2 : i32
    %dma_wait3A_1843 = arith.constant 2 : i32
    %dma_wait3A_1844 = arith.constant 0 : i32
    %dma_wait3A_1845 = arith.constant 0 : i32
    %dma_wait3A_1846 = tpu.memref_slice %arg6[%dma_wait3A_1842, %dma_wait3A_1844, %dma_wait3A_1845] : memref<3x512x64xf32, #tpu.memory_space<vmem>> -> memref<1x512x64xf32, #tpu.memory_space<vmem>>
    %dma_wait3A_1847 = tpu.memref_squeeze %dma_wait3A_1846 : memref<1x512x64xf32, #tpu.memory_space<vmem>> -> memref<512x64xf32, #tpu.memory_space<vmem>>
    %dma_wait3A_1848 = arith.constant 0 : i32
    %dma_wait3A_1849 = tpu.memref_slice %arg4[%add3A_1765, %dma_wait3A_1848] : memref<819200x64xf32, #tpu.memory_space<hbm>> -> memref<512x64xf32, #tpu.memory_space<hbm>>
    %dma_wait3A_1850 = tpu.memref_slice %arg8[%dma_wait3A_1843] : memref<3x!tpu.dma_semaphore, #tpu.memory_space<semaphore_mem>> -> memref<1x!tpu.dma_semaphore, #tpu.memory_space<semaphore_mem>>
    %dma_wait3A_1851 = tpu.memref_squeeze %dma_wait3A_1850 : memref<1x!tpu.dma_semaphore, #tpu.memory_space<semaphore_mem>> -> memref<!tpu.dma_semaphore, #tpu.memory_space<semaphore_mem>>
    %dma_wait3A_1852 = arith.constant 0 : i32
    %dma_wait3A_1853 = tpu.memref_slice %arg4[%add3A_1765, %dma_wait3A_1852] : memref<819200x64xf32, #tpu.memory_space<hbm>> -> memref<512x64xf32, #tpu.memory_space<hbm>>
    %dma_wait3A_1854 = arith.constant 0 : i32
    %dma_wait3A_1855 = arith.constant 0 : i32
    %dma_wait3A_1856 = tpu.memref_slice %arg6[%dma_wait3A_1842, %dma_wait3A_1854, %dma_wait3A_1855] : memref<3x512x64xf32, #tpu.memory_space<vmem>> -> memref<1x512x64xf32, #tpu.memory_space<vmem>>
    %dma_wait3A_1857 = tpu.memref_squeeze %dma_wait3A_1856 : memref<1x512x64xf32, #tpu.memory_space<vmem>> -> memref<512x64xf32, #tpu.memory_space<vmem>>
    tpu.wait_dma2 semaphore(%dma_wait3A_1851 : memref<!tpu.dma_semaphore, #tpu.memory_space<semaphore_mem>>) src(%dma_wait3A_1857 : memref<512x64xf32, #tpu.memory_space<vmem>>) dst(%dma_wait3A_1853 : memref<512x64xf32, #tpu.memory_space<hbm>>)
    %dma_start3A_1858 = arith.constant 2 : i32
    %dma_start3A_1859 = arith.constant 2 : i32
    %dma_start3A_1860 = arith.constant 0 : i32
    %dma_start3A_1861 = arith.constant 0 : i32
    %dma_start3A_1862 = tpu.memref_slice %arg6[%dma_start3A_1858, %dma_start3A_1860, %dma_start3A_1861] : memref<3x512x64xf32, #tpu.memory_space<vmem>> -> memref<1x512x64xf32, #tpu.memory_space<vmem>>
    %dma_start3A_1863 = tpu.memref_squeeze %dma_start3A_1862 : memref<1x512x64xf32, #tpu.memory_space<vmem>> -> memref<512x64xf32, #tpu.memory_space<vmem>>
    %dma_start3A_1864 = arith.constant 16384 : i32
    %dma_start3A_1865 = tpu.memref_slice %arg5[%dma_start3A_1864] : memref<25600xi32, #tpu.memory_space<vmem>> -> memref<512xi32, #tpu.memory_space<vmem>>
    %dma_start3A_1866 = arith.constant 0 : i32
    %dma_start3A_1867 = arith.constant 0 : i32
    %dma_start3A_1868 = tpu.memref_slice %arg3[%dma_start3A_1866, %dma_start3A_1867] : memref<1000000x64xf32, #tpu.memory_space<hbm>> -> memref<1000000x64xf32, #tpu.memory_space<hbm>>
    %dma_start3A_1869 = tpu.memref_slice %arg7[%dma_start3A_1859] : memref<3x!tpu.dma_semaphore, #tpu.memory_space<semaphore_mem>> -> memref<1x!tpu.dma_semaphore, #tpu.memory_space<semaphore_mem>>
    %dma_start3A_1870 = tpu.memref_squeeze %dma_start3A_1869 : memref<1x!tpu.dma_semaphore, #tpu.memory_space<semaphore_mem>> -> memref<!tpu.dma_semaphore, #tpu.memory_space<semaphore_mem>>
    tpu.enqueue_indirect_dma source(%dma_start3A_1868 : memref<1000000x64xf32, #tpu.memory_space<hbm>>) target(%dma_start3A_1863 : memref<512x64xf32, #tpu.memory_space<vmem>>) offsets(%dma_start3A_1865 : memref<512xi32, #tpu.memory_space<vmem>>) semaphore(%dma_start3A_1870 : memref<!tpu.dma_semaphore, #tpu.memory_space<semaphore_mem>>)
    %dma_wait3A_1871 = arith.constant 1 : i32
    %dma_wait3A_1872 = arith.constant 1 : i32
    %dma_wait3A_1873 = arith.constant 0 : i32
    %dma_wait3A_1874 = arith.constant 0 : i32
    %dma_wait3A_1875 = tpu.memref_slice %arg6[%dma_wait3A_1871, %dma_wait3A_1873, %dma_wait3A_1874] : memref<3x512x64xf32, #tpu.memory_space<vmem>> -> memref<1x512x64xf32, #tpu.memory_space<vmem>>
    %dma_wait3A_1876 = tpu.memref_squeeze %dma_wait3A_1875 : memref<1x512x64xf32, #tpu.memory_space<vmem>> -> memref<512x64xf32, #tpu.memory_space<vmem>>
    %dma_wait3A_1877 = arith.constant 15872 : i32
    %dma_wait3A_1878 = tpu.memref_slice %arg5[%dma_wait3A_1877] : memref<25600xi32, #tpu.memory_space<vmem>> -> memref<512xi32, #tpu.memory_space<vmem>>
    %dma_wait3A_1879 = arith.constant 0 : i32
    %dma_wait3A_1880 = arith.constant 0 : i32
    %dma_wait3A_1881 = tpu.memref_slice %arg3[%dma_wait3A_1879, %dma_wait3A_1880] : memref<1000000x64xf32, #tpu.memory_space<hbm>> -> memref<1000000x64xf32, #tpu.memory_space<hbm>>
    %dma_wait3A_1882 = tpu.memref_slice %arg7[%dma_wait3A_1872] : memref<3x!tpu.dma_semaphore, #tpu.memory_space<semaphore_mem>> -> memref<1x!tpu.dma_semaphore, #tpu.memory_space<semaphore_mem>>
    %dma_wait3A_1883 = tpu.memref_squeeze %dma_wait3A_1882 : memref<1x!tpu.dma_semaphore, #tpu.memory_space<semaphore_mem>> -> memref<!tpu.dma_semaphore, #tpu.memory_space<semaphore_mem>>
    tpu.wait_indirect_dma semaphore(%dma_wait3A_1883 : memref<!tpu.dma_semaphore, #tpu.memory_space<semaphore_mem>>) src(%dma_wait3A_1881 : memref<1000000x64xf32, #tpu.memory_space<hbm>>) dst(%dma_wait3A_1876 : memref<512x64xf32, #tpu.memory_space<vmem>>)
    %add3A_1884 = arith.constant 15872 : i32
    %add3A_1885 = arith.addi %mul3A_2, %add3A_1884 : i32
    %dma_start3A_1886 = arith.constant 1 : i32
    %dma_start3A_1887 = arith.constant 1 : i32
    %dma_start3A_1888 = arith.constant 0 : i32
    %dma_start3A_1889 = arith.constant 0 : i32
    %dma_start3A_1890 = tpu.memref_slice %arg6[%dma_start3A_1886, %dma_start3A_1888, %dma_start3A_1889] : memref<3x512x64xf32, #tpu.memory_space<vmem>> -> memref<1x512x64xf32, #tpu.memory_space<vmem>>
    %dma_start3A_1891 = tpu.memref_squeeze %dma_start3A_1890 : memref<1x512x64xf32, #tpu.memory_space<vmem>> -> memref<512x64xf32, #tpu.memory_space<vmem>>
    %dma_start3A_1892 = arith.constant 0 : i32
    %dma_start3A_1893 = tpu.memref_slice %arg4[%add3A_1885, %dma_start3A_1892] : memref<819200x64xf32, #tpu.memory_space<hbm>> -> memref<512x64xf32, #tpu.memory_space<hbm>>
    %dma_start3A_1894 = tpu.memref_slice %arg8[%dma_start3A_1887] : memref<3x!tpu.dma_semaphore, #tpu.memory_space<semaphore_mem>> -> memref<1x!tpu.dma_semaphore, #tpu.memory_space<semaphore_mem>>
    %dma_start3A_1895 = tpu.memref_squeeze %dma_start3A_1894 : memref<1x!tpu.dma_semaphore, #tpu.memory_space<semaphore_mem>> -> memref<!tpu.dma_semaphore, #tpu.memory_space<semaphore_mem>>
    %dma_start3A_1896 = arith.constant 0 : i32
    %dma_start3A_1897 = tpu.memref_slice %arg4[%add3A_1885, %dma_start3A_1896] : memref<819200x64xf32, #tpu.memory_space<hbm>> -> memref<512x64xf32, #tpu.memory_space<hbm>>
    %dma_start3A_1898 = arith.constant 0 : i32
    %dma_start3A_1899 = arith.constant 0 : i32
    %dma_start3A_1900 = tpu.memref_slice %arg6[%dma_start3A_1886, %dma_start3A_1898, %dma_start3A_1899] : memref<3x512x64xf32, #tpu.memory_space<vmem>> -> memref<1x512x64xf32, #tpu.memory_space<vmem>>
    %dma_start3A_1901 = tpu.memref_squeeze %dma_start3A_1900 : memref<1x512x64xf32, #tpu.memory_space<vmem>> -> memref<512x64xf32, #tpu.memory_space<vmem>>
    tpu.enqueue_dma source(%dma_start3A_1901 : memref<512x64xf32, #tpu.memory_space<vmem>>) target(%dma_start3A_1897 : memref<512x64xf32, #tpu.memory_space<hbm>>) target_semaphore(%dma_start3A_1895 : memref<!tpu.dma_semaphore, #tpu.memory_space<semaphore_mem>>)
    %dma_wait3A_1902 = arith.constant 0 : i32
    %dma_wait3A_1903 = arith.constant 0 : i32
    %dma_wait3A_1904 = arith.constant 0 : i32
    %dma_wait3A_1905 = arith.constant 0 : i32
    %dma_wait3A_1906 = tpu.memref_slice %arg6[%dma_wait3A_1902, %dma_wait3A_1904, %dma_wait3A_1905] : memref<3x512x64xf32, #tpu.memory_space<vmem>> -> memref<1x512x64xf32, #tpu.memory_space<vmem>>
    %dma_wait3A_1907 = tpu.memref_squeeze %dma_wait3A_1906 : memref<1x512x64xf32, #tpu.memory_space<vmem>> -> memref<512x64xf32, #tpu.memory_space<vmem>>
    %dma_wait3A_1908 = arith.constant 0 : i32
    %dma_wait3A_1909 = tpu.memref_slice %arg4[%add3A_1825, %dma_wait3A_1908] : memref<819200x64xf32, #tpu.memory_space<hbm>> -> memref<512x64xf32, #tpu.memory_space<hbm>>
    %dma_wait3A_1910 = tpu.memref_slice %arg8[%dma_wait3A_1903] : memref<3x!tpu.dma_semaphore, #tpu.memory_space<semaphore_mem>> -> memref<1x!tpu.dma_semaphore, #tpu.memory_space<semaphore_mem>>
    %dma_wait3A_1911 = tpu.memref_squeeze %dma_wait3A_1910 : memref<1x!tpu.dma_semaphore, #tpu.memory_space<semaphore_mem>> -> memref<!tpu.dma_semaphore, #tpu.memory_space<semaphore_mem>>
    %dma_wait3A_1912 = arith.constant 0 : i32
    %dma_wait3A_1913 = tpu.memref_slice %arg4[%add3A_1825, %dma_wait3A_1912] : memref<819200x64xf32, #tpu.memory_space<hbm>> -> memref<512x64xf32, #tpu.memory_space<hbm>>
    %dma_wait3A_1914 = arith.constant 0 : i32
    %dma_wait3A_1915 = arith.constant 0 : i32
    %dma_wait3A_1916 = tpu.memref_slice %arg6[%dma_wait3A_1902, %dma_wait3A_1914, %dma_wait3A_1915] : memref<3x512x64xf32, #tpu.memory_space<vmem>> -> memref<1x512x64xf32, #tpu.memory_space<vmem>>
    %dma_wait3A_1917 = tpu.memref_squeeze %dma_wait3A_1916 : memref<1x512x64xf32, #tpu.memory_space<vmem>> -> memref<512x64xf32, #tpu.memory_space<vmem>>
    tpu.wait_dma2 semaphore(%dma_wait3A_1911 : memref<!tpu.dma_semaphore, #tpu.memory_space<semaphore_mem>>) src(%dma_wait3A_1917 : memref<512x64xf32, #tpu.memory_space<vmem>>) dst(%dma_wait3A_1913 : memref<512x64xf32, #tpu.memory_space<hbm>>)
    %dma_start3A_1918 = arith.constant 0 : i32
    %dma_start3A_1919 = arith.constant 0 : i32
    %dma_start3A_1920 = arith.constant 0 : i32
    %dma_start3A_1921 = arith.constant 0 : i32
    %dma_start3A_1922 = tpu.memref_slice %arg6[%dma_start3A_1918, %dma_start3A_1920, %dma_start3A_1921] : memref<3x512x64xf32, #tpu.memory_space<vmem>> -> memref<1x512x64xf32, #tpu.memory_space<vmem>>
    %dma_start3A_1923 = tpu.memref_squeeze %dma_start3A_1922 : memref<1x512x64xf32, #tpu.memory_space<vmem>> -> memref<512x64xf32, #tpu.memory_space<vmem>>
    %dma_start3A_1924 = arith.constant 16896 : i32
    %dma_start3A_1925 = tpu.memref_slice %arg5[%dma_start3A_1924] : memref<25600xi32, #tpu.memory_space<vmem>> -> memref<512xi32, #tpu.memory_space<vmem>>
    %dma_start3A_1926 = arith.constant 0 : i32
    %dma_start3A_1927 = arith.constant 0 : i32
    %dma_start3A_1928 = tpu.memref_slice %arg3[%dma_start3A_1926, %dma_start3A_1927] : memref<1000000x64xf32, #tpu.memory_space<hbm>> -> memref<1000000x64xf32, #tpu.memory_space<hbm>>
    %dma_start3A_1929 = tpu.memref_slice %arg7[%dma_start3A_1919] : memref<3x!tpu.dma_semaphore, #tpu.memory_space<semaphore_mem>> -> memref<1x!tpu.dma_semaphore, #tpu.memory_space<semaphore_mem>>
    %dma_start3A_1930 = tpu.memref_squeeze %dma_start3A_1929 : memref<1x!tpu.dma_semaphore, #tpu.memory_space<semaphore_mem>> -> memref<!tpu.dma_semaphore, #tpu.memory_space<semaphore_mem>>
    tpu.enqueue_indirect_dma source(%dma_start3A_1928 : memref<1000000x64xf32, #tpu.memory_space<hbm>>) target(%dma_start3A_1923 : memref<512x64xf32, #tpu.memory_space<vmem>>) offsets(%dma_start3A_1925 : memref<512xi32, #tpu.memory_space<vmem>>) semaphore(%dma_start3A_1930 : memref<!tpu.dma_semaphore, #tpu.memory_space<semaphore_mem>>)
    %dma_wait3A_1931 = arith.constant 2 : i32
    %dma_wait3A_1932 = arith.constant 2 : i32
    %dma_wait3A_1933 = arith.constant 0 : i32
    %dma_wait3A_1934 = arith.constant 0 : i32
    %dma_wait3A_1935 = tpu.memref_slice %arg6[%dma_wait3A_1931, %dma_wait3A_1933, %dma_wait3A_1934] : memref<3x512x64xf32, #tpu.memory_space<vmem>> -> memref<1x512x64xf32, #tpu.memory_space<vmem>>
    %dma_wait3A_1936 = tpu.memref_squeeze %dma_wait3A_1935 : memref<1x512x64xf32, #tpu.memory_space<vmem>> -> memref<512x64xf32, #tpu.memory_space<vmem>>
    %dma_wait3A_1937 = arith.constant 16384 : i32
    %dma_wait3A_1938 = tpu.memref_slice %arg5[%dma_wait3A_1937] : memref<25600xi32, #tpu.memory_space<vmem>> -> memref<512xi32, #tpu.memory_space<vmem>>
    %dma_wait3A_1939 = arith.constant 0 : i32
    %dma_wait3A_1940 = arith.constant 0 : i32
    %dma_wait3A_1941 = tpu.memref_slice %arg3[%dma_wait3A_1939, %dma_wait3A_1940] : memref<1000000x64xf32, #tpu.memory_space<hbm>> -> memref<1000000x64xf32, #tpu.memory_space<hbm>>
    %dma_wait3A_1942 = tpu.memref_slice %arg7[%dma_wait3A_1932] : memref<3x!tpu.dma_semaphore, #tpu.memory_space<semaphore_mem>> -> memref<1x!tpu.dma_semaphore, #tpu.memory_space<semaphore_mem>>
    %dma_wait3A_1943 = tpu.memref_squeeze %dma_wait3A_1942 : memref<1x!tpu.dma_semaphore, #tpu.memory_space<semaphore_mem>> -> memref<!tpu.dma_semaphore, #tpu.memory_space<semaphore_mem>>
    tpu.wait_indirect_dma semaphore(%dma_wait3A_1943 : memref<!tpu.dma_semaphore, #tpu.memory_space<semaphore_mem>>) src(%dma_wait3A_1941 : memref<1000000x64xf32, #tpu.memory_space<hbm>>) dst(%dma_wait3A_1936 : memref<512x64xf32, #tpu.memory_space<vmem>>)
    %add3A_1944 = arith.constant 16384 : i32
    %add3A_1945 = arith.addi %mul3A_2, %add3A_1944 : i32
    %dma_start3A_1946 = arith.constant 2 : i32
    %dma_start3A_1947 = arith.constant 2 : i32
    %dma_start3A_1948 = arith.constant 0 : i32
    %dma_start3A_1949 = arith.constant 0 : i32
    %dma_start3A_1950 = tpu.memref_slice %arg6[%dma_start3A_1946, %dma_start3A_1948, %dma_start3A_1949] : memref<3x512x64xf32, #tpu.memory_space<vmem>> -> memref<1x512x64xf32, #tpu.memory_space<vmem>>
    %dma_start3A_1951 = tpu.memref_squeeze %dma_start3A_1950 : memref<1x512x64xf32, #tpu.memory_space<vmem>> -> memref<512x64xf32, #tpu.memory_space<vmem>>
    %dma_start3A_1952 = arith.constant 0 : i32
    %dma_start3A_1953 = tpu.memref_slice %arg4[%add3A_1945, %dma_start3A_1952] : memref<819200x64xf32, #tpu.memory_space<hbm>> -> memref<512x64xf32, #tpu.memory_space<hbm>>
    %dma_start3A_1954 = tpu.memref_slice %arg8[%dma_start3A_1947] : memref<3x!tpu.dma_semaphore, #tpu.memory_space<semaphore_mem>> -> memref<1x!tpu.dma_semaphore, #tpu.memory_space<semaphore_mem>>
    %dma_start3A_1955 = tpu.memref_squeeze %dma_start3A_1954 : memref<1x!tpu.dma_semaphore, #tpu.memory_space<semaphore_mem>> -> memref<!tpu.dma_semaphore, #tpu.memory_space<semaphore_mem>>
    %dma_start3A_1956 = arith.constant 0 : i32
    %dma_start3A_1957 = tpu.memref_slice %arg4[%add3A_1945, %dma_start3A_1956] : memref<819200x64xf32, #tpu.memory_space<hbm>> -> memref<512x64xf32, #tpu.memory_space<hbm>>
    %dma_start3A_1958 = arith.constant 0 : i32
    %dma_start3A_1959 = arith.constant 0 : i32
    %dma_start3A_1960 = tpu.memref_slice %arg6[%dma_start3A_1946, %dma_start3A_1958, %dma_start3A_1959] : memref<3x512x64xf32, #tpu.memory_space<vmem>> -> memref<1x512x64xf32, #tpu.memory_space<vmem>>
    %dma_start3A_1961 = tpu.memref_squeeze %dma_start3A_1960 : memref<1x512x64xf32, #tpu.memory_space<vmem>> -> memref<512x64xf32, #tpu.memory_space<vmem>>
    tpu.enqueue_dma source(%dma_start3A_1961 : memref<512x64xf32, #tpu.memory_space<vmem>>) target(%dma_start3A_1957 : memref<512x64xf32, #tpu.memory_space<hbm>>) target_semaphore(%dma_start3A_1955 : memref<!tpu.dma_semaphore, #tpu.memory_space<semaphore_mem>>)
    %dma_wait3A_1962 = arith.constant 1 : i32
    %dma_wait3A_1963 = arith.constant 1 : i32
    %dma_wait3A_1964 = arith.constant 0 : i32
    %dma_wait3A_1965 = arith.constant 0 : i32
    %dma_wait3A_1966 = tpu.memref_slice %arg6[%dma_wait3A_1962, %dma_wait3A_1964, %dma_wait3A_1965] : memref<3x512x64xf32, #tpu.memory_space<vmem>> -> memref<1x512x64xf32, #tpu.memory_space<vmem>>
    %dma_wait3A_1967 = tpu.memref_squeeze %dma_wait3A_1966 : memref<1x512x64xf32, #tpu.memory_space<vmem>> -> memref<512x64xf32, #tpu.memory_space<vmem>>
    %dma_wait3A_1968 = arith.constant 0 : i32
    %dma_wait3A_1969 = tpu.memref_slice %arg4[%add3A_1885, %dma_wait3A_1968] : memref<819200x64xf32, #tpu.memory_space<hbm>> -> memref<512x64xf32, #tpu.memory_space<hbm>>
    %dma_wait3A_1970 = tpu.memref_slice %arg8[%dma_wait3A_1963] : memref<3x!tpu.dma_semaphore, #tpu.memory_space<semaphore_mem>> -> memref<1x!tpu.dma_semaphore, #tpu.memory_space<semaphore_mem>>
    %dma_wait3A_1971 = tpu.memref_squeeze %dma_wait3A_1970 : memref<1x!tpu.dma_semaphore, #tpu.memory_space<semaphore_mem>> -> memref<!tpu.dma_semaphore, #tpu.memory_space<semaphore_mem>>
    %dma_wait3A_1972 = arith.constant 0 : i32
    %dma_wait3A_1973 = tpu.memref_slice %arg4[%add3A_1885, %dma_wait3A_1972] : memref<819200x64xf32, #tpu.memory_space<hbm>> -> memref<512x64xf32, #tpu.memory_space<hbm>>
    %dma_wait3A_1974 = arith.constant 0 : i32
    %dma_wait3A_1975 = arith.constant 0 : i32
    %dma_wait3A_1976 = tpu.memref_slice %arg6[%dma_wait3A_1962, %dma_wait3A_1974, %dma_wait3A_1975] : memref<3x512x64xf32, #tpu.memory_space<vmem>> -> memref<1x512x64xf32, #tpu.memory_space<vmem>>
    %dma_wait3A_1977 = tpu.memref_squeeze %dma_wait3A_1976 : memref<1x512x64xf32, #tpu.memory_space<vmem>> -> memref<512x64xf32, #tpu.memory_space<vmem>>
    tpu.wait_dma2 semaphore(%dma_wait3A_1971 : memref<!tpu.dma_semaphore, #tpu.memory_space<semaphore_mem>>) src(%dma_wait3A_1977 : memref<512x64xf32, #tpu.memory_space<vmem>>) dst(%dma_wait3A_1973 : memref<512x64xf32, #tpu.memory_space<hbm>>)
    %dma_start3A_1978 = arith.constant 1 : i32
    %dma_start3A_1979 = arith.constant 1 : i32
    %dma_start3A_1980 = arith.constant 0 : i32
    %dma_start3A_1981 = arith.constant 0 : i32
    %dma_start3A_1982 = tpu.memref_slice %arg6[%dma_start3A_1978, %dma_start3A_1980, %dma_start3A_1981] : memref<3x512x64xf32, #tpu.memory_space<vmem>> -> memref<1x512x64xf32, #tpu.memory_space<vmem>>
    %dma_start3A_1983 = tpu.memref_squeeze %dma_start3A_1982 : memref<1x512x64xf32, #tpu.memory_space<vmem>> -> memref<512x64xf32, #tpu.memory_space<vmem>>
    %dma_start3A_1984 = arith.constant 17408 : i32
    %dma_start3A_1985 = tpu.memref_slice %arg5[%dma_start3A_1984] : memref<25600xi32, #tpu.memory_space<vmem>> -> memref<512xi32, #tpu.memory_space<vmem>>
    %dma_start3A_1986 = arith.constant 0 : i32
    %dma_start3A_1987 = arith.constant 0 : i32
    %dma_start3A_1988 = tpu.memref_slice %arg3[%dma_start3A_1986, %dma_start3A_1987] : memref<1000000x64xf32, #tpu.memory_space<hbm>> -> memref<1000000x64xf32, #tpu.memory_space<hbm>>
    %dma_start3A_1989 = tpu.memref_slice %arg7[%dma_start3A_1979] : memref<3x!tpu.dma_semaphore, #tpu.memory_space<semaphore_mem>> -> memref<1x!tpu.dma_semaphore, #tpu.memory_space<semaphore_mem>>
    %dma_start3A_1990 = tpu.memref_squeeze %dma_start3A_1989 : memref<1x!tpu.dma_semaphore, #tpu.memory_space<semaphore_mem>> -> memref<!tpu.dma_semaphore, #tpu.memory_space<semaphore_mem>>
    tpu.enqueue_indirect_dma source(%dma_start3A_1988 : memref<1000000x64xf32, #tpu.memory_space<hbm>>) target(%dma_start3A_1983 : memref<512x64xf32, #tpu.memory_space<vmem>>) offsets(%dma_start3A_1985 : memref<512xi32, #tpu.memory_space<vmem>>) semaphore(%dma_start3A_1990 : memref<!tpu.dma_semaphore, #tpu.memory_space<semaphore_mem>>)
    %dma_wait3A_1991 = arith.constant 0 : i32
    %dma_wait3A_1992 = arith.constant 0 : i32
    %dma_wait3A_1993 = arith.constant 0 : i32
    %dma_wait3A_1994 = arith.constant 0 : i32
    %dma_wait3A_1995 = tpu.memref_slice %arg6[%dma_wait3A_1991, %dma_wait3A_1993, %dma_wait3A_1994] : memref<3x512x64xf32, #tpu.memory_space<vmem>> -> memref<1x512x64xf32, #tpu.memory_space<vmem>>
    %dma_wait3A_1996 = tpu.memref_squeeze %dma_wait3A_1995 : memref<1x512x64xf32, #tpu.memory_space<vmem>> -> memref<512x64xf32, #tpu.memory_space<vmem>>
    %dma_wait3A_1997 = arith.constant 16896 : i32
    %dma_wait3A_1998 = tpu.memref_slice %arg5[%dma_wait3A_1997] : memref<25600xi32, #tpu.memory_space<vmem>> -> memref<512xi32, #tpu.memory_space<vmem>>
    %dma_wait3A_1999 = arith.constant 0 : i32
    %dma_wait3A_2000 = arith.constant 0 : i32
    %dma_wait3A_2001 = tpu.memref_slice %arg3[%dma_wait3A_1999, %dma_wait3A_2000] : memref<1000000x64xf32, #tpu.memory_space<hbm>> -> memref<1000000x64xf32, #tpu.memory_space<hbm>>
    %dma_wait3A_2002 = tpu.memref_slice %arg7[%dma_wait3A_1992] : memref<3x!tpu.dma_semaphore, #tpu.memory_space<semaphore_mem>> -> memref<1x!tpu.dma_semaphore, #tpu.memory_space<semaphore_mem>>
    %dma_wait3A_2003 = tpu.memref_squeeze %dma_wait3A_2002 : memref<1x!tpu.dma_semaphore, #tpu.memory_space<semaphore_mem>> -> memref<!tpu.dma_semaphore, #tpu.memory_space<semaphore_mem>>
    tpu.wait_indirect_dma semaphore(%dma_wait3A_2003 : memref<!tpu.dma_semaphore, #tpu.memory_space<semaphore_mem>>) src(%dma_wait3A_2001 : memref<1000000x64xf32, #tpu.memory_space<hbm>>) dst(%dma_wait3A_1996 : memref<512x64xf32, #tpu.memory_space<vmem>>)
    %add3A_2004 = arith.constant 16896 : i32
    %add3A_2005 = arith.addi %mul3A_2, %add3A_2004 : i32
    %dma_start3A_2006 = arith.constant 0 : i32
    %dma_start3A_2007 = arith.constant 0 : i32
    %dma_start3A_2008 = arith.constant 0 : i32
    %dma_start3A_2009 = arith.constant 0 : i32
    %dma_start3A_2010 = tpu.memref_slice %arg6[%dma_start3A_2006, %dma_start3A_2008, %dma_start3A_2009] : memref<3x512x64xf32, #tpu.memory_space<vmem>> -> memref<1x512x64xf32, #tpu.memory_space<vmem>>
    %dma_start3A_2011 = tpu.memref_squeeze %dma_start3A_2010 : memref<1x512x64xf32, #tpu.memory_space<vmem>> -> memref<512x64xf32, #tpu.memory_space<vmem>>
    %dma_start3A_2012 = arith.constant 0 : i32
    %dma_start3A_2013 = tpu.memref_slice %arg4[%add3A_2005, %dma_start3A_2012] : memref<819200x64xf32, #tpu.memory_space<hbm>> -> memref<512x64xf32, #tpu.memory_space<hbm>>
    %dma_start3A_2014 = tpu.memref_slice %arg8[%dma_start3A_2007] : memref<3x!tpu.dma_semaphore, #tpu.memory_space<semaphore_mem>> -> memref<1x!tpu.dma_semaphore, #tpu.memory_space<semaphore_mem>>
    %dma_start3A_2015 = tpu.memref_squeeze %dma_start3A_2014 : memref<1x!tpu.dma_semaphore, #tpu.memory_space<semaphore_mem>> -> memref<!tpu.dma_semaphore, #tpu.memory_space<semaphore_mem>>
    %dma_start3A_2016 = arith.constant 0 : i32
    %dma_start3A_2017 = tpu.memref_slice %arg4[%add3A_2005, %dma_start3A_2016] : memref<819200x64xf32, #tpu.memory_space<hbm>> -> memref<512x64xf32, #tpu.memory_space<hbm>>
    %dma_start3A_2018 = arith.constant 0 : i32
    %dma_start3A_2019 = arith.constant 0 : i32
    %dma_start3A_2020 = tpu.memref_slice %arg6[%dma_start3A_2006, %dma_start3A_2018, %dma_start3A_2019] : memref<3x512x64xf32, #tpu.memory_space<vmem>> -> memref<1x512x64xf32, #tpu.memory_space<vmem>>
    %dma_start3A_2021 = tpu.memref_squeeze %dma_start3A_2020 : memref<1x512x64xf32, #tpu.memory_space<vmem>> -> memref<512x64xf32, #tpu.memory_space<vmem>>
    tpu.enqueue_dma source(%dma_start3A_2021 : memref<512x64xf32, #tpu.memory_space<vmem>>) target(%dma_start3A_2017 : memref<512x64xf32, #tpu.memory_space<hbm>>) target_semaphore(%dma_start3A_2015 : memref<!tpu.dma_semaphore, #tpu.memory_space<semaphore_mem>>)
    %dma_wait3A_2022 = arith.constant 2 : i32
    %dma_wait3A_2023 = arith.constant 2 : i32
    %dma_wait3A_2024 = arith.constant 0 : i32
    %dma_wait3A_2025 = arith.constant 0 : i32
    %dma_wait3A_2026 = tpu.memref_slice %arg6[%dma_wait3A_2022, %dma_wait3A_2024, %dma_wait3A_2025] : memref<3x512x64xf32, #tpu.memory_space<vmem>> -> memref<1x512x64xf32, #tpu.memory_space<vmem>>
    %dma_wait3A_2027 = tpu.memref_squeeze %dma_wait3A_2026 : memref<1x512x64xf32, #tpu.memory_space<vmem>> -> memref<512x64xf32, #tpu.memory_space<vmem>>
    %dma_wait3A_2028 = arith.constant 0 : i32
    %dma_wait3A_2029 = tpu.memref_slice %arg4[%add3A_1945, %dma_wait3A_2028] : memref<819200x64xf32, #tpu.memory_space<hbm>> -> memref<512x64xf32, #tpu.memory_space<hbm>>
    %dma_wait3A_2030 = tpu.memref_slice %arg8[%dma_wait3A_2023] : memref<3x!tpu.dma_semaphore, #tpu.memory_space<semaphore_mem>> -> memref<1x!tpu.dma_semaphore, #tpu.memory_space<semaphore_mem>>
    %dma_wait3A_2031 = tpu.memref_squeeze %dma_wait3A_2030 : memref<1x!tpu.dma_semaphore, #tpu.memory_space<semaphore_mem>> -> memref<!tpu.dma_semaphore, #tpu.memory_space<semaphore_mem>>
    %dma_wait3A_2032 = arith.constant 0 : i32
    %dma_wait3A_2033 = tpu.memref_slice %arg4[%add3A_1945, %dma_wait3A_2032] : memref<819200x64xf32, #tpu.memory_space<hbm>> -> memref<512x64xf32, #tpu.memory_space<hbm>>
    %dma_wait3A_2034 = arith.constant 0 : i32
    %dma_wait3A_2035 = arith.constant 0 : i32
    %dma_wait3A_2036 = tpu.memref_slice %arg6[%dma_wait3A_2022, %dma_wait3A_2034, %dma_wait3A_2035] : memref<3x512x64xf32, #tpu.memory_space<vmem>> -> memref<1x512x64xf32, #tpu.memory_space<vmem>>
    %dma_wait3A_2037 = tpu.memref_squeeze %dma_wait3A_2036 : memref<1x512x64xf32, #tpu.memory_space<vmem>> -> memref<512x64xf32, #tpu.memory_space<vmem>>
    tpu.wait_dma2 semaphore(%dma_wait3A_2031 : memref<!tpu.dma_semaphore, #tpu.memory_space<semaphore_mem>>) src(%dma_wait3A_2037 : memref<512x64xf32, #tpu.memory_space<vmem>>) dst(%dma_wait3A_2033 : memref<512x64xf32, #tpu.memory_space<hbm>>)
    %dma_start3A_2038 = arith.constant 2 : i32
    %dma_start3A_2039 = arith.constant 2 : i32
    %dma_start3A_2040 = arith.constant 0 : i32
    %dma_start3A_2041 = arith.constant 0 : i32
    %dma_start3A_2042 = tpu.memref_slice %arg6[%dma_start3A_2038, %dma_start3A_2040, %dma_start3A_2041] : memref<3x512x64xf32, #tpu.memory_space<vmem>> -> memref<1x512x64xf32, #tpu.memory_space<vmem>>
    %dma_start3A_2043 = tpu.memref_squeeze %dma_start3A_2042 : memref<1x512x64xf32, #tpu.memory_space<vmem>> -> memref<512x64xf32, #tpu.memory_space<vmem>>
    %dma_start3A_2044 = arith.constant 17920 : i32
    %dma_start3A_2045 = tpu.memref_slice %arg5[%dma_start3A_2044] : memref<25600xi32, #tpu.memory_space<vmem>> -> memref<512xi32, #tpu.memory_space<vmem>>
    %dma_start3A_2046 = arith.constant 0 : i32
    %dma_start3A_2047 = arith.constant 0 : i32
    %dma_start3A_2048 = tpu.memref_slice %arg3[%dma_start3A_2046, %dma_start3A_2047] : memref<1000000x64xf32, #tpu.memory_space<hbm>> -> memref<1000000x64xf32, #tpu.memory_space<hbm>>
    %dma_start3A_2049 = tpu.memref_slice %arg7[%dma_start3A_2039] : memref<3x!tpu.dma_semaphore, #tpu.memory_space<semaphore_mem>> -> memref<1x!tpu.dma_semaphore, #tpu.memory_space<semaphore_mem>>
    %dma_start3A_2050 = tpu.memref_squeeze %dma_start3A_2049 : memref<1x!tpu.dma_semaphore, #tpu.memory_space<semaphore_mem>> -> memref<!tpu.dma_semaphore, #tpu.memory_space<semaphore_mem>>
    tpu.enqueue_indirect_dma source(%dma_start3A_2048 : memref<1000000x64xf32, #tpu.memory_space<hbm>>) target(%dma_start3A_2043 : memref<512x64xf32, #tpu.memory_space<vmem>>) offsets(%dma_start3A_2045 : memref<512xi32, #tpu.memory_space<vmem>>) semaphore(%dma_start3A_2050 : memref<!tpu.dma_semaphore, #tpu.memory_space<semaphore_mem>>)
    %dma_wait3A_2051 = arith.constant 1 : i32
    %dma_wait3A_2052 = arith.constant 1 : i32
    %dma_wait3A_2053 = arith.constant 0 : i32
    %dma_wait3A_2054 = arith.constant 0 : i32
    %dma_wait3A_2055 = tpu.memref_slice %arg6[%dma_wait3A_2051, %dma_wait3A_2053, %dma_wait3A_2054] : memref<3x512x64xf32, #tpu.memory_space<vmem>> -> memref<1x512x64xf32, #tpu.memory_space<vmem>>
    %dma_wait3A_2056 = tpu.memref_squeeze %dma_wait3A_2055 : memref<1x512x64xf32, #tpu.memory_space<vmem>> -> memref<512x64xf32, #tpu.memory_space<vmem>>
    %dma_wait3A_2057 = arith.constant 17408 : i32
    %dma_wait3A_2058 = tpu.memref_slice %arg5[%dma_wait3A_2057] : memref<25600xi32, #tpu.memory_space<vmem>> -> memref<512xi32, #tpu.memory_space<vmem>>
    %dma_wait3A_2059 = arith.constant 0 : i32
    %dma_wait3A_2060 = arith.constant 0 : i32
    %dma_wait3A_2061 = tpu.memref_slice %arg3[%dma_wait3A_2059, %dma_wait3A_2060] : memref<1000000x64xf32, #tpu.memory_space<hbm>> -> memref<1000000x64xf32, #tpu.memory_space<hbm>>
    %dma_wait3A_2062 = tpu.memref_slice %arg7[%dma_wait3A_2052] : memref<3x!tpu.dma_semaphore, #tpu.memory_space<semaphore_mem>> -> memref<1x!tpu.dma_semaphore, #tpu.memory_space<semaphore_mem>>
    %dma_wait3A_2063 = tpu.memref_squeeze %dma_wait3A_2062 : memref<1x!tpu.dma_semaphore, #tpu.memory_space<semaphore_mem>> -> memref<!tpu.dma_semaphore, #tpu.memory_space<semaphore_mem>>
    tpu.wait_indirect_dma semaphore(%dma_wait3A_2063 : memref<!tpu.dma_semaphore, #tpu.memory_space<semaphore_mem>>) src(%dma_wait3A_2061 : memref<1000000x64xf32, #tpu.memory_space<hbm>>) dst(%dma_wait3A_2056 : memref<512x64xf32, #tpu.memory_space<vmem>>)
    %add3A_2064 = arith.constant 17408 : i32
    %add3A_2065 = arith.addi %mul3A_2, %add3A_2064 : i32
    %dma_start3A_2066 = arith.constant 1 : i32
    %dma_start3A_2067 = arith.constant 1 : i32
    %dma_start3A_2068 = arith.constant 0 : i32
    %dma_start3A_2069 = arith.constant 0 : i32
    %dma_start3A_2070 = tpu.memref_slice %arg6[%dma_start3A_2066, %dma_start3A_2068, %dma_start3A_2069] : memref<3x512x64xf32, #tpu.memory_space<vmem>> -> memref<1x512x64xf32, #tpu.memory_space<vmem>>
    %dma_start3A_2071 = tpu.memref_squeeze %dma_start3A_2070 : memref<1x512x64xf32, #tpu.memory_space<vmem>> -> memref<512x64xf32, #tpu.memory_space<vmem>>
    %dma_start3A_2072 = arith.constant 0 : i32
    %dma_start3A_2073 = tpu.memref_slice %arg4[%add3A_2065, %dma_start3A_2072] : memref<819200x64xf32, #tpu.memory_space<hbm>> -> memref<512x64xf32, #tpu.memory_space<hbm>>
    %dma_start3A_2074 = tpu.memref_slice %arg8[%dma_start3A_2067] : memref<3x!tpu.dma_semaphore, #tpu.memory_space<semaphore_mem>> -> memref<1x!tpu.dma_semaphore, #tpu.memory_space<semaphore_mem>>
    %dma_start3A_2075 = tpu.memref_squeeze %dma_start3A_2074 : memref<1x!tpu.dma_semaphore, #tpu.memory_space<semaphore_mem>> -> memref<!tpu.dma_semaphore, #tpu.memory_space<semaphore_mem>>
    %dma_start3A_2076 = arith.constant 0 : i32
    %dma_start3A_2077 = tpu.memref_slice %arg4[%add3A_2065, %dma_start3A_2076] : memref<819200x64xf32, #tpu.memory_space<hbm>> -> memref<512x64xf32, #tpu.memory_space<hbm>>
    %dma_start3A_2078 = arith.constant 0 : i32
    %dma_start3A_2079 = arith.constant 0 : i32
    %dma_start3A_2080 = tpu.memref_slice %arg6[%dma_start3A_2066, %dma_start3A_2078, %dma_start3A_2079] : memref<3x512x64xf32, #tpu.memory_space<vmem>> -> memref<1x512x64xf32, #tpu.memory_space<vmem>>
    %dma_start3A_2081 = tpu.memref_squeeze %dma_start3A_2080 : memref<1x512x64xf32, #tpu.memory_space<vmem>> -> memref<512x64xf32, #tpu.memory_space<vmem>>
    tpu.enqueue_dma source(%dma_start3A_2081 : memref<512x64xf32, #tpu.memory_space<vmem>>) target(%dma_start3A_2077 : memref<512x64xf32, #tpu.memory_space<hbm>>) target_semaphore(%dma_start3A_2075 : memref<!tpu.dma_semaphore, #tpu.memory_space<semaphore_mem>>)
    %dma_wait3A_2082 = arith.constant 0 : i32
    %dma_wait3A_2083 = arith.constant 0 : i32
    %dma_wait3A_2084 = arith.constant 0 : i32
    %dma_wait3A_2085 = arith.constant 0 : i32
    %dma_wait3A_2086 = tpu.memref_slice %arg6[%dma_wait3A_2082, %dma_wait3A_2084, %dma_wait3A_2085] : memref<3x512x64xf32, #tpu.memory_space<vmem>> -> memref<1x512x64xf32, #tpu.memory_space<vmem>>
    %dma_wait3A_2087 = tpu.memref_squeeze %dma_wait3A_2086 : memref<1x512x64xf32, #tpu.memory_space<vmem>> -> memref<512x64xf32, #tpu.memory_space<vmem>>
    %dma_wait3A_2088 = arith.constant 0 : i32
    %dma_wait3A_2089 = tpu.memref_slice %arg4[%add3A_2005, %dma_wait3A_2088] : memref<819200x64xf32, #tpu.memory_space<hbm>> -> memref<512x64xf32, #tpu.memory_space<hbm>>
    %dma_wait3A_2090 = tpu.memref_slice %arg8[%dma_wait3A_2083] : memref<3x!tpu.dma_semaphore, #tpu.memory_space<semaphore_mem>> -> memref<1x!tpu.dma_semaphore, #tpu.memory_space<semaphore_mem>>
    %dma_wait3A_2091 = tpu.memref_squeeze %dma_wait3A_2090 : memref<1x!tpu.dma_semaphore, #tpu.memory_space<semaphore_mem>> -> memref<!tpu.dma_semaphore, #tpu.memory_space<semaphore_mem>>
    %dma_wait3A_2092 = arith.constant 0 : i32
    %dma_wait3A_2093 = tpu.memref_slice %arg4[%add3A_2005, %dma_wait3A_2092] : memref<819200x64xf32, #tpu.memory_space<hbm>> -> memref<512x64xf32, #tpu.memory_space<hbm>>
    %dma_wait3A_2094 = arith.constant 0 : i32
    %dma_wait3A_2095 = arith.constant 0 : i32
    %dma_wait3A_2096 = tpu.memref_slice %arg6[%dma_wait3A_2082, %dma_wait3A_2094, %dma_wait3A_2095] : memref<3x512x64xf32, #tpu.memory_space<vmem>> -> memref<1x512x64xf32, #tpu.memory_space<vmem>>
    %dma_wait3A_2097 = tpu.memref_squeeze %dma_wait3A_2096 : memref<1x512x64xf32, #tpu.memory_space<vmem>> -> memref<512x64xf32, #tpu.memory_space<vmem>>
    tpu.wait_dma2 semaphore(%dma_wait3A_2091 : memref<!tpu.dma_semaphore, #tpu.memory_space<semaphore_mem>>) src(%dma_wait3A_2097 : memref<512x64xf32, #tpu.memory_space<vmem>>) dst(%dma_wait3A_2093 : memref<512x64xf32, #tpu.memory_space<hbm>>)
    %dma_start3A_2098 = arith.constant 0 : i32
    %dma_start3A_2099 = arith.constant 0 : i32
    %dma_start3A_2100 = arith.constant 0 : i32
    %dma_start3A_2101 = arith.constant 0 : i32
    %dma_start3A_2102 = tpu.memref_slice %arg6[%dma_start3A_2098, %dma_start3A_2100, %dma_start3A_2101] : memref<3x512x64xf32, #tpu.memory_space<vmem>> -> memref<1x512x64xf32, #tpu.memory_space<vmem>>
    %dma_start3A_2103 = tpu.memref_squeeze %dma_start3A_2102 : memref<1x512x64xf32, #tpu.memory_space<vmem>> -> memref<512x64xf32, #tpu.memory_space<vmem>>
    %dma_start3A_2104 = arith.constant 18432 : i32
    %dma_start3A_2105 = tpu.memref_slice %arg5[%dma_start3A_2104] : memref<25600xi32, #tpu.memory_space<vmem>> -> memref<512xi32, #tpu.memory_space<vmem>>
    %dma_start3A_2106 = arith.constant 0 : i32
    %dma_start3A_2107 = arith.constant 0 : i32
    %dma_start3A_2108 = tpu.memref_slice %arg3[%dma_start3A_2106, %dma_start3A_2107] : memref<1000000x64xf32, #tpu.memory_space<hbm>> -> memref<1000000x64xf32, #tpu.memory_space<hbm>>
    %dma_start3A_2109 = tpu.memref_slice %arg7[%dma_start3A_2099] : memref<3x!tpu.dma_semaphore, #tpu.memory_space<semaphore_mem>> -> memref<1x!tpu.dma_semaphore, #tpu.memory_space<semaphore_mem>>
    %dma_start3A_2110 = tpu.memref_squeeze %dma_start3A_2109 : memref<1x!tpu.dma_semaphore, #tpu.memory_space<semaphore_mem>> -> memref<!tpu.dma_semaphore, #tpu.memory_space<semaphore_mem>>
    tpu.enqueue_indirect_dma source(%dma_start3A_2108 : memref<1000000x64xf32, #tpu.memory_space<hbm>>) target(%dma_start3A_2103 : memref<512x64xf32, #tpu.memory_space<vmem>>) offsets(%dma_start3A_2105 : memref<512xi32, #tpu.memory_space<vmem>>) semaphore(%dma_start3A_2110 : memref<!tpu.dma_semaphore, #tpu.memory_space<semaphore_mem>>)
    %dma_wait3A_2111 = arith.constant 2 : i32
    %dma_wait3A_2112 = arith.constant 2 : i32
    %dma_wait3A_2113 = arith.constant 0 : i32
    %dma_wait3A_2114 = arith.constant 0 : i32
    %dma_wait3A_2115 = tpu.memref_slice %arg6[%dma_wait3A_2111, %dma_wait3A_2113, %dma_wait3A_2114] : memref<3x512x64xf32, #tpu.memory_space<vmem>> -> memref<1x512x64xf32, #tpu.memory_space<vmem>>
    %dma_wait3A_2116 = tpu.memref_squeeze %dma_wait3A_2115 : memref<1x512x64xf32, #tpu.memory_space<vmem>> -> memref<512x64xf32, #tpu.memory_space<vmem>>
    %dma_wait3A_2117 = arith.constant 17920 : i32
    %dma_wait3A_2118 = tpu.memref_slice %arg5[%dma_wait3A_2117] : memref<25600xi32, #tpu.memory_space<vmem>> -> memref<512xi32, #tpu.memory_space<vmem>>
    %dma_wait3A_2119 = arith.constant 0 : i32
    %dma_wait3A_2120 = arith.constant 0 : i32
    %dma_wait3A_2121 = tpu.memref_slice %arg3[%dma_wait3A_2119, %dma_wait3A_2120] : memref<1000000x64xf32, #tpu.memory_space<hbm>> -> memref<1000000x64xf32, #tpu.memory_space<hbm>>
    %dma_wait3A_2122 = tpu.memref_slice %arg7[%dma_wait3A_2112] : memref<3x!tpu.dma_semaphore, #tpu.memory_space<semaphore_mem>> -> memref<1x!tpu.dma_semaphore, #tpu.memory_space<semaphore_mem>>
    %dma_wait3A_2123 = tpu.memref_squeeze %dma_wait3A_2122 : memref<1x!tpu.dma_semaphore, #tpu.memory_space<semaphore_mem>> -> memref<!tpu.dma_semaphore, #tpu.memory_space<semaphore_mem>>
    tpu.wait_indirect_dma semaphore(%dma_wait3A_2123 : memref<!tpu.dma_semaphore, #tpu.memory_space<semaphore_mem>>) src(%dma_wait3A_2121 : memref<1000000x64xf32, #tpu.memory_space<hbm>>) dst(%dma_wait3A_2116 : memref<512x64xf32, #tpu.memory_space<vmem>>)
    %add3A_2124 = arith.constant 17920 : i32
    %add3A_2125 = arith.addi %mul3A_2, %add3A_2124 : i32
    %dma_start3A_2126 = arith.constant 2 : i32
    %dma_start3A_2127 = arith.constant 2 : i32
    %dma_start3A_2128 = arith.constant 0 : i32
    %dma_start3A_2129 = arith.constant 0 : i32
    %dma_start3A_2130 = tpu.memref_slice %arg6[%dma_start3A_2126, %dma_start3A_2128, %dma_start3A_2129] : memref<3x512x64xf32, #tpu.memory_space<vmem>> -> memref<1x512x64xf32, #tpu.memory_space<vmem>>
    %dma_start3A_2131 = tpu.memref_squeeze %dma_start3A_2130 : memref<1x512x64xf32, #tpu.memory_space<vmem>> -> memref<512x64xf32, #tpu.memory_space<vmem>>
    %dma_start3A_2132 = arith.constant 0 : i32
    %dma_start3A_2133 = tpu.memref_slice %arg4[%add3A_2125, %dma_start3A_2132] : memref<819200x64xf32, #tpu.memory_space<hbm>> -> memref<512x64xf32, #tpu.memory_space<hbm>>
    %dma_start3A_2134 = tpu.memref_slice %arg8[%dma_start3A_2127] : memref<3x!tpu.dma_semaphore, #tpu.memory_space<semaphore_mem>> -> memref<1x!tpu.dma_semaphore, #tpu.memory_space<semaphore_mem>>
    %dma_start3A_2135 = tpu.memref_squeeze %dma_start3A_2134 : memref<1x!tpu.dma_semaphore, #tpu.memory_space<semaphore_mem>> -> memref<!tpu.dma_semaphore, #tpu.memory_space<semaphore_mem>>
    %dma_start3A_2136 = arith.constant 0 : i32
    %dma_start3A_2137 = tpu.memref_slice %arg4[%add3A_2125, %dma_start3A_2136] : memref<819200x64xf32, #tpu.memory_space<hbm>> -> memref<512x64xf32, #tpu.memory_space<hbm>>
    %dma_start3A_2138 = arith.constant 0 : i32
    %dma_start3A_2139 = arith.constant 0 : i32
    %dma_start3A_2140 = tpu.memref_slice %arg6[%dma_start3A_2126, %dma_start3A_2138, %dma_start3A_2139] : memref<3x512x64xf32, #tpu.memory_space<vmem>> -> memref<1x512x64xf32, #tpu.memory_space<vmem>>
    %dma_start3A_2141 = tpu.memref_squeeze %dma_start3A_2140 : memref<1x512x64xf32, #tpu.memory_space<vmem>> -> memref<512x64xf32, #tpu.memory_space<vmem>>
    tpu.enqueue_dma source(%dma_start3A_2141 : memref<512x64xf32, #tpu.memory_space<vmem>>) target(%dma_start3A_2137 : memref<512x64xf32, #tpu.memory_space<hbm>>) target_semaphore(%dma_start3A_2135 : memref<!tpu.dma_semaphore, #tpu.memory_space<semaphore_mem>>)
    %dma_wait3A_2142 = arith.constant 1 : i32
    %dma_wait3A_2143 = arith.constant 1 : i32
    %dma_wait3A_2144 = arith.constant 0 : i32
    %dma_wait3A_2145 = arith.constant 0 : i32
    %dma_wait3A_2146 = tpu.memref_slice %arg6[%dma_wait3A_2142, %dma_wait3A_2144, %dma_wait3A_2145] : memref<3x512x64xf32, #tpu.memory_space<vmem>> -> memref<1x512x64xf32, #tpu.memory_space<vmem>>
    %dma_wait3A_2147 = tpu.memref_squeeze %dma_wait3A_2146 : memref<1x512x64xf32, #tpu.memory_space<vmem>> -> memref<512x64xf32, #tpu.memory_space<vmem>>
    %dma_wait3A_2148 = arith.constant 0 : i32
    %dma_wait3A_2149 = tpu.memref_slice %arg4[%add3A_2065, %dma_wait3A_2148] : memref<819200x64xf32, #tpu.memory_space<hbm>> -> memref<512x64xf32, #tpu.memory_space<hbm>>
    %dma_wait3A_2150 = tpu.memref_slice %arg8[%dma_wait3A_2143] : memref<3x!tpu.dma_semaphore, #tpu.memory_space<semaphore_mem>> -> memref<1x!tpu.dma_semaphore, #tpu.memory_space<semaphore_mem>>
    %dma_wait3A_2151 = tpu.memref_squeeze %dma_wait3A_2150 : memref<1x!tpu.dma_semaphore, #tpu.memory_space<semaphore_mem>> -> memref<!tpu.dma_semaphore, #tpu.memory_space<semaphore_mem>>
    %dma_wait3A_2152 = arith.constant 0 : i32
    %dma_wait3A_2153 = tpu.memref_slice %arg4[%add3A_2065, %dma_wait3A_2152] : memref<819200x64xf32, #tpu.memory_space<hbm>> -> memref<512x64xf32, #tpu.memory_space<hbm>>
    %dma_wait3A_2154 = arith.constant 0 : i32
    %dma_wait3A_2155 = arith.constant 0 : i32
    %dma_wait3A_2156 = tpu.memref_slice %arg6[%dma_wait3A_2142, %dma_wait3A_2154, %dma_wait3A_2155] : memref<3x512x64xf32, #tpu.memory_space<vmem>> -> memref<1x512x64xf32, #tpu.memory_space<vmem>>
    %dma_wait3A_2157 = tpu.memref_squeeze %dma_wait3A_2156 : memref<1x512x64xf32, #tpu.memory_space<vmem>> -> memref<512x64xf32, #tpu.memory_space<vmem>>
    tpu.wait_dma2 semaphore(%dma_wait3A_2151 : memref<!tpu.dma_semaphore, #tpu.memory_space<semaphore_mem>>) src(%dma_wait3A_2157 : memref<512x64xf32, #tpu.memory_space<vmem>>) dst(%dma_wait3A_2153 : memref<512x64xf32, #tpu.memory_space<hbm>>)
    %dma_start3A_2158 = arith.constant 1 : i32
    %dma_start3A_2159 = arith.constant 1 : i32
    %dma_start3A_2160 = arith.constant 0 : i32
    %dma_start3A_2161 = arith.constant 0 : i32
    %dma_start3A_2162 = tpu.memref_slice %arg6[%dma_start3A_2158, %dma_start3A_2160, %dma_start3A_2161] : memref<3x512x64xf32, #tpu.memory_space<vmem>> -> memref<1x512x64xf32, #tpu.memory_space<vmem>>
    %dma_start3A_2163 = tpu.memref_squeeze %dma_start3A_2162 : memref<1x512x64xf32, #tpu.memory_space<vmem>> -> memref<512x64xf32, #tpu.memory_space<vmem>>
    %dma_start3A_2164 = arith.constant 18944 : i32
    %dma_start3A_2165 = tpu.memref_slice %arg5[%dma_start3A_2164] : memref<25600xi32, #tpu.memory_space<vmem>> -> memref<512xi32, #tpu.memory_space<vmem>>
    %dma_start3A_2166 = arith.constant 0 : i32
    %dma_start3A_2167 = arith.constant 0 : i32
    %dma_start3A_2168 = tpu.memref_slice %arg3[%dma_start3A_2166, %dma_start3A_2167] : memref<1000000x64xf32, #tpu.memory_space<hbm>> -> memref<1000000x64xf32, #tpu.memory_space<hbm>>
    %dma_start3A_2169 = tpu.memref_slice %arg7[%dma_start3A_2159] : memref<3x!tpu.dma_semaphore, #tpu.memory_space<semaphore_mem>> -> memref<1x!tpu.dma_semaphore, #tpu.memory_space<semaphore_mem>>
    %dma_start3A_2170 = tpu.memref_squeeze %dma_start3A_2169 : memref<1x!tpu.dma_semaphore, #tpu.memory_space<semaphore_mem>> -> memref<!tpu.dma_semaphore, #tpu.memory_space<semaphore_mem>>
    tpu.enqueue_indirect_dma source(%dma_start3A_2168 : memref<1000000x64xf32, #tpu.memory_space<hbm>>) target(%dma_start3A_2163 : memref<512x64xf32, #tpu.memory_space<vmem>>) offsets(%dma_start3A_2165 : memref<512xi32, #tpu.memory_space<vmem>>) semaphore(%dma_start3A_2170 : memref<!tpu.dma_semaphore, #tpu.memory_space<semaphore_mem>>)
    %dma_wait3A_2171 = arith.constant 0 : i32
    %dma_wait3A_2172 = arith.constant 0 : i32
    %dma_wait3A_2173 = arith.constant 0 : i32
    %dma_wait3A_2174 = arith.constant 0 : i32
    %dma_wait3A_2175 = tpu.memref_slice %arg6[%dma_wait3A_2171, %dma_wait3A_2173, %dma_wait3A_2174] : memref<3x512x64xf32, #tpu.memory_space<vmem>> -> memref<1x512x64xf32, #tpu.memory_space<vmem>>
    %dma_wait3A_2176 = tpu.memref_squeeze %dma_wait3A_2175 : memref<1x512x64xf32, #tpu.memory_space<vmem>> -> memref<512x64xf32, #tpu.memory_space<vmem>>
    %dma_wait3A_2177 = arith.constant 18432 : i32
    %dma_wait3A_2178 = tpu.memref_slice %arg5[%dma_wait3A_2177] : memref<25600xi32, #tpu.memory_space<vmem>> -> memref<512xi32, #tpu.memory_space<vmem>>
    %dma_wait3A_2179 = arith.constant 0 : i32
    %dma_wait3A_2180 = arith.constant 0 : i32
    %dma_wait3A_2181 = tpu.memref_slice %arg3[%dma_wait3A_2179, %dma_wait3A_2180] : memref<1000000x64xf32, #tpu.memory_space<hbm>> -> memref<1000000x64xf32, #tpu.memory_space<hbm>>
    %dma_wait3A_2182 = tpu.memref_slice %arg7[%dma_wait3A_2172] : memref<3x!tpu.dma_semaphore, #tpu.memory_space<semaphore_mem>> -> memref<1x!tpu.dma_semaphore, #tpu.memory_space<semaphore_mem>>
    %dma_wait3A_2183 = tpu.memref_squeeze %dma_wait3A_2182 : memref<1x!tpu.dma_semaphore, #tpu.memory_space<semaphore_mem>> -> memref<!tpu.dma_semaphore, #tpu.memory_space<semaphore_mem>>
    tpu.wait_indirect_dma semaphore(%dma_wait3A_2183 : memref<!tpu.dma_semaphore, #tpu.memory_space<semaphore_mem>>) src(%dma_wait3A_2181 : memref<1000000x64xf32, #tpu.memory_space<hbm>>) dst(%dma_wait3A_2176 : memref<512x64xf32, #tpu.memory_space<vmem>>)
    %add3A_2184 = arith.constant 18432 : i32
    %add3A_2185 = arith.addi %mul3A_2, %add3A_2184 : i32
    %dma_start3A_2186 = arith.constant 0 : i32
    %dma_start3A_2187 = arith.constant 0 : i32
    %dma_start3A_2188 = arith.constant 0 : i32
    %dma_start3A_2189 = arith.constant 0 : i32
    %dma_start3A_2190 = tpu.memref_slice %arg6[%dma_start3A_2186, %dma_start3A_2188, %dma_start3A_2189] : memref<3x512x64xf32, #tpu.memory_space<vmem>> -> memref<1x512x64xf32, #tpu.memory_space<vmem>>
    %dma_start3A_2191 = tpu.memref_squeeze %dma_start3A_2190 : memref<1x512x64xf32, #tpu.memory_space<vmem>> -> memref<512x64xf32, #tpu.memory_space<vmem>>
    %dma_start3A_2192 = arith.constant 0 : i32
    %dma_start3A_2193 = tpu.memref_slice %arg4[%add3A_2185, %dma_start3A_2192] : memref<819200x64xf32, #tpu.memory_space<hbm>> -> memref<512x64xf32, #tpu.memory_space<hbm>>
    %dma_start3A_2194 = tpu.memref_slice %arg8[%dma_start3A_2187] : memref<3x!tpu.dma_semaphore, #tpu.memory_space<semaphore_mem>> -> memref<1x!tpu.dma_semaphore, #tpu.memory_space<semaphore_mem>>
    %dma_start3A_2195 = tpu.memref_squeeze %dma_start3A_2194 : memref<1x!tpu.dma_semaphore, #tpu.memory_space<semaphore_mem>> -> memref<!tpu.dma_semaphore, #tpu.memory_space<semaphore_mem>>
    %dma_start3A_2196 = arith.constant 0 : i32
    %dma_start3A_2197 = tpu.memref_slice %arg4[%add3A_2185, %dma_start3A_2196] : memref<819200x64xf32, #tpu.memory_space<hbm>> -> memref<512x64xf32, #tpu.memory_space<hbm>>
    %dma_start3A_2198 = arith.constant 0 : i32
    %dma_start3A_2199 = arith.constant 0 : i32
    %dma_start3A_2200 = tpu.memref_slice %arg6[%dma_start3A_2186, %dma_start3A_2198, %dma_start3A_2199] : memref<3x512x64xf32, #tpu.memory_space<vmem>> -> memref<1x512x64xf32, #tpu.memory_space<vmem>>
    %dma_start3A_2201 = tpu.memref_squeeze %dma_start3A_2200 : memref<1x512x64xf32, #tpu.memory_space<vmem>> -> memref<512x64xf32, #tpu.memory_space<vmem>>
    tpu.enqueue_dma source(%dma_start3A_2201 : memref<512x64xf32, #tpu.memory_space<vmem>>) target(%dma_start3A_2197 : memref<512x64xf32, #tpu.memory_space<hbm>>) target_semaphore(%dma_start3A_2195 : memref<!tpu.dma_semaphore, #tpu.memory_space<semaphore_mem>>)
    %dma_wait3A_2202 = arith.constant 2 : i32
    %dma_wait3A_2203 = arith.constant 2 : i32
    %dma_wait3A_2204 = arith.constant 0 : i32
    %dma_wait3A_2205 = arith.constant 0 : i32
    %dma_wait3A_2206 = tpu.memref_slice %arg6[%dma_wait3A_2202, %dma_wait3A_2204, %dma_wait3A_2205] : memref<3x512x64xf32, #tpu.memory_space<vmem>> -> memref<1x512x64xf32, #tpu.memory_space<vmem>>
    %dma_wait3A_2207 = tpu.memref_squeeze %dma_wait3A_2206 : memref<1x512x64xf32, #tpu.memory_space<vmem>> -> memref<512x64xf32, #tpu.memory_space<vmem>>
    %dma_wait3A_2208 = arith.constant 0 : i32
    %dma_wait3A_2209 = tpu.memref_slice %arg4[%add3A_2125, %dma_wait3A_2208] : memref<819200x64xf32, #tpu.memory_space<hbm>> -> memref<512x64xf32, #tpu.memory_space<hbm>>
    %dma_wait3A_2210 = tpu.memref_slice %arg8[%dma_wait3A_2203] : memref<3x!tpu.dma_semaphore, #tpu.memory_space<semaphore_mem>> -> memref<1x!tpu.dma_semaphore, #tpu.memory_space<semaphore_mem>>
    %dma_wait3A_2211 = tpu.memref_squeeze %dma_wait3A_2210 : memref<1x!tpu.dma_semaphore, #tpu.memory_space<semaphore_mem>> -> memref<!tpu.dma_semaphore, #tpu.memory_space<semaphore_mem>>
    %dma_wait3A_2212 = arith.constant 0 : i32
    %dma_wait3A_2213 = tpu.memref_slice %arg4[%add3A_2125, %dma_wait3A_2212] : memref<819200x64xf32, #tpu.memory_space<hbm>> -> memref<512x64xf32, #tpu.memory_space<hbm>>
    %dma_wait3A_2214 = arith.constant 0 : i32
    %dma_wait3A_2215 = arith.constant 0 : i32
    %dma_wait3A_2216 = tpu.memref_slice %arg6[%dma_wait3A_2202, %dma_wait3A_2214, %dma_wait3A_2215] : memref<3x512x64xf32, #tpu.memory_space<vmem>> -> memref<1x512x64xf32, #tpu.memory_space<vmem>>
    %dma_wait3A_2217 = tpu.memref_squeeze %dma_wait3A_2216 : memref<1x512x64xf32, #tpu.memory_space<vmem>> -> memref<512x64xf32, #tpu.memory_space<vmem>>
    tpu.wait_dma2 semaphore(%dma_wait3A_2211 : memref<!tpu.dma_semaphore, #tpu.memory_space<semaphore_mem>>) src(%dma_wait3A_2217 : memref<512x64xf32, #tpu.memory_space<vmem>>) dst(%dma_wait3A_2213 : memref<512x64xf32, #tpu.memory_space<hbm>>)
    %dma_start3A_2218 = arith.constant 2 : i32
    %dma_start3A_2219 = arith.constant 2 : i32
    %dma_start3A_2220 = arith.constant 0 : i32
    %dma_start3A_2221 = arith.constant 0 : i32
    %dma_start3A_2222 = tpu.memref_slice %arg6[%dma_start3A_2218, %dma_start3A_2220, %dma_start3A_2221] : memref<3x512x64xf32, #tpu.memory_space<vmem>> -> memref<1x512x64xf32, #tpu.memory_space<vmem>>
    %dma_start3A_2223 = tpu.memref_squeeze %dma_start3A_2222 : memref<1x512x64xf32, #tpu.memory_space<vmem>> -> memref<512x64xf32, #tpu.memory_space<vmem>>
    %dma_start3A_2224 = arith.constant 19456 : i32
    %dma_start3A_2225 = tpu.memref_slice %arg5[%dma_start3A_2224] : memref<25600xi32, #tpu.memory_space<vmem>> -> memref<512xi32, #tpu.memory_space<vmem>>
    %dma_start3A_2226 = arith.constant 0 : i32
    %dma_start3A_2227 = arith.constant 0 : i32
    %dma_start3A_2228 = tpu.memref_slice %arg3[%dma_start3A_2226, %dma_start3A_2227] : memref<1000000x64xf32, #tpu.memory_space<hbm>> -> memref<1000000x64xf32, #tpu.memory_space<hbm>>
    %dma_start3A_2229 = tpu.memref_slice %arg7[%dma_start3A_2219] : memref<3x!tpu.dma_semaphore, #tpu.memory_space<semaphore_mem>> -> memref<1x!tpu.dma_semaphore, #tpu.memory_space<semaphore_mem>>
    %dma_start3A_2230 = tpu.memref_squeeze %dma_start3A_2229 : memref<1x!tpu.dma_semaphore, #tpu.memory_space<semaphore_mem>> -> memref<!tpu.dma_semaphore, #tpu.memory_space<semaphore_mem>>
    tpu.enqueue_indirect_dma source(%dma_start3A_2228 : memref<1000000x64xf32, #tpu.memory_space<hbm>>) target(%dma_start3A_2223 : memref<512x64xf32, #tpu.memory_space<vmem>>) offsets(%dma_start3A_2225 : memref<512xi32, #tpu.memory_space<vmem>>) semaphore(%dma_start3A_2230 : memref<!tpu.dma_semaphore, #tpu.memory_space<semaphore_mem>>)
    %dma_wait3A_2231 = arith.constant 1 : i32
    %dma_wait3A_2232 = arith.constant 1 : i32
    %dma_wait3A_2233 = arith.constant 0 : i32
    %dma_wait3A_2234 = arith.constant 0 : i32
    %dma_wait3A_2235 = tpu.memref_slice %arg6[%dma_wait3A_2231, %dma_wait3A_2233, %dma_wait3A_2234] : memref<3x512x64xf32, #tpu.memory_space<vmem>> -> memref<1x512x64xf32, #tpu.memory_space<vmem>>
    %dma_wait3A_2236 = tpu.memref_squeeze %dma_wait3A_2235 : memref<1x512x64xf32, #tpu.memory_space<vmem>> -> memref<512x64xf32, #tpu.memory_space<vmem>>
    %dma_wait3A_2237 = arith.constant 18944 : i32
    %dma_wait3A_2238 = tpu.memref_slice %arg5[%dma_wait3A_2237] : memref<25600xi32, #tpu.memory_space<vmem>> -> memref<512xi32, #tpu.memory_space<vmem>>
    %dma_wait3A_2239 = arith.constant 0 : i32
    %dma_wait3A_2240 = arith.constant 0 : i32
    %dma_wait3A_2241 = tpu.memref_slice %arg3[%dma_wait3A_2239, %dma_wait3A_2240] : memref<1000000x64xf32, #tpu.memory_space<hbm>> -> memref<1000000x64xf32, #tpu.memory_space<hbm>>
    %dma_wait3A_2242 = tpu.memref_slice %arg7[%dma_wait3A_2232] : memref<3x!tpu.dma_semaphore, #tpu.memory_space<semaphore_mem>> -> memref<1x!tpu.dma_semaphore, #tpu.memory_space<semaphore_mem>>
    %dma_wait3A_2243 = tpu.memref_squeeze %dma_wait3A_2242 : memref<1x!tpu.dma_semaphore, #tpu.memory_space<semaphore_mem>> -> memref<!tpu.dma_semaphore, #tpu.memory_space<semaphore_mem>>
    tpu.wait_indirect_dma semaphore(%dma_wait3A_2243 : memref<!tpu.dma_semaphore, #tpu.memory_space<semaphore_mem>>) src(%dma_wait3A_2241 : memref<1000000x64xf32, #tpu.memory_space<hbm>>) dst(%dma_wait3A_2236 : memref<512x64xf32, #tpu.memory_space<vmem>>)
    %add3A_2244 = arith.constant 18944 : i32
    %add3A_2245 = arith.addi %mul3A_2, %add3A_2244 : i32
    %dma_start3A_2246 = arith.constant 1 : i32
    %dma_start3A_2247 = arith.constant 1 : i32
    %dma_start3A_2248 = arith.constant 0 : i32
    %dma_start3A_2249 = arith.constant 0 : i32
    %dma_start3A_2250 = tpu.memref_slice %arg6[%dma_start3A_2246, %dma_start3A_2248, %dma_start3A_2249] : memref<3x512x64xf32, #tpu.memory_space<vmem>> -> memref<1x512x64xf32, #tpu.memory_space<vmem>>
    %dma_start3A_2251 = tpu.memref_squeeze %dma_start3A_2250 : memref<1x512x64xf32, #tpu.memory_space<vmem>> -> memref<512x64xf32, #tpu.memory_space<vmem>>
    %dma_start3A_2252 = arith.constant 0 : i32
    %dma_start3A_2253 = tpu.memref_slice %arg4[%add3A_2245, %dma_start3A_2252] : memref<819200x64xf32, #tpu.memory_space<hbm>> -> memref<512x64xf32, #tpu.memory_space<hbm>>
    %dma_start3A_2254 = tpu.memref_slice %arg8[%dma_start3A_2247] : memref<3x!tpu.dma_semaphore, #tpu.memory_space<semaphore_mem>> -> memref<1x!tpu.dma_semaphore, #tpu.memory_space<semaphore_mem>>
    %dma_start3A_2255 = tpu.memref_squeeze %dma_start3A_2254 : memref<1x!tpu.dma_semaphore, #tpu.memory_space<semaphore_mem>> -> memref<!tpu.dma_semaphore, #tpu.memory_space<semaphore_mem>>
    %dma_start3A_2256 = arith.constant 0 : i32
    %dma_start3A_2257 = tpu.memref_slice %arg4[%add3A_2245, %dma_start3A_2256] : memref<819200x64xf32, #tpu.memory_space<hbm>> -> memref<512x64xf32, #tpu.memory_space<hbm>>
    %dma_start3A_2258 = arith.constant 0 : i32
    %dma_start3A_2259 = arith.constant 0 : i32
    %dma_start3A_2260 = tpu.memref_slice %arg6[%dma_start3A_2246, %dma_start3A_2258, %dma_start3A_2259] : memref<3x512x64xf32, #tpu.memory_space<vmem>> -> memref<1x512x64xf32, #tpu.memory_space<vmem>>
    %dma_start3A_2261 = tpu.memref_squeeze %dma_start3A_2260 : memref<1x512x64xf32, #tpu.memory_space<vmem>> -> memref<512x64xf32, #tpu.memory_space<vmem>>
    tpu.enqueue_dma source(%dma_start3A_2261 : memref<512x64xf32, #tpu.memory_space<vmem>>) target(%dma_start3A_2257 : memref<512x64xf32, #tpu.memory_space<hbm>>) target_semaphore(%dma_start3A_2255 : memref<!tpu.dma_semaphore, #tpu.memory_space<semaphore_mem>>)
    %dma_wait3A_2262 = arith.constant 0 : i32
    %dma_wait3A_2263 = arith.constant 0 : i32
    %dma_wait3A_2264 = arith.constant 0 : i32
    %dma_wait3A_2265 = arith.constant 0 : i32
    %dma_wait3A_2266 = tpu.memref_slice %arg6[%dma_wait3A_2262, %dma_wait3A_2264, %dma_wait3A_2265] : memref<3x512x64xf32, #tpu.memory_space<vmem>> -> memref<1x512x64xf32, #tpu.memory_space<vmem>>
    %dma_wait3A_2267 = tpu.memref_squeeze %dma_wait3A_2266 : memref<1x512x64xf32, #tpu.memory_space<vmem>> -> memref<512x64xf32, #tpu.memory_space<vmem>>
    %dma_wait3A_2268 = arith.constant 0 : i32
    %dma_wait3A_2269 = tpu.memref_slice %arg4[%add3A_2185, %dma_wait3A_2268] : memref<819200x64xf32, #tpu.memory_space<hbm>> -> memref<512x64xf32, #tpu.memory_space<hbm>>
    %dma_wait3A_2270 = tpu.memref_slice %arg8[%dma_wait3A_2263] : memref<3x!tpu.dma_semaphore, #tpu.memory_space<semaphore_mem>> -> memref<1x!tpu.dma_semaphore, #tpu.memory_space<semaphore_mem>>
    %dma_wait3A_2271 = tpu.memref_squeeze %dma_wait3A_2270 : memref<1x!tpu.dma_semaphore, #tpu.memory_space<semaphore_mem>> -> memref<!tpu.dma_semaphore, #tpu.memory_space<semaphore_mem>>
    %dma_wait3A_2272 = arith.constant 0 : i32
    %dma_wait3A_2273 = tpu.memref_slice %arg4[%add3A_2185, %dma_wait3A_2272] : memref<819200x64xf32, #tpu.memory_space<hbm>> -> memref<512x64xf32, #tpu.memory_space<hbm>>
    %dma_wait3A_2274 = arith.constant 0 : i32
    %dma_wait3A_2275 = arith.constant 0 : i32
    %dma_wait3A_2276 = tpu.memref_slice %arg6[%dma_wait3A_2262, %dma_wait3A_2274, %dma_wait3A_2275] : memref<3x512x64xf32, #tpu.memory_space<vmem>> -> memref<1x512x64xf32, #tpu.memory_space<vmem>>
    %dma_wait3A_2277 = tpu.memref_squeeze %dma_wait3A_2276 : memref<1x512x64xf32, #tpu.memory_space<vmem>> -> memref<512x64xf32, #tpu.memory_space<vmem>>
    tpu.wait_dma2 semaphore(%dma_wait3A_2271 : memref<!tpu.dma_semaphore, #tpu.memory_space<semaphore_mem>>) src(%dma_wait3A_2277 : memref<512x64xf32, #tpu.memory_space<vmem>>) dst(%dma_wait3A_2273 : memref<512x64xf32, #tpu.memory_space<hbm>>)
    %dma_start3A_2278 = arith.constant 0 : i32
    %dma_start3A_2279 = arith.constant 0 : i32
    %dma_start3A_2280 = arith.constant 0 : i32
    %dma_start3A_2281 = arith.constant 0 : i32
    %dma_start3A_2282 = tpu.memref_slice %arg6[%dma_start3A_2278, %dma_start3A_2280, %dma_start3A_2281] : memref<3x512x64xf32, #tpu.memory_space<vmem>> -> memref<1x512x64xf32, #tpu.memory_space<vmem>>
    %dma_start3A_2283 = tpu.memref_squeeze %dma_start3A_2282 : memref<1x512x64xf32, #tpu.memory_space<vmem>> -> memref<512x64xf32, #tpu.memory_space<vmem>>
    %dma_start3A_2284 = arith.constant 19968 : i32
    %dma_start3A_2285 = tpu.memref_slice %arg5[%dma_start3A_2284] : memref<25600xi32, #tpu.memory_space<vmem>> -> memref<512xi32, #tpu.memory_space<vmem>>
    %dma_start3A_2286 = arith.constant 0 : i32
    %dma_start3A_2287 = arith.constant 0 : i32
    %dma_start3A_2288 = tpu.memref_slice %arg3[%dma_start3A_2286, %dma_start3A_2287] : memref<1000000x64xf32, #tpu.memory_space<hbm>> -> memref<1000000x64xf32, #tpu.memory_space<hbm>>
    %dma_start3A_2289 = tpu.memref_slice %arg7[%dma_start3A_2279] : memref<3x!tpu.dma_semaphore, #tpu.memory_space<semaphore_mem>> -> memref<1x!tpu.dma_semaphore, #tpu.memory_space<semaphore_mem>>
    %dma_start3A_2290 = tpu.memref_squeeze %dma_start3A_2289 : memref<1x!tpu.dma_semaphore, #tpu.memory_space<semaphore_mem>> -> memref<!tpu.dma_semaphore, #tpu.memory_space<semaphore_mem>>
    tpu.enqueue_indirect_dma source(%dma_start3A_2288 : memref<1000000x64xf32, #tpu.memory_space<hbm>>) target(%dma_start3A_2283 : memref<512x64xf32, #tpu.memory_space<vmem>>) offsets(%dma_start3A_2285 : memref<512xi32, #tpu.memory_space<vmem>>) semaphore(%dma_start3A_2290 : memref<!tpu.dma_semaphore, #tpu.memory_space<semaphore_mem>>)
    %dma_wait3A_2291 = arith.constant 2 : i32
    %dma_wait3A_2292 = arith.constant 2 : i32
    %dma_wait3A_2293 = arith.constant 0 : i32
    %dma_wait3A_2294 = arith.constant 0 : i32
    %dma_wait3A_2295 = tpu.memref_slice %arg6[%dma_wait3A_2291, %dma_wait3A_2293, %dma_wait3A_2294] : memref<3x512x64xf32, #tpu.memory_space<vmem>> -> memref<1x512x64xf32, #tpu.memory_space<vmem>>
    %dma_wait3A_2296 = tpu.memref_squeeze %dma_wait3A_2295 : memref<1x512x64xf32, #tpu.memory_space<vmem>> -> memref<512x64xf32, #tpu.memory_space<vmem>>
    %dma_wait3A_2297 = arith.constant 19456 : i32
    %dma_wait3A_2298 = tpu.memref_slice %arg5[%dma_wait3A_2297] : memref<25600xi32, #tpu.memory_space<vmem>> -> memref<512xi32, #tpu.memory_space<vmem>>
    %dma_wait3A_2299 = arith.constant 0 : i32
    %dma_wait3A_2300 = arith.constant 0 : i32
    %dma_wait3A_2301 = tpu.memref_slice %arg3[%dma_wait3A_2299, %dma_wait3A_2300] : memref<1000000x64xf32, #tpu.memory_space<hbm>> -> memref<1000000x64xf32, #tpu.memory_space<hbm>>
    %dma_wait3A_2302 = tpu.memref_slice %arg7[%dma_wait3A_2292] : memref<3x!tpu.dma_semaphore, #tpu.memory_space<semaphore_mem>> -> memref<1x!tpu.dma_semaphore, #tpu.memory_space<semaphore_mem>>
    %dma_wait3A_2303 = tpu.memref_squeeze %dma_wait3A_2302 : memref<1x!tpu.dma_semaphore, #tpu.memory_space<semaphore_mem>> -> memref<!tpu.dma_semaphore, #tpu.memory_space<semaphore_mem>>
    tpu.wait_indirect_dma semaphore(%dma_wait3A_2303 : memref<!tpu.dma_semaphore, #tpu.memory_space<semaphore_mem>>) src(%dma_wait3A_2301 : memref<1000000x64xf32, #tpu.memory_space<hbm>>) dst(%dma_wait3A_2296 : memref<512x64xf32, #tpu.memory_space<vmem>>)
    %add3A_2304 = arith.constant 19456 : i32
    %add3A_2305 = arith.addi %mul3A_2, %add3A_2304 : i32
    %dma_start3A_2306 = arith.constant 2 : i32
    %dma_start3A_2307 = arith.constant 2 : i32
    %dma_start3A_2308 = arith.constant 0 : i32
    %dma_start3A_2309 = arith.constant 0 : i32
    %dma_start3A_2310 = tpu.memref_slice %arg6[%dma_start3A_2306, %dma_start3A_2308, %dma_start3A_2309] : memref<3x512x64xf32, #tpu.memory_space<vmem>> -> memref<1x512x64xf32, #tpu.memory_space<vmem>>
    %dma_start3A_2311 = tpu.memref_squeeze %dma_start3A_2310 : memref<1x512x64xf32, #tpu.memory_space<vmem>> -> memref<512x64xf32, #tpu.memory_space<vmem>>
    %dma_start3A_2312 = arith.constant 0 : i32
    %dma_start3A_2313 = tpu.memref_slice %arg4[%add3A_2305, %dma_start3A_2312] : memref<819200x64xf32, #tpu.memory_space<hbm>> -> memref<512x64xf32, #tpu.memory_space<hbm>>
    %dma_start3A_2314 = tpu.memref_slice %arg8[%dma_start3A_2307] : memref<3x!tpu.dma_semaphore, #tpu.memory_space<semaphore_mem>> -> memref<1x!tpu.dma_semaphore, #tpu.memory_space<semaphore_mem>>
    %dma_start3A_2315 = tpu.memref_squeeze %dma_start3A_2314 : memref<1x!tpu.dma_semaphore, #tpu.memory_space<semaphore_mem>> -> memref<!tpu.dma_semaphore, #tpu.memory_space<semaphore_mem>>
    %dma_start3A_2316 = arith.constant 0 : i32
    %dma_start3A_2317 = tpu.memref_slice %arg4[%add3A_2305, %dma_start3A_2316] : memref<819200x64xf32, #tpu.memory_space<hbm>> -> memref<512x64xf32, #tpu.memory_space<hbm>>
    %dma_start3A_2318 = arith.constant 0 : i32
    %dma_start3A_2319 = arith.constant 0 : i32
    %dma_start3A_2320 = tpu.memref_slice %arg6[%dma_start3A_2306, %dma_start3A_2318, %dma_start3A_2319] : memref<3x512x64xf32, #tpu.memory_space<vmem>> -> memref<1x512x64xf32, #tpu.memory_space<vmem>>
    %dma_start3A_2321 = tpu.memref_squeeze %dma_start3A_2320 : memref<1x512x64xf32, #tpu.memory_space<vmem>> -> memref<512x64xf32, #tpu.memory_space<vmem>>
    tpu.enqueue_dma source(%dma_start3A_2321 : memref<512x64xf32, #tpu.memory_space<vmem>>) target(%dma_start3A_2317 : memref<512x64xf32, #tpu.memory_space<hbm>>) target_semaphore(%dma_start3A_2315 : memref<!tpu.dma_semaphore, #tpu.memory_space<semaphore_mem>>)
    %dma_wait3A_2322 = arith.constant 1 : i32
    %dma_wait3A_2323 = arith.constant 1 : i32
    %dma_wait3A_2324 = arith.constant 0 : i32
    %dma_wait3A_2325 = arith.constant 0 : i32
    %dma_wait3A_2326 = tpu.memref_slice %arg6[%dma_wait3A_2322, %dma_wait3A_2324, %dma_wait3A_2325] : memref<3x512x64xf32, #tpu.memory_space<vmem>> -> memref<1x512x64xf32, #tpu.memory_space<vmem>>
    %dma_wait3A_2327 = tpu.memref_squeeze %dma_wait3A_2326 : memref<1x512x64xf32, #tpu.memory_space<vmem>> -> memref<512x64xf32, #tpu.memory_space<vmem>>
    %dma_wait3A_2328 = arith.constant 0 : i32
    %dma_wait3A_2329 = tpu.memref_slice %arg4[%add3A_2245, %dma_wait3A_2328] : memref<819200x64xf32, #tpu.memory_space<hbm>> -> memref<512x64xf32, #tpu.memory_space<hbm>>
    %dma_wait3A_2330 = tpu.memref_slice %arg8[%dma_wait3A_2323] : memref<3x!tpu.dma_semaphore, #tpu.memory_space<semaphore_mem>> -> memref<1x!tpu.dma_semaphore, #tpu.memory_space<semaphore_mem>>
    %dma_wait3A_2331 = tpu.memref_squeeze %dma_wait3A_2330 : memref<1x!tpu.dma_semaphore, #tpu.memory_space<semaphore_mem>> -> memref<!tpu.dma_semaphore, #tpu.memory_space<semaphore_mem>>
    %dma_wait3A_2332 = arith.constant 0 : i32
    %dma_wait3A_2333 = tpu.memref_slice %arg4[%add3A_2245, %dma_wait3A_2332] : memref<819200x64xf32, #tpu.memory_space<hbm>> -> memref<512x64xf32, #tpu.memory_space<hbm>>
    %dma_wait3A_2334 = arith.constant 0 : i32
    %dma_wait3A_2335 = arith.constant 0 : i32
    %dma_wait3A_2336 = tpu.memref_slice %arg6[%dma_wait3A_2322, %dma_wait3A_2334, %dma_wait3A_2335] : memref<3x512x64xf32, #tpu.memory_space<vmem>> -> memref<1x512x64xf32, #tpu.memory_space<vmem>>
    %dma_wait3A_2337 = tpu.memref_squeeze %dma_wait3A_2336 : memref<1x512x64xf32, #tpu.memory_space<vmem>> -> memref<512x64xf32, #tpu.memory_space<vmem>>
    tpu.wait_dma2 semaphore(%dma_wait3A_2331 : memref<!tpu.dma_semaphore, #tpu.memory_space<semaphore_mem>>) src(%dma_wait3A_2337 : memref<512x64xf32, #tpu.memory_space<vmem>>) dst(%dma_wait3A_2333 : memref<512x64xf32, #tpu.memory_space<hbm>>)
    %dma_start3A_2338 = arith.constant 1 : i32
    %dma_start3A_2339 = arith.constant 1 : i32
    %dma_start3A_2340 = arith.constant 0 : i32
    %dma_start3A_2341 = arith.constant 0 : i32
    %dma_start3A_2342 = tpu.memref_slice %arg6[%dma_start3A_2338, %dma_start3A_2340, %dma_start3A_2341] : memref<3x512x64xf32, #tpu.memory_space<vmem>> -> memref<1x512x64xf32, #tpu.memory_space<vmem>>
    %dma_start3A_2343 = tpu.memref_squeeze %dma_start3A_2342 : memref<1x512x64xf32, #tpu.memory_space<vmem>> -> memref<512x64xf32, #tpu.memory_space<vmem>>
    %dma_start3A_2344 = arith.constant 20480 : i32
    %dma_start3A_2345 = tpu.memref_slice %arg5[%dma_start3A_2344] : memref<25600xi32, #tpu.memory_space<vmem>> -> memref<512xi32, #tpu.memory_space<vmem>>
    %dma_start3A_2346 = arith.constant 0 : i32
    %dma_start3A_2347 = arith.constant 0 : i32
    %dma_start3A_2348 = tpu.memref_slice %arg3[%dma_start3A_2346, %dma_start3A_2347] : memref<1000000x64xf32, #tpu.memory_space<hbm>> -> memref<1000000x64xf32, #tpu.memory_space<hbm>>
    %dma_start3A_2349 = tpu.memref_slice %arg7[%dma_start3A_2339] : memref<3x!tpu.dma_semaphore, #tpu.memory_space<semaphore_mem>> -> memref<1x!tpu.dma_semaphore, #tpu.memory_space<semaphore_mem>>
    %dma_start3A_2350 = tpu.memref_squeeze %dma_start3A_2349 : memref<1x!tpu.dma_semaphore, #tpu.memory_space<semaphore_mem>> -> memref<!tpu.dma_semaphore, #tpu.memory_space<semaphore_mem>>
    tpu.enqueue_indirect_dma source(%dma_start3A_2348 : memref<1000000x64xf32, #tpu.memory_space<hbm>>) target(%dma_start3A_2343 : memref<512x64xf32, #tpu.memory_space<vmem>>) offsets(%dma_start3A_2345 : memref<512xi32, #tpu.memory_space<vmem>>) semaphore(%dma_start3A_2350 : memref<!tpu.dma_semaphore, #tpu.memory_space<semaphore_mem>>)
    %dma_wait3A_2351 = arith.constant 0 : i32
    %dma_wait3A_2352 = arith.constant 0 : i32
    %dma_wait3A_2353 = arith.constant 0 : i32
    %dma_wait3A_2354 = arith.constant 0 : i32
    %dma_wait3A_2355 = tpu.memref_slice %arg6[%dma_wait3A_2351, %dma_wait3A_2353, %dma_wait3A_2354] : memref<3x512x64xf32, #tpu.memory_space<vmem>> -> memref<1x512x64xf32, #tpu.memory_space<vmem>>
    %dma_wait3A_2356 = tpu.memref_squeeze %dma_wait3A_2355 : memref<1x512x64xf32, #tpu.memory_space<vmem>> -> memref<512x64xf32, #tpu.memory_space<vmem>>
    %dma_wait3A_2357 = arith.constant 19968 : i32
    %dma_wait3A_2358 = tpu.memref_slice %arg5[%dma_wait3A_2357] : memref<25600xi32, #tpu.memory_space<vmem>> -> memref<512xi32, #tpu.memory_space<vmem>>
    %dma_wait3A_2359 = arith.constant 0 : i32
    %dma_wait3A_2360 = arith.constant 0 : i32
    %dma_wait3A_2361 = tpu.memref_slice %arg3[%dma_wait3A_2359, %dma_wait3A_2360] : memref<1000000x64xf32, #tpu.memory_space<hbm>> -> memref<1000000x64xf32, #tpu.memory_space<hbm>>
    %dma_wait3A_2362 = tpu.memref_slice %arg7[%dma_wait3A_2352] : memref<3x!tpu.dma_semaphore, #tpu.memory_space<semaphore_mem>> -> memref<1x!tpu.dma_semaphore, #tpu.memory_space<semaphore_mem>>
    %dma_wait3A_2363 = tpu.memref_squeeze %dma_wait3A_2362 : memref<1x!tpu.dma_semaphore, #tpu.memory_space<semaphore_mem>> -> memref<!tpu.dma_semaphore, #tpu.memory_space<semaphore_mem>>
    tpu.wait_indirect_dma semaphore(%dma_wait3A_2363 : memref<!tpu.dma_semaphore, #tpu.memory_space<semaphore_mem>>) src(%dma_wait3A_2361 : memref<1000000x64xf32, #tpu.memory_space<hbm>>) dst(%dma_wait3A_2356 : memref<512x64xf32, #tpu.memory_space<vmem>>)
    %add3A_2364 = arith.constant 19968 : i32
    %add3A_2365 = arith.addi %mul3A_2, %add3A_2364 : i32
    %dma_start3A_2366 = arith.constant 0 : i32
    %dma_start3A_2367 = arith.constant 0 : i32
    %dma_start3A_2368 = arith.constant 0 : i32
    %dma_start3A_2369 = arith.constant 0 : i32
    %dma_start3A_2370 = tpu.memref_slice %arg6[%dma_start3A_2366, %dma_start3A_2368, %dma_start3A_2369] : memref<3x512x64xf32, #tpu.memory_space<vmem>> -> memref<1x512x64xf32, #tpu.memory_space<vmem>>
    %dma_start3A_2371 = tpu.memref_squeeze %dma_start3A_2370 : memref<1x512x64xf32, #tpu.memory_space<vmem>> -> memref<512x64xf32, #tpu.memory_space<vmem>>
    %dma_start3A_2372 = arith.constant 0 : i32
    %dma_start3A_2373 = tpu.memref_slice %arg4[%add3A_2365, %dma_start3A_2372] : memref<819200x64xf32, #tpu.memory_space<hbm>> -> memref<512x64xf32, #tpu.memory_space<hbm>>
    %dma_start3A_2374 = tpu.memref_slice %arg8[%dma_start3A_2367] : memref<3x!tpu.dma_semaphore, #tpu.memory_space<semaphore_mem>> -> memref<1x!tpu.dma_semaphore, #tpu.memory_space<semaphore_mem>>
    %dma_start3A_2375 = tpu.memref_squeeze %dma_start3A_2374 : memref<1x!tpu.dma_semaphore, #tpu.memory_space<semaphore_mem>> -> memref<!tpu.dma_semaphore, #tpu.memory_space<semaphore_mem>>
    %dma_start3A_2376 = arith.constant 0 : i32
    %dma_start3A_2377 = tpu.memref_slice %arg4[%add3A_2365, %dma_start3A_2376] : memref<819200x64xf32, #tpu.memory_space<hbm>> -> memref<512x64xf32, #tpu.memory_space<hbm>>
    %dma_start3A_2378 = arith.constant 0 : i32
    %dma_start3A_2379 = arith.constant 0 : i32
    %dma_start3A_2380 = tpu.memref_slice %arg6[%dma_start3A_2366, %dma_start3A_2378, %dma_start3A_2379] : memref<3x512x64xf32, #tpu.memory_space<vmem>> -> memref<1x512x64xf32, #tpu.memory_space<vmem>>
    %dma_start3A_2381 = tpu.memref_squeeze %dma_start3A_2380 : memref<1x512x64xf32, #tpu.memory_space<vmem>> -> memref<512x64xf32, #tpu.memory_space<vmem>>
    tpu.enqueue_dma source(%dma_start3A_2381 : memref<512x64xf32, #tpu.memory_space<vmem>>) target(%dma_start3A_2377 : memref<512x64xf32, #tpu.memory_space<hbm>>) target_semaphore(%dma_start3A_2375 : memref<!tpu.dma_semaphore, #tpu.memory_space<semaphore_mem>>)
    %dma_wait3A_2382 = arith.constant 2 : i32
    %dma_wait3A_2383 = arith.constant 2 : i32
    %dma_wait3A_2384 = arith.constant 0 : i32
    %dma_wait3A_2385 = arith.constant 0 : i32
    %dma_wait3A_2386 = tpu.memref_slice %arg6[%dma_wait3A_2382, %dma_wait3A_2384, %dma_wait3A_2385] : memref<3x512x64xf32, #tpu.memory_space<vmem>> -> memref<1x512x64xf32, #tpu.memory_space<vmem>>
    %dma_wait3A_2387 = tpu.memref_squeeze %dma_wait3A_2386 : memref<1x512x64xf32, #tpu.memory_space<vmem>> -> memref<512x64xf32, #tpu.memory_space<vmem>>
    %dma_wait3A_2388 = arith.constant 0 : i32
    %dma_wait3A_2389 = tpu.memref_slice %arg4[%add3A_2305, %dma_wait3A_2388] : memref<819200x64xf32, #tpu.memory_space<hbm>> -> memref<512x64xf32, #tpu.memory_space<hbm>>
    %dma_wait3A_2390 = tpu.memref_slice %arg8[%dma_wait3A_2383] : memref<3x!tpu.dma_semaphore, #tpu.memory_space<semaphore_mem>> -> memref<1x!tpu.dma_semaphore, #tpu.memory_space<semaphore_mem>>
    %dma_wait3A_2391 = tpu.memref_squeeze %dma_wait3A_2390 : memref<1x!tpu.dma_semaphore, #tpu.memory_space<semaphore_mem>> -> memref<!tpu.dma_semaphore, #tpu.memory_space<semaphore_mem>>
    %dma_wait3A_2392 = arith.constant 0 : i32
    %dma_wait3A_2393 = tpu.memref_slice %arg4[%add3A_2305, %dma_wait3A_2392] : memref<819200x64xf32, #tpu.memory_space<hbm>> -> memref<512x64xf32, #tpu.memory_space<hbm>>
    %dma_wait3A_2394 = arith.constant 0 : i32
    %dma_wait3A_2395 = arith.constant 0 : i32
    %dma_wait3A_2396 = tpu.memref_slice %arg6[%dma_wait3A_2382, %dma_wait3A_2394, %dma_wait3A_2395] : memref<3x512x64xf32, #tpu.memory_space<vmem>> -> memref<1x512x64xf32, #tpu.memory_space<vmem>>
    %dma_wait3A_2397 = tpu.memref_squeeze %dma_wait3A_2396 : memref<1x512x64xf32, #tpu.memory_space<vmem>> -> memref<512x64xf32, #tpu.memory_space<vmem>>
    tpu.wait_dma2 semaphore(%dma_wait3A_2391 : memref<!tpu.dma_semaphore, #tpu.memory_space<semaphore_mem>>) src(%dma_wait3A_2397 : memref<512x64xf32, #tpu.memory_space<vmem>>) dst(%dma_wait3A_2393 : memref<512x64xf32, #tpu.memory_space<hbm>>)
    %dma_start3A_2398 = arith.constant 2 : i32
    %dma_start3A_2399 = arith.constant 2 : i32
    %dma_start3A_2400 = arith.constant 0 : i32
    %dma_start3A_2401 = arith.constant 0 : i32
    %dma_start3A_2402 = tpu.memref_slice %arg6[%dma_start3A_2398, %dma_start3A_2400, %dma_start3A_2401] : memref<3x512x64xf32, #tpu.memory_space<vmem>> -> memref<1x512x64xf32, #tpu.memory_space<vmem>>
    %dma_start3A_2403 = tpu.memref_squeeze %dma_start3A_2402 : memref<1x512x64xf32, #tpu.memory_space<vmem>> -> memref<512x64xf32, #tpu.memory_space<vmem>>
    %dma_start3A_2404 = arith.constant 20992 : i32
    %dma_start3A_2405 = tpu.memref_slice %arg5[%dma_start3A_2404] : memref<25600xi32, #tpu.memory_space<vmem>> -> memref<512xi32, #tpu.memory_space<vmem>>
    %dma_start3A_2406 = arith.constant 0 : i32
    %dma_start3A_2407 = arith.constant 0 : i32
    %dma_start3A_2408 = tpu.memref_slice %arg3[%dma_start3A_2406, %dma_start3A_2407] : memref<1000000x64xf32, #tpu.memory_space<hbm>> -> memref<1000000x64xf32, #tpu.memory_space<hbm>>
    %dma_start3A_2409 = tpu.memref_slice %arg7[%dma_start3A_2399] : memref<3x!tpu.dma_semaphore, #tpu.memory_space<semaphore_mem>> -> memref<1x!tpu.dma_semaphore, #tpu.memory_space<semaphore_mem>>
    %dma_start3A_2410 = tpu.memref_squeeze %dma_start3A_2409 : memref<1x!tpu.dma_semaphore, #tpu.memory_space<semaphore_mem>> -> memref<!tpu.dma_semaphore, #tpu.memory_space<semaphore_mem>>
    tpu.enqueue_indirect_dma source(%dma_start3A_2408 : memref<1000000x64xf32, #tpu.memory_space<hbm>>) target(%dma_start3A_2403 : memref<512x64xf32, #tpu.memory_space<vmem>>) offsets(%dma_start3A_2405 : memref<512xi32, #tpu.memory_space<vmem>>) semaphore(%dma_start3A_2410 : memref<!tpu.dma_semaphore, #tpu.memory_space<semaphore_mem>>)
    %dma_wait3A_2411 = arith.constant 1 : i32
    %dma_wait3A_2412 = arith.constant 1 : i32
    %dma_wait3A_2413 = arith.constant 0 : i32
    %dma_wait3A_2414 = arith.constant 0 : i32
    %dma_wait3A_2415 = tpu.memref_slice %arg6[%dma_wait3A_2411, %dma_wait3A_2413, %dma_wait3A_2414] : memref<3x512x64xf32, #tpu.memory_space<vmem>> -> memref<1x512x64xf32, #tpu.memory_space<vmem>>
    %dma_wait3A_2416 = tpu.memref_squeeze %dma_wait3A_2415 : memref<1x512x64xf32, #tpu.memory_space<vmem>> -> memref<512x64xf32, #tpu.memory_space<vmem>>
    %dma_wait3A_2417 = arith.constant 20480 : i32
    %dma_wait3A_2418 = tpu.memref_slice %arg5[%dma_wait3A_2417] : memref<25600xi32, #tpu.memory_space<vmem>> -> memref<512xi32, #tpu.memory_space<vmem>>
    %dma_wait3A_2419 = arith.constant 0 : i32
    %dma_wait3A_2420 = arith.constant 0 : i32
    %dma_wait3A_2421 = tpu.memref_slice %arg3[%dma_wait3A_2419, %dma_wait3A_2420] : memref<1000000x64xf32, #tpu.memory_space<hbm>> -> memref<1000000x64xf32, #tpu.memory_space<hbm>>
    %dma_wait3A_2422 = tpu.memref_slice %arg7[%dma_wait3A_2412] : memref<3x!tpu.dma_semaphore, #tpu.memory_space<semaphore_mem>> -> memref<1x!tpu.dma_semaphore, #tpu.memory_space<semaphore_mem>>
    %dma_wait3A_2423 = tpu.memref_squeeze %dma_wait3A_2422 : memref<1x!tpu.dma_semaphore, #tpu.memory_space<semaphore_mem>> -> memref<!tpu.dma_semaphore, #tpu.memory_space<semaphore_mem>>
    tpu.wait_indirect_dma semaphore(%dma_wait3A_2423 : memref<!tpu.dma_semaphore, #tpu.memory_space<semaphore_mem>>) src(%dma_wait3A_2421 : memref<1000000x64xf32, #tpu.memory_space<hbm>>) dst(%dma_wait3A_2416 : memref<512x64xf32, #tpu.memory_space<vmem>>)
    %add3A_2424 = arith.constant 20480 : i32
    %add3A_2425 = arith.addi %mul3A_2, %add3A_2424 : i32
    %dma_start3A_2426 = arith.constant 1 : i32
    %dma_start3A_2427 = arith.constant 1 : i32
    %dma_start3A_2428 = arith.constant 0 : i32
    %dma_start3A_2429 = arith.constant 0 : i32
    %dma_start3A_2430 = tpu.memref_slice %arg6[%dma_start3A_2426, %dma_start3A_2428, %dma_start3A_2429] : memref<3x512x64xf32, #tpu.memory_space<vmem>> -> memref<1x512x64xf32, #tpu.memory_space<vmem>>
    %dma_start3A_2431 = tpu.memref_squeeze %dma_start3A_2430 : memref<1x512x64xf32, #tpu.memory_space<vmem>> -> memref<512x64xf32, #tpu.memory_space<vmem>>
    %dma_start3A_2432 = arith.constant 0 : i32
    %dma_start3A_2433 = tpu.memref_slice %arg4[%add3A_2425, %dma_start3A_2432] : memref<819200x64xf32, #tpu.memory_space<hbm>> -> memref<512x64xf32, #tpu.memory_space<hbm>>
    %dma_start3A_2434 = tpu.memref_slice %arg8[%dma_start3A_2427] : memref<3x!tpu.dma_semaphore, #tpu.memory_space<semaphore_mem>> -> memref<1x!tpu.dma_semaphore, #tpu.memory_space<semaphore_mem>>
    %dma_start3A_2435 = tpu.memref_squeeze %dma_start3A_2434 : memref<1x!tpu.dma_semaphore, #tpu.memory_space<semaphore_mem>> -> memref<!tpu.dma_semaphore, #tpu.memory_space<semaphore_mem>>
    %dma_start3A_2436 = arith.constant 0 : i32
    %dma_start3A_2437 = tpu.memref_slice %arg4[%add3A_2425, %dma_start3A_2436] : memref<819200x64xf32, #tpu.memory_space<hbm>> -> memref<512x64xf32, #tpu.memory_space<hbm>>
    %dma_start3A_2438 = arith.constant 0 : i32
    %dma_start3A_2439 = arith.constant 0 : i32
    %dma_start3A_2440 = tpu.memref_slice %arg6[%dma_start3A_2426, %dma_start3A_2438, %dma_start3A_2439] : memref<3x512x64xf32, #tpu.memory_space<vmem>> -> memref<1x512x64xf32, #tpu.memory_space<vmem>>
    %dma_start3A_2441 = tpu.memref_squeeze %dma_start3A_2440 : memref<1x512x64xf32, #tpu.memory_space<vmem>> -> memref<512x64xf32, #tpu.memory_space<vmem>>
    tpu.enqueue_dma source(%dma_start3A_2441 : memref<512x64xf32, #tpu.memory_space<vmem>>) target(%dma_start3A_2437 : memref<512x64xf32, #tpu.memory_space<hbm>>) target_semaphore(%dma_start3A_2435 : memref<!tpu.dma_semaphore, #tpu.memory_space<semaphore_mem>>)
    %dma_wait3A_2442 = arith.constant 0 : i32
    %dma_wait3A_2443 = arith.constant 0 : i32
    %dma_wait3A_2444 = arith.constant 0 : i32
    %dma_wait3A_2445 = arith.constant 0 : i32
    %dma_wait3A_2446 = tpu.memref_slice %arg6[%dma_wait3A_2442, %dma_wait3A_2444, %dma_wait3A_2445] : memref<3x512x64xf32, #tpu.memory_space<vmem>> -> memref<1x512x64xf32, #tpu.memory_space<vmem>>
    %dma_wait3A_2447 = tpu.memref_squeeze %dma_wait3A_2446 : memref<1x512x64xf32, #tpu.memory_space<vmem>> -> memref<512x64xf32, #tpu.memory_space<vmem>>
    %dma_wait3A_2448 = arith.constant 0 : i32
    %dma_wait3A_2449 = tpu.memref_slice %arg4[%add3A_2365, %dma_wait3A_2448] : memref<819200x64xf32, #tpu.memory_space<hbm>> -> memref<512x64xf32, #tpu.memory_space<hbm>>
    %dma_wait3A_2450 = tpu.memref_slice %arg8[%dma_wait3A_2443] : memref<3x!tpu.dma_semaphore, #tpu.memory_space<semaphore_mem>> -> memref<1x!tpu.dma_semaphore, #tpu.memory_space<semaphore_mem>>
    %dma_wait3A_2451 = tpu.memref_squeeze %dma_wait3A_2450 : memref<1x!tpu.dma_semaphore, #tpu.memory_space<semaphore_mem>> -> memref<!tpu.dma_semaphore, #tpu.memory_space<semaphore_mem>>
    %dma_wait3A_2452 = arith.constant 0 : i32
    %dma_wait3A_2453 = tpu.memref_slice %arg4[%add3A_2365, %dma_wait3A_2452] : memref<819200x64xf32, #tpu.memory_space<hbm>> -> memref<512x64xf32, #tpu.memory_space<hbm>>
    %dma_wait3A_2454 = arith.constant 0 : i32
    %dma_wait3A_2455 = arith.constant 0 : i32
    %dma_wait3A_2456 = tpu.memref_slice %arg6[%dma_wait3A_2442, %dma_wait3A_2454, %dma_wait3A_2455] : memref<3x512x64xf32, #tpu.memory_space<vmem>> -> memref<1x512x64xf32, #tpu.memory_space<vmem>>
    %dma_wait3A_2457 = tpu.memref_squeeze %dma_wait3A_2456 : memref<1x512x64xf32, #tpu.memory_space<vmem>> -> memref<512x64xf32, #tpu.memory_space<vmem>>
    tpu.wait_dma2 semaphore(%dma_wait3A_2451 : memref<!tpu.dma_semaphore, #tpu.memory_space<semaphore_mem>>) src(%dma_wait3A_2457 : memref<512x64xf32, #tpu.memory_space<vmem>>) dst(%dma_wait3A_2453 : memref<512x64xf32, #tpu.memory_space<hbm>>)
    %dma_start3A_2458 = arith.constant 0 : i32
    %dma_start3A_2459 = arith.constant 0 : i32
    %dma_start3A_2460 = arith.constant 0 : i32
    %dma_start3A_2461 = arith.constant 0 : i32
    %dma_start3A_2462 = tpu.memref_slice %arg6[%dma_start3A_2458, %dma_start3A_2460, %dma_start3A_2461] : memref<3x512x64xf32, #tpu.memory_space<vmem>> -> memref<1x512x64xf32, #tpu.memory_space<vmem>>
    %dma_start3A_2463 = tpu.memref_squeeze %dma_start3A_2462 : memref<1x512x64xf32, #tpu.memory_space<vmem>> -> memref<512x64xf32, #tpu.memory_space<vmem>>
    %dma_start3A_2464 = arith.constant 21504 : i32
    %dma_start3A_2465 = tpu.memref_slice %arg5[%dma_start3A_2464] : memref<25600xi32, #tpu.memory_space<vmem>> -> memref<512xi32, #tpu.memory_space<vmem>>
    %dma_start3A_2466 = arith.constant 0 : i32
    %dma_start3A_2467 = arith.constant 0 : i32
    %dma_start3A_2468 = tpu.memref_slice %arg3[%dma_start3A_2466, %dma_start3A_2467] : memref<1000000x64xf32, #tpu.memory_space<hbm>> -> memref<1000000x64xf32, #tpu.memory_space<hbm>>
    %dma_start3A_2469 = tpu.memref_slice %arg7[%dma_start3A_2459] : memref<3x!tpu.dma_semaphore, #tpu.memory_space<semaphore_mem>> -> memref<1x!tpu.dma_semaphore, #tpu.memory_space<semaphore_mem>>
    %dma_start3A_2470 = tpu.memref_squeeze %dma_start3A_2469 : memref<1x!tpu.dma_semaphore, #tpu.memory_space<semaphore_mem>> -> memref<!tpu.dma_semaphore, #tpu.memory_space<semaphore_mem>>
    tpu.enqueue_indirect_dma source(%dma_start3A_2468 : memref<1000000x64xf32, #tpu.memory_space<hbm>>) target(%dma_start3A_2463 : memref<512x64xf32, #tpu.memory_space<vmem>>) offsets(%dma_start3A_2465 : memref<512xi32, #tpu.memory_space<vmem>>) semaphore(%dma_start3A_2470 : memref<!tpu.dma_semaphore, #tpu.memory_space<semaphore_mem>>)
    %dma_wait3A_2471 = arith.constant 2 : i32
    %dma_wait3A_2472 = arith.constant 2 : i32
    %dma_wait3A_2473 = arith.constant 0 : i32
    %dma_wait3A_2474 = arith.constant 0 : i32
    %dma_wait3A_2475 = tpu.memref_slice %arg6[%dma_wait3A_2471, %dma_wait3A_2473, %dma_wait3A_2474] : memref<3x512x64xf32, #tpu.memory_space<vmem>> -> memref<1x512x64xf32, #tpu.memory_space<vmem>>
    %dma_wait3A_2476 = tpu.memref_squeeze %dma_wait3A_2475 : memref<1x512x64xf32, #tpu.memory_space<vmem>> -> memref<512x64xf32, #tpu.memory_space<vmem>>
    %dma_wait3A_2477 = arith.constant 20992 : i32
    %dma_wait3A_2478 = tpu.memref_slice %arg5[%dma_wait3A_2477] : memref<25600xi32, #tpu.memory_space<vmem>> -> memref<512xi32, #tpu.memory_space<vmem>>
    %dma_wait3A_2479 = arith.constant 0 : i32
    %dma_wait3A_2480 = arith.constant 0 : i32
    %dma_wait3A_2481 = tpu.memref_slice %arg3[%dma_wait3A_2479, %dma_wait3A_2480] : memref<1000000x64xf32, #tpu.memory_space<hbm>> -> memref<1000000x64xf32, #tpu.memory_space<hbm>>
    %dma_wait3A_2482 = tpu.memref_slice %arg7[%dma_wait3A_2472] : memref<3x!tpu.dma_semaphore, #tpu.memory_space<semaphore_mem>> -> memref<1x!tpu.dma_semaphore, #tpu.memory_space<semaphore_mem>>
    %dma_wait3A_2483 = tpu.memref_squeeze %dma_wait3A_2482 : memref<1x!tpu.dma_semaphore, #tpu.memory_space<semaphore_mem>> -> memref<!tpu.dma_semaphore, #tpu.memory_space<semaphore_mem>>
    tpu.wait_indirect_dma semaphore(%dma_wait3A_2483 : memref<!tpu.dma_semaphore, #tpu.memory_space<semaphore_mem>>) src(%dma_wait3A_2481 : memref<1000000x64xf32, #tpu.memory_space<hbm>>) dst(%dma_wait3A_2476 : memref<512x64xf32, #tpu.memory_space<vmem>>)
    %add3A_2484 = arith.constant 20992 : i32
    %add3A_2485 = arith.addi %mul3A_2, %add3A_2484 : i32
    %dma_start3A_2486 = arith.constant 2 : i32
    %dma_start3A_2487 = arith.constant 2 : i32
    %dma_start3A_2488 = arith.constant 0 : i32
    %dma_start3A_2489 = arith.constant 0 : i32
    %dma_start3A_2490 = tpu.memref_slice %arg6[%dma_start3A_2486, %dma_start3A_2488, %dma_start3A_2489] : memref<3x512x64xf32, #tpu.memory_space<vmem>> -> memref<1x512x64xf32, #tpu.memory_space<vmem>>
    %dma_start3A_2491 = tpu.memref_squeeze %dma_start3A_2490 : memref<1x512x64xf32, #tpu.memory_space<vmem>> -> memref<512x64xf32, #tpu.memory_space<vmem>>
    %dma_start3A_2492 = arith.constant 0 : i32
    %dma_start3A_2493 = tpu.memref_slice %arg4[%add3A_2485, %dma_start3A_2492] : memref<819200x64xf32, #tpu.memory_space<hbm>> -> memref<512x64xf32, #tpu.memory_space<hbm>>
    %dma_start3A_2494 = tpu.memref_slice %arg8[%dma_start3A_2487] : memref<3x!tpu.dma_semaphore, #tpu.memory_space<semaphore_mem>> -> memref<1x!tpu.dma_semaphore, #tpu.memory_space<semaphore_mem>>
    %dma_start3A_2495 = tpu.memref_squeeze %dma_start3A_2494 : memref<1x!tpu.dma_semaphore, #tpu.memory_space<semaphore_mem>> -> memref<!tpu.dma_semaphore, #tpu.memory_space<semaphore_mem>>
    %dma_start3A_2496 = arith.constant 0 : i32
    %dma_start3A_2497 = tpu.memref_slice %arg4[%add3A_2485, %dma_start3A_2496] : memref<819200x64xf32, #tpu.memory_space<hbm>> -> memref<512x64xf32, #tpu.memory_space<hbm>>
    %dma_start3A_2498 = arith.constant 0 : i32
    %dma_start3A_2499 = arith.constant 0 : i32
    %dma_start3A_2500 = tpu.memref_slice %arg6[%dma_start3A_2486, %dma_start3A_2498, %dma_start3A_2499] : memref<3x512x64xf32, #tpu.memory_space<vmem>> -> memref<1x512x64xf32, #tpu.memory_space<vmem>>
    %dma_start3A_2501 = tpu.memref_squeeze %dma_start3A_2500 : memref<1x512x64xf32, #tpu.memory_space<vmem>> -> memref<512x64xf32, #tpu.memory_space<vmem>>
    tpu.enqueue_dma source(%dma_start3A_2501 : memref<512x64xf32, #tpu.memory_space<vmem>>) target(%dma_start3A_2497 : memref<512x64xf32, #tpu.memory_space<hbm>>) target_semaphore(%dma_start3A_2495 : memref<!tpu.dma_semaphore, #tpu.memory_space<semaphore_mem>>)
    %dma_wait3A_2502 = arith.constant 1 : i32
    %dma_wait3A_2503 = arith.constant 1 : i32
    %dma_wait3A_2504 = arith.constant 0 : i32
    %dma_wait3A_2505 = arith.constant 0 : i32
    %dma_wait3A_2506 = tpu.memref_slice %arg6[%dma_wait3A_2502, %dma_wait3A_2504, %dma_wait3A_2505] : memref<3x512x64xf32, #tpu.memory_space<vmem>> -> memref<1x512x64xf32, #tpu.memory_space<vmem>>
    %dma_wait3A_2507 = tpu.memref_squeeze %dma_wait3A_2506 : memref<1x512x64xf32, #tpu.memory_space<vmem>> -> memref<512x64xf32, #tpu.memory_space<vmem>>
    %dma_wait3A_2508 = arith.constant 0 : i32
    %dma_wait3A_2509 = tpu.memref_slice %arg4[%add3A_2425, %dma_wait3A_2508] : memref<819200x64xf32, #tpu.memory_space<hbm>> -> memref<512x64xf32, #tpu.memory_space<hbm>>
    %dma_wait3A_2510 = tpu.memref_slice %arg8[%dma_wait3A_2503] : memref<3x!tpu.dma_semaphore, #tpu.memory_space<semaphore_mem>> -> memref<1x!tpu.dma_semaphore, #tpu.memory_space<semaphore_mem>>
    %dma_wait3A_2511 = tpu.memref_squeeze %dma_wait3A_2510 : memref<1x!tpu.dma_semaphore, #tpu.memory_space<semaphore_mem>> -> memref<!tpu.dma_semaphore, #tpu.memory_space<semaphore_mem>>
    %dma_wait3A_2512 = arith.constant 0 : i32
    %dma_wait3A_2513 = tpu.memref_slice %arg4[%add3A_2425, %dma_wait3A_2512] : memref<819200x64xf32, #tpu.memory_space<hbm>> -> memref<512x64xf32, #tpu.memory_space<hbm>>
    %dma_wait3A_2514 = arith.constant 0 : i32
    %dma_wait3A_2515 = arith.constant 0 : i32
    %dma_wait3A_2516 = tpu.memref_slice %arg6[%dma_wait3A_2502, %dma_wait3A_2514, %dma_wait3A_2515] : memref<3x512x64xf32, #tpu.memory_space<vmem>> -> memref<1x512x64xf32, #tpu.memory_space<vmem>>
    %dma_wait3A_2517 = tpu.memref_squeeze %dma_wait3A_2516 : memref<1x512x64xf32, #tpu.memory_space<vmem>> -> memref<512x64xf32, #tpu.memory_space<vmem>>
    tpu.wait_dma2 semaphore(%dma_wait3A_2511 : memref<!tpu.dma_semaphore, #tpu.memory_space<semaphore_mem>>) src(%dma_wait3A_2517 : memref<512x64xf32, #tpu.memory_space<vmem>>) dst(%dma_wait3A_2513 : memref<512x64xf32, #tpu.memory_space<hbm>>)
    %dma_start3A_2518 = arith.constant 1 : i32
    %dma_start3A_2519 = arith.constant 1 : i32
    %dma_start3A_2520 = arith.constant 0 : i32
    %dma_start3A_2521 = arith.constant 0 : i32
    %dma_start3A_2522 = tpu.memref_slice %arg6[%dma_start3A_2518, %dma_start3A_2520, %dma_start3A_2521] : memref<3x512x64xf32, #tpu.memory_space<vmem>> -> memref<1x512x64xf32, #tpu.memory_space<vmem>>
    %dma_start3A_2523 = tpu.memref_squeeze %dma_start3A_2522 : memref<1x512x64xf32, #tpu.memory_space<vmem>> -> memref<512x64xf32, #tpu.memory_space<vmem>>
    %dma_start3A_2524 = arith.constant 22016 : i32
    %dma_start3A_2525 = tpu.memref_slice %arg5[%dma_start3A_2524] : memref<25600xi32, #tpu.memory_space<vmem>> -> memref<512xi32, #tpu.memory_space<vmem>>
    %dma_start3A_2526 = arith.constant 0 : i32
    %dma_start3A_2527 = arith.constant 0 : i32
    %dma_start3A_2528 = tpu.memref_slice %arg3[%dma_start3A_2526, %dma_start3A_2527] : memref<1000000x64xf32, #tpu.memory_space<hbm>> -> memref<1000000x64xf32, #tpu.memory_space<hbm>>
    %dma_start3A_2529 = tpu.memref_slice %arg7[%dma_start3A_2519] : memref<3x!tpu.dma_semaphore, #tpu.memory_space<semaphore_mem>> -> memref<1x!tpu.dma_semaphore, #tpu.memory_space<semaphore_mem>>
    %dma_start3A_2530 = tpu.memref_squeeze %dma_start3A_2529 : memref<1x!tpu.dma_semaphore, #tpu.memory_space<semaphore_mem>> -> memref<!tpu.dma_semaphore, #tpu.memory_space<semaphore_mem>>
    tpu.enqueue_indirect_dma source(%dma_start3A_2528 : memref<1000000x64xf32, #tpu.memory_space<hbm>>) target(%dma_start3A_2523 : memref<512x64xf32, #tpu.memory_space<vmem>>) offsets(%dma_start3A_2525 : memref<512xi32, #tpu.memory_space<vmem>>) semaphore(%dma_start3A_2530 : memref<!tpu.dma_semaphore, #tpu.memory_space<semaphore_mem>>)
    %dma_wait3A_2531 = arith.constant 0 : i32
    %dma_wait3A_2532 = arith.constant 0 : i32
    %dma_wait3A_2533 = arith.constant 0 : i32
    %dma_wait3A_2534 = arith.constant 0 : i32
    %dma_wait3A_2535 = tpu.memref_slice %arg6[%dma_wait3A_2531, %dma_wait3A_2533, %dma_wait3A_2534] : memref<3x512x64xf32, #tpu.memory_space<vmem>> -> memref<1x512x64xf32, #tpu.memory_space<vmem>>
    %dma_wait3A_2536 = tpu.memref_squeeze %dma_wait3A_2535 : memref<1x512x64xf32, #tpu.memory_space<vmem>> -> memref<512x64xf32, #tpu.memory_space<vmem>>
    %dma_wait3A_2537 = arith.constant 21504 : i32
    %dma_wait3A_2538 = tpu.memref_slice %arg5[%dma_wait3A_2537] : memref<25600xi32, #tpu.memory_space<vmem>> -> memref<512xi32, #tpu.memory_space<vmem>>
    %dma_wait3A_2539 = arith.constant 0 : i32
    %dma_wait3A_2540 = arith.constant 0 : i32
    %dma_wait3A_2541 = tpu.memref_slice %arg3[%dma_wait3A_2539, %dma_wait3A_2540] : memref<1000000x64xf32, #tpu.memory_space<hbm>> -> memref<1000000x64xf32, #tpu.memory_space<hbm>>
    %dma_wait3A_2542 = tpu.memref_slice %arg7[%dma_wait3A_2532] : memref<3x!tpu.dma_semaphore, #tpu.memory_space<semaphore_mem>> -> memref<1x!tpu.dma_semaphore, #tpu.memory_space<semaphore_mem>>
    %dma_wait3A_2543 = tpu.memref_squeeze %dma_wait3A_2542 : memref<1x!tpu.dma_semaphore, #tpu.memory_space<semaphore_mem>> -> memref<!tpu.dma_semaphore, #tpu.memory_space<semaphore_mem>>
    tpu.wait_indirect_dma semaphore(%dma_wait3A_2543 : memref<!tpu.dma_semaphore, #tpu.memory_space<semaphore_mem>>) src(%dma_wait3A_2541 : memref<1000000x64xf32, #tpu.memory_space<hbm>>) dst(%dma_wait3A_2536 : memref<512x64xf32, #tpu.memory_space<vmem>>)
    %add3A_2544 = arith.constant 21504 : i32
    %add3A_2545 = arith.addi %mul3A_2, %add3A_2544 : i32
    %dma_start3A_2546 = arith.constant 0 : i32
    %dma_start3A_2547 = arith.constant 0 : i32
    %dma_start3A_2548 = arith.constant 0 : i32
    %dma_start3A_2549 = arith.constant 0 : i32
    %dma_start3A_2550 = tpu.memref_slice %arg6[%dma_start3A_2546, %dma_start3A_2548, %dma_start3A_2549] : memref<3x512x64xf32, #tpu.memory_space<vmem>> -> memref<1x512x64xf32, #tpu.memory_space<vmem>>
    %dma_start3A_2551 = tpu.memref_squeeze %dma_start3A_2550 : memref<1x512x64xf32, #tpu.memory_space<vmem>> -> memref<512x64xf32, #tpu.memory_space<vmem>>
    %dma_start3A_2552 = arith.constant 0 : i32
    %dma_start3A_2553 = tpu.memref_slice %arg4[%add3A_2545, %dma_start3A_2552] : memref<819200x64xf32, #tpu.memory_space<hbm>> -> memref<512x64xf32, #tpu.memory_space<hbm>>
    %dma_start3A_2554 = tpu.memref_slice %arg8[%dma_start3A_2547] : memref<3x!tpu.dma_semaphore, #tpu.memory_space<semaphore_mem>> -> memref<1x!tpu.dma_semaphore, #tpu.memory_space<semaphore_mem>>
    %dma_start3A_2555 = tpu.memref_squeeze %dma_start3A_2554 : memref<1x!tpu.dma_semaphore, #tpu.memory_space<semaphore_mem>> -> memref<!tpu.dma_semaphore, #tpu.memory_space<semaphore_mem>>
    %dma_start3A_2556 = arith.constant 0 : i32
    %dma_start3A_2557 = tpu.memref_slice %arg4[%add3A_2545, %dma_start3A_2556] : memref<819200x64xf32, #tpu.memory_space<hbm>> -> memref<512x64xf32, #tpu.memory_space<hbm>>
    %dma_start3A_2558 = arith.constant 0 : i32
    %dma_start3A_2559 = arith.constant 0 : i32
    %dma_start3A_2560 = tpu.memref_slice %arg6[%dma_start3A_2546, %dma_start3A_2558, %dma_start3A_2559] : memref<3x512x64xf32, #tpu.memory_space<vmem>> -> memref<1x512x64xf32, #tpu.memory_space<vmem>>
    %dma_start3A_2561 = tpu.memref_squeeze %dma_start3A_2560 : memref<1x512x64xf32, #tpu.memory_space<vmem>> -> memref<512x64xf32, #tpu.memory_space<vmem>>
    tpu.enqueue_dma source(%dma_start3A_2561 : memref<512x64xf32, #tpu.memory_space<vmem>>) target(%dma_start3A_2557 : memref<512x64xf32, #tpu.memory_space<hbm>>) target_semaphore(%dma_start3A_2555 : memref<!tpu.dma_semaphore, #tpu.memory_space<semaphore_mem>>)
    %dma_wait3A_2562 = arith.constant 2 : i32
    %dma_wait3A_2563 = arith.constant 2 : i32
    %dma_wait3A_2564 = arith.constant 0 : i32
    %dma_wait3A_2565 = arith.constant 0 : i32
    %dma_wait3A_2566 = tpu.memref_slice %arg6[%dma_wait3A_2562, %dma_wait3A_2564, %dma_wait3A_2565] : memref<3x512x64xf32, #tpu.memory_space<vmem>> -> memref<1x512x64xf32, #tpu.memory_space<vmem>>
    %dma_wait3A_2567 = tpu.memref_squeeze %dma_wait3A_2566 : memref<1x512x64xf32, #tpu.memory_space<vmem>> -> memref<512x64xf32, #tpu.memory_space<vmem>>
    %dma_wait3A_2568 = arith.constant 0 : i32
    %dma_wait3A_2569 = tpu.memref_slice %arg4[%add3A_2485, %dma_wait3A_2568] : memref<819200x64xf32, #tpu.memory_space<hbm>> -> memref<512x64xf32, #tpu.memory_space<hbm>>
    %dma_wait3A_2570 = tpu.memref_slice %arg8[%dma_wait3A_2563] : memref<3x!tpu.dma_semaphore, #tpu.memory_space<semaphore_mem>> -> memref<1x!tpu.dma_semaphore, #tpu.memory_space<semaphore_mem>>
    %dma_wait3A_2571 = tpu.memref_squeeze %dma_wait3A_2570 : memref<1x!tpu.dma_semaphore, #tpu.memory_space<semaphore_mem>> -> memref<!tpu.dma_semaphore, #tpu.memory_space<semaphore_mem>>
    %dma_wait3A_2572 = arith.constant 0 : i32
    %dma_wait3A_2573 = tpu.memref_slice %arg4[%add3A_2485, %dma_wait3A_2572] : memref<819200x64xf32, #tpu.memory_space<hbm>> -> memref<512x64xf32, #tpu.memory_space<hbm>>
    %dma_wait3A_2574 = arith.constant 0 : i32
    %dma_wait3A_2575 = arith.constant 0 : i32
    %dma_wait3A_2576 = tpu.memref_slice %arg6[%dma_wait3A_2562, %dma_wait3A_2574, %dma_wait3A_2575] : memref<3x512x64xf32, #tpu.memory_space<vmem>> -> memref<1x512x64xf32, #tpu.memory_space<vmem>>
    %dma_wait3A_2577 = tpu.memref_squeeze %dma_wait3A_2576 : memref<1x512x64xf32, #tpu.memory_space<vmem>> -> memref<512x64xf32, #tpu.memory_space<vmem>>
    tpu.wait_dma2 semaphore(%dma_wait3A_2571 : memref<!tpu.dma_semaphore, #tpu.memory_space<semaphore_mem>>) src(%dma_wait3A_2577 : memref<512x64xf32, #tpu.memory_space<vmem>>) dst(%dma_wait3A_2573 : memref<512x64xf32, #tpu.memory_space<hbm>>)
    %dma_start3A_2578 = arith.constant 2 : i32
    %dma_start3A_2579 = arith.constant 2 : i32
    %dma_start3A_2580 = arith.constant 0 : i32
    %dma_start3A_2581 = arith.constant 0 : i32
    %dma_start3A_2582 = tpu.memref_slice %arg6[%dma_start3A_2578, %dma_start3A_2580, %dma_start3A_2581] : memref<3x512x64xf32, #tpu.memory_space<vmem>> -> memref<1x512x64xf32, #tpu.memory_space<vmem>>
    %dma_start3A_2583 = tpu.memref_squeeze %dma_start3A_2582 : memref<1x512x64xf32, #tpu.memory_space<vmem>> -> memref<512x64xf32, #tpu.memory_space<vmem>>
    %dma_start3A_2584 = arith.constant 22528 : i32
    %dma_start3A_2585 = tpu.memref_slice %arg5[%dma_start3A_2584] : memref<25600xi32, #tpu.memory_space<vmem>> -> memref<512xi32, #tpu.memory_space<vmem>>
    %dma_start3A_2586 = arith.constant 0 : i32
    %dma_start3A_2587 = arith.constant 0 : i32
    %dma_start3A_2588 = tpu.memref_slice %arg3[%dma_start3A_2586, %dma_start3A_2587] : memref<1000000x64xf32, #tpu.memory_space<hbm>> -> memref<1000000x64xf32, #tpu.memory_space<hbm>>
    %dma_start3A_2589 = tpu.memref_slice %arg7[%dma_start3A_2579] : memref<3x!tpu.dma_semaphore, #tpu.memory_space<semaphore_mem>> -> memref<1x!tpu.dma_semaphore, #tpu.memory_space<semaphore_mem>>
    %dma_start3A_2590 = tpu.memref_squeeze %dma_start3A_2589 : memref<1x!tpu.dma_semaphore, #tpu.memory_space<semaphore_mem>> -> memref<!tpu.dma_semaphore, #tpu.memory_space<semaphore_mem>>
    tpu.enqueue_indirect_dma source(%dma_start3A_2588 : memref<1000000x64xf32, #tpu.memory_space<hbm>>) target(%dma_start3A_2583 : memref<512x64xf32, #tpu.memory_space<vmem>>) offsets(%dma_start3A_2585 : memref<512xi32, #tpu.memory_space<vmem>>) semaphore(%dma_start3A_2590 : memref<!tpu.dma_semaphore, #tpu.memory_space<semaphore_mem>>)
    %dma_wait3A_2591 = arith.constant 1 : i32
    %dma_wait3A_2592 = arith.constant 1 : i32
    %dma_wait3A_2593 = arith.constant 0 : i32
    %dma_wait3A_2594 = arith.constant 0 : i32
    %dma_wait3A_2595 = tpu.memref_slice %arg6[%dma_wait3A_2591, %dma_wait3A_2593, %dma_wait3A_2594] : memref<3x512x64xf32, #tpu.memory_space<vmem>> -> memref<1x512x64xf32, #tpu.memory_space<vmem>>
    %dma_wait3A_2596 = tpu.memref_squeeze %dma_wait3A_2595 : memref<1x512x64xf32, #tpu.memory_space<vmem>> -> memref<512x64xf32, #tpu.memory_space<vmem>>
    %dma_wait3A_2597 = arith.constant 22016 : i32
    %dma_wait3A_2598 = tpu.memref_slice %arg5[%dma_wait3A_2597] : memref<25600xi32, #tpu.memory_space<vmem>> -> memref<512xi32, #tpu.memory_space<vmem>>
    %dma_wait3A_2599 = arith.constant 0 : i32
    %dma_wait3A_2600 = arith.constant 0 : i32
    %dma_wait3A_2601 = tpu.memref_slice %arg3[%dma_wait3A_2599, %dma_wait3A_2600] : memref<1000000x64xf32, #tpu.memory_space<hbm>> -> memref<1000000x64xf32, #tpu.memory_space<hbm>>
    %dma_wait3A_2602 = tpu.memref_slice %arg7[%dma_wait3A_2592] : memref<3x!tpu.dma_semaphore, #tpu.memory_space<semaphore_mem>> -> memref<1x!tpu.dma_semaphore, #tpu.memory_space<semaphore_mem>>
    %dma_wait3A_2603 = tpu.memref_squeeze %dma_wait3A_2602 : memref<1x!tpu.dma_semaphore, #tpu.memory_space<semaphore_mem>> -> memref<!tpu.dma_semaphore, #tpu.memory_space<semaphore_mem>>
    tpu.wait_indirect_dma semaphore(%dma_wait3A_2603 : memref<!tpu.dma_semaphore, #tpu.memory_space<semaphore_mem>>) src(%dma_wait3A_2601 : memref<1000000x64xf32, #tpu.memory_space<hbm>>) dst(%dma_wait3A_2596 : memref<512x64xf32, #tpu.memory_space<vmem>>)
    %add3A_2604 = arith.constant 22016 : i32
    %add3A_2605 = arith.addi %mul3A_2, %add3A_2604 : i32
    %dma_start3A_2606 = arith.constant 1 : i32
    %dma_start3A_2607 = arith.constant 1 : i32
    %dma_start3A_2608 = arith.constant 0 : i32
    %dma_start3A_2609 = arith.constant 0 : i32
    %dma_start3A_2610 = tpu.memref_slice %arg6[%dma_start3A_2606, %dma_start3A_2608, %dma_start3A_2609] : memref<3x512x64xf32, #tpu.memory_space<vmem>> -> memref<1x512x64xf32, #tpu.memory_space<vmem>>
    %dma_start3A_2611 = tpu.memref_squeeze %dma_start3A_2610 : memref<1x512x64xf32, #tpu.memory_space<vmem>> -> memref<512x64xf32, #tpu.memory_space<vmem>>
    %dma_start3A_2612 = arith.constant 0 : i32
    %dma_start3A_2613 = tpu.memref_slice %arg4[%add3A_2605, %dma_start3A_2612] : memref<819200x64xf32, #tpu.memory_space<hbm>> -> memref<512x64xf32, #tpu.memory_space<hbm>>
    %dma_start3A_2614 = tpu.memref_slice %arg8[%dma_start3A_2607] : memref<3x!tpu.dma_semaphore, #tpu.memory_space<semaphore_mem>> -> memref<1x!tpu.dma_semaphore, #tpu.memory_space<semaphore_mem>>
    %dma_start3A_2615 = tpu.memref_squeeze %dma_start3A_2614 : memref<1x!tpu.dma_semaphore, #tpu.memory_space<semaphore_mem>> -> memref<!tpu.dma_semaphore, #tpu.memory_space<semaphore_mem>>
    %dma_start3A_2616 = arith.constant 0 : i32
    %dma_start3A_2617 = tpu.memref_slice %arg4[%add3A_2605, %dma_start3A_2616] : memref<819200x64xf32, #tpu.memory_space<hbm>> -> memref<512x64xf32, #tpu.memory_space<hbm>>
    %dma_start3A_2618 = arith.constant 0 : i32
    %dma_start3A_2619 = arith.constant 0 : i32
    %dma_start3A_2620 = tpu.memref_slice %arg6[%dma_start3A_2606, %dma_start3A_2618, %dma_start3A_2619] : memref<3x512x64xf32, #tpu.memory_space<vmem>> -> memref<1x512x64xf32, #tpu.memory_space<vmem>>
    %dma_start3A_2621 = tpu.memref_squeeze %dma_start3A_2620 : memref<1x512x64xf32, #tpu.memory_space<vmem>> -> memref<512x64xf32, #tpu.memory_space<vmem>>
    tpu.enqueue_dma source(%dma_start3A_2621 : memref<512x64xf32, #tpu.memory_space<vmem>>) target(%dma_start3A_2617 : memref<512x64xf32, #tpu.memory_space<hbm>>) target_semaphore(%dma_start3A_2615 : memref<!tpu.dma_semaphore, #tpu.memory_space<semaphore_mem>>)
    %dma_wait3A_2622 = arith.constant 0 : i32
    %dma_wait3A_2623 = arith.constant 0 : i32
    %dma_wait3A_2624 = arith.constant 0 : i32
    %dma_wait3A_2625 = arith.constant 0 : i32
    %dma_wait3A_2626 = tpu.memref_slice %arg6[%dma_wait3A_2622, %dma_wait3A_2624, %dma_wait3A_2625] : memref<3x512x64xf32, #tpu.memory_space<vmem>> -> memref<1x512x64xf32, #tpu.memory_space<vmem>>
    %dma_wait3A_2627 = tpu.memref_squeeze %dma_wait3A_2626 : memref<1x512x64xf32, #tpu.memory_space<vmem>> -> memref<512x64xf32, #tpu.memory_space<vmem>>
    %dma_wait3A_2628 = arith.constant 0 : i32
    %dma_wait3A_2629 = tpu.memref_slice %arg4[%add3A_2545, %dma_wait3A_2628] : memref<819200x64xf32, #tpu.memory_space<hbm>> -> memref<512x64xf32, #tpu.memory_space<hbm>>
    %dma_wait3A_2630 = tpu.memref_slice %arg8[%dma_wait3A_2623] : memref<3x!tpu.dma_semaphore, #tpu.memory_space<semaphore_mem>> -> memref<1x!tpu.dma_semaphore, #tpu.memory_space<semaphore_mem>>
    %dma_wait3A_2631 = tpu.memref_squeeze %dma_wait3A_2630 : memref<1x!tpu.dma_semaphore, #tpu.memory_space<semaphore_mem>> -> memref<!tpu.dma_semaphore, #tpu.memory_space<semaphore_mem>>
    %dma_wait3A_2632 = arith.constant 0 : i32
    %dma_wait3A_2633 = tpu.memref_slice %arg4[%add3A_2545, %dma_wait3A_2632] : memref<819200x64xf32, #tpu.memory_space<hbm>> -> memref<512x64xf32, #tpu.memory_space<hbm>>
    %dma_wait3A_2634 = arith.constant 0 : i32
    %dma_wait3A_2635 = arith.constant 0 : i32
    %dma_wait3A_2636 = tpu.memref_slice %arg6[%dma_wait3A_2622, %dma_wait3A_2634, %dma_wait3A_2635] : memref<3x512x64xf32, #tpu.memory_space<vmem>> -> memref<1x512x64xf32, #tpu.memory_space<vmem>>
    %dma_wait3A_2637 = tpu.memref_squeeze %dma_wait3A_2636 : memref<1x512x64xf32, #tpu.memory_space<vmem>> -> memref<512x64xf32, #tpu.memory_space<vmem>>
    tpu.wait_dma2 semaphore(%dma_wait3A_2631 : memref<!tpu.dma_semaphore, #tpu.memory_space<semaphore_mem>>) src(%dma_wait3A_2637 : memref<512x64xf32, #tpu.memory_space<vmem>>) dst(%dma_wait3A_2633 : memref<512x64xf32, #tpu.memory_space<hbm>>)
    %dma_start3A_2638 = arith.constant 0 : i32
    %dma_start3A_2639 = arith.constant 0 : i32
    %dma_start3A_2640 = arith.constant 0 : i32
    %dma_start3A_2641 = arith.constant 0 : i32
    %dma_start3A_2642 = tpu.memref_slice %arg6[%dma_start3A_2638, %dma_start3A_2640, %dma_start3A_2641] : memref<3x512x64xf32, #tpu.memory_space<vmem>> -> memref<1x512x64xf32, #tpu.memory_space<vmem>>
    %dma_start3A_2643 = tpu.memref_squeeze %dma_start3A_2642 : memref<1x512x64xf32, #tpu.memory_space<vmem>> -> memref<512x64xf32, #tpu.memory_space<vmem>>
    %dma_start3A_2644 = arith.constant 23040 : i32
    %dma_start3A_2645 = tpu.memref_slice %arg5[%dma_start3A_2644] : memref<25600xi32, #tpu.memory_space<vmem>> -> memref<512xi32, #tpu.memory_space<vmem>>
    %dma_start3A_2646 = arith.constant 0 : i32
    %dma_start3A_2647 = arith.constant 0 : i32
    %dma_start3A_2648 = tpu.memref_slice %arg3[%dma_start3A_2646, %dma_start3A_2647] : memref<1000000x64xf32, #tpu.memory_space<hbm>> -> memref<1000000x64xf32, #tpu.memory_space<hbm>>
    %dma_start3A_2649 = tpu.memref_slice %arg7[%dma_start3A_2639] : memref<3x!tpu.dma_semaphore, #tpu.memory_space<semaphore_mem>> -> memref<1x!tpu.dma_semaphore, #tpu.memory_space<semaphore_mem>>
    %dma_start3A_2650 = tpu.memref_squeeze %dma_start3A_2649 : memref<1x!tpu.dma_semaphore, #tpu.memory_space<semaphore_mem>> -> memref<!tpu.dma_semaphore, #tpu.memory_space<semaphore_mem>>
    tpu.enqueue_indirect_dma source(%dma_start3A_2648 : memref<1000000x64xf32, #tpu.memory_space<hbm>>) target(%dma_start3A_2643 : memref<512x64xf32, #tpu.memory_space<vmem>>) offsets(%dma_start3A_2645 : memref<512xi32, #tpu.memory_space<vmem>>) semaphore(%dma_start3A_2650 : memref<!tpu.dma_semaphore, #tpu.memory_space<semaphore_mem>>)
    %dma_wait3A_2651 = arith.constant 2 : i32
    %dma_wait3A_2652 = arith.constant 2 : i32
    %dma_wait3A_2653 = arith.constant 0 : i32
    %dma_wait3A_2654 = arith.constant 0 : i32
    %dma_wait3A_2655 = tpu.memref_slice %arg6[%dma_wait3A_2651, %dma_wait3A_2653, %dma_wait3A_2654] : memref<3x512x64xf32, #tpu.memory_space<vmem>> -> memref<1x512x64xf32, #tpu.memory_space<vmem>>
    %dma_wait3A_2656 = tpu.memref_squeeze %dma_wait3A_2655 : memref<1x512x64xf32, #tpu.memory_space<vmem>> -> memref<512x64xf32, #tpu.memory_space<vmem>>
    %dma_wait3A_2657 = arith.constant 22528 : i32
    %dma_wait3A_2658 = tpu.memref_slice %arg5[%dma_wait3A_2657] : memref<25600xi32, #tpu.memory_space<vmem>> -> memref<512xi32, #tpu.memory_space<vmem>>
    %dma_wait3A_2659 = arith.constant 0 : i32
    %dma_wait3A_2660 = arith.constant 0 : i32
    %dma_wait3A_2661 = tpu.memref_slice %arg3[%dma_wait3A_2659, %dma_wait3A_2660] : memref<1000000x64xf32, #tpu.memory_space<hbm>> -> memref<1000000x64xf32, #tpu.memory_space<hbm>>
    %dma_wait3A_2662 = tpu.memref_slice %arg7[%dma_wait3A_2652] : memref<3x!tpu.dma_semaphore, #tpu.memory_space<semaphore_mem>> -> memref<1x!tpu.dma_semaphore, #tpu.memory_space<semaphore_mem>>
    %dma_wait3A_2663 = tpu.memref_squeeze %dma_wait3A_2662 : memref<1x!tpu.dma_semaphore, #tpu.memory_space<semaphore_mem>> -> memref<!tpu.dma_semaphore, #tpu.memory_space<semaphore_mem>>
    tpu.wait_indirect_dma semaphore(%dma_wait3A_2663 : memref<!tpu.dma_semaphore, #tpu.memory_space<semaphore_mem>>) src(%dma_wait3A_2661 : memref<1000000x64xf32, #tpu.memory_space<hbm>>) dst(%dma_wait3A_2656 : memref<512x64xf32, #tpu.memory_space<vmem>>)
    %add3A_2664 = arith.constant 22528 : i32
    %add3A_2665 = arith.addi %mul3A_2, %add3A_2664 : i32
    %dma_start3A_2666 = arith.constant 2 : i32
    %dma_start3A_2667 = arith.constant 2 : i32
    %dma_start3A_2668 = arith.constant 0 : i32
    %dma_start3A_2669 = arith.constant 0 : i32
    %dma_start3A_2670 = tpu.memref_slice %arg6[%dma_start3A_2666, %dma_start3A_2668, %dma_start3A_2669] : memref<3x512x64xf32, #tpu.memory_space<vmem>> -> memref<1x512x64xf32, #tpu.memory_space<vmem>>
    %dma_start3A_2671 = tpu.memref_squeeze %dma_start3A_2670 : memref<1x512x64xf32, #tpu.memory_space<vmem>> -> memref<512x64xf32, #tpu.memory_space<vmem>>
    %dma_start3A_2672 = arith.constant 0 : i32
    %dma_start3A_2673 = tpu.memref_slice %arg4[%add3A_2665, %dma_start3A_2672] : memref<819200x64xf32, #tpu.memory_space<hbm>> -> memref<512x64xf32, #tpu.memory_space<hbm>>
    %dma_start3A_2674 = tpu.memref_slice %arg8[%dma_start3A_2667] : memref<3x!tpu.dma_semaphore, #tpu.memory_space<semaphore_mem>> -> memref<1x!tpu.dma_semaphore, #tpu.memory_space<semaphore_mem>>
    %dma_start3A_2675 = tpu.memref_squeeze %dma_start3A_2674 : memref<1x!tpu.dma_semaphore, #tpu.memory_space<semaphore_mem>> -> memref<!tpu.dma_semaphore, #tpu.memory_space<semaphore_mem>>
    %dma_start3A_2676 = arith.constant 0 : i32
    %dma_start3A_2677 = tpu.memref_slice %arg4[%add3A_2665, %dma_start3A_2676] : memref<819200x64xf32, #tpu.memory_space<hbm>> -> memref<512x64xf32, #tpu.memory_space<hbm>>
    %dma_start3A_2678 = arith.constant 0 : i32
    %dma_start3A_2679 = arith.constant 0 : i32
    %dma_start3A_2680 = tpu.memref_slice %arg6[%dma_start3A_2666, %dma_start3A_2678, %dma_start3A_2679] : memref<3x512x64xf32, #tpu.memory_space<vmem>> -> memref<1x512x64xf32, #tpu.memory_space<vmem>>
    %dma_start3A_2681 = tpu.memref_squeeze %dma_start3A_2680 : memref<1x512x64xf32, #tpu.memory_space<vmem>> -> memref<512x64xf32, #tpu.memory_space<vmem>>
    tpu.enqueue_dma source(%dma_start3A_2681 : memref<512x64xf32, #tpu.memory_space<vmem>>) target(%dma_start3A_2677 : memref<512x64xf32, #tpu.memory_space<hbm>>) target_semaphore(%dma_start3A_2675 : memref<!tpu.dma_semaphore, #tpu.memory_space<semaphore_mem>>)
    %dma_wait3A_2682 = arith.constant 1 : i32
    %dma_wait3A_2683 = arith.constant 1 : i32
    %dma_wait3A_2684 = arith.constant 0 : i32
    %dma_wait3A_2685 = arith.constant 0 : i32
    %dma_wait3A_2686 = tpu.memref_slice %arg6[%dma_wait3A_2682, %dma_wait3A_2684, %dma_wait3A_2685] : memref<3x512x64xf32, #tpu.memory_space<vmem>> -> memref<1x512x64xf32, #tpu.memory_space<vmem>>
    %dma_wait3A_2687 = tpu.memref_squeeze %dma_wait3A_2686 : memref<1x512x64xf32, #tpu.memory_space<vmem>> -> memref<512x64xf32, #tpu.memory_space<vmem>>
    %dma_wait3A_2688 = arith.constant 0 : i32
    %dma_wait3A_2689 = tpu.memref_slice %arg4[%add3A_2605, %dma_wait3A_2688] : memref<819200x64xf32, #tpu.memory_space<hbm>> -> memref<512x64xf32, #tpu.memory_space<hbm>>
    %dma_wait3A_2690 = tpu.memref_slice %arg8[%dma_wait3A_2683] : memref<3x!tpu.dma_semaphore, #tpu.memory_space<semaphore_mem>> -> memref<1x!tpu.dma_semaphore, #tpu.memory_space<semaphore_mem>>
    %dma_wait3A_2691 = tpu.memref_squeeze %dma_wait3A_2690 : memref<1x!tpu.dma_semaphore, #tpu.memory_space<semaphore_mem>> -> memref<!tpu.dma_semaphore, #tpu.memory_space<semaphore_mem>>
    %dma_wait3A_2692 = arith.constant 0 : i32
    %dma_wait3A_2693 = tpu.memref_slice %arg4[%add3A_2605, %dma_wait3A_2692] : memref<819200x64xf32, #tpu.memory_space<hbm>> -> memref<512x64xf32, #tpu.memory_space<hbm>>
    %dma_wait3A_2694 = arith.constant 0 : i32
    %dma_wait3A_2695 = arith.constant 0 : i32
    %dma_wait3A_2696 = tpu.memref_slice %arg6[%dma_wait3A_2682, %dma_wait3A_2694, %dma_wait3A_2695] : memref<3x512x64xf32, #tpu.memory_space<vmem>> -> memref<1x512x64xf32, #tpu.memory_space<vmem>>
    %dma_wait3A_2697 = tpu.memref_squeeze %dma_wait3A_2696 : memref<1x512x64xf32, #tpu.memory_space<vmem>> -> memref<512x64xf32, #tpu.memory_space<vmem>>
    tpu.wait_dma2 semaphore(%dma_wait3A_2691 : memref<!tpu.dma_semaphore, #tpu.memory_space<semaphore_mem>>) src(%dma_wait3A_2697 : memref<512x64xf32, #tpu.memory_space<vmem>>) dst(%dma_wait3A_2693 : memref<512x64xf32, #tpu.memory_space<hbm>>)
    %dma_start3A_2698 = arith.constant 1 : i32
    %dma_start3A_2699 = arith.constant 1 : i32
    %dma_start3A_2700 = arith.constant 0 : i32
    %dma_start3A_2701 = arith.constant 0 : i32
    %dma_start3A_2702 = tpu.memref_slice %arg6[%dma_start3A_2698, %dma_start3A_2700, %dma_start3A_2701] : memref<3x512x64xf32, #tpu.memory_space<vmem>> -> memref<1x512x64xf32, #tpu.memory_space<vmem>>
    %dma_start3A_2703 = tpu.memref_squeeze %dma_start3A_2702 : memref<1x512x64xf32, #tpu.memory_space<vmem>> -> memref<512x64xf32, #tpu.memory_space<vmem>>
    %dma_start3A_2704 = arith.constant 23552 : i32
    %dma_start3A_2705 = tpu.memref_slice %arg5[%dma_start3A_2704] : memref<25600xi32, #tpu.memory_space<vmem>> -> memref<512xi32, #tpu.memory_space<vmem>>
    %dma_start3A_2706 = arith.constant 0 : i32
    %dma_start3A_2707 = arith.constant 0 : i32
    %dma_start3A_2708 = tpu.memref_slice %arg3[%dma_start3A_2706, %dma_start3A_2707] : memref<1000000x64xf32, #tpu.memory_space<hbm>> -> memref<1000000x64xf32, #tpu.memory_space<hbm>>
    %dma_start3A_2709 = tpu.memref_slice %arg7[%dma_start3A_2699] : memref<3x!tpu.dma_semaphore, #tpu.memory_space<semaphore_mem>> -> memref<1x!tpu.dma_semaphore, #tpu.memory_space<semaphore_mem>>
    %dma_start3A_2710 = tpu.memref_squeeze %dma_start3A_2709 : memref<1x!tpu.dma_semaphore, #tpu.memory_space<semaphore_mem>> -> memref<!tpu.dma_semaphore, #tpu.memory_space<semaphore_mem>>
    tpu.enqueue_indirect_dma source(%dma_start3A_2708 : memref<1000000x64xf32, #tpu.memory_space<hbm>>) target(%dma_start3A_2703 : memref<512x64xf32, #tpu.memory_space<vmem>>) offsets(%dma_start3A_2705 : memref<512xi32, #tpu.memory_space<vmem>>) semaphore(%dma_start3A_2710 : memref<!tpu.dma_semaphore, #tpu.memory_space<semaphore_mem>>)
    %dma_wait3A_2711 = arith.constant 0 : i32
    %dma_wait3A_2712 = arith.constant 0 : i32
    %dma_wait3A_2713 = arith.constant 0 : i32
    %dma_wait3A_2714 = arith.constant 0 : i32
    %dma_wait3A_2715 = tpu.memref_slice %arg6[%dma_wait3A_2711, %dma_wait3A_2713, %dma_wait3A_2714] : memref<3x512x64xf32, #tpu.memory_space<vmem>> -> memref<1x512x64xf32, #tpu.memory_space<vmem>>
    %dma_wait3A_2716 = tpu.memref_squeeze %dma_wait3A_2715 : memref<1x512x64xf32, #tpu.memory_space<vmem>> -> memref<512x64xf32, #tpu.memory_space<vmem>>
    %dma_wait3A_2717 = arith.constant 23040 : i32
    %dma_wait3A_2718 = tpu.memref_slice %arg5[%dma_wait3A_2717] : memref<25600xi32, #tpu.memory_space<vmem>> -> memref<512xi32, #tpu.memory_space<vmem>>
    %dma_wait3A_2719 = arith.constant 0 : i32
    %dma_wait3A_2720 = arith.constant 0 : i32
    %dma_wait3A_2721 = tpu.memref_slice %arg3[%dma_wait3A_2719, %dma_wait3A_2720] : memref<1000000x64xf32, #tpu.memory_space<hbm>> -> memref<1000000x64xf32, #tpu.memory_space<hbm>>
    %dma_wait3A_2722 = tpu.memref_slice %arg7[%dma_wait3A_2712] : memref<3x!tpu.dma_semaphore, #tpu.memory_space<semaphore_mem>> -> memref<1x!tpu.dma_semaphore, #tpu.memory_space<semaphore_mem>>
    %dma_wait3A_2723 = tpu.memref_squeeze %dma_wait3A_2722 : memref<1x!tpu.dma_semaphore, #tpu.memory_space<semaphore_mem>> -> memref<!tpu.dma_semaphore, #tpu.memory_space<semaphore_mem>>
    tpu.wait_indirect_dma semaphore(%dma_wait3A_2723 : memref<!tpu.dma_semaphore, #tpu.memory_space<semaphore_mem>>) src(%dma_wait3A_2721 : memref<1000000x64xf32, #tpu.memory_space<hbm>>) dst(%dma_wait3A_2716 : memref<512x64xf32, #tpu.memory_space<vmem>>)
    %add3A_2724 = arith.constant 23040 : i32
    %add3A_2725 = arith.addi %mul3A_2, %add3A_2724 : i32
    %dma_start3A_2726 = arith.constant 0 : i32
    %dma_start3A_2727 = arith.constant 0 : i32
    %dma_start3A_2728 = arith.constant 0 : i32
    %dma_start3A_2729 = arith.constant 0 : i32
    %dma_start3A_2730 = tpu.memref_slice %arg6[%dma_start3A_2726, %dma_start3A_2728, %dma_start3A_2729] : memref<3x512x64xf32, #tpu.memory_space<vmem>> -> memref<1x512x64xf32, #tpu.memory_space<vmem>>
    %dma_start3A_2731 = tpu.memref_squeeze %dma_start3A_2730 : memref<1x512x64xf32, #tpu.memory_space<vmem>> -> memref<512x64xf32, #tpu.memory_space<vmem>>
    %dma_start3A_2732 = arith.constant 0 : i32
    %dma_start3A_2733 = tpu.memref_slice %arg4[%add3A_2725, %dma_start3A_2732] : memref<819200x64xf32, #tpu.memory_space<hbm>> -> memref<512x64xf32, #tpu.memory_space<hbm>>
    %dma_start3A_2734 = tpu.memref_slice %arg8[%dma_start3A_2727] : memref<3x!tpu.dma_semaphore, #tpu.memory_space<semaphore_mem>> -> memref<1x!tpu.dma_semaphore, #tpu.memory_space<semaphore_mem>>
    %dma_start3A_2735 = tpu.memref_squeeze %dma_start3A_2734 : memref<1x!tpu.dma_semaphore, #tpu.memory_space<semaphore_mem>> -> memref<!tpu.dma_semaphore, #tpu.memory_space<semaphore_mem>>
    %dma_start3A_2736 = arith.constant 0 : i32
    %dma_start3A_2737 = tpu.memref_slice %arg4[%add3A_2725, %dma_start3A_2736] : memref<819200x64xf32, #tpu.memory_space<hbm>> -> memref<512x64xf32, #tpu.memory_space<hbm>>
    %dma_start3A_2738 = arith.constant 0 : i32
    %dma_start3A_2739 = arith.constant 0 : i32
    %dma_start3A_2740 = tpu.memref_slice %arg6[%dma_start3A_2726, %dma_start3A_2738, %dma_start3A_2739] : memref<3x512x64xf32, #tpu.memory_space<vmem>> -> memref<1x512x64xf32, #tpu.memory_space<vmem>>
    %dma_start3A_2741 = tpu.memref_squeeze %dma_start3A_2740 : memref<1x512x64xf32, #tpu.memory_space<vmem>> -> memref<512x64xf32, #tpu.memory_space<vmem>>
    tpu.enqueue_dma source(%dma_start3A_2741 : memref<512x64xf32, #tpu.memory_space<vmem>>) target(%dma_start3A_2737 : memref<512x64xf32, #tpu.memory_space<hbm>>) target_semaphore(%dma_start3A_2735 : memref<!tpu.dma_semaphore, #tpu.memory_space<semaphore_mem>>)
    %dma_wait3A_2742 = arith.constant 2 : i32
    %dma_wait3A_2743 = arith.constant 2 : i32
    %dma_wait3A_2744 = arith.constant 0 : i32
    %dma_wait3A_2745 = arith.constant 0 : i32
    %dma_wait3A_2746 = tpu.memref_slice %arg6[%dma_wait3A_2742, %dma_wait3A_2744, %dma_wait3A_2745] : memref<3x512x64xf32, #tpu.memory_space<vmem>> -> memref<1x512x64xf32, #tpu.memory_space<vmem>>
    %dma_wait3A_2747 = tpu.memref_squeeze %dma_wait3A_2746 : memref<1x512x64xf32, #tpu.memory_space<vmem>> -> memref<512x64xf32, #tpu.memory_space<vmem>>
    %dma_wait3A_2748 = arith.constant 0 : i32
    %dma_wait3A_2749 = tpu.memref_slice %arg4[%add3A_2665, %dma_wait3A_2748] : memref<819200x64xf32, #tpu.memory_space<hbm>> -> memref<512x64xf32, #tpu.memory_space<hbm>>
    %dma_wait3A_2750 = tpu.memref_slice %arg8[%dma_wait3A_2743] : memref<3x!tpu.dma_semaphore, #tpu.memory_space<semaphore_mem>> -> memref<1x!tpu.dma_semaphore, #tpu.memory_space<semaphore_mem>>
    %dma_wait3A_2751 = tpu.memref_squeeze %dma_wait3A_2750 : memref<1x!tpu.dma_semaphore, #tpu.memory_space<semaphore_mem>> -> memref<!tpu.dma_semaphore, #tpu.memory_space<semaphore_mem>>
    %dma_wait3A_2752 = arith.constant 0 : i32
    %dma_wait3A_2753 = tpu.memref_slice %arg4[%add3A_2665, %dma_wait3A_2752] : memref<819200x64xf32, #tpu.memory_space<hbm>> -> memref<512x64xf32, #tpu.memory_space<hbm>>
    %dma_wait3A_2754 = arith.constant 0 : i32
    %dma_wait3A_2755 = arith.constant 0 : i32
    %dma_wait3A_2756 = tpu.memref_slice %arg6[%dma_wait3A_2742, %dma_wait3A_2754, %dma_wait3A_2755] : memref<3x512x64xf32, #tpu.memory_space<vmem>> -> memref<1x512x64xf32, #tpu.memory_space<vmem>>
    %dma_wait3A_2757 = tpu.memref_squeeze %dma_wait3A_2756 : memref<1x512x64xf32, #tpu.memory_space<vmem>> -> memref<512x64xf32, #tpu.memory_space<vmem>>
    tpu.wait_dma2 semaphore(%dma_wait3A_2751 : memref<!tpu.dma_semaphore, #tpu.memory_space<semaphore_mem>>) src(%dma_wait3A_2757 : memref<512x64xf32, #tpu.memory_space<vmem>>) dst(%dma_wait3A_2753 : memref<512x64xf32, #tpu.memory_space<hbm>>)
    %dma_start3A_2758 = arith.constant 2 : i32
    %dma_start3A_2759 = arith.constant 2 : i32
    %dma_start3A_2760 = arith.constant 0 : i32
    %dma_start3A_2761 = arith.constant 0 : i32
    %dma_start3A_2762 = tpu.memref_slice %arg6[%dma_start3A_2758, %dma_start3A_2760, %dma_start3A_2761] : memref<3x512x64xf32, #tpu.memory_space<vmem>> -> memref<1x512x64xf32, #tpu.memory_space<vmem>>
    %dma_start3A_2763 = tpu.memref_squeeze %dma_start3A_2762 : memref<1x512x64xf32, #tpu.memory_space<vmem>> -> memref<512x64xf32, #tpu.memory_space<vmem>>
    %dma_start3A_2764 = arith.constant 24064 : i32
    %dma_start3A_2765 = tpu.memref_slice %arg5[%dma_start3A_2764] : memref<25600xi32, #tpu.memory_space<vmem>> -> memref<512xi32, #tpu.memory_space<vmem>>
    %dma_start3A_2766 = arith.constant 0 : i32
    %dma_start3A_2767 = arith.constant 0 : i32
    %dma_start3A_2768 = tpu.memref_slice %arg3[%dma_start3A_2766, %dma_start3A_2767] : memref<1000000x64xf32, #tpu.memory_space<hbm>> -> memref<1000000x64xf32, #tpu.memory_space<hbm>>
    %dma_start3A_2769 = tpu.memref_slice %arg7[%dma_start3A_2759] : memref<3x!tpu.dma_semaphore, #tpu.memory_space<semaphore_mem>> -> memref<1x!tpu.dma_semaphore, #tpu.memory_space<semaphore_mem>>
    %dma_start3A_2770 = tpu.memref_squeeze %dma_start3A_2769 : memref<1x!tpu.dma_semaphore, #tpu.memory_space<semaphore_mem>> -> memref<!tpu.dma_semaphore, #tpu.memory_space<semaphore_mem>>
    tpu.enqueue_indirect_dma source(%dma_start3A_2768 : memref<1000000x64xf32, #tpu.memory_space<hbm>>) target(%dma_start3A_2763 : memref<512x64xf32, #tpu.memory_space<vmem>>) offsets(%dma_start3A_2765 : memref<512xi32, #tpu.memory_space<vmem>>) semaphore(%dma_start3A_2770 : memref<!tpu.dma_semaphore, #tpu.memory_space<semaphore_mem>>)
    %dma_wait3A_2771 = arith.constant 1 : i32
    %dma_wait3A_2772 = arith.constant 1 : i32
    %dma_wait3A_2773 = arith.constant 0 : i32
    %dma_wait3A_2774 = arith.constant 0 : i32
    %dma_wait3A_2775 = tpu.memref_slice %arg6[%dma_wait3A_2771, %dma_wait3A_2773, %dma_wait3A_2774] : memref<3x512x64xf32, #tpu.memory_space<vmem>> -> memref<1x512x64xf32, #tpu.memory_space<vmem>>
    %dma_wait3A_2776 = tpu.memref_squeeze %dma_wait3A_2775 : memref<1x512x64xf32, #tpu.memory_space<vmem>> -> memref<512x64xf32, #tpu.memory_space<vmem>>
    %dma_wait3A_2777 = arith.constant 23552 : i32
    %dma_wait3A_2778 = tpu.memref_slice %arg5[%dma_wait3A_2777] : memref<25600xi32, #tpu.memory_space<vmem>> -> memref<512xi32, #tpu.memory_space<vmem>>
    %dma_wait3A_2779 = arith.constant 0 : i32
    %dma_wait3A_2780 = arith.constant 0 : i32
    %dma_wait3A_2781 = tpu.memref_slice %arg3[%dma_wait3A_2779, %dma_wait3A_2780] : memref<1000000x64xf32, #tpu.memory_space<hbm>> -> memref<1000000x64xf32, #tpu.memory_space<hbm>>
    %dma_wait3A_2782 = tpu.memref_slice %arg7[%dma_wait3A_2772] : memref<3x!tpu.dma_semaphore, #tpu.memory_space<semaphore_mem>> -> memref<1x!tpu.dma_semaphore, #tpu.memory_space<semaphore_mem>>
    %dma_wait3A_2783 = tpu.memref_squeeze %dma_wait3A_2782 : memref<1x!tpu.dma_semaphore, #tpu.memory_space<semaphore_mem>> -> memref<!tpu.dma_semaphore, #tpu.memory_space<semaphore_mem>>
    tpu.wait_indirect_dma semaphore(%dma_wait3A_2783 : memref<!tpu.dma_semaphore, #tpu.memory_space<semaphore_mem>>) src(%dma_wait3A_2781 : memref<1000000x64xf32, #tpu.memory_space<hbm>>) dst(%dma_wait3A_2776 : memref<512x64xf32, #tpu.memory_space<vmem>>)
    %add3A_2784 = arith.constant 23552 : i32
    %add3A_2785 = arith.addi %mul3A_2, %add3A_2784 : i32
    %dma_start3A_2786 = arith.constant 1 : i32
    %dma_start3A_2787 = arith.constant 1 : i32
    %dma_start3A_2788 = arith.constant 0 : i32
    %dma_start3A_2789 = arith.constant 0 : i32
    %dma_start3A_2790 = tpu.memref_slice %arg6[%dma_start3A_2786, %dma_start3A_2788, %dma_start3A_2789] : memref<3x512x64xf32, #tpu.memory_space<vmem>> -> memref<1x512x64xf32, #tpu.memory_space<vmem>>
    %dma_start3A_2791 = tpu.memref_squeeze %dma_start3A_2790 : memref<1x512x64xf32, #tpu.memory_space<vmem>> -> memref<512x64xf32, #tpu.memory_space<vmem>>
    %dma_start3A_2792 = arith.constant 0 : i32
    %dma_start3A_2793 = tpu.memref_slice %arg4[%add3A_2785, %dma_start3A_2792] : memref<819200x64xf32, #tpu.memory_space<hbm>> -> memref<512x64xf32, #tpu.memory_space<hbm>>
    %dma_start3A_2794 = tpu.memref_slice %arg8[%dma_start3A_2787] : memref<3x!tpu.dma_semaphore, #tpu.memory_space<semaphore_mem>> -> memref<1x!tpu.dma_semaphore, #tpu.memory_space<semaphore_mem>>
    %dma_start3A_2795 = tpu.memref_squeeze %dma_start3A_2794 : memref<1x!tpu.dma_semaphore, #tpu.memory_space<semaphore_mem>> -> memref<!tpu.dma_semaphore, #tpu.memory_space<semaphore_mem>>
    %dma_start3A_2796 = arith.constant 0 : i32
    %dma_start3A_2797 = tpu.memref_slice %arg4[%add3A_2785, %dma_start3A_2796] : memref<819200x64xf32, #tpu.memory_space<hbm>> -> memref<512x64xf32, #tpu.memory_space<hbm>>
    %dma_start3A_2798 = arith.constant 0 : i32
    %dma_start3A_2799 = arith.constant 0 : i32
    %dma_start3A_2800 = tpu.memref_slice %arg6[%dma_start3A_2786, %dma_start3A_2798, %dma_start3A_2799] : memref<3x512x64xf32, #tpu.memory_space<vmem>> -> memref<1x512x64xf32, #tpu.memory_space<vmem>>
    %dma_start3A_2801 = tpu.memref_squeeze %dma_start3A_2800 : memref<1x512x64xf32, #tpu.memory_space<vmem>> -> memref<512x64xf32, #tpu.memory_space<vmem>>
    tpu.enqueue_dma source(%dma_start3A_2801 : memref<512x64xf32, #tpu.memory_space<vmem>>) target(%dma_start3A_2797 : memref<512x64xf32, #tpu.memory_space<hbm>>) target_semaphore(%dma_start3A_2795 : memref<!tpu.dma_semaphore, #tpu.memory_space<semaphore_mem>>)
    %dma_wait3A_2802 = arith.constant 0 : i32
    %dma_wait3A_2803 = arith.constant 0 : i32
    %dma_wait3A_2804 = arith.constant 0 : i32
    %dma_wait3A_2805 = arith.constant 0 : i32
    %dma_wait3A_2806 = tpu.memref_slice %arg6[%dma_wait3A_2802, %dma_wait3A_2804, %dma_wait3A_2805] : memref<3x512x64xf32, #tpu.memory_space<vmem>> -> memref<1x512x64xf32, #tpu.memory_space<vmem>>
    %dma_wait3A_2807 = tpu.memref_squeeze %dma_wait3A_2806 : memref<1x512x64xf32, #tpu.memory_space<vmem>> -> memref<512x64xf32, #tpu.memory_space<vmem>>
    %dma_wait3A_2808 = arith.constant 0 : i32
    %dma_wait3A_2809 = tpu.memref_slice %arg4[%add3A_2725, %dma_wait3A_2808] : memref<819200x64xf32, #tpu.memory_space<hbm>> -> memref<512x64xf32, #tpu.memory_space<hbm>>
    %dma_wait3A_2810 = tpu.memref_slice %arg8[%dma_wait3A_2803] : memref<3x!tpu.dma_semaphore, #tpu.memory_space<semaphore_mem>> -> memref<1x!tpu.dma_semaphore, #tpu.memory_space<semaphore_mem>>
    %dma_wait3A_2811 = tpu.memref_squeeze %dma_wait3A_2810 : memref<1x!tpu.dma_semaphore, #tpu.memory_space<semaphore_mem>> -> memref<!tpu.dma_semaphore, #tpu.memory_space<semaphore_mem>>
    %dma_wait3A_2812 = arith.constant 0 : i32
    %dma_wait3A_2813 = tpu.memref_slice %arg4[%add3A_2725, %dma_wait3A_2812] : memref<819200x64xf32, #tpu.memory_space<hbm>> -> memref<512x64xf32, #tpu.memory_space<hbm>>
    %dma_wait3A_2814 = arith.constant 0 : i32
    %dma_wait3A_2815 = arith.constant 0 : i32
    %dma_wait3A_2816 = tpu.memref_slice %arg6[%dma_wait3A_2802, %dma_wait3A_2814, %dma_wait3A_2815] : memref<3x512x64xf32, #tpu.memory_space<vmem>> -> memref<1x512x64xf32, #tpu.memory_space<vmem>>
    %dma_wait3A_2817 = tpu.memref_squeeze %dma_wait3A_2816 : memref<1x512x64xf32, #tpu.memory_space<vmem>> -> memref<512x64xf32, #tpu.memory_space<vmem>>
    tpu.wait_dma2 semaphore(%dma_wait3A_2811 : memref<!tpu.dma_semaphore, #tpu.memory_space<semaphore_mem>>) src(%dma_wait3A_2817 : memref<512x64xf32, #tpu.memory_space<vmem>>) dst(%dma_wait3A_2813 : memref<512x64xf32, #tpu.memory_space<hbm>>)
    %dma_start3A_2818 = arith.constant 0 : i32
    %dma_start3A_2819 = arith.constant 0 : i32
    %dma_start3A_2820 = arith.constant 0 : i32
    %dma_start3A_2821 = arith.constant 0 : i32
    %dma_start3A_2822 = tpu.memref_slice %arg6[%dma_start3A_2818, %dma_start3A_2820, %dma_start3A_2821] : memref<3x512x64xf32, #tpu.memory_space<vmem>> -> memref<1x512x64xf32, #tpu.memory_space<vmem>>
    %dma_start3A_2823 = tpu.memref_squeeze %dma_start3A_2822 : memref<1x512x64xf32, #tpu.memory_space<vmem>> -> memref<512x64xf32, #tpu.memory_space<vmem>>
    %dma_start3A_2824 = arith.constant 24576 : i32
    %dma_start3A_2825 = tpu.memref_slice %arg5[%dma_start3A_2824] : memref<25600xi32, #tpu.memory_space<vmem>> -> memref<512xi32, #tpu.memory_space<vmem>>
    %dma_start3A_2826 = arith.constant 0 : i32
    %dma_start3A_2827 = arith.constant 0 : i32
    %dma_start3A_2828 = tpu.memref_slice %arg3[%dma_start3A_2826, %dma_start3A_2827] : memref<1000000x64xf32, #tpu.memory_space<hbm>> -> memref<1000000x64xf32, #tpu.memory_space<hbm>>
    %dma_start3A_2829 = tpu.memref_slice %arg7[%dma_start3A_2819] : memref<3x!tpu.dma_semaphore, #tpu.memory_space<semaphore_mem>> -> memref<1x!tpu.dma_semaphore, #tpu.memory_space<semaphore_mem>>
    %dma_start3A_2830 = tpu.memref_squeeze %dma_start3A_2829 : memref<1x!tpu.dma_semaphore, #tpu.memory_space<semaphore_mem>> -> memref<!tpu.dma_semaphore, #tpu.memory_space<semaphore_mem>>
    tpu.enqueue_indirect_dma source(%dma_start3A_2828 : memref<1000000x64xf32, #tpu.memory_space<hbm>>) target(%dma_start3A_2823 : memref<512x64xf32, #tpu.memory_space<vmem>>) offsets(%dma_start3A_2825 : memref<512xi32, #tpu.memory_space<vmem>>) semaphore(%dma_start3A_2830 : memref<!tpu.dma_semaphore, #tpu.memory_space<semaphore_mem>>)
    %dma_wait3A_2831 = arith.constant 2 : i32
    %dma_wait3A_2832 = arith.constant 2 : i32
    %dma_wait3A_2833 = arith.constant 0 : i32
    %dma_wait3A_2834 = arith.constant 0 : i32
    %dma_wait3A_2835 = tpu.memref_slice %arg6[%dma_wait3A_2831, %dma_wait3A_2833, %dma_wait3A_2834] : memref<3x512x64xf32, #tpu.memory_space<vmem>> -> memref<1x512x64xf32, #tpu.memory_space<vmem>>
    %dma_wait3A_2836 = tpu.memref_squeeze %dma_wait3A_2835 : memref<1x512x64xf32, #tpu.memory_space<vmem>> -> memref<512x64xf32, #tpu.memory_space<vmem>>
    %dma_wait3A_2837 = arith.constant 24064 : i32
    %dma_wait3A_2838 = tpu.memref_slice %arg5[%dma_wait3A_2837] : memref<25600xi32, #tpu.memory_space<vmem>> -> memref<512xi32, #tpu.memory_space<vmem>>
    %dma_wait3A_2839 = arith.constant 0 : i32
    %dma_wait3A_2840 = arith.constant 0 : i32
    %dma_wait3A_2841 = tpu.memref_slice %arg3[%dma_wait3A_2839, %dma_wait3A_2840] : memref<1000000x64xf32, #tpu.memory_space<hbm>> -> memref<1000000x64xf32, #tpu.memory_space<hbm>>
    %dma_wait3A_2842 = tpu.memref_slice %arg7[%dma_wait3A_2832] : memref<3x!tpu.dma_semaphore, #tpu.memory_space<semaphore_mem>> -> memref<1x!tpu.dma_semaphore, #tpu.memory_space<semaphore_mem>>
    %dma_wait3A_2843 = tpu.memref_squeeze %dma_wait3A_2842 : memref<1x!tpu.dma_semaphore, #tpu.memory_space<semaphore_mem>> -> memref<!tpu.dma_semaphore, #tpu.memory_space<semaphore_mem>>
    tpu.wait_indirect_dma semaphore(%dma_wait3A_2843 : memref<!tpu.dma_semaphore, #tpu.memory_space<semaphore_mem>>) src(%dma_wait3A_2841 : memref<1000000x64xf32, #tpu.memory_space<hbm>>) dst(%dma_wait3A_2836 : memref<512x64xf32, #tpu.memory_space<vmem>>)
    %add3A_2844 = arith.constant 24064 : i32
    %add3A_2845 = arith.addi %mul3A_2, %add3A_2844 : i32
    %dma_start3A_2846 = arith.constant 2 : i32
    %dma_start3A_2847 = arith.constant 2 : i32
    %dma_start3A_2848 = arith.constant 0 : i32
    %dma_start3A_2849 = arith.constant 0 : i32
    %dma_start3A_2850 = tpu.memref_slice %arg6[%dma_start3A_2846, %dma_start3A_2848, %dma_start3A_2849] : memref<3x512x64xf32, #tpu.memory_space<vmem>> -> memref<1x512x64xf32, #tpu.memory_space<vmem>>
    %dma_start3A_2851 = tpu.memref_squeeze %dma_start3A_2850 : memref<1x512x64xf32, #tpu.memory_space<vmem>> -> memref<512x64xf32, #tpu.memory_space<vmem>>
    %dma_start3A_2852 = arith.constant 0 : i32
    %dma_start3A_2853 = tpu.memref_slice %arg4[%add3A_2845, %dma_start3A_2852] : memref<819200x64xf32, #tpu.memory_space<hbm>> -> memref<512x64xf32, #tpu.memory_space<hbm>>
    %dma_start3A_2854 = tpu.memref_slice %arg8[%dma_start3A_2847] : memref<3x!tpu.dma_semaphore, #tpu.memory_space<semaphore_mem>> -> memref<1x!tpu.dma_semaphore, #tpu.memory_space<semaphore_mem>>
    %dma_start3A_2855 = tpu.memref_squeeze %dma_start3A_2854 : memref<1x!tpu.dma_semaphore, #tpu.memory_space<semaphore_mem>> -> memref<!tpu.dma_semaphore, #tpu.memory_space<semaphore_mem>>
    %dma_start3A_2856 = arith.constant 0 : i32
    %dma_start3A_2857 = tpu.memref_slice %arg4[%add3A_2845, %dma_start3A_2856] : memref<819200x64xf32, #tpu.memory_space<hbm>> -> memref<512x64xf32, #tpu.memory_space<hbm>>
    %dma_start3A_2858 = arith.constant 0 : i32
    %dma_start3A_2859 = arith.constant 0 : i32
    %dma_start3A_2860 = tpu.memref_slice %arg6[%dma_start3A_2846, %dma_start3A_2858, %dma_start3A_2859] : memref<3x512x64xf32, #tpu.memory_space<vmem>> -> memref<1x512x64xf32, #tpu.memory_space<vmem>>
    %dma_start3A_2861 = tpu.memref_squeeze %dma_start3A_2860 : memref<1x512x64xf32, #tpu.memory_space<vmem>> -> memref<512x64xf32, #tpu.memory_space<vmem>>
    tpu.enqueue_dma source(%dma_start3A_2861 : memref<512x64xf32, #tpu.memory_space<vmem>>) target(%dma_start3A_2857 : memref<512x64xf32, #tpu.memory_space<hbm>>) target_semaphore(%dma_start3A_2855 : memref<!tpu.dma_semaphore, #tpu.memory_space<semaphore_mem>>)
    %dma_wait3A_2862 = arith.constant 1 : i32
    %dma_wait3A_2863 = arith.constant 1 : i32
    %dma_wait3A_2864 = arith.constant 0 : i32
    %dma_wait3A_2865 = arith.constant 0 : i32
    %dma_wait3A_2866 = tpu.memref_slice %arg6[%dma_wait3A_2862, %dma_wait3A_2864, %dma_wait3A_2865] : memref<3x512x64xf32, #tpu.memory_space<vmem>> -> memref<1x512x64xf32, #tpu.memory_space<vmem>>
    %dma_wait3A_2867 = tpu.memref_squeeze %dma_wait3A_2866 : memref<1x512x64xf32, #tpu.memory_space<vmem>> -> memref<512x64xf32, #tpu.memory_space<vmem>>
    %dma_wait3A_2868 = arith.constant 0 : i32
    %dma_wait3A_2869 = tpu.memref_slice %arg4[%add3A_2785, %dma_wait3A_2868] : memref<819200x64xf32, #tpu.memory_space<hbm>> -> memref<512x64xf32, #tpu.memory_space<hbm>>
    %dma_wait3A_2870 = tpu.memref_slice %arg8[%dma_wait3A_2863] : memref<3x!tpu.dma_semaphore, #tpu.memory_space<semaphore_mem>> -> memref<1x!tpu.dma_semaphore, #tpu.memory_space<semaphore_mem>>
    %dma_wait3A_2871 = tpu.memref_squeeze %dma_wait3A_2870 : memref<1x!tpu.dma_semaphore, #tpu.memory_space<semaphore_mem>> -> memref<!tpu.dma_semaphore, #tpu.memory_space<semaphore_mem>>
    %dma_wait3A_2872 = arith.constant 0 : i32
    %dma_wait3A_2873 = tpu.memref_slice %arg4[%add3A_2785, %dma_wait3A_2872] : memref<819200x64xf32, #tpu.memory_space<hbm>> -> memref<512x64xf32, #tpu.memory_space<hbm>>
    %dma_wait3A_2874 = arith.constant 0 : i32
    %dma_wait3A_2875 = arith.constant 0 : i32
    %dma_wait3A_2876 = tpu.memref_slice %arg6[%dma_wait3A_2862, %dma_wait3A_2874, %dma_wait3A_2875] : memref<3x512x64xf32, #tpu.memory_space<vmem>> -> memref<1x512x64xf32, #tpu.memory_space<vmem>>
    %dma_wait3A_2877 = tpu.memref_squeeze %dma_wait3A_2876 : memref<1x512x64xf32, #tpu.memory_space<vmem>> -> memref<512x64xf32, #tpu.memory_space<vmem>>
    tpu.wait_dma2 semaphore(%dma_wait3A_2871 : memref<!tpu.dma_semaphore, #tpu.memory_space<semaphore_mem>>) src(%dma_wait3A_2877 : memref<512x64xf32, #tpu.memory_space<vmem>>) dst(%dma_wait3A_2873 : memref<512x64xf32, #tpu.memory_space<hbm>>)
    %dma_start3A_2878 = arith.constant 1 : i32
    %dma_start3A_2879 = arith.constant 1 : i32
    %dma_start3A_2880 = arith.constant 0 : i32
    %dma_start3A_2881 = arith.constant 0 : i32
    %dma_start3A_2882 = tpu.memref_slice %arg6[%dma_start3A_2878, %dma_start3A_2880, %dma_start3A_2881] : memref<3x512x64xf32, #tpu.memory_space<vmem>> -> memref<1x512x64xf32, #tpu.memory_space<vmem>>
    %dma_start3A_2883 = tpu.memref_squeeze %dma_start3A_2882 : memref<1x512x64xf32, #tpu.memory_space<vmem>> -> memref<512x64xf32, #tpu.memory_space<vmem>>
    %dma_start3A_2884 = arith.constant 25088 : i32
    %dma_start3A_2885 = tpu.memref_slice %arg5[%dma_start3A_2884] : memref<25600xi32, #tpu.memory_space<vmem>> -> memref<512xi32, #tpu.memory_space<vmem>>
    %dma_start3A_2886 = arith.constant 0 : i32
    %dma_start3A_2887 = arith.constant 0 : i32
    %dma_start3A_2888 = tpu.memref_slice %arg3[%dma_start3A_2886, %dma_start3A_2887] : memref<1000000x64xf32, #tpu.memory_space<hbm>> -> memref<1000000x64xf32, #tpu.memory_space<hbm>>
    %dma_start3A_2889 = tpu.memref_slice %arg7[%dma_start3A_2879] : memref<3x!tpu.dma_semaphore, #tpu.memory_space<semaphore_mem>> -> memref<1x!tpu.dma_semaphore, #tpu.memory_space<semaphore_mem>>
    %dma_start3A_2890 = tpu.memref_squeeze %dma_start3A_2889 : memref<1x!tpu.dma_semaphore, #tpu.memory_space<semaphore_mem>> -> memref<!tpu.dma_semaphore, #tpu.memory_space<semaphore_mem>>
    tpu.enqueue_indirect_dma source(%dma_start3A_2888 : memref<1000000x64xf32, #tpu.memory_space<hbm>>) target(%dma_start3A_2883 : memref<512x64xf32, #tpu.memory_space<vmem>>) offsets(%dma_start3A_2885 : memref<512xi32, #tpu.memory_space<vmem>>) semaphore(%dma_start3A_2890 : memref<!tpu.dma_semaphore, #tpu.memory_space<semaphore_mem>>)
    %dma_wait3A_2891 = arith.constant 0 : i32
    %dma_wait3A_2892 = arith.constant 0 : i32
    %dma_wait3A_2893 = arith.constant 0 : i32
    %dma_wait3A_2894 = arith.constant 0 : i32
    %dma_wait3A_2895 = tpu.memref_slice %arg6[%dma_wait3A_2891, %dma_wait3A_2893, %dma_wait3A_2894] : memref<3x512x64xf32, #tpu.memory_space<vmem>> -> memref<1x512x64xf32, #tpu.memory_space<vmem>>
    %dma_wait3A_2896 = tpu.memref_squeeze %dma_wait3A_2895 : memref<1x512x64xf32, #tpu.memory_space<vmem>> -> memref<512x64xf32, #tpu.memory_space<vmem>>
    %dma_wait3A_2897 = arith.constant 24576 : i32
    %dma_wait3A_2898 = tpu.memref_slice %arg5[%dma_wait3A_2897] : memref<25600xi32, #tpu.memory_space<vmem>> -> memref<512xi32, #tpu.memory_space<vmem>>
    %dma_wait3A_2899 = arith.constant 0 : i32
    %dma_wait3A_2900 = arith.constant 0 : i32
    %dma_wait3A_2901 = tpu.memref_slice %arg3[%dma_wait3A_2899, %dma_wait3A_2900] : memref<1000000x64xf32, #tpu.memory_space<hbm>> -> memref<1000000x64xf32, #tpu.memory_space<hbm>>
    %dma_wait3A_2902 = tpu.memref_slice %arg7[%dma_wait3A_2892] : memref<3x!tpu.dma_semaphore, #tpu.memory_space<semaphore_mem>> -> memref<1x!tpu.dma_semaphore, #tpu.memory_space<semaphore_mem>>
    %dma_wait3A_2903 = tpu.memref_squeeze %dma_wait3A_2902 : memref<1x!tpu.dma_semaphore, #tpu.memory_space<semaphore_mem>> -> memref<!tpu.dma_semaphore, #tpu.memory_space<semaphore_mem>>
    tpu.wait_indirect_dma semaphore(%dma_wait3A_2903 : memref<!tpu.dma_semaphore, #tpu.memory_space<semaphore_mem>>) src(%dma_wait3A_2901 : memref<1000000x64xf32, #tpu.memory_space<hbm>>) dst(%dma_wait3A_2896 : memref<512x64xf32, #tpu.memory_space<vmem>>)
    %add3A_2904 = arith.constant 24576 : i32
    %add3A_2905 = arith.addi %mul3A_2, %add3A_2904 : i32
    %dma_start3A_2906 = arith.constant 0 : i32
    %dma_start3A_2907 = arith.constant 0 : i32
    %dma_start3A_2908 = arith.constant 0 : i32
    %dma_start3A_2909 = arith.constant 0 : i32
    %dma_start3A_2910 = tpu.memref_slice %arg6[%dma_start3A_2906, %dma_start3A_2908, %dma_start3A_2909] : memref<3x512x64xf32, #tpu.memory_space<vmem>> -> memref<1x512x64xf32, #tpu.memory_space<vmem>>
    %dma_start3A_2911 = tpu.memref_squeeze %dma_start3A_2910 : memref<1x512x64xf32, #tpu.memory_space<vmem>> -> memref<512x64xf32, #tpu.memory_space<vmem>>
    %dma_start3A_2912 = arith.constant 0 : i32
    %dma_start3A_2913 = tpu.memref_slice %arg4[%add3A_2905, %dma_start3A_2912] : memref<819200x64xf32, #tpu.memory_space<hbm>> -> memref<512x64xf32, #tpu.memory_space<hbm>>
    %dma_start3A_2914 = tpu.memref_slice %arg8[%dma_start3A_2907] : memref<3x!tpu.dma_semaphore, #tpu.memory_space<semaphore_mem>> -> memref<1x!tpu.dma_semaphore, #tpu.memory_space<semaphore_mem>>
    %dma_start3A_2915 = tpu.memref_squeeze %dma_start3A_2914 : memref<1x!tpu.dma_semaphore, #tpu.memory_space<semaphore_mem>> -> memref<!tpu.dma_semaphore, #tpu.memory_space<semaphore_mem>>
    %dma_start3A_2916 = arith.constant 0 : i32
    %dma_start3A_2917 = tpu.memref_slice %arg4[%add3A_2905, %dma_start3A_2916] : memref<819200x64xf32, #tpu.memory_space<hbm>> -> memref<512x64xf32, #tpu.memory_space<hbm>>
    %dma_start3A_2918 = arith.constant 0 : i32
    %dma_start3A_2919 = arith.constant 0 : i32
    %dma_start3A_2920 = tpu.memref_slice %arg6[%dma_start3A_2906, %dma_start3A_2918, %dma_start3A_2919] : memref<3x512x64xf32, #tpu.memory_space<vmem>> -> memref<1x512x64xf32, #tpu.memory_space<vmem>>
    %dma_start3A_2921 = tpu.memref_squeeze %dma_start3A_2920 : memref<1x512x64xf32, #tpu.memory_space<vmem>> -> memref<512x64xf32, #tpu.memory_space<vmem>>
    tpu.enqueue_dma source(%dma_start3A_2921 : memref<512x64xf32, #tpu.memory_space<vmem>>) target(%dma_start3A_2917 : memref<512x64xf32, #tpu.memory_space<hbm>>) target_semaphore(%dma_start3A_2915 : memref<!tpu.dma_semaphore, #tpu.memory_space<semaphore_mem>>)
    %dma_wait3A_2922 = arith.constant 1 : i32
    %dma_wait3A_2923 = arith.constant 1 : i32
    %dma_wait3A_2924 = arith.constant 0 : i32
    %dma_wait3A_2925 = arith.constant 0 : i32
    %dma_wait3A_2926 = tpu.memref_slice %arg6[%dma_wait3A_2922, %dma_wait3A_2924, %dma_wait3A_2925] : memref<3x512x64xf32, #tpu.memory_space<vmem>> -> memref<1x512x64xf32, #tpu.memory_space<vmem>>
    %dma_wait3A_2927 = tpu.memref_squeeze %dma_wait3A_2926 : memref<1x512x64xf32, #tpu.memory_space<vmem>> -> memref<512x64xf32, #tpu.memory_space<vmem>>
    %dma_wait3A_2928 = arith.constant 25088 : i32
    %dma_wait3A_2929 = tpu.memref_slice %arg5[%dma_wait3A_2928] : memref<25600xi32, #tpu.memory_space<vmem>> -> memref<512xi32, #tpu.memory_space<vmem>>
    %dma_wait3A_2930 = arith.constant 0 : i32
    %dma_wait3A_2931 = arith.constant 0 : i32
    %dma_wait3A_2932 = tpu.memref_slice %arg3[%dma_wait3A_2930, %dma_wait3A_2931] : memref<1000000x64xf32, #tpu.memory_space<hbm>> -> memref<1000000x64xf32, #tpu.memory_space<hbm>>
    %dma_wait3A_2933 = tpu.memref_slice %arg7[%dma_wait3A_2923] : memref<3x!tpu.dma_semaphore, #tpu.memory_space<semaphore_mem>> -> memref<1x!tpu.dma_semaphore, #tpu.memory_space<semaphore_mem>>
    %dma_wait3A_2934 = tpu.memref_squeeze %dma_wait3A_2933 : memref<1x!tpu.dma_semaphore, #tpu.memory_space<semaphore_mem>> -> memref<!tpu.dma_semaphore, #tpu.memory_space<semaphore_mem>>
    tpu.wait_indirect_dma semaphore(%dma_wait3A_2934 : memref<!tpu.dma_semaphore, #tpu.memory_space<semaphore_mem>>) src(%dma_wait3A_2932 : memref<1000000x64xf32, #tpu.memory_space<hbm>>) dst(%dma_wait3A_2927 : memref<512x64xf32, #tpu.memory_space<vmem>>)
    %add3A_2935 = arith.constant 25088 : i32
    %add3A_2936 = arith.addi %mul3A_2, %add3A_2935 : i32
    %dma_start3A_2937 = arith.constant 1 : i32
    %dma_start3A_2938 = arith.constant 1 : i32
    %dma_start3A_2939 = arith.constant 0 : i32
    %dma_start3A_2940 = arith.constant 0 : i32
    %dma_start3A_2941 = tpu.memref_slice %arg6[%dma_start3A_2937, %dma_start3A_2939, %dma_start3A_2940] : memref<3x512x64xf32, #tpu.memory_space<vmem>> -> memref<1x512x64xf32, #tpu.memory_space<vmem>>
    %dma_start3A_2942 = tpu.memref_squeeze %dma_start3A_2941 : memref<1x512x64xf32, #tpu.memory_space<vmem>> -> memref<512x64xf32, #tpu.memory_space<vmem>>
    %dma_start3A_2943 = arith.constant 0 : i32
    %dma_start3A_2944 = tpu.memref_slice %arg4[%add3A_2936, %dma_start3A_2943] : memref<819200x64xf32, #tpu.memory_space<hbm>> -> memref<512x64xf32, #tpu.memory_space<hbm>>
    %dma_start3A_2945 = tpu.memref_slice %arg8[%dma_start3A_2938] : memref<3x!tpu.dma_semaphore, #tpu.memory_space<semaphore_mem>> -> memref<1x!tpu.dma_semaphore, #tpu.memory_space<semaphore_mem>>
    %dma_start3A_2946 = tpu.memref_squeeze %dma_start3A_2945 : memref<1x!tpu.dma_semaphore, #tpu.memory_space<semaphore_mem>> -> memref<!tpu.dma_semaphore, #tpu.memory_space<semaphore_mem>>
    %dma_start3A_2947 = arith.constant 0 : i32
    %dma_start3A_2948 = tpu.memref_slice %arg4[%add3A_2936, %dma_start3A_2947] : memref<819200x64xf32, #tpu.memory_space<hbm>> -> memref<512x64xf32, #tpu.memory_space<hbm>>
    %dma_start3A_2949 = arith.constant 0 : i32
    %dma_start3A_2950 = arith.constant 0 : i32
    %dma_start3A_2951 = tpu.memref_slice %arg6[%dma_start3A_2937, %dma_start3A_2949, %dma_start3A_2950] : memref<3x512x64xf32, #tpu.memory_space<vmem>> -> memref<1x512x64xf32, #tpu.memory_space<vmem>>
    %dma_start3A_2952 = tpu.memref_squeeze %dma_start3A_2951 : memref<1x512x64xf32, #tpu.memory_space<vmem>> -> memref<512x64xf32, #tpu.memory_space<vmem>>
    tpu.enqueue_dma source(%dma_start3A_2952 : memref<512x64xf32, #tpu.memory_space<vmem>>) target(%dma_start3A_2948 : memref<512x64xf32, #tpu.memory_space<hbm>>) target_semaphore(%dma_start3A_2946 : memref<!tpu.dma_semaphore, #tpu.memory_space<semaphore_mem>>)
    %dma_wait3A_2953 = arith.constant 2 : i32
    %dma_wait3A_2954 = arith.constant 2 : i32
    %dma_wait3A_2955 = arith.constant 0 : i32
    %dma_wait3A_2956 = arith.constant 0 : i32
    %dma_wait3A_2957 = tpu.memref_slice %arg6[%dma_wait3A_2953, %dma_wait3A_2955, %dma_wait3A_2956] : memref<3x512x64xf32, #tpu.memory_space<vmem>> -> memref<1x512x64xf32, #tpu.memory_space<vmem>>
    %dma_wait3A_2958 = tpu.memref_squeeze %dma_wait3A_2957 : memref<1x512x64xf32, #tpu.memory_space<vmem>> -> memref<512x64xf32, #tpu.memory_space<vmem>>
    %dma_wait3A_2959 = arith.constant 0 : i32
    %dma_wait3A_2960 = tpu.memref_slice %arg4[%add3A_2845, %dma_wait3A_2959] : memref<819200x64xf32, #tpu.memory_space<hbm>> -> memref<512x64xf32, #tpu.memory_space<hbm>>
    %dma_wait3A_2961 = tpu.memref_slice %arg8[%dma_wait3A_2954] : memref<3x!tpu.dma_semaphore, #tpu.memory_space<semaphore_mem>> -> memref<1x!tpu.dma_semaphore, #tpu.memory_space<semaphore_mem>>
    %dma_wait3A_2962 = tpu.memref_squeeze %dma_wait3A_2961 : memref<1x!tpu.dma_semaphore, #tpu.memory_space<semaphore_mem>> -> memref<!tpu.dma_semaphore, #tpu.memory_space<semaphore_mem>>
    %dma_wait3A_2963 = arith.constant 0 : i32
    %dma_wait3A_2964 = tpu.memref_slice %arg4[%add3A_2845, %dma_wait3A_2963] : memref<819200x64xf32, #tpu.memory_space<hbm>> -> memref<512x64xf32, #tpu.memory_space<hbm>>
    %dma_wait3A_2965 = arith.constant 0 : i32
    %dma_wait3A_2966 = arith.constant 0 : i32
    %dma_wait3A_2967 = tpu.memref_slice %arg6[%dma_wait3A_2953, %dma_wait3A_2965, %dma_wait3A_2966] : memref<3x512x64xf32, #tpu.memory_space<vmem>> -> memref<1x512x64xf32, #tpu.memory_space<vmem>>
    %dma_wait3A_2968 = tpu.memref_squeeze %dma_wait3A_2967 : memref<1x512x64xf32, #tpu.memory_space<vmem>> -> memref<512x64xf32, #tpu.memory_space<vmem>>
    tpu.wait_dma2 semaphore(%dma_wait3A_2962 : memref<!tpu.dma_semaphore, #tpu.memory_space<semaphore_mem>>) src(%dma_wait3A_2968 : memref<512x64xf32, #tpu.memory_space<vmem>>) dst(%dma_wait3A_2964 : memref<512x64xf32, #tpu.memory_space<hbm>>)
    %dma_wait3A_2969 = arith.constant 0 : i32
    %dma_wait3A_2970 = arith.constant 0 : i32
    %dma_wait3A_2971 = arith.constant 0 : i32
    %dma_wait3A_2972 = arith.constant 0 : i32
    %dma_wait3A_2973 = tpu.memref_slice %arg6[%dma_wait3A_2969, %dma_wait3A_2971, %dma_wait3A_2972] : memref<3x512x64xf32, #tpu.memory_space<vmem>> -> memref<1x512x64xf32, #tpu.memory_space<vmem>>
    %dma_wait3A_2974 = tpu.memref_squeeze %dma_wait3A_2973 : memref<1x512x64xf32, #tpu.memory_space<vmem>> -> memref<512x64xf32, #tpu.memory_space<vmem>>
    %dma_wait3A_2975 = arith.constant 0 : i32
    %dma_wait3A_2976 = tpu.memref_slice %arg4[%add3A_2905, %dma_wait3A_2975] : memref<819200x64xf32, #tpu.memory_space<hbm>> -> memref<512x64xf32, #tpu.memory_space<hbm>>
    %dma_wait3A_2977 = tpu.memref_slice %arg8[%dma_wait3A_2970] : memref<3x!tpu.dma_semaphore, #tpu.memory_space<semaphore_mem>> -> memref<1x!tpu.dma_semaphore, #tpu.memory_space<semaphore_mem>>
    %dma_wait3A_2978 = tpu.memref_squeeze %dma_wait3A_2977 : memref<1x!tpu.dma_semaphore, #tpu.memory_space<semaphore_mem>> -> memref<!tpu.dma_semaphore, #tpu.memory_space<semaphore_mem>>
    %dma_wait3A_2979 = arith.constant 0 : i32
    %dma_wait3A_2980 = tpu.memref_slice %arg4[%add3A_2905, %dma_wait3A_2979] : memref<819200x64xf32, #tpu.memory_space<hbm>> -> memref<512x64xf32, #tpu.memory_space<hbm>>
    %dma_wait3A_2981 = arith.constant 0 : i32
    %dma_wait3A_2982 = arith.constant 0 : i32
    %dma_wait3A_2983 = tpu.memref_slice %arg6[%dma_wait3A_2969, %dma_wait3A_2981, %dma_wait3A_2982] : memref<3x512x64xf32, #tpu.memory_space<vmem>> -> memref<1x512x64xf32, #tpu.memory_space<vmem>>
    %dma_wait3A_2984 = tpu.memref_squeeze %dma_wait3A_2983 : memref<1x512x64xf32, #tpu.memory_space<vmem>> -> memref<512x64xf32, #tpu.memory_space<vmem>>
    tpu.wait_dma2 semaphore(%dma_wait3A_2978 : memref<!tpu.dma_semaphore, #tpu.memory_space<semaphore_mem>>) src(%dma_wait3A_2984 : memref<512x64xf32, #tpu.memory_space<vmem>>) dst(%dma_wait3A_2980 : memref<512x64xf32, #tpu.memory_space<hbm>>)
    %dma_wait3A_2985 = arith.constant 1 : i32
    %dma_wait3A_2986 = arith.constant 1 : i32
    %dma_wait3A_2987 = arith.constant 0 : i32
    %dma_wait3A_2988 = arith.constant 0 : i32
    %dma_wait3A_2989 = tpu.memref_slice %arg6[%dma_wait3A_2985, %dma_wait3A_2987, %dma_wait3A_2988] : memref<3x512x64xf32, #tpu.memory_space<vmem>> -> memref<1x512x64xf32, #tpu.memory_space<vmem>>
    %dma_wait3A_2990 = tpu.memref_squeeze %dma_wait3A_2989 : memref<1x512x64xf32, #tpu.memory_space<vmem>> -> memref<512x64xf32, #tpu.memory_space<vmem>>
    %dma_wait3A_2991 = arith.constant 0 : i32
    %dma_wait3A_2992 = tpu.memref_slice %arg4[%add3A_2936, %dma_wait3A_2991] : memref<819200x64xf32, #tpu.memory_space<hbm>> -> memref<512x64xf32, #tpu.memory_space<hbm>>
    %dma_wait3A_2993 = tpu.memref_slice %arg8[%dma_wait3A_2986] : memref<3x!tpu.dma_semaphore, #tpu.memory_space<semaphore_mem>> -> memref<1x!tpu.dma_semaphore, #tpu.memory_space<semaphore_mem>>
    %dma_wait3A_2994 = tpu.memref_squeeze %dma_wait3A_2993 : memref<1x!tpu.dma_semaphore, #tpu.memory_space<semaphore_mem>> -> memref<!tpu.dma_semaphore, #tpu.memory_space<semaphore_mem>>
    %dma_wait3A_2995 = arith.constant 0 : i32
    %dma_wait3A_2996 = tpu.memref_slice %arg4[%add3A_2936, %dma_wait3A_2995] : memref<819200x64xf32, #tpu.memory_space<hbm>> -> memref<512x64xf32, #tpu.memory_space<hbm>>
    %dma_wait3A_2997 = arith.constant 0 : i32
    %dma_wait3A_2998 = arith.constant 0 : i32
    %dma_wait3A_2999 = tpu.memref_slice %arg6[%dma_wait3A_2985, %dma_wait3A_2997, %dma_wait3A_2998] : memref<3x512x64xf32, #tpu.memory_space<vmem>> -> memref<1x512x64xf32, #tpu.memory_space<vmem>>
    %dma_wait3A_3000 = tpu.memref_squeeze %dma_wait3A_2999 : memref<1x512x64xf32, #tpu.memory_space<vmem>> -> memref<512x64xf32, #tpu.memory_space<vmem>>
    tpu.wait_dma2 semaphore(%dma_wait3A_2994 : memref<!tpu.dma_semaphore, #tpu.memory_space<semaphore_mem>>) src(%dma_wait3A_3000 : memref<512x64xf32, #tpu.memory_space<vmem>>) dst(%dma_wait3A_2996 : memref<512x64xf32, #tpu.memory_space<hbm>>)
    return
  }
}

</mosaic_0001>

<sc_bundles>
// kernel: kernel.3.cloned.1.call-start
scs
__scs_entry_jumppad:
0x0: {  	(pc) =	sbr.rel $0x88, $3  }
0x1: {  	(tag) =	ssettag $0x0;
	lr =	simm.s32 $0x1  }
0x2: {  	[smem:$0x3F9F] =	sst lr;
	_ =	strace $0xD0000000  }
0x3: {  	_ = 	snop  }
0x4: {  	_ = 	snop  }
0x5: {  	_ = 	snop  }
0x6: {  	_ = 	snop  }
0x7: {  	_ = 	snop  }
__scs_overlays_trampoline_lowered:
0x8: {  	[smem:$0x3FAE] =	sst s0  }
0x9: {  	[smem:$0x3FAF] =	sst s1  }
0xa: {  	[smem:$0x3FB0] =	sst s2  }
0xb: {  	[smem:$0x3FB1] =	sst s3  }
0xc: {  	[smem:$0x3FB2] =	sst s4  }
0xd: {  	[smem:$0x3FB3] =	sst s5  }
0xe: {  	[smem:$0x3FB4] =	sst s6  }
0xf: {  	[smem:$0x3FB5] =	sst s7  }
0x10: {  	[smem:$0x3FB6] =	sst s8  }
0x11: {  	[smem:$0x3FB7] =	sst s9;
	s0 =	simm.s32 @!p0 $0x0  }
0x12: {  	s1 =	sld [smem:$0x3F9D];
	s0 =	simm.s32 @p0 $0x1  }
0x13: {  	[smem:$0x3FB8] =	sst s0;
	s0 =	simm.s32 @!p1 $0x0  }
0x14: {  	s2 =	sld [smem:$0x3F9C];
	s0 =	simm.s32 @p1 $0x1  }
0x15: {  	[smem:$0x3FB9] =	sst s0;
	s0 =	simm.s32 @!p2 $0x0  }
0x16: {  	s3 =	sld [smem:$0x3FDB];
	s0 =	simm.s32 @p2 $0x1  }
0x17: {  	s4 =	simm.s32 $0x1BF5;
	[smem:$0x3FBB] =	sst s0  }
0x18: {  	s0 =	sld [smem:$0x3F9E];
	_ =	swait.ge [sflag:s4], $0x0  }
0x19: {  	s7 =	sld [smem:$0x3F9F]  }
0x1a: {  	s8 =	sadd.s32 $0xFFFFE003, lr  }
0x1b: {  	s9 =	sadd.s32 $0xFFFFFEF7, lr;
	s5 =	simm.s32 $0xFFFFFFFF;
	p2 =	slt.u32 s8, $0xFFFFF086  }
0x1c: {  	p1 =	slt.u32 s9, $0xF7A;
	s5 =	simm.s32 @!p2 $0x0  }
0x1d: {  	s5 =	simm.s32 @p1 $0x1;
	p0 =	seq.s32 s7, s2  }
0x1e: {  	s7 =	smul.u32 @!p0 $0xF7A, s2;
	p2 =	seq.s32 @!p0 s5, $0x0  }
0x1f: {  	s9 =	smul.u32 $0xF7A, s1;
	s8 =	simm.s32 @!p0 $0x1BF5;
	p2 =	por !p2, p0  }
0x20: {  	[sflag:s8] =	ssyncset.s32 @!p0 $0xFFFFF086;
	s6 =	sadd.s32 @!p0 s3, s7;
	s7 =	simm.s32 @!p0 $0x108  }
0x21: {  	s3 =	sadd.s32 s3, s9;
	s6 =	sadd.s32 @!p0 $0x88, s6;
	s7 =	simm.s32 @p2 $0x1082  }
0x22: {  	[simem:s7], [sflag:s8] =	dma.local @!p0 [hbm:s6], $0xF7A  }
0x23: {  	s9 =	sor.u32 $0xD0000000, s2;
	s6 =	simm.s32 $0x108;
	_ =	swait.ge @!p0 [sflag:s8], $0x0  }
0x24: {  	s3 =	sadd.s32 $0x88, s3;
	s6 =	simm.s32 @!p1 $0x1082;
	[sflag:s4] =	ssyncset.s32 $0xFFFFF086  }
0x25: {  	[simem:s6], [sflag:s4] =	dma.local [hbm:s3], $0xF7A  }
0x26: {  	[smem:$0x3F9F] =	sst s1;
	(tag) =	ssettag s2;
	_ =	strace s9  }
0x27: {  	s1 =	sld [smem:$0x3FAF]  }
0x28: {  	s2 =	sld [smem:$0x3FB0]  }
0x29: {  	s4 =	sld [smem:$0x3FB2]  }
0x2a: {  	p0 =	seq.s32 s5, $0x0;
	s5 =	sld [smem:$0x3FB3]  }
0x2b: {  	s6 =	sld [smem:$0x3FB4]  }
0x2c: {  	s7 =	sld [smem:$0x3FB5]  }
0x2d: {  	s3 =	simm.s32 $0x108;
	s8 =	sld [smem:$0x3FB6]  }
0x2e: {  	s3 =	simm.s32 @!p0 $0x1082;
	s9 =	sld [smem:$0x3FB7]  }
0x2f: {  	lr =	sadd.s32 s0, s3;
	s0 =	sld [smem:$0x3FAE]  }
0x30: {  	s3 =	sld [smem:$0x3FB1]  }
0x31: {  	[smem:$0x3FBA] =	sst s10  }
0x32: {  	s10 =	sld [smem:$0x3FB8];
	_ =	sdelay $0x3  }
0x33: {  	p0 =	seq.s32 s10, $0x1;
	s10 =	sld [smem:$0x3FBA];
	_ =	sdelay $0x3  }
0x34: {  	[smem:$0x3FBA] =	sst s10  }
0x35: {  	s10 =	sld [smem:$0x3FB9];
	_ =	sdelay $0x3  }
0x36: {  	p1 =	seq.s32 s10, $0x1;
	s10 =	sld [smem:$0x3FBA];
	_ =	sdelay $0x3  }
0x37: {  	[smem:$0x3FBA] =	sst s10  }
0x38: {  	s10 =	sld [smem:$0x3FBB]  }
0x39: {  	_ = 	snop;
	(pc) =	sbr.ind lr, $3  }
0x3a: {  	_ = 	snop  }
0x3b: {  	_ = 	snop  }
0x3c: {  	p2 =	seq.s32 s10, $0x1;
	s10 =	sld [smem:$0x3FBA]  }
0x3d: {  	_ =	shalt  }
0x3e: {  	_ =	shalt  }
0x3f: {  	_ =	shalt  }
0x40: {  	_ =	shalt  }
0x41: {  	_ =	shalt  }
0x42: {  	_ =	shalt  }
0x43: {  	_ =	shalt  }
0x44: {  	_ =	shalt  }
0x45: {  	_ =	shalt  }
0x46: {  	_ =	shalt  }
0x47: {  	_ =	shalt  }
0x48: {  	_ =	shalt  }
0x49: {  	_ =	shalt  }
0x4a: {  	_ =	shalt  }
0x4b: {  	_ =	shalt  }
0x4c: {  	_ =	shalt  }
0x4d: {  	_ =	shalt  }
0x4e: {  	_ =	shalt  }
0x4f: {  	_ =	shalt  }
0x50: {  	_ =	shalt  }
0x51: {  	_ =	shalt  }
0x52: {  	_ =	shalt  }
0x53: {  	_ =	shalt  }
0x54: {  	_ =	shalt  }
0x55: {  	_ =	shalt  }
0x56: {  	_ =	shalt  }
0x57: {  	_ =	shalt  }
0x58: {  	_ =	shalt  }
0x59: {  	_ =	shalt  }
0x5a: {  	_ =	shalt  }
0x5b: {  	_ =	shalt  }
0x5c: {  	_ =	shalt  }
0x5d: {  	_ =	shalt  }
0x5e: {  	_ =	shalt  }
0x5f: {  	_ =	shalt  }
0x60: {  	_ =	shalt  }
0x61: {  	_ =	shalt  }
0x62: {  	_ =	shalt  }
0x63: {  	_ =	shalt  }
0x64: {  	_ =	shalt  }
0x65: {  	_ =	shalt  }
0x66: {  	_ =	shalt  }
0x67: {  	_ =	shalt  }
0x68: {  	_ =	shalt  }
0x69: {  	_ =	shalt  }
0x6a: {  	_ =	shalt  }
0x6b: {  	_ =	shalt  }
0x6c: {  	_ =	shalt  }
0x6d: {  	_ =	shalt  }
0x6e: {  	_ =	shalt  }
0x6f: {  	_ =	shalt  }
0x70: {  	_ =	shalt  }
0x71: {  	_ =	shalt  }
0x72: {  	_ =	shalt  }
0x73: {  	_ =	shalt  }
0x74: {  	_ =	shalt  }
0x75: {  	_ =	shalt  }
0x76: {  	_ =	shalt  }
0x77: {  	_ =	shalt  }
0x78: {  	_ =	shalt  }
0x79: {  	_ =	shalt  }
0x7a: {  	_ =	shalt  }
0x7b: {  	_ =	shalt  }
0x7c: {  	_ =	shalt  }
0x7d: {  	_ =	shalt  }
0x7e: {  	_ =	shalt  }
0x7f: {  	_ =	shalt  }
0x80: {  	_ =	shalt  }
0x81: {  	_ =	shalt  }
0x82: {  	_ =	shalt  }
0x83: {  	_ =	shalt  }
0x84: {  	_ =	shalt  }
0x85: {  	_ =	shalt  }
0x86: {  	_ =	shalt  }
0x87: {  	_ =	shalt  }
.Lfunc_end0:
.L_simem_size_0:
called_computation.1_lowered:
.L_overlay_start_0:
0x88: {  	s2 =	sld [smem:$0x3FD9]  }
0x89: {  	s3 =	sld [smem:$0x3FFE];
	_ =	sdelay $0x1  }
0x8a: {  	s1 =	srdreg.scid  }
0x8b: {  	s0 =	sand.u32 $0x1, s1  }
0x8c: {  	s17 =	sshll.u32 s0, $0xA;
	s2 =	sadd.s32 s3, s2  }
0x8d: {  	s2 =	sadd.s32 s2, s17  }
0x8e: {  	[smem:$0x3FC6] =	sst s2  }
0x8f: {  	_ = 	snop  }
0x90: {  	s2 =	sld [smem:$0x3FD0];
	(tm) =	ssettm $0x1  }
0x91: {  	s18 =	sld [smem:$0x3FFB];
	_ =	sdelay $0x3  }
0x92: {  	_ =	strace s18  }
0x93: {  	s3 =	sld [smem:$0x3FFC];
	_ =	sdelay $0x3  }
0x94: {  	_ =	strace s3  }
0x95: {  	s3 =	sld [smem:$0x3FFD];
	_ =	sdelay $0x3  }
0x96: {  	_ =	strace s3  }
0x97: {  	_ =	strace $0x8FFFFFFF  }
0x98: {  	s19 =	sld [smem:$0x3FDB];
	_ =	sdelay $0x1  }
0x99: {  	s4 =	simm.s32 $_scs_section_size  }
0x9a: {  	s5 =	simm.s32 $_size__tile_overlayer_lowered;
	s6 =	simm.s32 $_tile_overlayer_lowered  }
0x9b: {  	s22 =	simm.s32 $0x1BFF;
	s21 =	sshll.u32 s6, $0x1;
	s3 =	sadd.s32 s4, s19  }
0x9c: {  	s7 =	simm.s32 $0x0;
	s20 =	sshll.u32 s5, $0x1;
	s5 =	sadd.s32 s21, s3  }
0x9d: {  	[timem:s7], [sflag:s22] =	dma.local [hbm:s5], s20  }
0x9e: {  	_ =	swait.ge [sflag:s22], s20  }
0x9f: {  	s4 =	ssub.s32 $0x0, s20;
	[sflag:s22] =	ssyncset.done $0x0  }
0xa0: {  	[sflag:s22] =	ssyncadd.s32 s4;
	_ =	sdelay $0x1  }
0xa1: {  	s23 =	simm.s32 $0x1B8B  }
0xa2: {  	_ =	swait.ge [sflag:s23], $0x1  }
0xa3: {  	[sflag:s23] =	ssyncset.done $0x0  }
0xa4: {  	s25 =	simm.s32 $0x1B8E;
	s24 =	sld [smem:$0x3FFE];
	[sflag:s23] =	ssyncadd.s32 $0xFFFFFFFF  }
0xa5: {  	s26 =	simm.s32 $execute0_lowered;
	[smem:$0x3FD2] =	sst s25  }
0xa6: {  	s5 =	sshll.u32 s26, $0x1;
	_ =	strace $0x80000046;
	[dreg:$0x1] =	wrdreg $0xFFFFFFFF  }
0xa7: {  	s28 =	simm.s32 $_size_execute0_lowered;
	s3 =	sadd.s32 s3, s5;
	[dreg:$0x0] =	wrdreg $0x0  }
0xa8: {  	s5 =	sshll.u32 s28, $0x1;
	[dreg:$0x2] =	wrdreg s3  }
0xa9: {  	[dreg:$0x3] =	wrdreg s5  }
0xaa: {  	[dreg:$0x4] =	wrdreg $0xC0  }
0xab: {  	_ =	task [dreg:s7], $0x5FFFF  }
0xac: {  	[dreg:$0x1] =	wrdreg $0xFFFFFFFF  }
0xad: {  	[dreg:$0x0] =	wrdreg $0x60  }
0xae: {  	[dreg:$0x2] =	wrdreg s24  }
0xaf: {  	[dreg:$0x3] =	wrdreg s2  }
0xb0: {  	[dreg:$0x4] =	wrdreg $0x9  }
0xb1: {  	_ =	task.clear_ibuf [dreg:s7], $0x5FFFF;
	_ =	strace $0x90000046  }
0xb2: {  	s29 =	simm.s32 $0x9;
	_ =	strace $0x80000048  }
0xb3: {  	_ =	swait.ge [sflag:s29], $0x1  }
0xb4: {  	[sflag:s29] =	ssyncadd.s32 $0xFFFFFFFF  }
0xb5: {  	_ =	strace $0x90000048  }
0xb6: {  	_ =	sfence  }
0xb7: {  	s30 =	sld [smem:$0x0];
	_ =	sdelay $0x2  }
0xb8: {  	s31 =	sshll.u32 s1, $0xD;
	s1 =	sshrl.u32 s1, $0x2  }
0xb9: {  	s3 =	sand.u32 $0x4000, s31;
	s1 =	sadd.s32 s1, s30  }
0xba: {  	s0 =	sor.u32 s3, s0;
	s1 =	sshll.u32 s1, $0x11  }
0xbb: {  	s0 =	sor.u32 s1, s0  }
0xbc: {  	s0 =	sadd.s32 $0x8F2B, s0  }
0xbd: {  	[sflag:s0] =	ssyncadd.remote.s32 $0x1  }
0xbe: {  	_ =	sfence.sel $0xFFFF  }
0xbf: {  	[dreg:$0x0] =	wrdreg $0xFFFFFFFF;
	(pc) =	sbr.abs _section_cstart, $3  }
0xc0: {  	[dreg:$0x1] =	wrdreg $0xFFFFFFFF  }
0xc1: {  	_ =	task.clear_ibuf [dreg:s7], $0x2FFFF;
	_ =	strace $0x9FFFFFFF  }
0xc2: {  	(tm) =	ssettm $0x7FFFFFFF  }
0xc3: {  	_ =	shalt  }
tec
execute0_lowered:
.L_overlay_start_1:
0x0: {  	(tag) =	ssettag $0x1  }
0x1: {  	s0 =	srdreg.scid;
	s2 =	stileid.u32  }
0x2: {  	s1 =	sand.u32 $0x1, s0;
	s11 =	sshll.u32 s2, $0x1  }
0x3: {  	s0 =	sor.u32 s1, s11  }
0x4: {  	s5 =	smul.u32 $0xC80, s0  }
0x5: {  	s3 =	rddreg [dreg:$0x0];
	s2 =	simm.s32 $0x0;
	s6 =	smul.u32 $0x32000, s0  }
0x6: {  	[smem:$0x7FF] =	sst s2;
	s0 =	smul.u32 $0x190000, s0  }
0x7: {  	s4 =	rddreg [dreg:$0x1];
	_ =	strace $0x80000047;
	s5 =	sadd.s32 s5, s3  }
0x8: {  	s30 =	sadd.s32 s4, s6;
	s0 =	sshrl.u32 s0, $0x3;
	s5 =	sadd.s32 $0xA00, s5  }
0x9: {  	s12 =	sadd.s32 $0x1000, s30;
	s4 =	sadd.s32 s4, s0;
	[dreg:$0x3] =	wrdreg s5  }
0xa: {  	[dreg:$0x4] =	wrdreg s12;
	s0 =	sadd.s32 $0x2000, s4  }
0xb: {  	s13 =	sadd.s32 $0x3000, s4;
	[dreg:$0x5] =	wrdreg s0  }
0xc: {  	s14 =	sadd.s32 $0x4000, s4;
	[dreg:$0x6] =	wrdreg s13  }
0xd: {  	s15 =	sadd.s32 $0x5000, s4;
	[dreg:$0x7] =	wrdreg s14  }
0xe: {  	s16 =	sadd.s32 $0x6000, s4;
	[dreg:$0x8] =	wrdreg s15  }
0xf: {  	s17 =	sadd.s32 $0x7000, s4;
	[dreg:$0x9] =	wrdreg s16  }
0x10: {  	s18 =	sadd.s32 $0x8000, s4;
	[dreg:$0xa] =	wrdreg s17  }
0x11: {  	s19 =	sadd.s32 $0x9000, s4;
	[dreg:$0xb] =	wrdreg s18  }
0x12: {  	s20 =	sadd.s32 $0xA000, s4;
	[dreg:$0xc] =	wrdreg s19  }
0x13: {  	s21 =	sadd.s32 $0xB000, s4;
	[dreg:$0xd] =	wrdreg s20  }
0x14: {  	s22 =	sadd.s32 $0xC000, s4;
	[dreg:$0xe] =	wrdreg s21  }
0x15: {  	s23 =	sadd.s32 $0xD000, s4;
	[dreg:$0xf] =	wrdreg s22  }
0x16: {  	s24 =	sadd.s32 $0xE000, s4;
	[dreg:$0x10] =	wrdreg s23  }
0x17: {  	s25 =	sadd.s32 $0xF000, s4;
	[dreg:$0x11] =	wrdreg s24  }
0x18: {  	s26 =	sadd.s32 $0x10000, s4;
	[dreg:$0x12] =	wrdreg s25  }
0x19: {  	s5 =	sadd.s32 $0x11000, s4;
	[dreg:$0x13] =	wrdreg s26  }
0x1a: {  	s6 =	sadd.s32 $0x12000, s4;
	[dreg:$0x14] =	wrdreg s5  }
0x1b: {  	s7 =	sadd.s32 $0x13000, s4;
	[dreg:$0x15] =	wrdreg s6  }
0x1c: {  	s8 =	sadd.s32 $0x14000, s4;
	[dreg:$0x16] =	wrdreg s7  }
0x1d: {  	s9 =	sadd.s32 $0x15000, s4;
	[dreg:$0x17] =	wrdreg s8  }
0x1e: {  	s10 =	sadd.s32 $0x16000, s4;
	[dreg:$0x18] =	wrdreg s9  }
0x1f: {  	s11 =	sadd.s32 $0x17000, s4;
	[dreg:$0x19] =	wrdreg s10  }
0x20: {  	s12 =	sadd.s32 $0x18000, s4;
	[dreg:$0x1a] =	wrdreg s11  }
0x21: {  	[dreg:$0x1b] =	wrdreg s12  }
0x22: {  	s13 =	sadd.s32 $0x19000, s4;
	s0 =	rddreg [dreg:$0x3]  }
0x23: {  	s14 =	sadd.s32 $0x1A000, s4;
	[dreg:$0x1c] =	wrdreg s13  }
0x24: {  	s15 =	sadd.s32 $0x1B000, s4;
	[dreg:$0x1d] =	wrdreg s14  }
0x25: {  	s16 =	sadd.s32 $0x1C000, s4;
	[dreg:$0x1e] =	wrdreg s15  }
0x26: {  	s17 =	sadd.s32 $0x1D000, s4;
	[dreg:$0x1f] =	wrdreg s16  }
0x27: {  	s18 =	sadd.s32 $0x1E000, s4;
	[smem:$0x7C8] =	sst s17  }
0x28: {  	s19 =	sadd.s32 $0x1F000, s4;
	[smem:$0x7C9] =	sst s18  }
0x29: {  	s20 =	sadd.s32 $0x20000, s4;
	[smem:$0x7CA] =	sst s19  }
0x2a: {  	s21 =	sadd.s32 $0x21000, s4;
	[smem:$0x7CB] =	sst s20  }
0x2b: {  	s22 =	sadd.s32 $0x22000, s4;
	[smem:$0x7CC] =	sst s21  }
0x2c: {  	s23 =	sadd.s32 $0x23000, s4;
	[smem:$0x7CD] =	sst s22  }
0x2d: {  	s24 =	sadd.s32 $0x24000, s4;
	[smem:$0x7CE] =	sst s23  }
0x2e: {  	s25 =	sadd.s32 $0x25000, s4;
	[smem:$0x7CF] =	sst s24  }
0x2f: {  	s26 =	sadd.s32 $0x26000, s4;
	[smem:$0x7D0] =	sst s25  }
0x30: {  	s5 =	sadd.s32 $0x27000, s4;
	[smem:$0x7D1] =	sst s26  }
0x31: {  	s6 =	sadd.s32 $0x28000, s4;
	[smem:$0x7D2] =	sst s5  }
0x32: {  	s7 =	sadd.s32 $0x29000, s4;
	[smem:$0x7D3] =	sst s6  }
0x33: {  	s8 =	sadd.s32 $0x2A000, s4;
	[smem:$0x7D4] =	sst s7  }
0x34: {  	s9 =	sadd.s32 $0x2B000, s4;
	[smem:$0x7D5] =	sst s8  }
0x35: {  	s10 =	sadd.s32 $0x2C000, s4;
	[smem:$0x7D6] =	sst s9  }
0x36: {  	s11 =	sadd.s32 $0x2D000, s4;
	[smem:$0x7D7] =	sst s10  }
0x37: {  	s12 =	sadd.s32 $0x2E000, s4;
	[smem:$0x7D8] =	sst s11  }
0x38: {  	[smem:$0x7D9] =	sst s12;
	s13 =	sadd.s32 $0x2F000, s4  }
0x39: {  	s14 =	sadd.s32 $0x30000, s4;
	[smem:$0x7DA] =	sst s13  }
0x3a: {  	s15 =	sadd.s32 $0x31000, s4;
	[smem:$0x7DB] =	sst s14  }
0x3b: {  	s16 =	simm.s32 $0x400;
	[smem:$0x7DC] =	sst s15  }
0x3c: {  	s17 =	simm.s32 $0x600;
	[smem:$0x7DD] =	sst s16  }
0x3d: {  	s18 =	simm.s32 $0x800;
	[smem:$0x7DE] =	sst s17  }
0x3e: {  	s19 =	simm.s32 $0xA00;
	[smem:$0x7DF] =	sst s18  }
0x3f: {  	s20 =	simm.s32 $0xC00;
	[smem:$0x7E0] =	sst s19  }
0x40: {  	s21 =	simm.s32 $0xE00;
	[smem:$0x7E1] =	sst s20  }
0x41: {  	s22 =	simm.s32 $0x1000;
	[smem:$0x7E2] =	sst s21  }
0x42: {  	s23 =	simm.s32 $0x1200;
	[smem:$0x7E3] =	sst s22  }
0x43: {  	s24 =	simm.s32 $0x1400;
	[smem:$0x7E4] =	sst s23  }
0x44: {  	s25 =	simm.s32 $0x1600;
	[smem:$0x7E5] =	sst s24  }
0x45: {  	s26 =	simm.s32 $0x1800;
	[smem:$0x7E6] =	sst s25  }
0x46: {  	s4 =	simm.s32 $0x1A00;
	[smem:$0x7E7] =	sst s26  }
0x47: {  	s5 =	simm.s32 $0x1C00;
	[smem:$0x7E8] =	sst s4  }
0x48: {  	s6 =	simm.s32 $0x1E00;
	[smem:$0x7E9] =	sst s5  }
0x49: {  	s7 =	simm.s32 $0x2000;
	[smem:$0x7EA] =	sst s6  }
0x4a: {  	s31 =	simm.s32 $0x7;
	s8 =	simm.s32 $0x2200;
	[smem:$0x7EB] =	sst s7  }
0x4b: {  	s29 =	simm.s32 $0x4600;
	s9 =	simm.s32 $0x2400;
	[smem:$0x7EC] =	sst s8  }
0x4c: {  	s28 =	simm.s32 $0x4800;
	s10 =	simm.s32 $0x2600;
	[smem:$0x7ED] =	sst s9  }
0x4d: {  	p0 =	por $0x0, $0x0;
	s11 =	simm.s32 $0x2800;
	[smem:$0x7EE] =	sst s10  }
0x4e: {  	s1 =	ssub.s32 $0x2, s1;
	s12 =	simm.s32 $0x2A00;
	[smem:$0x7EF] =	sst s11  }
0x4f: {  	s3 =	sadd.s32 $0xF42E00, s3;
	[smem:$0x7F0] =	sst s12;
	s14 =	simm.s32 $0x2C00  }
0x50: {  	s13 =	sshrl.u32 s1, $0x1;
	s15 =	simm.s32 $0x2E00;
	[smem:$0x7F1] =	sst s14  }
0x51: {  	s16 =	simm.s32 $0x3000;
	s17 =	simm.s32 $0x3200;
	[smem:$0x7F2] =	sst s15  }
0x52: {  	s6 =	simm.s32 $0x200;
	s18 =	simm.s32 $0x3400;
	[smem:$0x7F3] =	sst s16  }
0x53: {  	s5 =	simm.s32 $0x6400;
	s19 =	simm.s32 $0x3600;
	[smem:$0x7F4] =	sst s17  }
0x54: {  	s4 =	simm.s32 $0xE400;
	s20 =	simm.s32 $0x3800;
	[smem:$0x7F5] =	sst s18  }
0x55: {  	s8 =	simm.s32 $0x1;
	s21 =	simm.s32 $0x3A00;
	[smem:$0x7F6] =	sst s19  }
0x56: {  	s12 =	simm.s32 $0x16400;
	s22 =	simm.s32 $0x3C00;
	[smem:$0x7F7] =	sst s20  }
0x57: {  	s10 =	simm.s32 $0x2;
	s23 =	simm.s32 $0x3E00;
	[smem:$0x7F8] =	sst s21  }
0x58: {  	s7 =	simm.s32 $0x4;
	s24 =	simm.s32 $0x4000;
	[smem:$0x7F9] =	sst s22  }
0x59: {  	s25 =	simm.s32 $0x4200;
	s9 =	simm.s32 $0x5;
	[smem:$0x7FA] =	sst s23  }
0x5a: {  	s26 =	simm.s32 $0x4400;
	s1 =	ssub.s32 s1, s13;
	[smem:$0x7FB] =	sst s24  }
0x5b: {  	s11 =	simm.s32 $0x6;
	[smem:$0x7FC] =	sst s25;
	s1 =	smax.u32 s1, $0x1  }
0x5c: {  	s13 =	simm.s32 $0x3;
	[smem:$0x7FD] =	sst s26;
	p1 =	sne.s32 s1, $0x1  }
.Ltmp0:
0x5d: {  	s26 =	simm.s32 $0x4A00;
	s25 =	simm.s32 $0x4C00;
	(pc) =	sbr.rel @!p1 .LBB2_3-.Ltmp0, $4  }
0x5e: {  	s24 =	simm.s32 $0x4E00;
	s23 =	simm.s32 $0x5000;
	s22 =	simm.s32 $0x5200  }
0x5f: {  	s21 =	simm.s32 $0x5400;
	s20 =	simm.s32 $0x5600;
	s19 =	simm.s32 $0x5800  }
0x60: {  	s18 =	simm.s32 $0x5A00;
	s17 =	simm.s32 $0x5C00;
	s16 =	simm.s32 $0x5E00  }
0x61: {  	s15 =	simm.s32 $0x6000;
	s14 =	simm.s32 $0x6200;
	s1 =	sadd.s32 $0xFFFFFFFF, s1  }
0x62: {  	[tilespmem:s2], [sflag:$0x7] =	stream.linear.gather [hbm4b:s0+s2], $0x6400, $0x38;
	[tilespmem:$0x1E400] =	vst v63  }
0x63: {  	_ =	swait.ge [sflag:s31], $0x6400  }
0x64: {  	[sflag:s31] =	ssyncset.done $0x0  }
0x65: {  	[sflag:s31] =	ssyncadd.s32 $0xFFFF9C00  }
0x66: {  	[tilespmem:s5], [sflag:$0x1] =	stream.indirect.gather [hbm4b:s3+s6], $0x40, s2, s6, $0xb8;
	[tilespmem:$0x1E400] =	vst v63  }
0x67: {  	_ = 	snop  }
0x68: {  	[tilespmem:s4], [sflag:$0x2] =	stream.indirect.gather [hbm4b:s3+s6], $0x40, s6, s6, $0xb8;
	[tilespmem:$0x1E400] =	vst v63  }
0x69: {  	_ =	swait.ge [sflag:s8], $0x8000  }
0x6a: {  	[sflag:s8] =	ssyncset.done $0x0  }
0x6b: {  	s0 =	sld [smem:$0x7DD];
	[sflag:s8] =	ssyncadd.s32 $0xFFFF8000  }
0x6c: {  	[hbm4b:s30+s2] =	stream.linear.scatter [tilespmem:s5], [sflag:$0x4], $0x8000, $0x38;
	[tilespmem:$0x1E400] =	vst v63  }
0x6d: {  	_ = 	snop  }
0x6e: {  	[tilespmem:s12], [sflag:$0x3] =	stream.indirect.gather [hbm4b:s3+s6], $0x40, s0, s6, $0xb8;
	[tilespmem:$0x1E400] =	vst v63  }
0x6f: {  	_ =	swait.ge [sflag:s10], $0x8000  }
0x70: {  	[sflag:s10] =	ssyncset.done $0x0  }
0x71: {  	s0 =	rddreg [dreg:$0x4];
	[sflag:s10] =	ssyncadd.s32 $0xFFFF8000  }
0x72: {  	[hbm4b:s0+s2] =	stream.linear.scatter [tilespmem:s4], [sflag:$0x5], $0x8000, $0x38;
	[tilespmem:$0x1E400] =	vst v63  }
0x73: {  	_ =	swait.ge [sflag:s7], $0x8000  }
0x74: {  	s0 =	sld [smem:$0x7DE]  }
0x75: {  	[sflag:s7] =	ssyncset.done $0x0  }
0x76: {  	[sflag:s7] =	ssyncadd.s32 $0xFFFF8000  }
0x77: {  	[tilespmem:s5], [sflag:$0x1] =	stream.indirect.gather [hbm4b:s3+s6], $0x40, s0, s6, $0xb8;
	[tilespmem:$0x1E400] =	vst v63  }
0x78: {  	_ =	swait.ge [sflag:s13], $0x8000  }
0x79: {  	[sflag:s13] =	ssyncset.done $0x0  }
0x7a: {  	s0 =	rddreg [dreg:$0x5];
	[sflag:s13] =	ssyncadd.s32 $0xFFFF8000  }
0x7b: {  	[hbm4b:s0+s2] =	stream.linear.scatter [tilespmem:s12], [sflag:$0x6], $0x8000, $0x38;
	[tilespmem:$0x1E400] =	vst v63  }
0x7c: {  	_ =	swait.ge [sflag:s9], $0x8000  }
0x7d: {  	s0 =	sld [smem:$0x7DF]  }
0x7e: {  	[sflag:s9] =	ssyncset.done $0x0  }
0x7f: {  	[sflag:s9] =	ssyncadd.s32 $0xFFFF8000  }
0x80: {  	[tilespmem:s4], [sflag:$0x2] =	stream.indirect.gather [hbm4b:s3+s6], $0x40, s0, s6, $0xb8;
	[tilespmem:$0x1E400] =	vst v63  }
0x81: {  	_ =	swait.ge [sflag:s8], $0x8000  }
0x82: {  	[sflag:s8] =	ssyncset.done $0x0  }
0x83: {  	s0 =	rddreg [dreg:$0x6];
	[sflag:s8] =	ssyncadd.s32 $0xFFFF8000  }
0x84: {  	[hbm4b:s0+s2] =	stream.linear.scatter [tilespmem:s5], [sflag:$0x4], $0x8000, $0x38;
	[tilespmem:$0x1E400] =	vst v63  }
0x85: {  	_ =	swait.ge [sflag:s11], $0x8000  }
0x86: {  	s0 =	sld [smem:$0x7E0]  }
0x87: {  	[sflag:s11] =	ssyncset.done $0x0  }
0x88: {  	[sflag:s11] =	ssyncadd.s32 $0xFFFF8000  }
0x89: {  	[tilespmem:s12], [sflag:$0x3] =	stream.indirect.gather [hbm4b:s3+s6], $0x40, s0, s6, $0xb8;
	[tilespmem:$0x1E400] =	vst v63  }
0x8a: {  	_ =	swait.ge [sflag:s10], $0x8000  }
0x8b: {  	[sflag:s10] =	ssyncset.done $0x0  }
0x8c: {  	s0 =	rddreg [dreg:$0x7];
	[sflag:s10] =	ssyncadd.s32 $0xFFFF8000  }
0x8d: {  	[hbm4b:s0+s2] =	stream.linear.scatter [tilespmem:s4], [sflag:$0x5], $0x8000, $0x38;
	[tilespmem:$0x1E400] =	vst v63  }
0x8e: {  	_ =	swait.ge [sflag:s7], $0x8000  }
0x8f: {  	s0 =	sld [smem:$0x7E1]  }
0x90: {  	[sflag:s7] =	ssyncset.done $0x0  }
0x91: {  	[sflag:s7] =	ssyncadd.s32 $0xFFFF8000  }
0x92: {  	[tilespmem:s5], [sflag:$0x1] =	stream.indirect.gather [hbm4b:s3+s6], $0x40, s0, s6, $0xb8;
	[tilespmem:$0x1E400] =	vst v63  }
0x93: {  	_ =	swait.ge [sflag:s13], $0x8000  }
0x94: {  	[sflag:s13] =	ssyncset.done $0x0  }
0x95: {  	s0 =	rddreg [dreg:$0x8];
	[sflag:s13] =	ssyncadd.s32 $0xFFFF8000  }
0x96: {  	[hbm4b:s0+s2] =	stream.linear.scatter [tilespmem:s12], [sflag:$0x6], $0x8000, $0x38;
	[tilespmem:$0x1E400] =	vst v63  }
0x97: {  	_ =	swait.ge [sflag:s9], $0x8000  }
0x98: {  	s0 =	sld [smem:$0x7E2]  }
0x99: {  	[sflag:s9] =	ssyncset.done $0x0  }
0x9a: {  	[sflag:s9] =	ssyncadd.s32 $0xFFFF8000  }
0x9b: {  	[tilespmem:s4], [sflag:$0x2] =	stream.indirect.gather [hbm4b:s3+s6], $0x40, s0, s6, $0xb8;
	[tilespmem:$0x1E400] =	vst v63  }
0x9c: {  	_ =	swait.ge [sflag:s8], $0x8000  }
0x9d: {  	[sflag:s8] =	ssyncset.done $0x0  }
0x9e: {  	s0 =	rddreg [dreg:$0x9];
	[sflag:s8] =	ssyncadd.s32 $0xFFFF8000  }
0x9f: {  	[hbm4b:s0+s2] =	stream.linear.scatter [tilespmem:s5], [sflag:$0x4], $0x8000, $0x38;
	[tilespmem:$0x1E400] =	vst v63  }
0xa0: {  	_ =	swait.ge [sflag:s11], $0x8000  }
0xa1: {  	s0 =	sld [smem:$0x7E3]  }
0xa2: {  	[sflag:s11] =	ssyncset.done $0x0  }
0xa3: {  	[sflag:s11] =	ssyncadd.s32 $0xFFFF8000  }
0xa4: {  	[tilespmem:s12], [sflag:$0x3] =	stream.indirect.gather [hbm4b:s3+s6], $0x40, s0, s6, $0xb8;
	[tilespmem:$0x1E400] =	vst v63  }
0xa5: {  	_ =	swait.ge [sflag:s10], $0x8000  }
0xa6: {  	[sflag:s10] =	ssyncset.done $0x0  }
0xa7: {  	s0 =	rddreg [dreg:$0xa];
	[sflag:s10] =	ssyncadd.s32 $0xFFFF8000  }
0xa8: {  	[hbm4b:s0+s2] =	stream.linear.scatter [tilespmem:s4], [sflag:$0x5], $0x8000, $0x38;
	[tilespmem:$0x1E400] =	vst v63  }
0xa9: {  	_ =	swait.ge [sflag:s7], $0x8000  }
0xaa: {  	s0 =	sld [smem:$0x7E4]  }
0xab: {  	[sflag:s7] =	ssyncset.done $0x0  }
0xac: {  	[sflag:s7] =	ssyncadd.s32 $0xFFFF8000  }
0xad: {  	[tilespmem:s5], [sflag:$0x1] =	stream.indirect.gather [hbm4b:s3+s6], $0x40, s0, s6, $0xb8;
	[tilespmem:$0x1E400] =	vst v63  }
0xae: {  	_ =	swait.ge [sflag:s13], $0x8000  }
0xaf: {  	[sflag:s13] =	ssyncset.done $0x0  }
0xb0: {  	s0 =	rddreg [dreg:$0xb];
	[sflag:s13] =	ssyncadd.s32 $0xFFFF8000  }
0xb1: {  	[hbm4b:s0+s2] =	stream.linear.scatter [tilespmem:s12], [sflag:$0x6], $0x8000, $0x38;
	[tilespmem:$0x1E400] =	vst v63  }
0xb2: {  	_ =	swait.ge [sflag:s9], $0x8000  }
0xb3: {  	s0 =	sld [smem:$0x7E5]  }
0xb4: {  	[sflag:s9] =	ssyncset.done $0x0  }
0xb5: {  	[sflag:s9] =	ssyncadd.s32 $0xFFFF8000  }
0xb6: {  	[tilespmem:s4], [sflag:$0x2] =	stream.indirect.gather [hbm4b:s3+s6], $0x40, s0, s6, $0xb8;
	[tilespmem:$0x1E400] =	vst v63  }
0xb7: {  	_ =	swait.ge [sflag:s8], $0x8000  }
0xb8: {  	[sflag:s8] =	ssyncset.done $0x0  }
0xb9: {  	s0 =	rddreg [dreg:$0xc];
	[sflag:s8] =	ssyncadd.s32 $0xFFFF8000  }
0xba: {  	[hbm4b:s0+s2] =	stream.linear.scatter [tilespmem:s5], [sflag:$0x4], $0x8000, $0x38;
	[tilespmem:$0x1E400] =	vst v63  }
0xbb: {  	_ =	swait.ge [sflag:s11], $0x8000  }
0xbc: {  	s0 =	sld [smem:$0x7E6]  }
0xbd: {  	[sflag:s11] =	ssyncset.done $0x0  }
0xbe: {  	[sflag:s11] =	ssyncadd.s32 $0xFFFF8000  }
0xbf: {  	[tilespmem:s12], [sflag:$0x3] =	stream.indirect.gather [hbm4b:s3+s6], $0x40, s0, s6, $0xb8;
	[tilespmem:$0x1E400] =	vst v63  }
0xc0: {  	_ =	swait.ge [sflag:s10], $0x8000  }
0xc1: {  	[sflag:s10] =	ssyncset.done $0x0  }
0xc2: {  	s0 =	rddreg [dreg:$0xd];
	[sflag:s10] =	ssyncadd.s32 $0xFFFF8000  }
0xc3: {  	[hbm4b:s0+s2] =	stream.linear.scatter [tilespmem:s4], [sflag:$0x5], $0x8000, $0x38;
	[tilespmem:$0x1E400] =	vst v63  }
0xc4: {  	_ =	swait.ge [sflag:s7], $0x8000  }
0xc5: {  	s0 =	sld [smem:$0x7E7]  }
0xc6: {  	[sflag:s7] =	ssyncset.done $0x0  }
0xc7: {  	[sflag:s7] =	ssyncadd.s32 $0xFFFF8000  }
0xc8: {  	[tilespmem:s5], [sflag:$0x1] =	stream.indirect.gather [hbm4b:s3+s6], $0x40, s0, s6, $0xb8;
	[tilespmem:$0x1E400] =	vst v63  }
0xc9: {  	_ =	swait.ge [sflag:s13], $0x8000  }
0xca: {  	[sflag:s13] =	ssyncset.done $0x0  }
0xcb: {  	s0 =	rddreg [dreg:$0xe];
	[sflag:s13] =	ssyncadd.s32 $0xFFFF8000  }
0xcc: {  	[hbm4b:s0+s2] =	stream.linear.scatter [tilespmem:s12], [sflag:$0x6], $0x8000, $0x38;
	[tilespmem:$0x1E400] =	vst v63  }
0xcd: {  	_ =	swait.ge [sflag:s9], $0x8000  }
0xce: {  	s0 =	sld [smem:$0x7E8]  }
0xcf: {  	[sflag:s9] =	ssyncset.done $0x0  }
0xd0: {  	[sflag:s9] =	ssyncadd.s32 $0xFFFF8000  }
0xd1: {  	[tilespmem:s4], [sflag:$0x2] =	stream.indirect.gather [hbm4b:s3+s6], $0x40, s0, s6, $0xb8;
	[tilespmem:$0x1E400] =	vst v63  }
0xd2: {  	_ =	swait.ge [sflag:s8], $0x8000  }
0xd3: {  	[sflag:s8] =	ssyncset.done $0x0  }
0xd4: {  	s0 =	rddreg [dreg:$0xf];
	[sflag:s8] =	ssyncadd.s32 $0xFFFF8000  }
0xd5: {  	[hbm4b:s0+s2] =	stream.linear.scatter [tilespmem:s5], [sflag:$0x4], $0x8000, $0x38;
	[tilespmem:$0x1E400] =	vst v63  }
0xd6: {  	_ =	swait.ge [sflag:s11], $0x8000  }
0xd7: {  	s0 =	sld [smem:$0x7E9]  }
0xd8: {  	[sflag:s11] =	ssyncset.done $0x0  }
0xd9: {  	[sflag:s11] =	ssyncadd.s32 $0xFFFF8000  }
0xda: {  	[tilespmem:s12], [sflag:$0x3] =	stream.indirect.gather [hbm4b:s3+s6], $0x40, s0, s6, $0xb8;
	[tilespmem:$0x1E400] =	vst v63  }
0xdb: {  	_ =	swait.ge [sflag:s10], $0x8000  }
0xdc: {  	[sflag:s10] =	ssyncset.done $0x0  }
0xdd: {  	s0 =	rddreg [dreg:$0x10];
	[sflag:s10] =	ssyncadd.s32 $0xFFFF8000  }
0xde: {  	[hbm4b:s0+s2] =	stream.linear.scatter [tilespmem:s4], [sflag:$0x5], $0x8000, $0x38;
	[tilespmem:$0x1E400] =	vst v63  }
0xdf: {  	_ =	swait.ge [sflag:s7], $0x8000  }
0xe0: {  	s0 =	sld [smem:$0x7EA]  }
0xe1: {  	[sflag:s7] =	ssyncset.done $0x0  }
0xe2: {  	[sflag:s7] =	ssyncadd.s32 $0xFFFF8000  }
0xe3: {  	[tilespmem:s5], [sflag:$0x1] =	stream.indirect.gather [hbm4b:s3+s6], $0x40, s0, s6, $0xb8;
	[tilespmem:$0x1E400] =	vst v63  }
0xe4: {  	_ =	swait.ge [sflag:s13], $0x8000  }
0xe5: {  	[sflag:s13] =	ssyncset.done $0x0  }
0xe6: {  	s0 =	rddreg [dreg:$0x11];
	[sflag:s13] =	ssyncadd.s32 $0xFFFF8000  }
0xe7: {  	[hbm4b:s0+s2] =	stream.linear.scatter [tilespmem:s12], [sflag:$0x6], $0x8000, $0x38;
	[tilespmem:$0x1E400] =	vst v63  }
0xe8: {  	_ =	swait.ge [sflag:s9], $0x8000  }
0xe9: {  	s0 =	sld [smem:$0x7EB]  }
0xea: {  	[sflag:s9] =	ssyncset.done $0x0  }
0xeb: {  	[sflag:s9] =	ssyncadd.s32 $0xFFFF8000  }
0xec: {  	[tilespmem:s4], [sflag:$0x2] =	stream.indirect.gather [hbm4b:s3+s6], $0x40, s0, s6, $0xb8;
	[tilespmem:$0x1E400] =	vst v63  }
0xed: {  	_ =	swait.ge [sflag:s8], $0x8000  }
0xee: {  	[sflag:s8] =	ssyncset.done $0x0  }
0xef: {  	s0 =	rddreg [dreg:$0x12];
	[sflag:s8] =	ssyncadd.s32 $0xFFFF8000  }
0xf0: {  	[hbm4b:s0+s2] =	stream.linear.scatter [tilespmem:s5], [sflag:$0x4], $0x8000, $0x38;
	[tilespmem:$0x1E400] =	vst v63  }
0xf1: {  	_ =	swait.ge [sflag:s11], $0x8000  }
0xf2: {  	s0 =	sld [smem:$0x7EC]  }
0xf3: {  	[sflag:s11] =	ssyncset.done $0x0  }
0xf4: {  	[sflag:s11] =	ssyncadd.s32 $0xFFFF8000  }
0xf5: {  	[tilespmem:s12], [sflag:$0x3] =	stream.indirect.gather [hbm4b:s3+s6], $0x40, s0, s6, $0xb8;
	[tilespmem:$0x1E400] =	vst v63  }
0xf6: {  	_ =	swait.ge [sflag:s10], $0x8000  }
0xf7: {  	[sflag:s10] =	ssyncset.done $0x0  }
0xf8: {  	s0 =	rddreg [dreg:$0x13];
	[sflag:s10] =	ssyncadd.s32 $0xFFFF8000  }
0xf9: {  	[hbm4b:s0+s2] =	stream.linear.scatter [tilespmem:s4], [sflag:$0x5], $0x8000, $0x38;
	[tilespmem:$0x1E400] =	vst v63  }
0xfa: {  	_ =	swait.ge [sflag:s7], $0x8000  }
0xfb: {  	s0 =	sld [smem:$0x7ED]  }
0xfc: {  	[sflag:s7] =	ssyncset.done $0x0  }
0xfd: {  	[sflag:s7] =	ssyncadd.s32 $0xFFFF8000  }
0xfe: {  	[tilespmem:s5], [sflag:$0x1] =	stream.indirect.gather [hbm4b:s3+s6], $0x40, s0, s6, $0xb8;
	[tilespmem:$0x1E400] =	vst v63  }
0xff: {  	_ =	swait.ge [sflag:s13], $0x8000  }
0x100: {  	[sflag:s13] =	ssyncset.done $0x0  }
0x101: {  	s0 =	rddreg [dreg:$0x14];
	[sflag:s13] =	ssyncadd.s32 $0xFFFF8000  }
0x102: {  	[hbm4b:s0+s2] =	stream.linear.scatter [tilespmem:s12], [sflag:$0x6], $0x8000, $0x38;
	[tilespmem:$0x1E400] =	vst v63  }
0x103: {  	_ =	swait.ge [sflag:s9], $0x8000  }
0x104: {  	s0 =	sld [smem:$0x7EE]  }
0x105: {  	[sflag:s9] =	ssyncset.done $0x0  }
0x106: {  	[sflag:s9] =	ssyncadd.s32 $0xFFFF8000  }
0x107: {  	[tilespmem:s4], [sflag:$0x2] =	stream.indirect.gather [hbm4b:s3+s6], $0x40, s0, s6, $0xb8;
	[tilespmem:$0x1E400] =	vst v63  }
0x108: {  	_ =	swait.ge [sflag:s8], $0x8000  }
0x109: {  	[sflag:s8] =	ssyncset.done $0x0  }
0x10a: {  	s0 =	rddreg [dreg:$0x15];
	[sflag:s8] =	ssyncadd.s32 $0xFFFF8000  }
0x10b: {  	[hbm4b:s0+s2] =	stream.linear.scatter [tilespmem:s5], [sflag:$0x4], $0x8000, $0x38;
	[tilespmem:$0x1E400] =	vst v63  }
0x10c: {  	_ =	swait.ge [sflag:s11], $0x8000  }
0x10d: {  	s0 =	sld [smem:$0x7EF]  }
0x10e: {  	[sflag:s11] =	ssyncset.done $0x0  }
0x10f: {  	[sflag:s11] =	ssyncadd.s32 $0xFFFF8000  }
0x110: {  	[tilespmem:s12], [sflag:$0x3] =	stream.indirect.gather [hbm4b:s3+s6], $0x40, s0, s6, $0xb8;
	[tilespmem:$0x1E400] =	vst v63  }
0x111: {  	_ =	swait.ge [sflag:s10], $0x8000  }
0x112: {  	[sflag:s10] =	ssyncset.done $0x0  }
0x113: {  	s0 =	rddreg [dreg:$0x16];
	[sflag:s10] =	ssyncadd.s32 $0xFFFF8000  }
0x114: {  	[hbm4b:s0+s2] =	stream.linear.scatter [tilespmem:s4], [sflag:$0x5], $0x8000, $0x38;
	[tilespmem:$0x1E400] =	vst v63  }
0x115: {  	_ =	swait.ge [sflag:s7], $0x8000  }
0x116: {  	s0 =	sld [smem:$0x7F0]  }
0x117: {  	[sflag:s7] =	ssyncset.done $0x0  }
0x118: {  	[sflag:s7] =	ssyncadd.s32 $0xFFFF8000  }
0x119: {  	[tilespmem:s5], [sflag:$0x1] =	stream.indirect.gather [hbm4b:s3+s6], $0x40, s0, s6, $0xb8;
	[tilespmem:$0x1E400] =	vst v63  }
0x11a: {  	_ =	swait.ge [sflag:s13], $0x8000  }
0x11b: {  	[sflag:s13] =	ssyncset.done $0x0  }
0x11c: {  	s0 =	rddreg [dreg:$0x17];
	[sflag:s13] =	ssyncadd.s32 $0xFFFF8000  }
0x11d: {  	[hbm4b:s0+s2] =	stream.linear.scatter [tilespmem:s12], [sflag:$0x6], $0x8000, $0x38;
	[tilespmem:$0x1E400] =	vst v63  }
0x11e: {  	_ =	swait.ge [sflag:s9], $0x8000  }
0x11f: {  	s0 =	sld [smem:$0x7F1]  }
0x120: {  	[sflag:s9] =	ssyncset.done $0x0  }
0x121: {  	[sflag:s9] =	ssyncadd.s32 $0xFFFF8000  }
0x122: {  	[tilespmem:s4], [sflag:$0x2] =	stream.indirect.gather [hbm4b:s3+s6], $0x40, s0, s6, $0xb8;
	[tilespmem:$0x1E400] =	vst v63  }
0x123: {  	_ =	swait.ge [sflag:s8], $0x8000  }
0x124: {  	[sflag:s8] =	ssyncset.done $0x0  }
0x125: {  	s0 =	rddreg [dreg:$0x18];
	[sflag:s8] =	ssyncadd.s32 $0xFFFF8000  }
0x126: {  	[hbm4b:s0+s2] =	stream.linear.scatter [tilespmem:s5], [sflag:$0x4], $0x8000, $0x38;
	[tilespmem:$0x1E400] =	vst v63  }
0x127: {  	_ =	swait.ge [sflag:s11], $0x8000  }
0x128: {  	s0 =	sld [smem:$0x7F2]  }
0x129: {  	[sflag:s11] =	ssyncset.done $0x0  }
0x12a: {  	[sflag:s11] =	ssyncadd.s32 $0xFFFF8000  }
0x12b: {  	[tilespmem:s12], [sflag:$0x3] =	stream.indirect.gather [hbm4b:s3+s6], $0x40, s0, s6, $0xb8;
	[tilespmem:$0x1E400] =	vst v63  }
0x12c: {  	_ =	swait.ge [sflag:s10], $0x8000  }
0x12d: {  	[sflag:s10] =	ssyncset.done $0x0  }
0x12e: {  	s0 =	rddreg [dreg:$0x19];
	[sflag:s10] =	ssyncadd.s32 $0xFFFF8000  }
0x12f: {  	[hbm4b:s0+s2] =	stream.linear.scatter [tilespmem:s4], [sflag:$0x5], $0x8000, $0x38;
	[tilespmem:$0x1E400] =	vst v63  }
0x130: {  	_ =	swait.ge [sflag:s7], $0x8000  }
0x131: {  	s0 =	sld [smem:$0x7F3]  }
0x132: {  	[sflag:s7] =	ssyncset.done $0x0  }
0x133: {  	[sflag:s7] =	ssyncadd.s32 $0xFFFF8000  }
0x134: {  	[tilespmem:s5], [sflag:$0x1] =	stream.indirect.gather [hbm4b:s3+s6], $0x40, s0, s6, $0xb8;
	[tilespmem:$0x1E400] =	vst v63  }
0x135: {  	_ =	swait.ge [sflag:s13], $0x8000  }
0x136: {  	[sflag:s13] =	ssyncset.done $0x0  }
0x137: {  	s0 =	rddreg [dreg:$0x1a];
	[sflag:s13] =	ssyncadd.s32 $0xFFFF8000  }
0x138: {  	[hbm4b:s0+s2] =	stream.linear.scatter [tilespmem:s12], [sflag:$0x6], $0x8000, $0x38;
	[tilespmem:$0x1E400] =	vst v63  }
0x139: {  	_ =	swait.ge [sflag:s9], $0x8000  }
0x13a: {  	s0 =	sld [smem:$0x7F4]  }
0x13b: {  	[sflag:s9] =	ssyncset.done $0x0  }
0x13c: {  	[sflag:s9] =	ssyncadd.s32 $0xFFFF8000  }
0x13d: {  	[tilespmem:s4], [sflag:$0x2] =	stream.indirect.gather [hbm4b:s3+s6], $0x40, s0, s6, $0xb8;
	[tilespmem:$0x1E400] =	vst v63  }
0x13e: {  	_ =	swait.ge [sflag:s8], $0x8000  }
0x13f: {  	[sflag:s8] =	ssyncset.done $0x0  }
0x140: {  	s0 =	rddreg [dreg:$0x1b];
	[sflag:s8] =	ssyncadd.s32 $0xFFFF8000  }
0x141: {  	[hbm4b:s0+s2] =	stream.linear.scatter [tilespmem:s5], [sflag:$0x4], $0x8000, $0x38;
	[tilespmem:$0x1E400] =	vst v63  }
0x142: {  	_ =	swait.ge [sflag:s11], $0x8000  }
0x143: {  	s0 =	sld [smem:$0x7F5]  }
0x144: {  	[sflag:s11] =	ssyncset.done $0x0  }
0x145: {  	[sflag:s11] =	ssyncadd.s32 $0xFFFF8000  }
0x146: {  	[tilespmem:s12], [sflag:$0x3] =	stream.indirect.gather [hbm4b:s3+s6], $0x40, s0, s6, $0xb8;
	[tilespmem:$0x1E400] =	vst v63  }
0x147: {  	_ =	swait.ge [sflag:s10], $0x8000  }
0x148: {  	[sflag:s10] =	ssyncset.done $0x0  }
0x149: {  	s0 =	rddreg [dreg:$0x1c];
	[sflag:s10] =	ssyncadd.s32 $0xFFFF8000  }
0x14a: {  	[hbm4b:s0+s2] =	stream.linear.scatter [tilespmem:s4], [sflag:$0x5], $0x8000, $0x38;
	[tilespmem:$0x1E400] =	vst v63  }
0x14b: {  	_ =	swait.ge [sflag:s7], $0x8000  }
0x14c: {  	s0 =	sld [smem:$0x7F6]  }
0x14d: {  	[sflag:s7] =	ssyncset.done $0x0  }
0x14e: {  	[sflag:s7] =	ssyncadd.s32 $0xFFFF8000  }
0x14f: {  	[tilespmem:s5], [sflag:$0x1] =	stream.indirect.gather [hbm4b:s3+s6], $0x40, s0, s6, $0xb8;
	[tilespmem:$0x1E400] =	vst v63  }
0x150: {  	_ =	swait.ge [sflag:s13], $0x8000  }
0x151: {  	[sflag:s13] =	ssyncset.done $0x0  }
0x152: {  	s0 =	rddreg [dreg:$0x1d];
	[sflag:s13] =	ssyncadd.s32 $0xFFFF8000  }
0x153: {  	[hbm4b:s0+s2] =	stream.linear.scatter [tilespmem:s12], [sflag:$0x6], $0x8000, $0x38;
	[tilespmem:$0x1E400] =	vst v63  }
0x154: {  	_ =	swait.ge [sflag:s9], $0x8000  }
0x155: {  	s0 =	sld [smem:$0x7F7]  }
0x156: {  	[sflag:s9] =	ssyncset.done $0x0  }
0x157: {  	[sflag:s9] =	ssyncadd.s32 $0xFFFF8000  }
0x158: {  	[tilespmem:s4], [sflag:$0x2] =	stream.indirect.gather [hbm4b:s3+s6], $0x40, s0, s6, $0xb8;
	[tilespmem:$0x1E400] =	vst v63  }
0x159: {  	_ =	swait.ge [sflag:s8], $0x8000  }
0x15a: {  	[sflag:s8] =	ssyncset.done $0x0  }
0x15b: {  	s0 =	rddreg [dreg:$0x1e];
	[sflag:s8] =	ssyncadd.s32 $0xFFFF8000  }
0x15c: {  	[hbm4b:s0+s2] =	stream.linear.scatter [tilespmem:s5], [sflag:$0x4], $0x8000, $0x38;
	[tilespmem:$0x1E400] =	vst v63  }
0x15d: {  	_ =	swait.ge [sflag:s11], $0x8000  }
0x15e: {  	s0 =	sld [smem:$0x7F8]  }
0x15f: {  	[sflag:s11] =	ssyncset.done $0x0  }
0x160: {  	[sflag:s11] =	ssyncadd.s32 $0xFFFF8000  }
0x161: {  	[tilespmem:s12], [sflag:$0x3] =	stream.indirect.gather [hbm4b:s3+s6], $0x40, s0, s6, $0xb8;
	[tilespmem:$0x1E400] =	vst v63  }
0x162: {  	_ =	swait.ge [sflag:s10], $0x8000  }
0x163: {  	[sflag:s10] =	ssyncset.done $0x0  }
0x164: {  	s0 =	rddreg [dreg:$0x1f];
	[sflag:s10] =	ssyncadd.s32 $0xFFFF8000  }
0x165: {  	[hbm4b:s0+s2] =	stream.linear.scatter [tilespmem:s4], [sflag:$0x5], $0x8000, $0x38;
	[tilespmem:$0x1E400] =	vst v63  }
0x166: {  	_ =	swait.ge [sflag:s7], $0x8000  }
0x167: {  	s0 =	sld [smem:$0x7F9]  }
0x168: {  	[sflag:s7] =	ssyncset.done $0x0  }
0x169: {  	[sflag:s7] =	ssyncadd.s32 $0xFFFF8000  }
0x16a: {  	[tilespmem:s5], [sflag:$0x1] =	stream.indirect.gather [hbm4b:s3+s6], $0x40, s0, s6, $0xb8;
	[tilespmem:$0x1E400] =	vst v63  }
0x16b: {  	_ =	swait.ge [sflag:s13], $0x8000  }
0x16c: {  	s0 =	sld [smem:$0x7C8]  }
0x16d: {  	[sflag:s13] =	ssyncset.done $0x0  }
0x16e: {  	[sflag:s13] =	ssyncadd.s32 $0xFFFF8000  }
0x16f: {  	[hbm4b:s0+s2] =	stream.linear.scatter [tilespmem:s12], [sflag:$0x6], $0x8000, $0x38;
	[tilespmem:$0x1E400] =	vst v63  }
0x170: {  	_ =	swait.ge [sflag:s9], $0x8000  }
0x171: {  	s0 =	sld [smem:$0x7FA]  }
0x172: {  	[sflag:s9] =	ssyncset.done $0x0  }
0x173: {  	[sflag:s9] =	ssyncadd.s32 $0xFFFF8000  }
0x174: {  	[tilespmem:s4], [sflag:$0x2] =	stream.indirect.gather [hbm4b:s3+s6], $0x40, s0, s6, $0xb8;
	[tilespmem:$0x1E400] =	vst v63  }
0x175: {  	_ =	swait.ge [sflag:s8], $0x8000  }
0x176: {  	s0 =	sld [smem:$0x7C9]  }
0x177: {  	[sflag:s8] =	ssyncset.done $0x0  }
0x178: {  	[sflag:s8] =	ssyncadd.s32 $0xFFFF8000  }
0x179: {  	[hbm4b:s0+s2] =	stream.linear.scatter [tilespmem:s5], [sflag:$0x4], $0x8000, $0x38;
	[tilespmem:$0x1E400] =	vst v63  }
0x17a: {  	_ =	swait.ge [sflag:s11], $0x8000  }
0x17b: {  	s0 =	sld [smem:$0x7FB]  }
0x17c: {  	[sflag:s11] =	ssyncset.done $0x0  }
0x17d: {  	[sflag:s11] =	ssyncadd.s32 $0xFFFF8000  }
0x17e: {  	[tilespmem:s12], [sflag:$0x3] =	stream.indirect.gather [hbm4b:s3+s6], $0x40, s0, s6, $0xb8;
	[tilespmem:$0x1E400] =	vst v63  }
0x17f: {  	_ =	swait.ge [sflag:s10], $0x8000  }
0x180: {  	s0 =	sld [smem:$0x7CA]  }
0x181: {  	[sflag:s10] =	ssyncset.done $0x0  }
0x182: {  	[sflag:s10] =	ssyncadd.s32 $0xFFFF8000  }
0x183: {  	[hbm4b:s0+s2] =	stream.linear.scatter [tilespmem:s4], [sflag:$0x5], $0x8000, $0x38;
	[tilespmem:$0x1E400] =	vst v63  }
0x184: {  	_ =	swait.ge [sflag:s7], $0x8000  }
0x185: {  	s0 =	sld [smem:$0x7FC]  }
0x186: {  	[sflag:s7] =	ssyncset.done $0x0  }
0x187: {  	[sflag:s7] =	ssyncadd.s32 $0xFFFF8000  }
0x188: {  	[tilespmem:s5], [sflag:$0x1] =	stream.indirect.gather [hbm4b:s3+s6], $0x40, s0, s6, $0xb8;
	[tilespmem:$0x1E400] =	vst v63  }
0x189: {  	_ =	swait.ge [sflag:s13], $0x8000  }
0x18a: {  	s0 =	sld [smem:$0x7CB]  }
0x18b: {  	[sflag:s13] =	ssyncset.done $0x0  }
0x18c: {  	[sflag:s13] =	ssyncadd.s32 $0xFFFF8000  }
0x18d: {  	[hbm4b:s0+s2] =	stream.linear.scatter [tilespmem:s12], [sflag:$0x6], $0x8000, $0x38;
	[tilespmem:$0x1E400] =	vst v63  }
0x18e: {  	_ =	swait.ge [sflag:s9], $0x8000  }
0x18f: {  	s0 =	sld [smem:$0x7FD]  }
0x190: {  	[sflag:s9] =	ssyncset.done $0x0  }
0x191: {  	[sflag:s9] =	ssyncadd.s32 $0xFFFF8000  }
0x192: {  	[tilespmem:s4], [sflag:$0x2] =	stream.indirect.gather [hbm4b:s3+s6], $0x40, s0, s6, $0xb8;
	[tilespmem:$0x1E400] =	vst v63  }
0x193: {  	_ =	swait.ge [sflag:s8], $0x8000  }
0x194: {  	s0 =	sld [smem:$0x7CC]  }
0x195: {  	[sflag:s8] =	ssyncset.done $0x0  }
0x196: {  	[sflag:s8] =	ssyncadd.s32 $0xFFFF8000  }
0x197: {  	[hbm4b:s0+s2] =	stream.linear.scatter [tilespmem:s5], [sflag:$0x4], $0x8000, $0x38;
	[tilespmem:$0x1E400] =	vst v63  }
0x198: {  	_ =	swait.ge [sflag:s11], $0x8000  }
0x199: {  	[sflag:s11] =	ssyncset.done $0x0  }
0x19a: {  	[sflag:s11] =	ssyncadd.s32 $0xFFFF8000  }
0x19b: {  	[tilespmem:s12], [sflag:$0x3] =	stream.indirect.gather [hbm4b:s3+s6], $0x40, s29, s6, $0xb8;
	[tilespmem:$0x1E400] =	vst v63  }
0x19c: {  	_ =	swait.ge [sflag:s10], $0x8000  }
0x19d: {  	s0 =	sld [smem:$0x7CD]  }
0x19e: {  	[sflag:s10] =	ssyncset.done $0x0  }
0x19f: {  	[sflag:s10] =	ssyncadd.s32 $0xFFFF8000  }
0x1a0: {  	[hbm4b:s0+s2] =	stream.linear.scatter [tilespmem:s4], [sflag:$0x5], $0x8000, $0x38;
	[tilespmem:$0x1E400] =	vst v63  }
0x1a1: {  	_ =	swait.ge [sflag:s7], $0x8000  }
0x1a2: {  	[sflag:s7] =	ssyncset.done $0x0  }
0x1a3: {  	[sflag:s7] =	ssyncadd.s32 $0xFFFF8000  }
0x1a4: {  	[tilespmem:s5], [sflag:$0x1] =	stream.indirect.gather [hbm4b:s3+s6], $0x40, s28, s6, $0xb8;
	[tilespmem:$0x1E400] =	vst v63  }
0x1a5: {  	_ =	swait.ge [sflag:s13], $0x8000  }
0x1a6: {  	s0 =	sld [smem:$0x7CE]  }
0x1a7: {  	[sflag:s13] =	ssyncset.done $0x0  }
0x1a8: {  	[sflag:s13] =	ssyncadd.s32 $0xFFFF8000  }
0x1a9: {  	[hbm4b:s0+s2] =	stream.linear.scatter [tilespmem:s12], [sflag:$0x6], $0x8000, $0x38;
	[tilespmem:$0x1E400] =	vst v63  }
0x1aa: {  	_ =	swait.ge [sflag:s9], $0x8000  }
0x1ab: {  	[sflag:s9] =	ssyncset.done $0x0  }
0x1ac: {  	[sflag:s9] =	ssyncadd.s32 $0xFFFF8000  }
0x1ad: {  	[tilespmem:s4], [sflag:$0x2] =	stream.indirect.gather [hbm4b:s3+s6], $0x40, s26, s6, $0xb8;
	[tilespmem:$0x1E400] =	vst v63  }
0x1ae: {  	_ =	swait.ge [sflag:s8], $0x8000  }
0x1af: {  	s0 =	sld [smem:$0x7CF]  }
0x1b0: {  	[sflag:s8] =	ssyncset.done $0x0  }
0x1b1: {  	[sflag:s8] =	ssyncadd.s32 $0xFFFF8000  }
0x1b2: {  	[hbm4b:s0+s2] =	stream.linear.scatter [tilespmem:s5], [sflag:$0x4], $0x8000, $0x38;
	[tilespmem:$0x1E400] =	vst v63  }
0x1b3: {  	_ =	swait.ge [sflag:s11], $0x8000  }
0x1b4: {  	[sflag:s11] =	ssyncset.done $0x0  }
0x1b5: {  	[sflag:s11] =	ssyncadd.s32 $0xFFFF8000  }
0x1b6: {  	[tilespmem:s12], [sflag:$0x3] =	stream.indirect.gather [hbm4b:s3+s6], $0x40, s25, s6, $0xb8;
	[tilespmem:$0x1E400] =	vst v63  }
0x1b7: {  	_ =	swait.ge [sflag:s10], $0x8000  }
0x1b8: {  	s0 =	sld [smem:$0x7D0]  }
0x1b9: {  	[sflag:s10] =	ssyncset.done $0x0  }
0x1ba: {  	[sflag:s10] =	ssyncadd.s32 $0xFFFF8000  }
0x1bb: {  	[hbm4b:s0+s2] =	stream.linear.scatter [tilespmem:s4], [sflag:$0x5], $0x8000, $0x38;
	[tilespmem:$0x1E400] =	vst v63  }
0x1bc: {  	_ =	swait.ge [sflag:s7], $0x8000  }
0x1bd: {  	[sflag:s7] =	ssyncset.done $0x0  }
0x1be: {  	[sflag:s7] =	ssyncadd.s32 $0xFFFF8000  }
0x1bf: {  	[tilespmem:s5], [sflag:$0x1] =	stream.indirect.gather [hbm4b:s3+s6], $0x40, s24, s6, $0xb8;
	[tilespmem:$0x1E400] =	vst v63  }
0x1c0: {  	_ =	swait.ge [sflag:s13], $0x8000  }
0x1c1: {  	s0 =	sld [smem:$0x7D1]  }
0x1c2: {  	[sflag:s13] =	ssyncset.done $0x0  }
0x1c3: {  	[sflag:s13] =	ssyncadd.s32 $0xFFFF8000  }
0x1c4: {  	[hbm4b:s0+s2] =	stream.linear.scatter [tilespmem:s12], [sflag:$0x6], $0x8000, $0x38;
	[tilespmem:$0x1E400] =	vst v63  }
0x1c5: {  	_ =	swait.ge [sflag:s9], $0x8000  }
0x1c6: {  	[sflag:s9] =	ssyncset.done $0x0  }
0x1c7: {  	[sflag:s9] =	ssyncadd.s32 $0xFFFF8000  }
0x1c8: {  	[tilespmem:s4], [sflag:$0x2] =	stream.indirect.gather [hbm4b:s3+s6], $0x40, s23, s6, $0xb8;
	[tilespmem:$0x1E400] =	vst v63  }
0x1c9: {  	_ =	swait.ge [sflag:s8], $0x8000  }
0x1ca: {  	s0 =	sld [smem:$0x7D2]  }
0x1cb: {  	[sflag:s8] =	ssyncset.done $0x0  }
0x1cc: {  	[sflag:s8] =	ssyncadd.s32 $0xFFFF8000  }
0x1cd: {  	[hbm4b:s0+s2] =	stream.linear.scatter [tilespmem:s5], [sflag:$0x4], $0x8000, $0x38;
	[tilespmem:$0x1E400] =	vst v63  }
0x1ce: {  	_ =	swait.ge [sflag:s11], $0x8000  }
0x1cf: {  	[sflag:s11] =	ssyncset.done $0x0  }
0x1d0: {  	[sflag:s11] =	ssyncadd.s32 $0xFFFF8000  }
0x1d1: {  	[tilespmem:s12], [sflag:$0x3] =	stream.indirect.gather [hbm4b:s3+s6], $0x40, s22, s6, $0xb8;
	[tilespmem:$0x1E400] =	vst v63  }
0x1d2: {  	_ =	swait.ge [sflag:s10], $0x8000  }
0x1d3: {  	s0 =	sld [smem:$0x7D3]  }
0x1d4: {  	[sflag:s10] =	ssyncset.done $0x0  }
0x1d5: {  	[sflag:s10] =	ssyncadd.s32 $0xFFFF8000  }
0x1d6: {  	[hbm4b:s0+s2] =	stream.linear.scatter [tilespmem:s4], [sflag:$0x5], $0x8000, $0x38;
	[tilespmem:$0x1E400] =	vst v63  }
0x1d7: {  	_ =	swait.ge [sflag:s7], $0x8000  }
0x1d8: {  	[sflag:s7] =	ssyncset.done $0x0  }
0x1d9: {  	[sflag:s7] =	ssyncadd.s32 $0xFFFF8000  }
0x1da: {  	[tilespmem:s5], [sflag:$0x1] =	stream.indirect.gather [hbm4b:s3+s6], $0x40, s21, s6, $0xb8;
	[tilespmem:$0x1E400] =	vst v63  }
0x1db: {  	_ =	swait.ge [sflag:s13], $0x8000  }
0x1dc: {  	s0 =	sld [smem:$0x7D4]  }
0x1dd: {  	[sflag:s13] =	ssyncset.done $0x0  }
0x1de: {  	[sflag:s13] =	ssyncadd.s32 $0xFFFF8000  }
0x1df: {  	[hbm4b:s0+s2] =	stream.linear.scatter [tilespmem:s12], [sflag:$0x6], $0x8000, $0x38;
	[tilespmem:$0x1E400] =	vst v63  }
0x1e0: {  	_ =	swait.ge [sflag:s9], $0x8000  }
0x1e1: {  	[sflag:s9] =	ssyncset.done $0x0  }
0x1e2: {  	[sflag:s9] =	ssyncadd.s32 $0xFFFF8000  }
0x1e3: {  	[tilespmem:s4], [sflag:$0x2] =	stream.indirect.gather [hbm4b:s3+s6], $0x40, s20, s6, $0xb8;
	[tilespmem:$0x1E400] =	vst v63  }
0x1e4: {  	_ =	swait.ge [sflag:s8], $0x8000  }
0x1e5: {  	s0 =	sld [smem:$0x7D5]  }
0x1e6: {  	[sflag:s8] =	ssyncset.done $0x0  }
0x1e7: {  	[sflag:s8] =	ssyncadd.s32 $0xFFFF8000  }
0x1e8: {  	[hbm4b:s0+s2] =	stream.linear.scatter [tilespmem:s5], [sflag:$0x4], $0x8000, $0x38;
	[tilespmem:$0x1E400] =	vst v63  }
0x1e9: {  	_ =	swait.ge [sflag:s11], $0x8000  }
0x1ea: {  	[sflag:s11] =	ssyncset.done $0x0  }
0x1eb: {  	[sflag:s11] =	ssyncadd.s32 $0xFFFF8000  }
0x1ec: {  	[tilespmem:s12], [sflag:$0x3] =	stream.indirect.gather [hbm4b:s3+s6], $0x40, s19, s6, $0xb8;
	[tilespmem:$0x1E400] =	vst v63  }
0x1ed: {  	_ =	swait.ge [sflag:s10], $0x8000  }
0x1ee: {  	s0 =	sld [smem:$0x7D6]  }
0x1ef: {  	[sflag:s10] =	ssyncset.done $0x0  }
0x1f0: {  	[sflag:s10] =	ssyncadd.s32 $0xFFFF8000  }
0x1f1: {  	[hbm4b:s0+s2] =	stream.linear.scatter [tilespmem:s4], [sflag:$0x5], $0x8000, $0x38;
	[tilespmem:$0x1E400] =	vst v63  }
0x1f2: {  	_ =	swait.ge [sflag:s7], $0x8000  }
0x1f3: {  	[sflag:s7] =	ssyncset.done $0x0  }
0x1f4: {  	[sflag:s7] =	ssyncadd.s32 $0xFFFF8000  }
0x1f5: {  	[tilespmem:s5], [sflag:$0x1] =	stream.indirect.gather [hbm4b:s3+s6], $0x40, s18, s6, $0xb8;
	[tilespmem:$0x1E400] =	vst v63  }
0x1f6: {  	_ =	swait.ge [sflag:s13], $0x8000  }
0x1f7: {  	s0 =	sld [smem:$0x7D7]  }
0x1f8: {  	[sflag:s13] =	ssyncset.done $0x0  }
0x1f9: {  	[sflag:s13] =	ssyncadd.s32 $0xFFFF8000  }
0x1fa: {  	[hbm4b:s0+s2] =	stream.linear.scatter [tilespmem:s12], [sflag:$0x6], $0x8000, $0x38;
	[tilespmem:$0x1E400] =	vst v63  }
0x1fb: {  	_ =	swait.ge [sflag:s9], $0x8000  }
0x1fc: {  	[sflag:s9] =	ssyncset.done $0x0  }
0x1fd: {  	[sflag:s9] =	ssyncadd.s32 $0xFFFF8000  }
0x1fe: {  	[tilespmem:s4], [sflag:$0x2] =	stream.indirect.gather [hbm4b:s3+s6], $0x40, s17, s6, $0xb8;
	[tilespmem:$0x1E400] =	vst v63  }
0x1ff: {  	_ =	swait.ge [sflag:s8], $0x8000  }
0x200: {  	s0 =	sld [smem:$0x7D8]  }
0x201: {  	[sflag:s8] =	ssyncset.done $0x0  }
0x202: {  	[sflag:s8] =	ssyncadd.s32 $0xFFFF8000  }
0x203: {  	[hbm4b:s0+s2] =	stream.linear.scatter [tilespmem:s5], [sflag:$0x4], $0x8000, $0x38;
	[tilespmem:$0x1E400] =	vst v63  }
0x204: {  	_ =	swait.ge [sflag:s11], $0x8000  }
0x205: {  	[sflag:s11] =	ssyncset.done $0x0  }
0x206: {  	[sflag:s11] =	ssyncadd.s32 $0xFFFF8000  }
0x207: {  	[tilespmem:s12], [sflag:$0x3] =	stream.indirect.gather [hbm4b:s3+s6], $0x40, s16, s6, $0xb8;
	[tilespmem:$0x1E400] =	vst v63  }
0x208: {  	_ =	swait.ge [sflag:s10], $0x8000  }
0x209: {  	s0 =	sld [smem:$0x7D9]  }
0x20a: {  	[sflag:s10] =	ssyncset.done $0x0  }
0x20b: {  	[sflag:s10] =	ssyncadd.s32 $0xFFFF8000  }
0x20c: {  	[hbm4b:s0+s2] =	stream.linear.scatter [tilespmem:s4], [sflag:$0x5], $0x8000, $0x38;
	[tilespmem:$0x1E400] =	vst v63  }
0x20d: {  	_ =	swait.ge [sflag:s7], $0x8000  }
0x20e: {  	[sflag:s7] =	ssyncset.done $0x0  }
0x20f: {  	[sflag:s7] =	ssyncadd.s32 $0xFFFF8000  }
0x210: {  	[tilespmem:s5], [sflag:$0x1] =	stream.indirect.gather [hbm4b:s3+s6], $0x40, s15, s6, $0xb8;
	[tilespmem:$0x1E400] =	vst v63  }
0x211: {  	_ =	swait.ge [sflag:s13], $0x8000  }
0x212: {  	s0 =	sld [smem:$0x7DA]  }
0x213: {  	[sflag:s13] =	ssyncset.done $0x0  }
0x214: {  	[sflag:s13] =	ssyncadd.s32 $0xFFFF8000  }
0x215: {  	[hbm4b:s0+s2] =	stream.linear.scatter [tilespmem:s12], [sflag:$0x6], $0x8000, $0x38;
	[tilespmem:$0x1E400] =	vst v63  }
0x216: {  	_ =	swait.ge [sflag:s9], $0x8000  }
0x217: {  	[sflag:s9] =	ssyncset.done $0x0  }
0x218: {  	[sflag:s9] =	ssyncadd.s32 $0xFFFF8000  }
0x219: {  	[tilespmem:s4], [sflag:$0x2] =	stream.indirect.gather [hbm4b:s3+s6], $0x40, s14, s6, $0xb8;
	[tilespmem:$0x1E400] =	vst v63  }
0x21a: {  	_ =	swait.ge [sflag:s8], $0x8000  }
0x21b: {  	s0 =	sld [smem:$0x7DB]  }
0x21c: {  	[sflag:s8] =	ssyncset.done $0x0  }
0x21d: {  	[sflag:s8] =	ssyncadd.s32 $0xFFFF8000  }
0x21e: {  	[hbm4b:s0+s2] =	stream.linear.scatter [tilespmem:s5], [sflag:$0x4], $0x8000, $0x38;
	[tilespmem:$0x1E400] =	vst v63  }
0x21f: {  	_ =	swait.ge [sflag:s10], $0x8000  }
0x220: {  	s0 =	sld [smem:$0x7DC]  }
0x221: {  	[sflag:s10] =	ssyncset.done $0x0  }
0x222: {  	[sflag:s10] =	ssyncadd.s32 $0xFFFF8000  }
0x223: {  	[hbm4b:s0+s2] =	stream.linear.scatter [tilespmem:s4], [sflag:$0x5], $0x8000, $0x38;
	[tilespmem:$0x1E400] =	vst v63  }
0x224: {  	_ =	swait.ge [sflag:s11], $0x8000  }
0x225: {  	[sflag:s11] =	ssyncset.done $0x0  }
0x226: {  	p1 =	sne.s32 s1, $0x1;
	[sflag:s11] =	ssyncadd.s32 $0xFFFF8000  }
.Ltmp1:
0x227: {  	_ =	swait.ge [sflag:s7], $0x8000;
	(pc) =	sbr.rel @!p1 .LBB2_3-.Ltmp1, $4  }
0x228: {  	[sflag:s7] =	ssyncset.done $0x0  }
0x229: {  	[sflag:s7] =	ssyncadd.s32 $0xFFFF8000  }
0x22a: {  	s1 =	sadd.s32 $0xFFFFFFFF, s1;
	_ =	swait.ge [sflag:s9], $0x8000  }
0x22b: {  	p0 =	por $0x1, $0x1;
	s0 =	rddreg [dreg:$0x3];
	[sflag:s9] =	ssyncset.done $0x0  }
.LBB2_2:
0x22c: {  	[sflag:s9] =	ssyncadd.s32 $0xFFFF8000  }
0x22d: {  	[tilespmem:s2], [sflag:$0x7] =	stream.linear.gather [hbm4b:s0+s2], $0x6400, $0x38;
	[tilespmem:$0x1E400] =	vst v63  }
0x22e: {  	_ =	swait.ge [sflag:s31], $0x6400  }
0x22f: {  	[sflag:s31] =	ssyncset.done $0x0  }
0x230: {  	[sflag:s31] =	ssyncadd.s32 $0xFFFF9C00  }
0x231: {  	[tilespmem:s5], [sflag:$0x1] =	stream.indirect.gather [hbm4b:s3+s6], $0x40, s2, s6, $0xb8;
	[tilespmem:$0x1E400] =	vst v63  }
0x232: {  	_ = 	snop  }
0x233: {  	[tilespmem:s4], [sflag:$0x2] =	stream.indirect.gather [hbm4b:s3+s6], $0x40, s6, s6, $0xb8;
	[tilespmem:$0x1E400] =	vst v63  }
0x234: {  	_ =	swait.ge [sflag:s8], $0x8000  }
0x235: {  	[sflag:s8] =	ssyncset.done $0x0  }
0x236: {  	s0 =	sld [smem:$0x7DD];
	[sflag:s8] =	ssyncadd.s32 $0xFFFF8000  }
0x237: {  	[hbm4b:s30+s2] =	stream.linear.scatter [tilespmem:s5], [sflag:$0x4], $0x8000, $0x38;
	[tilespmem:$0x1E400] =	vst v63  }
0x238: {  	_ = 	snop  }
0x239: {  	[tilespmem:s12], [sflag:$0x3] =	stream.indirect.gather [hbm4b:s3+s6], $0x40, s0, s6, $0xb8;
	[tilespmem:$0x1E400] =	vst v63  }
0x23a: {  	_ =	swait.ge [sflag:s10], $0x8000  }
0x23b: {  	[sflag:s10] =	ssyncset.done $0x0  }
0x23c: {  	s0 =	rddreg [dreg:$0x4];
	[sflag:s10] =	ssyncadd.s32 $0xFFFF8000  }
0x23d: {  	[hbm4b:s0+s2] =	stream.linear.scatter [tilespmem:s4], [sflag:$0x5], $0x8000, $0x38;
	[tilespmem:$0x1E400] =	vst v63  }
0x23e: {  	_ =	swait.ge [sflag:s7], $0x8000  }
0x23f: {  	s0 =	sld [smem:$0x7DE]  }
0x240: {  	[sflag:s7] =	ssyncset.done $0x0  }
0x241: {  	[sflag:s7] =	ssyncadd.s32 $0xFFFF8000  }
0x242: {  	[tilespmem:s5], [sflag:$0x1] =	stream.indirect.gather [hbm4b:s3+s6], $0x40, s0, s6, $0xb8;
	[tilespmem:$0x1E400] =	vst v63  }
0x243: {  	_ =	swait.ge [sflag:s13], $0x8000  }
0x244: {  	[sflag:s13] =	ssyncset.done $0x0  }
0x245: {  	s0 =	rddreg [dreg:$0x5];
	[sflag:s13] =	ssyncadd.s32 $0xFFFF8000  }
0x246: {  	[hbm4b:s0+s2] =	stream.linear.scatter [tilespmem:s12], [sflag:$0x6], $0x8000, $0x38;
	[tilespmem:$0x1E400] =	vst v63  }
0x247: {  	_ =	swait.ge [sflag:s9], $0x8000  }
0x248: {  	s0 =	sld [smem:$0x7DF]  }
0x249: {  	[sflag:s9] =	ssyncset.done $0x0  }
0x24a: {  	[sflag:s9] =	ssyncadd.s32 $0xFFFF8000  }
0x24b: {  	[tilespmem:s4], [sflag:$0x2] =	stream.indirect.gather [hbm4b:s3+s6], $0x40, s0, s6, $0xb8;
	[tilespmem:$0x1E400] =	vst v63  }
0x24c: {  	_ =	swait.ge [sflag:s8], $0x8000  }
0x24d: {  	[sflag:s8] =	ssyncset.done $0x0  }
0x24e: {  	s0 =	rddreg [dreg:$0x6];
	[sflag:s8] =	ssyncadd.s32 $0xFFFF8000  }
0x24f: {  	[hbm4b:s0+s2] =	stream.linear.scatter [tilespmem:s5], [sflag:$0x4], $0x8000, $0x38;
	[tilespmem:$0x1E400] =	vst v63  }
0x250: {  	_ =	swait.ge [sflag:s11], $0x8000  }
0x251: {  	s0 =	sld [smem:$0x7E0]  }
0x252: {  	[sflag:s11] =	ssyncset.done $0x0  }
0x253: {  	[sflag:s11] =	ssyncadd.s32 $0xFFFF8000  }
0x254: {  	[tilespmem:s12], [sflag:$0x3] =	stream.indirect.gather [hbm4b:s3+s6], $0x40, s0, s6, $0xb8;
	[tilespmem:$0x1E400] =	vst v63  }
0x255: {  	_ =	swait.ge [sflag:s10], $0x8000  }
0x256: {  	[sflag:s10] =	ssyncset.done $0x0  }
0x257: {  	s0 =	rddreg [dreg:$0x7];
	[sflag:s10] =	ssyncadd.s32 $0xFFFF8000  }
0x258: {  	[hbm4b:s0+s2] =	stream.linear.scatter [tilespmem:s4], [sflag:$0x5], $0x8000, $0x38;
	[tilespmem:$0x1E400] =	vst v63  }
0x259: {  	_ =	swait.ge [sflag:s7], $0x8000  }
0x25a: {  	s0 =	sld [smem:$0x7E1]  }
0x25b: {  	[sflag:s7] =	ssyncset.done $0x0  }
0x25c: {  	[sflag:s7] =	ssyncadd.s32 $0xFFFF8000  }
0x25d: {  	[tilespmem:s5], [sflag:$0x1] =	stream.indirect.gather [hbm4b:s3+s6], $0x40, s0, s6, $0xb8;
	[tilespmem:$0x1E400] =	vst v63  }
0x25e: {  	_ =	swait.ge [sflag:s13], $0x8000  }
0x25f: {  	[sflag:s13] =	ssyncset.done $0x0  }
0x260: {  	s0 =	rddreg [dreg:$0x8];
	[sflag:s13] =	ssyncadd.s32 $0xFFFF8000  }
0x261: {  	[hbm4b:s0+s2] =	stream.linear.scatter [tilespmem:s12], [sflag:$0x6], $0x8000, $0x38;
	[tilespmem:$0x1E400] =	vst v63  }
0x262: {  	_ =	swait.ge [sflag:s9], $0x8000  }
0x263: {  	s0 =	sld [smem:$0x7E2]  }
0x264: {  	[sflag:s9] =	ssyncset.done $0x0  }
0x265: {  	[sflag:s9] =	ssyncadd.s32 $0xFFFF8000  }
0x266: {  	[tilespmem:s4], [sflag:$0x2] =	stream.indirect.gather [hbm4b:s3+s6], $0x40, s0, s6, $0xb8;
	[tilespmem:$0x1E400] =	vst v63  }
0x267: {  	_ =	swait.ge [sflag:s8], $0x8000  }
0x268: {  	[sflag:s8] =	ssyncset.done $0x0  }
0x269: {  	s0 =	rddreg [dreg:$0x9];
	[sflag:s8] =	ssyncadd.s32 $0xFFFF8000  }
0x26a: {  	[hbm4b:s0+s2] =	stream.linear.scatter [tilespmem:s5], [sflag:$0x4], $0x8000, $0x38;
	[tilespmem:$0x1E400] =	vst v63  }
0x26b: {  	_ =	swait.ge [sflag:s11], $0x8000  }
0x26c: {  	s0 =	sld [smem:$0x7E3]  }
0x26d: {  	[sflag:s11] =	ssyncset.done $0x0  }
0x26e: {  	[sflag:s11] =	ssyncadd.s32 $0xFFFF8000  }
0x26f: {  	[tilespmem:s12], [sflag:$0x3] =	stream.indirect.gather [hbm4b:s3+s6], $0x40, s0, s6, $0xb8;
	[tilespmem:$0x1E400] =	vst v63  }
0x270: {  	_ =	swait.ge [sflag:s10], $0x8000  }
0x271: {  	[sflag:s10] =	ssyncset.done $0x0  }
0x272: {  	s0 =	rddreg [dreg:$0xa];
	[sflag:s10] =	ssyncadd.s32 $0xFFFF8000  }
0x273: {  	[hbm4b:s0+s2] =	stream.linear.scatter [tilespmem:s4], [sflag:$0x5], $0x8000, $0x38;
	[tilespmem:$0x1E400] =	vst v63  }
0x274: {  	_ =	swait.ge [sflag:s7], $0x8000  }
0x275: {  	s0 =	sld [smem:$0x7E4]  }
0x276: {  	[sflag:s7] =	ssyncset.done $0x0  }
0x277: {  	[sflag:s7] =	ssyncadd.s32 $0xFFFF8000  }
0x278: {  	[tilespmem:s5], [sflag:$0x1] =	stream.indirect.gather [hbm4b:s3+s6], $0x40, s0, s6, $0xb8;
	[tilespmem:$0x1E400] =	vst v63  }
0x279: {  	_ =	swait.ge [sflag:s13], $0x8000  }
0x27a: {  	[sflag:s13] =	ssyncset.done $0x0  }
0x27b: {  	s0 =	rddreg [dreg:$0xb];
	[sflag:s13] =	ssyncadd.s32 $0xFFFF8000  }
0x27c: {  	[hbm4b:s0+s2] =	stream.linear.scatter [tilespmem:s12], [sflag:$0x6], $0x8000, $0x38;
	[tilespmem:$0x1E400] =	vst v63  }
0x27d: {  	_ =	swait.ge [sflag:s9], $0x8000  }
0x27e: {  	s0 =	sld [smem:$0x7E5]  }
0x27f: {  	[sflag:s9] =	ssyncset.done $0x0  }
0x280: {  	[sflag:s9] =	ssyncadd.s32 $0xFFFF8000  }
0x281: {  	[tilespmem:s4], [sflag:$0x2] =	stream.indirect.gather [hbm4b:s3+s6], $0x40, s0, s6, $0xb8;
	[tilespmem:$0x1E400] =	vst v63  }
0x282: {  	_ =	swait.ge [sflag:s8], $0x8000  }
0x283: {  	[sflag:s8] =	ssyncset.done $0x0  }
0x284: {  	s0 =	rddreg [dreg:$0xc];
	[sflag:s8] =	ssyncadd.s32 $0xFFFF8000  }
0x285: {  	[hbm4b:s0+s2] =	stream.linear.scatter [tilespmem:s5], [sflag:$0x4], $0x8000, $0x38;
	[tilespmem:$0x1E400] =	vst v63  }
0x286: {  	_ =	swait.ge [sflag:s11], $0x8000  }
0x287: {  	s0 =	sld [smem:$0x7E6]  }
0x288: {  	[sflag:s11] =	ssyncset.done $0x0  }
0x289: {  	[sflag:s11] =	ssyncadd.s32 $0xFFFF8000  }
0x28a: {  	[tilespmem:s12], [sflag:$0x3] =	stream.indirect.gather [hbm4b:s3+s6], $0x40, s0, s6, $0xb8;
	[tilespmem:$0x1E400] =	vst v63  }
0x28b: {  	_ =	swait.ge [sflag:s10], $0x8000  }
0x28c: {  	[sflag:s10] =	ssyncset.done $0x0  }
0x28d: {  	s0 =	rddreg [dreg:$0xd];
	[sflag:s10] =	ssyncadd.s32 $0xFFFF8000  }
0x28e: {  	[hbm4b:s0+s2] =	stream.linear.scatter [tilespmem:s4], [sflag:$0x5], $0x8000, $0x38;
	[tilespmem:$0x1E400] =	vst v63  }
0x28f: {  	_ =	swait.ge [sflag:s7], $0x8000  }
0x290: {  	s0 =	sld [smem:$0x7E7]  }
0x291: {  	[sflag:s7] =	ssyncset.done $0x0  }
0x292: {  	[sflag:s7] =	ssyncadd.s32 $0xFFFF8000  }
0x293: {  	[tilespmem:s5], [sflag:$0x1] =	stream.indirect.gather [hbm4b:s3+s6], $0x40, s0, s6, $0xb8;
	[tilespmem:$0x1E400] =	vst v63  }
0x294: {  	_ =	swait.ge [sflag:s13], $0x8000  }
0x295: {  	[sflag:s13] =	ssyncset.done $0x0  }
0x296: {  	s0 =	rddreg [dreg:$0xe];
	[sflag:s13] =	ssyncadd.s32 $0xFFFF8000  }
0x297: {  	[hbm4b:s0+s2] =	stream.linear.scatter [tilespmem:s12], [sflag:$0x6], $0x8000, $0x38;
	[tilespmem:$0x1E400] =	vst v63  }
0x298: {  	_ =	swait.ge [sflag:s9], $0x8000  }
0x299: {  	s0 =	sld [smem:$0x7E8]  }
0x29a: {  	[sflag:s9] =	ssyncset.done $0x0  }
0x29b: {  	[sflag:s9] =	ssyncadd.s32 $0xFFFF8000  }
0x29c: {  	[tilespmem:s4], [sflag:$0x2] =	stream.indirect.gather [hbm4b:s3+s6], $0x40, s0, s6, $0xb8;
	[tilespmem:$0x1E400] =	vst v63  }
0x29d: {  	_ =	swait.ge [sflag:s8], $0x8000  }
0x29e: {  	[sflag:s8] =	ssyncset.done $0x0  }
0x29f: {  	s0 =	rddreg [dreg:$0xf];
	[sflag:s8] =	ssyncadd.s32 $0xFFFF8000  }
0x2a0: {  	[hbm4b:s0+s2] =	stream.linear.scatter [tilespmem:s5], [sflag:$0x4], $0x8000, $0x38;
	[tilespmem:$0x1E400] =	vst v63  }
0x2a1: {  	_ =	swait.ge [sflag:s11], $0x8000  }
0x2a2: {  	s0 =	sld [smem:$0x7E9]  }
0x2a3: {  	[sflag:s11] =	ssyncset.done $0x0  }
0x2a4: {  	[sflag:s11] =	ssyncadd.s32 $0xFFFF8000  }
0x2a5: {  	[tilespmem:s12], [sflag:$0x3] =	stream.indirect.gather [hbm4b:s3+s6], $0x40, s0, s6, $0xb8;
	[tilespmem:$0x1E400] =	vst v63  }
0x2a6: {  	_ =	swait.ge [sflag:s10], $0x8000  }
0x2a7: {  	[sflag:s10] =	ssyncset.done $0x0  }
0x2a8: {  	s0 =	rddreg [dreg:$0x10];
	[sflag:s10] =	ssyncadd.s32 $0xFFFF8000  }
0x2a9: {  	[hbm4b:s0+s2] =	stream.linear.scatter [tilespmem:s4], [sflag:$0x5], $0x8000, $0x38;
	[tilespmem:$0x1E400] =	vst v63  }
0x2aa: {  	_ =	swait.ge [sflag:s7], $0x8000  }
0x2ab: {  	s0 =	sld [smem:$0x7EA]  }
0x2ac: {  	[sflag:s7] =	ssyncset.done $0x0  }
0x2ad: {  	[sflag:s7] =	ssyncadd.s32 $0xFFFF8000  }
0x2ae: {  	[tilespmem:s5], [sflag:$0x1] =	stream.indirect.gather [hbm4b:s3+s6], $0x40, s0, s6, $0xb8;
	[tilespmem:$0x1E400] =	vst v63  }
0x2af: {  	_ =	swait.ge [sflag:s13], $0x8000  }
0x2b0: {  	[sflag:s13] =	ssyncset.done $0x0  }
0x2b1: {  	s0 =	rddreg [dreg:$0x11];
	[sflag:s13] =	ssyncadd.s32 $0xFFFF8000  }
0x2b2: {  	[hbm4b:s0+s2] =	stream.linear.scatter [tilespmem:s12], [sflag:$0x6], $0x8000, $0x38;
	[tilespmem:$0x1E400] =	vst v63  }
0x2b3: {  	_ =	swait.ge [sflag:s9], $0x8000  }
0x2b4: {  	s0 =	sld [smem:$0x7EB]  }
0x2b5: {  	[sflag:s9] =	ssyncset.done $0x0  }
0x2b6: {  	[sflag:s9] =	ssyncadd.s32 $0xFFFF8000  }
0x2b7: {  	[tilespmem:s4], [sflag:$0x2] =	stream.indirect.gather [hbm4b:s3+s6], $0x40, s0, s6, $0xb8;
	[tilespmem:$0x1E400] =	vst v63  }
0x2b8: {  	_ =	swait.ge [sflag:s8], $0x8000  }
0x2b9: {  	[sflag:s8] =	ssyncset.done $0x0  }
0x2ba: {  	s0 =	rddreg [dreg:$0x12];
	[sflag:s8] =	ssyncadd.s32 $0xFFFF8000  }
0x2bb: {  	[hbm4b:s0+s2] =	stream.linear.scatter [tilespmem:s5], [sflag:$0x4], $0x8000, $0x38;
	[tilespmem:$0x1E400] =	vst v63  }
0x2bc: {  	_ =	swait.ge [sflag:s11], $0x8000  }
0x2bd: {  	s0 =	sld [smem:$0x7EC]  }
0x2be: {  	[sflag:s11] =	ssyncset.done $0x0  }
0x2bf: {  	[sflag:s11] =	ssyncadd.s32 $0xFFFF8000  }
0x2c0: {  	[tilespmem:s12], [sflag:$0x3] =	stream.indirect.gather [hbm4b:s3+s6], $0x40, s0, s6, $0xb8;
	[tilespmem:$0x1E400] =	vst v63  }
0x2c1: {  	_ =	swait.ge [sflag:s10], $0x8000  }
0x2c2: {  	[sflag:s10] =	ssyncset.done $0x0  }
0x2c3: {  	s0 =	rddreg [dreg:$0x13];
	[sflag:s10] =	ssyncadd.s32 $0xFFFF8000  }
0x2c4: {  	[hbm4b:s0+s2] =	stream.linear.scatter [tilespmem:s4], [sflag:$0x5], $0x8000, $0x38;
	[tilespmem:$0x1E400] =	vst v63  }
0x2c5: {  	_ =	swait.ge [sflag:s7], $0x8000  }
0x2c6: {  	s0 =	sld [smem:$0x7ED]  }
0x2c7: {  	[sflag:s7] =	ssyncset.done $0x0  }
0x2c8: {  	[sflag:s7] =	ssyncadd.s32 $0xFFFF8000  }
0x2c9: {  	[tilespmem:s5], [sflag:$0x1] =	stream.indirect.gather [hbm4b:s3+s6], $0x40, s0, s6, $0xb8;
	[tilespmem:$0x1E400] =	vst v63  }
0x2ca: {  	_ =	swait.ge [sflag:s13], $0x8000  }
0x2cb: {  	[sflag:s13] =	ssyncset.done $0x0  }
0x2cc: {  	s0 =	rddreg [dreg:$0x14];
	[sflag:s13] =	ssyncadd.s32 $0xFFFF8000  }
0x2cd: {  	[hbm4b:s0+s2] =	stream.linear.scatter [tilespmem:s12], [sflag:$0x6], $0x8000, $0x38;
	[tilespmem:$0x1E400] =	vst v63  }
0x2ce: {  	_ =	swait.ge [sflag:s9], $0x8000  }
0x2cf: {  	s0 =	sld [smem:$0x7EE]  }
0x2d0: {  	[sflag:s9] =	ssyncset.done $0x0  }
0x2d1: {  	[sflag:s9] =	ssyncadd.s32 $0xFFFF8000  }
0x2d2: {  	[tilespmem:s4], [sflag:$0x2] =	stream.indirect.gather [hbm4b:s3+s6], $0x40, s0, s6, $0xb8;
	[tilespmem:$0x1E400] =	vst v63  }
0x2d3: {  	_ =	swait.ge [sflag:s8], $0x8000  }
0x2d4: {  	[sflag:s8] =	ssyncset.done $0x0  }
0x2d5: {  	s0 =	rddreg [dreg:$0x15];
	[sflag:s8] =	ssyncadd.s32 $0xFFFF8000  }
0x2d6: {  	[hbm4b:s0+s2] =	stream.linear.scatter [tilespmem:s5], [sflag:$0x4], $0x8000, $0x38;
	[tilespmem:$0x1E400] =	vst v63  }
0x2d7: {  	_ =	swait.ge [sflag:s11], $0x8000  }
0x2d8: {  	s0 =	sld [smem:$0x7EF]  }
0x2d9: {  	[sflag:s11] =	ssyncset.done $0x0  }
0x2da: {  	[sflag:s11] =	ssyncadd.s32 $0xFFFF8000  }
0x2db: {  	[tilespmem:s12], [sflag:$0x3] =	stream.indirect.gather [hbm4b:s3+s6], $0x40, s0, s6, $0xb8;
	[tilespmem:$0x1E400] =	vst v63  }
0x2dc: {  	_ =	swait.ge [sflag:s10], $0x8000  }
0x2dd: {  	[sflag:s10] =	ssyncset.done $0x0  }
0x2de: {  	s0 =	rddreg [dreg:$0x16];
	[sflag:s10] =	ssyncadd.s32 $0xFFFF8000  }
0x2df: {  	[hbm4b:s0+s2] =	stream.linear.scatter [tilespmem:s4], [sflag:$0x5], $0x8000, $0x38;
	[tilespmem:$0x1E400] =	vst v63  }
0x2e0: {  	_ =	swait.ge [sflag:s7], $0x8000  }
0x2e1: {  	s0 =	sld [smem:$0x7F0]  }
0x2e2: {  	[sflag:s7] =	ssyncset.done $0x0  }
0x2e3: {  	[sflag:s7] =	ssyncadd.s32 $0xFFFF8000  }
0x2e4: {  	[tilespmem:s5], [sflag:$0x1] =	stream.indirect.gather [hbm4b:s3+s6], $0x40, s0, s6, $0xb8;
	[tilespmem:$0x1E400] =	vst v63  }
0x2e5: {  	_ =	swait.ge [sflag:s13], $0x8000  }
0x2e6: {  	[sflag:s13] =	ssyncset.done $0x0  }
0x2e7: {  	s0 =	rddreg [dreg:$0x17];
	[sflag:s13] =	ssyncadd.s32 $0xFFFF8000  }
0x2e8: {  	[hbm4b:s0+s2] =	stream.linear.scatter [tilespmem:s12], [sflag:$0x6], $0x8000, $0x38;
	[tilespmem:$0x1E400] =	vst v63  }
0x2e9: {  	_ =	swait.ge [sflag:s9], $0x8000  }
0x2ea: {  	s0 =	sld [smem:$0x7F1]  }
0x2eb: {  	[sflag:s9] =	ssyncset.done $0x0  }
0x2ec: {  	[sflag:s9] =	ssyncadd.s32 $0xFFFF8000  }
0x2ed: {  	[tilespmem:s4], [sflag:$0x2] =	stream.indirect.gather [hbm4b:s3+s6], $0x40, s0, s6, $0xb8;
	[tilespmem:$0x1E400] =	vst v63  }
0x2ee: {  	_ =	swait.ge [sflag:s8], $0x8000  }
0x2ef: {  	[sflag:s8] =	ssyncset.done $0x0  }
0x2f0: {  	s0 =	rddreg [dreg:$0x18];
	[sflag:s8] =	ssyncadd.s32 $0xFFFF8000  }
0x2f1: {  	[hbm4b:s0+s2] =	stream.linear.scatter [tilespmem:s5], [sflag:$0x4], $0x8000, $0x38;
	[tilespmem:$0x1E400] =	vst v63  }
0x2f2: {  	_ =	swait.ge [sflag:s11], $0x8000  }
0x2f3: {  	s0 =	sld [smem:$0x7F2]  }
0x2f4: {  	[sflag:s11] =	ssyncset.done $0x0  }
0x2f5: {  	[sflag:s11] =	ssyncadd.s32 $0xFFFF8000  }
0x2f6: {  	[tilespmem:s12], [sflag:$0x3] =	stream.indirect.gather [hbm4b:s3+s6], $0x40, s0, s6, $0xb8;
	[tilespmem:$0x1E400] =	vst v63  }
0x2f7: {  	_ =	swait.ge [sflag:s10], $0x8000  }
0x2f8: {  	[sflag:s10] =	ssyncset.done $0x0  }
0x2f9: {  	s0 =	rddreg [dreg:$0x19];
	[sflag:s10] =	ssyncadd.s32 $0xFFFF8000  }
0x2fa: {  	[hbm4b:s0+s2] =	stream.linear.scatter [tilespmem:s4], [sflag:$0x5], $0x8000, $0x38;
	[tilespmem:$0x1E400] =	vst v63  }
0x2fb: {  	_ =	swait.ge [sflag:s7], $0x8000  }
0x2fc: {  	s0 =	sld [smem:$0x7F3]  }
0x2fd: {  	[sflag:s7] =	ssyncset.done $0x0  }
0x2fe: {  	[sflag:s7] =	ssyncadd.s32 $0xFFFF8000  }
0x2ff: {  	[tilespmem:s5], [sflag:$0x1] =	stream.indirect.gather [hbm4b:s3+s6], $0x40, s0, s6, $0xb8;
	[tilespmem:$0x1E400] =	vst v63  }
0x300: {  	_ =	swait.ge [sflag:s13], $0x8000  }
0x301: {  	[sflag:s13] =	ssyncset.done $0x0  }
0x302: {  	s0 =	rddreg [dreg:$0x1a];
	[sflag:s13] =	ssyncadd.s32 $0xFFFF8000  }
0x303: {  	[hbm4b:s0+s2] =	stream.linear.scatter [tilespmem:s12], [sflag:$0x6], $0x8000, $0x38;
	[tilespmem:$0x1E400] =	vst v63  }
0x304: {  	_ =	swait.ge [sflag:s9], $0x8000  }
0x305: {  	s0 =	sld [smem:$0x7F4]  }
0x306: {  	[sflag:s9] =	ssyncset.done $0x0  }
0x307: {  	[sflag:s9] =	ssyncadd.s32 $0xFFFF8000  }
0x308: {  	[tilespmem:s4], [sflag:$0x2] =	stream.indirect.gather [hbm4b:s3+s6], $0x40, s0, s6, $0xb8;
	[tilespmem:$0x1E400] =	vst v63  }
0x309: {  	_ =	swait.ge [sflag:s8], $0x8000  }
0x30a: {  	[sflag:s8] =	ssyncset.done $0x0  }
0x30b: {  	s0 =	rddreg [dreg:$0x1b];
	[sflag:s8] =	ssyncadd.s32 $0xFFFF8000  }
0x30c: {  	[hbm4b:s0+s2] =	stream.linear.scatter [tilespmem:s5], [sflag:$0x4], $0x8000, $0x38;
	[tilespmem:$0x1E400] =	vst v63  }
0x30d: {  	_ =	swait.ge [sflag:s11], $0x8000  }
0x30e: {  	s0 =	sld [smem:$0x7F5]  }
0x30f: {  	[sflag:s11] =	ssyncset.done $0x0  }
0x310: {  	[sflag:s11] =	ssyncadd.s32 $0xFFFF8000  }
0x311: {  	[tilespmem:s12], [sflag:$0x3] =	stream.indirect.gather [hbm4b:s3+s6], $0x40, s0, s6, $0xb8;
	[tilespmem:$0x1E400] =	vst v63  }
0x312: {  	_ =	swait.ge [sflag:s10], $0x8000  }
0x313: {  	[sflag:s10] =	ssyncset.done $0x0  }
0x314: {  	s0 =	rddreg [dreg:$0x1c];
	[sflag:s10] =	ssyncadd.s32 $0xFFFF8000  }
0x315: {  	[hbm4b:s0+s2] =	stream.linear.scatter [tilespmem:s4], [sflag:$0x5], $0x8000, $0x38;
	[tilespmem:$0x1E400] =	vst v63  }
0x316: {  	_ =	swait.ge [sflag:s7], $0x8000  }
0x317: {  	s0 =	sld [smem:$0x7F6]  }
0x318: {  	[sflag:s7] =	ssyncset.done $0x0  }
0x319: {  	[sflag:s7] =	ssyncadd.s32 $0xFFFF8000  }
0x31a: {  	[tilespmem:s5], [sflag:$0x1] =	stream.indirect.gather [hbm4b:s3+s6], $0x40, s0, s6, $0xb8;
	[tilespmem:$0x1E400] =	vst v63  }
0x31b: {  	_ =	swait.ge [sflag:s13], $0x8000  }
0x31c: {  	[sflag:s13] =	ssyncset.done $0x0  }
0x31d: {  	s0 =	rddreg [dreg:$0x1d];
	[sflag:s13] =	ssyncadd.s32 $0xFFFF8000  }
0x31e: {  	[hbm4b:s0+s2] =	stream.linear.scatter [tilespmem:s12], [sflag:$0x6], $0x8000, $0x38;
	[tilespmem:$0x1E400] =	vst v63  }
0x31f: {  	_ =	swait.ge [sflag:s9], $0x8000  }
0x320: {  	s0 =	sld [smem:$0x7F7]  }
0x321: {  	[sflag:s9] =	ssyncset.done $0x0  }
0x322: {  	[sflag:s9] =	ssyncadd.s32 $0xFFFF8000  }
0x323: {  	[tilespmem:s4], [sflag:$0x2] =	stream.indirect.gather [hbm4b:s3+s6], $0x40, s0, s6, $0xb8;
	[tilespmem:$0x1E400] =	vst v63  }
0x324: {  	_ =	swait.ge [sflag:s8], $0x8000  }
0x325: {  	[sflag:s8] =	ssyncset.done $0x0  }
0x326: {  	s0 =	rddreg [dreg:$0x1e];
	[sflag:s8] =	ssyncadd.s32 $0xFFFF8000  }
0x327: {  	[hbm4b:s0+s2] =	stream.linear.scatter [tilespmem:s5], [sflag:$0x4], $0x8000, $0x38;
	[tilespmem:$0x1E400] =	vst v63  }
0x328: {  	_ =	swait.ge [sflag:s11], $0x8000  }
0x329: {  	s0 =	sld [smem:$0x7F8]  }
0x32a: {  	[sflag:s11] =	ssyncset.done $0x0  }
0x32b: {  	[sflag:s11] =	ssyncadd.s32 $0xFFFF8000  }
0x32c: {  	[tilespmem:s12], [sflag:$0x3] =	stream.indirect.gather [hbm4b:s3+s6], $0x40, s0, s6, $0xb8;
	[tilespmem:$0x1E400] =	vst v63  }
0x32d: {  	_ =	swait.ge [sflag:s10], $0x8000  }
0x32e: {  	[sflag:s10] =	ssyncset.done $0x0  }
0x32f: {  	s0 =	rddreg [dreg:$0x1f];
	[sflag:s10] =	ssyncadd.s32 $0xFFFF8000  }
0x330: {  	[hbm4b:s0+s2] =	stream.linear.scatter [tilespmem:s4], [sflag:$0x5], $0x8000, $0x38;
	[tilespmem:$0x1E400] =	vst v63  }
0x331: {  	_ =	swait.ge [sflag:s7], $0x8000  }
0x332: {  	s0 =	sld [smem:$0x7F9]  }
0x333: {  	[sflag:s7] =	ssyncset.done $0x0  }
0x334: {  	[sflag:s7] =	ssyncadd.s32 $0xFFFF8000  }
0x335: {  	[tilespmem:s5], [sflag:$0x1] =	stream.indirect.gather [hbm4b:s3+s6], $0x40, s0, s6, $0xb8;
	[tilespmem:$0x1E400] =	vst v63  }
0x336: {  	_ =	swait.ge [sflag:s13], $0x8000  }
0x337: {  	s0 =	sld [smem:$0x7C8]  }
0x338: {  	[sflag:s13] =	ssyncset.done $0x0  }
0x339: {  	[sflag:s13] =	ssyncadd.s32 $0xFFFF8000  }
0x33a: {  	[hbm4b:s0+s2] =	stream.linear.scatter [tilespmem:s12], [sflag:$0x6], $0x8000, $0x38;
	[tilespmem:$0x1E400] =	vst v63  }
0x33b: {  	_ =	swait.ge [sflag:s9], $0x8000  }
0x33c: {  	s0 =	sld [smem:$0x7FA]  }
0x33d: {  	[sflag:s9] =	ssyncset.done $0x0  }
0x33e: {  	[sflag:s9] =	ssyncadd.s32 $0xFFFF8000  }
0x33f: {  	[tilespmem:s4], [sflag:$0x2] =	stream.indirect.gather [hbm4b:s3+s6], $0x40, s0, s6, $0xb8;
	[tilespmem:$0x1E400] =	vst v63  }
0x340: {  	_ =	swait.ge [sflag:s8], $0x8000  }
0x341: {  	s0 =	sld [smem:$0x7C9]  }
0x342: {  	[sflag:s8] =	ssyncset.done $0x0  }
0x343: {  	[sflag:s8] =	ssyncadd.s32 $0xFFFF8000  }
0x344: {  	[hbm4b:s0+s2] =	stream.linear.scatter [tilespmem:s5], [sflag:$0x4], $0x8000, $0x38;
	[tilespmem:$0x1E400] =	vst v63  }
0x345: {  	_ =	swait.ge [sflag:s11], $0x8000  }
0x346: {  	s0 =	sld [smem:$0x7FB]  }
0x347: {  	[sflag:s11] =	ssyncset.done $0x0  }
0x348: {  	[sflag:s11] =	ssyncadd.s32 $0xFFFF8000  }
0x349: {  	[tilespmem:s12], [sflag:$0x3] =	stream.indirect.gather [hbm4b:s3+s6], $0x40, s0, s6, $0xb8;
	[tilespmem:$0x1E400] =	vst v63  }
0x34a: {  	_ =	swait.ge [sflag:s10], $0x8000  }
0x34b: {  	s0 =	sld [smem:$0x7CA]  }
0x34c: {  	[sflag:s10] =	ssyncset.done $0x0  }
0x34d: {  	[sflag:s10] =	ssyncadd.s32 $0xFFFF8000  }
0x34e: {  	[hbm4b:s0+s2] =	stream.linear.scatter [tilespmem:s4], [sflag:$0x5], $0x8000, $0x38;
	[tilespmem:$0x1E400] =	vst v63  }
0x34f: {  	_ =	swait.ge [sflag:s7], $0x8000  }
0x350: {  	s0 =	sld [smem:$0x7FC]  }
0x351: {  	[sflag:s7] =	ssyncset.done $0x0  }
0x352: {  	[sflag:s7] =	ssyncadd.s32 $0xFFFF8000  }
0x353: {  	[tilespmem:s5], [sflag:$0x1] =	stream.indirect.gather [hbm4b:s3+s6], $0x40, s0, s6, $0xb8;
	[tilespmem:$0x1E400] =	vst v63  }
0x354: {  	_ =	swait.ge [sflag:s13], $0x8000  }
0x355: {  	s0 =	sld [smem:$0x7CB]  }
0x356: {  	[sflag:s13] =	ssyncset.done $0x0  }
0x357: {  	[sflag:s13] =	ssyncadd.s32 $0xFFFF8000  }
0x358: {  	[hbm4b:s0+s2] =	stream.linear.scatter [tilespmem:s12], [sflag:$0x6], $0x8000, $0x38;
	[tilespmem:$0x1E400] =	vst v63  }
0x359: {  	_ =	swait.ge [sflag:s9], $0x8000  }
0x35a: {  	s0 =	sld [smem:$0x7FD]  }
0x35b: {  	[sflag:s9] =	ssyncset.done $0x0  }
0x35c: {  	[sflag:s9] =	ssyncadd.s32 $0xFFFF8000  }
0x35d: {  	[tilespmem:s4], [sflag:$0x2] =	stream.indirect.gather [hbm4b:s3+s6], $0x40, s0, s6, $0xb8;
	[tilespmem:$0x1E400] =	vst v63  }
0x35e: {  	_ =	swait.ge [sflag:s8], $0x8000  }
0x35f: {  	s0 =	sld [smem:$0x7CC]  }
0x360: {  	[sflag:s8] =	ssyncset.done $0x0  }
0x361: {  	[sflag:s8] =	ssyncadd.s32 $0xFFFF8000  }
0x362: {  	[hbm4b:s0+s2] =	stream.linear.scatter [tilespmem:s5], [sflag:$0x4], $0x8000, $0x38;
	[tilespmem:$0x1E400] =	vst v63  }
0x363: {  	_ =	swait.ge [sflag:s11], $0x8000  }
0x364: {  	[sflag:s11] =	ssyncset.done $0x0  }
0x365: {  	[sflag:s11] =	ssyncadd.s32 $0xFFFF8000  }
0x366: {  	[tilespmem:s12], [sflag:$0x3] =	stream.indirect.gather [hbm4b:s3+s6], $0x40, s29, s6, $0xb8;
	[tilespmem:$0x1E400] =	vst v63  }
0x367: {  	_ =	swait.ge [sflag:s10], $0x8000  }
0x368: {  	s0 =	sld [smem:$0x7CD]  }
0x369: {  	[sflag:s10] =	ssyncset.done $0x0  }
0x36a: {  	[sflag:s10] =	ssyncadd.s32 $0xFFFF8000  }
0x36b: {  	[hbm4b:s0+s2] =	stream.linear.scatter [tilespmem:s4], [sflag:$0x5], $0x8000, $0x38;
	[tilespmem:$0x1E400] =	vst v63  }
0x36c: {  	_ =	swait.ge [sflag:s7], $0x8000  }
0x36d: {  	[sflag:s7] =	ssyncset.done $0x0  }
0x36e: {  	[sflag:s7] =	ssyncadd.s32 $0xFFFF8000  }
0x36f: {  	[tilespmem:s5], [sflag:$0x1] =	stream.indirect.gather [hbm4b:s3+s6], $0x40, s28, s6, $0xb8;
	[tilespmem:$0x1E400] =	vst v63  }
0x370: {  	_ =	swait.ge [sflag:s13], $0x8000  }
0x371: {  	s0 =	sld [smem:$0x7CE]  }
0x372: {  	[sflag:s13] =	ssyncset.done $0x0  }
0x373: {  	[sflag:s13] =	ssyncadd.s32 $0xFFFF8000  }
0x374: {  	[hbm4b:s0+s2] =	stream.linear.scatter [tilespmem:s12], [sflag:$0x6], $0x8000, $0x38;
	[tilespmem:$0x1E400] =	vst v63  }
0x375: {  	_ =	swait.ge [sflag:s9], $0x8000  }
0x376: {  	[sflag:s9] =	ssyncset.done $0x0  }
0x377: {  	[sflag:s9] =	ssyncadd.s32 $0xFFFF8000  }
0x378: {  	[tilespmem:s4], [sflag:$0x2] =	stream.indirect.gather [hbm4b:s3+s6], $0x40, s26, s6, $0xb8;
	[tilespmem:$0x1E400] =	vst v63  }
0x379: {  	_ =	swait.ge [sflag:s8], $0x8000  }
0x37a: {  	s0 =	sld [smem:$0x7CF]  }
0x37b: {  	[sflag:s8] =	ssyncset.done $0x0  }
0x37c: {  	[sflag:s8] =	ssyncadd.s32 $0xFFFF8000  }
0x37d: {  	[hbm4b:s0+s2] =	stream.linear.scatter [tilespmem:s5], [sflag:$0x4], $0x8000, $0x38;
	[tilespmem:$0x1E400] =	vst v63  }
0x37e: {  	_ =	swait.ge [sflag:s11], $0x8000  }
0x37f: {  	[sflag:s11] =	ssyncset.done $0x0  }
0x380: {  	[sflag:s11] =	ssyncadd.s32 $0xFFFF8000  }
0x381: {  	[tilespmem:s12], [sflag:$0x3] =	stream.indirect.gather [hbm4b:s3+s6], $0x40, s25, s6, $0xb8;
	[tilespmem:$0x1E400] =	vst v63  }
0x382: {  	_ =	swait.ge [sflag:s10], $0x8000  }
0x383: {  	s0 =	sld [smem:$0x7D0]  }
0x384: {  	[sflag:s10] =	ssyncset.done $0x0  }
0x385: {  	[sflag:s10] =	ssyncadd.s32 $0xFFFF8000  }
0x386: {  	[hbm4b:s0+s2] =	stream.linear.scatter [tilespmem:s4], [sflag:$0x5], $0x8000, $0x38;
	[tilespmem:$0x1E400] =	vst v63  }
0x387: {  	_ =	swait.ge [sflag:s7], $0x8000  }
0x388: {  	[sflag:s7] =	ssyncset.done $0x0  }
0x389: {  	[sflag:s7] =	ssyncadd.s32 $0xFFFF8000  }
0x38a: {  	[tilespmem:s5], [sflag:$0x1] =	stream.indirect.gather [hbm4b:s3+s6], $0x40, s24, s6, $0xb8;
	[tilespmem:$0x1E400] =	vst v63  }
0x38b: {  	_ =	swait.ge [sflag:s13], $0x8000  }
0x38c: {  	s0 =	sld [smem:$0x7D1]  }
0x38d: {  	[sflag:s13] =	ssyncset.done $0x0  }
0x38e: {  	[sflag:s13] =	ssyncadd.s32 $0xFFFF8000  }
0x38f: {  	[hbm4b:s0+s2] =	stream.linear.scatter [tilespmem:s12], [sflag:$0x6], $0x8000, $0x38;
	[tilespmem:$0x1E400] =	vst v63  }
0x390: {  	_ =	swait.ge [sflag:s9], $0x8000  }
0x391: {  	[sflag:s9] =	ssyncset.done $0x0  }
0x392: {  	[sflag:s9] =	ssyncadd.s32 $0xFFFF8000  }
0x393: {  	[tilespmem:s4], [sflag:$0x2] =	stream.indirect.gather [hbm4b:s3+s6], $0x40, s23, s6, $0xb8;
	[tilespmem:$0x1E400] =	vst v63  }
0x394: {  	_ =	swait.ge [sflag:s8], $0x8000  }
0x395: {  	s0 =	sld [smem:$0x7D2]  }
0x396: {  	[sflag:s8] =	ssyncset.done $0x0  }
0x397: {  	[sflag:s8] =	ssyncadd.s32 $0xFFFF8000  }
0x398: {  	[hbm4b:s0+s2] =	stream.linear.scatter [tilespmem:s5], [sflag:$0x4], $0x8000, $0x38;
	[tilespmem:$0x1E400] =	vst v63  }
0x399: {  	_ =	swait.ge [sflag:s11], $0x8000  }
0x39a: {  	[sflag:s11] =	ssyncset.done $0x0  }
0x39b: {  	[sflag:s11] =	ssyncadd.s32 $0xFFFF8000  }
0x39c: {  	[tilespmem:s12], [sflag:$0x3] =	stream.indirect.gather [hbm4b:s3+s6], $0x40, s22, s6, $0xb8;
	[tilespmem:$0x1E400] =	vst v63  }
0x39d: {  	_ =	swait.ge [sflag:s10], $0x8000  }
0x39e: {  	s0 =	sld [smem:$0x7D3]  }
0x39f: {  	[sflag:s10] =	ssyncset.done $0x0  }
0x3a0: {  	[sflag:s10] =	ssyncadd.s32 $0xFFFF8000  }
0x3a1: {  	[hbm4b:s0+s2] =	stream.linear.scatter [tilespmem:s4], [sflag:$0x5], $0x8000, $0x38;
	[tilespmem:$0x1E400] =	vst v63  }
0x3a2: {  	_ =	swait.ge [sflag:s7], $0x8000  }
0x3a3: {  	[sflag:s7] =	ssyncset.done $0x0  }
0x3a4: {  	[sflag:s7] =	ssyncadd.s32 $0xFFFF8000  }
0x3a5: {  	[tilespmem:s5], [sflag:$0x1] =	stream.indirect.gather [hbm4b:s3+s6], $0x40, s21, s6, $0xb8;
	[tilespmem:$0x1E400] =	vst v63  }
0x3a6: {  	_ =	swait.ge [sflag:s13], $0x8000  }
0x3a7: {  	s0 =	sld [smem:$0x7D4]  }
0x3a8: {  	[sflag:s13] =	ssyncset.done $0x0  }
0x3a9: {  	[sflag:s13] =	ssyncadd.s32 $0xFFFF8000  }
0x3aa: {  	[hbm4b:s0+s2] =	stream.linear.scatter [tilespmem:s12], [sflag:$0x6], $0x8000, $0x38;
	[tilespmem:$0x1E400] =	vst v63  }
0x3ab: {  	_ =	swait.ge [sflag:s9], $0x8000  }
0x3ac: {  	[sflag:s9] =	ssyncset.done $0x0  }
0x3ad: {  	[sflag:s9] =	ssyncadd.s32 $0xFFFF8000  }
0x3ae: {  	[tilespmem:s4], [sflag:$0x2] =	stream.indirect.gather [hbm4b:s3+s6], $0x40, s20, s6, $0xb8;
	[tilespmem:$0x1E400] =	vst v63  }
0x3af: {  	_ =	swait.ge [sflag:s8], $0x8000  }
0x3b0: {  	s0 =	sld [smem:$0x7D5]  }
0x3b1: {  	[sflag:s8] =	ssyncset.done $0x0  }
0x3b2: {  	[sflag:s8] =	ssyncadd.s32 $0xFFFF8000  }
0x3b3: {  	[hbm4b:s0+s2] =	stream.linear.scatter [tilespmem:s5], [sflag:$0x4], $0x8000, $0x38;
	[tilespmem:$0x1E400] =	vst v63  }
0x3b4: {  	_ =	swait.ge [sflag:s11], $0x8000  }
0x3b5: {  	[sflag:s11] =	ssyncset.done $0x0  }
0x3b6: {  	[sflag:s11] =	ssyncadd.s32 $0xFFFF8000  }
0x3b7: {  	[tilespmem:s12], [sflag:$0x3] =	stream.indirect.gather [hbm4b:s3+s6], $0x40, s19, s6, $0xb8;
	[tilespmem:$0x1E400] =	vst v63  }
0x3b8: {  	_ =	swait.ge [sflag:s10], $0x8000  }
0x3b9: {  	s0 =	sld [smem:$0x7D6]  }
0x3ba: {  	[sflag:s10] =	ssyncset.done $0x0  }
0x3bb: {  	[sflag:s10] =	ssyncadd.s32 $0xFFFF8000  }
0x3bc: {  	[hbm4b:s0+s2] =	stream.linear.scatter [tilespmem:s4], [sflag:$0x5], $0x8000, $0x38;
	[tilespmem:$0x1E400] =	vst v63  }
0x3bd: {  	_ =	swait.ge [sflag:s7], $0x8000  }
0x3be: {  	[sflag:s7] =	ssyncset.done $0x0  }
0x3bf: {  	[sflag:s7] =	ssyncadd.s32 $0xFFFF8000  }
0x3c0: {  	[tilespmem:s5], [sflag:$0x1] =	stream.indirect.gather [hbm4b:s3+s6], $0x40, s18, s6, $0xb8;
	[tilespmem:$0x1E400] =	vst v63  }
0x3c1: {  	_ =	swait.ge [sflag:s13], $0x8000  }
0x3c2: {  	s0 =	sld [smem:$0x7D7]  }
0x3c3: {  	[sflag:s13] =	ssyncset.done $0x0  }
0x3c4: {  	[sflag:s13] =	ssyncadd.s32 $0xFFFF8000  }
0x3c5: {  	[hbm4b:s0+s2] =	stream.linear.scatter [tilespmem:s12], [sflag:$0x6], $0x8000, $0x38;
	[tilespmem:$0x1E400] =	vst v63  }
0x3c6: {  	_ =	swait.ge [sflag:s9], $0x8000  }
0x3c7: {  	[sflag:s9] =	ssyncset.done $0x0  }
0x3c8: {  	[sflag:s9] =	ssyncadd.s32 $0xFFFF8000  }
0x3c9: {  	[tilespmem:s4], [sflag:$0x2] =	stream.indirect.gather [hbm4b:s3+s6], $0x40, s17, s6, $0xb8;
	[tilespmem:$0x1E400] =	vst v63  }
0x3ca: {  	_ =	swait.ge [sflag:s8], $0x8000  }
0x3cb: {  	s0 =	sld [smem:$0x7D8]  }
0x3cc: {  	[sflag:s8] =	ssyncset.done $0x0  }
0x3cd: {  	[sflag:s8] =	ssyncadd.s32 $0xFFFF8000  }
0x3ce: {  	[hbm4b:s0+s2] =	stream.linear.scatter [tilespmem:s5], [sflag:$0x4], $0x8000, $0x38;
	[tilespmem:$0x1E400] =	vst v63  }
0x3cf: {  	_ =	swait.ge [sflag:s11], $0x8000  }
0x3d0: {  	[sflag:s11] =	ssyncset.done $0x0  }
0x3d1: {  	[sflag:s11] =	ssyncadd.s32 $0xFFFF8000  }
0x3d2: {  	[tilespmem:s12], [sflag:$0x3] =	stream.indirect.gather [hbm4b:s3+s6], $0x40, s16, s6, $0xb8;
	[tilespmem:$0x1E400] =	vst v63  }
0x3d3: {  	_ =	swait.ge [sflag:s10], $0x8000  }
0x3d4: {  	s0 =	sld [smem:$0x7D9]  }
0x3d5: {  	[sflag:s10] =	ssyncset.done $0x0  }
0x3d6: {  	[sflag:s10] =	ssyncadd.s32 $0xFFFF8000  }
0x3d7: {  	[hbm4b:s0+s2] =	stream.linear.scatter [tilespmem:s4], [sflag:$0x5], $0x8000, $0x38;
	[tilespmem:$0x1E400] =	vst v63  }
0x3d8: {  	_ =	swait.ge [sflag:s7], $0x8000  }
0x3d9: {  	[sflag:s7] =	ssyncset.done $0x0  }
0x3da: {  	[sflag:s7] =	ssyncadd.s32 $0xFFFF8000  }
0x3db: {  	[tilespmem:s5], [sflag:$0x1] =	stream.indirect.gather [hbm4b:s3+s6], $0x40, s15, s6, $0xb8;
	[tilespmem:$0x1E400] =	vst v63  }
0x3dc: {  	_ =	swait.ge [sflag:s13], $0x8000  }
0x3dd: {  	s0 =	sld [smem:$0x7DA]  }
0x3de: {  	[sflag:s13] =	ssyncset.done $0x0  }
0x3df: {  	[sflag:s13] =	ssyncadd.s32 $0xFFFF8000  }
0x3e0: {  	[hbm4b:s0+s2] =	stream.linear.scatter [tilespmem:s12], [sflag:$0x6], $0x8000, $0x38;
	[tilespmem:$0x1E400] =	vst v63  }
0x3e1: {  	_ =	swait.ge [sflag:s9], $0x8000  }
0x3e2: {  	[sflag:s9] =	ssyncset.done $0x0  }
0x3e3: {  	[sflag:s9] =	ssyncadd.s32 $0xFFFF8000  }
0x3e4: {  	[tilespmem:s4], [sflag:$0x2] =	stream.indirect.gather [hbm4b:s3+s6], $0x40, s14, s6, $0xb8;
	[tilespmem:$0x1E400] =	vst v63  }
0x3e5: {  	_ =	swait.ge [sflag:s8], $0x8000  }
0x3e6: {  	s0 =	sld [smem:$0x7DB]  }
0x3e7: {  	[sflag:s8] =	ssyncset.done $0x0  }
0x3e8: {  	[sflag:s8] =	ssyncadd.s32 $0xFFFF8000  }
0x3e9: {  	[hbm4b:s0+s2] =	stream.linear.scatter [tilespmem:s5], [sflag:$0x4], $0x8000, $0x38;
	[tilespmem:$0x1E400] =	vst v63  }
0x3ea: {  	_ =	swait.ge [sflag:s10], $0x8000  }
0x3eb: {  	s0 =	sld [smem:$0x7DC]  }
0x3ec: {  	[sflag:s10] =	ssyncset.done $0x0  }
0x3ed: {  	[sflag:s10] =	ssyncadd.s32 $0xFFFF8000  }
0x3ee: {  	[hbm4b:s0+s2] =	stream.linear.scatter [tilespmem:s4], [sflag:$0x5], $0x8000, $0x38;
	[tilespmem:$0x1E400] =	vst v63  }
0x3ef: {  	_ =	swait.ge [sflag:s11], $0x8000  }
0x3f0: {  	[sflag:s11] =	ssyncset.done $0x0  }
0x3f1: {  	p1 =	sne.s32 s1, $0x1;
	[sflag:s11] =	ssyncadd.s32 $0xFFFF8000  }
.Ltmp2:
0x3f2: {  	_ =	swait.ge [sflag:s7], $0x8000;
	(pc) =	sbr.rel @p1 .LBB2_2-.Ltmp2, $4  }
0x3f3: {  	[sflag:s7] =	ssyncset.done $0x0  }
0x3f4: {  	[sflag:s7] =	ssyncadd.s32 $0xFFFF8000  }
0x3f5: {  	_ =	swait.ge [sflag:s9], $0x8000  }
0x3f6: {  	s1 =	sadd.s32 $0xFFFFFFFF, s1;
	s0 =	rddreg [dreg:$0x3];
	[sflag:s9] =	ssyncset.done $0x0  }
.LBB2_3:
0x3f7: {  	[sflag:s9] =	ssyncadd.s32 @p0 $0xFFFF8000  }
0x3f8: {  	[tilespmem:s2], [sflag:$0x7] =	stream.linear.gather [hbm4b:s0+s2], $0x6400, $0x38;
	[tilespmem:$0x1E400] =	vst v63  }
0x3f9: {  	_ =	swait.ge [sflag:s31], $0x6400  }
0x3fa: {  	[sflag:s31] =	ssyncset.done $0x0  }
0x3fb: {  	[sflag:s31] =	ssyncadd.s32 $0xFFFF9C00  }
0x3fc: {  	[tilespmem:s5], [sflag:$0x1] =	stream.indirect.gather [hbm4b:s3+s6], $0x40, s2, s6, $0xb8;
	[tilespmem:$0x1E400] =	vst v63  }
0x3fd: {  	_ = 	snop  }
0x3fe: {  	[tilespmem:s4], [sflag:$0x2] =	stream.indirect.gather [hbm4b:s3+s6], $0x40, s6, s6, $0xb8;
	[tilespmem:$0x1E400] =	vst v63  }
0x3ff: {  	_ =	swait.ge [sflag:s8], $0x8000  }
0x400: {  	[sflag:s8] =	ssyncset.done $0x0  }
0x401: {  	s31 =	sld [smem:$0x7DD];
	[sflag:s8] =	ssyncadd.s32 $0xFFFF8000  }
0x402: {  	[hbm4b:s30+s2] =	stream.linear.scatter [tilespmem:s5], [sflag:$0x4], $0x8000, $0x38;
	[tilespmem:$0x1E400] =	vst v63  }
0x403: {  	_ = 	snop  }
0x404: {  	[tilespmem:s12], [sflag:$0x3] =	stream.indirect.gather [hbm4b:s3+s6], $0x40, s31, s6, $0xb8;
	[tilespmem:$0x1E400] =	vst v63  }
0x405: {  	_ =	swait.ge [sflag:s10], $0x8000  }
0x406: {  	[sflag:s10] =	ssyncset.done $0x0  }
0x407: {  	s1 =	rddreg [dreg:$0x4];
	[sflag:s10] =	ssyncadd.s32 $0xFFFF8000  }
0x408: {  	[hbm4b:s1+s2] =	stream.linear.scatter [tilespmem:s4], [sflag:$0x5], $0x8000, $0x38;
	[tilespmem:$0x1E400] =	vst v63  }
0x409: {  	_ =	swait.ge [sflag:s7], $0x8000  }
0x40a: {  	s30 =	sld [smem:$0x7DE]  }
0x40b: {  	[sflag:s7] =	ssyncset.done $0x0  }
0x40c: {  	[sflag:s7] =	ssyncadd.s32 $0xFFFF8000  }
0x40d: {  	[tilespmem:s5], [sflag:$0x1] =	stream.indirect.gather [hbm4b:s3+s6], $0x40, s30, s6, $0xb8;
	[tilespmem:$0x1E400] =	vst v63  }
0x40e: {  	_ =	swait.ge [sflag:s13], $0x8000  }
0x40f: {  	[sflag:s13] =	ssyncset.done $0x0  }
0x410: {  	s31 =	rddreg [dreg:$0x5];
	[sflag:s13] =	ssyncadd.s32 $0xFFFF8000  }
0x411: {  	[hbm4b:s31+s2] =	stream.linear.scatter [tilespmem:s12], [sflag:$0x6], $0x8000, $0x38;
	[tilespmem:$0x1E400] =	vst v63  }
0x412: {  	_ =	swait.ge [sflag:s9], $0x8000  }
0x413: {  	s1 =	sld [smem:$0x7DF]  }
0x414: {  	[sflag:s9] =	ssyncset.done $0x0  }
0x415: {  	[sflag:s9] =	ssyncadd.s32 $0xFFFF8000  }
0x416: {  	[tilespmem:s4], [sflag:$0x2] =	stream.indirect.gather [hbm4b:s3+s6], $0x40, s1, s6, $0xb8;
	[tilespmem:$0x1E400] =	vst v63  }
0x417: {  	_ =	swait.ge [sflag:s8], $0x8000  }
0x418: {  	[sflag:s8] =	ssyncset.done $0x0  }
0x419: {  	s30 =	rddreg [dreg:$0x6];
	[sflag:s8] =	ssyncadd.s32 $0xFFFF8000  }
0x41a: {  	[hbm4b:s30+s2] =	stream.linear.scatter [tilespmem:s5], [sflag:$0x4], $0x8000, $0x38;
	[tilespmem:$0x1E400] =	vst v63  }
0x41b: {  	_ =	swait.ge [sflag:s11], $0x8000  }
0x41c: {  	s31 =	sld [smem:$0x7E0]  }
0x41d: {  	[sflag:s11] =	ssyncset.done $0x0  }
0x41e: {  	[sflag:s11] =	ssyncadd.s32 $0xFFFF8000  }
0x41f: {  	[tilespmem:s12], [sflag:$0x3] =	stream.indirect.gather [hbm4b:s3+s6], $0x40, s31, s6, $0xb8;
	[tilespmem:$0x1E400] =	vst v63  }
0x420: {  	_ =	swait.ge [sflag:s10], $0x8000  }
0x421: {  	[sflag:s10] =	ssyncset.done $0x0  }
0x422: {  	s1 =	rddreg [dreg:$0x7];
	[sflag:s10] =	ssyncadd.s32 $0xFFFF8000  }
0x423: {  	[hbm4b:s1+s2] =	stream.linear.scatter [tilespmem:s4], [sflag:$0x5], $0x8000, $0x38;
	[tilespmem:$0x1E400] =	vst v63  }
0x424: {  	_ =	swait.ge [sflag:s7], $0x8000  }
0x425: {  	s30 =	sld [smem:$0x7E1]  }
0x426: {  	[sflag:s7] =	ssyncset.done $0x0  }
0x427: {  	[sflag:s7] =	ssyncadd.s32 $0xFFFF8000  }
0x428: {  	[tilespmem:s5], [sflag:$0x1] =	stream.indirect.gather [hbm4b:s3+s6], $0x40, s30, s6, $0xb8;
	[tilespmem:$0x1E400] =	vst v63  }
0x429: {  	_ =	swait.ge [sflag:s13], $0x8000  }
0x42a: {  	[sflag:s13] =	ssyncset.done $0x0  }
0x42b: {  	s31 =	rddreg [dreg:$0x8];
	[sflag:s13] =	ssyncadd.s32 $0xFFFF8000  }
0x42c: {  	[hbm4b:s31+s2] =	stream.linear.scatter [tilespmem:s12], [sflag:$0x6], $0x8000, $0x38;
	[tilespmem:$0x1E400] =	vst v63  }
0x42d: {  	_ =	swait.ge [sflag:s9], $0x8000  }
0x42e: {  	s1 =	sld [smem:$0x7E2]  }
0x42f: {  	[sflag:s9] =	ssyncset.done $0x0  }
0x430: {  	[sflag:s9] =	ssyncadd.s32 $0xFFFF8000  }
0x431: {  	[tilespmem:s4], [sflag:$0x2] =	stream.indirect.gather [hbm4b:s3+s6], $0x40, s1, s6, $0xb8;
	[tilespmem:$0x1E400] =	vst v63  }
0x432: {  	_ =	swait.ge [sflag:s8], $0x8000  }
0x433: {  	[sflag:s8] =	ssyncset.done $0x0  }
0x434: {  	s30 =	rddreg [dreg:$0x9];
	[sflag:s8] =	ssyncadd.s32 $0xFFFF8000  }
0x435: {  	[hbm4b:s30+s2] =	stream.linear.scatter [tilespmem:s5], [sflag:$0x4], $0x8000, $0x38;
	[tilespmem:$0x1E400] =	vst v63  }
0x436: {  	_ =	swait.ge [sflag:s11], $0x8000  }
0x437: {  	s31 =	sld [smem:$0x7E3]  }
0x438: {  	[sflag:s11] =	ssyncset.done $0x0  }
0x439: {  	[sflag:s11] =	ssyncadd.s32 $0xFFFF8000  }
0x43a: {  	[tilespmem:s12], [sflag:$0x3] =	stream.indirect.gather [hbm4b:s3+s6], $0x40, s31, s6, $0xb8;
	[tilespmem:$0x1E400] =	vst v63  }
0x43b: {  	_ =	swait.ge [sflag:s10], $0x8000  }
0x43c: {  	[sflag:s10] =	ssyncset.done $0x0  }
0x43d: {  	s1 =	rddreg [dreg:$0xa];
	[sflag:s10] =	ssyncadd.s32 $0xFFFF8000  }
0x43e: {  	[hbm4b:s1+s2] =	stream.linear.scatter [tilespmem:s4], [sflag:$0x5], $0x8000, $0x38;
	[tilespmem:$0x1E400] =	vst v63  }
0x43f: {  	_ =	swait.ge [sflag:s7], $0x8000  }
0x440: {  	s30 =	sld [smem:$0x7E4]  }
0x441: {  	[sflag:s7] =	ssyncset.done $0x0  }
0x442: {  	[sflag:s7] =	ssyncadd.s32 $0xFFFF8000  }
0x443: {  	[tilespmem:s5], [sflag:$0x1] =	stream.indirect.gather [hbm4b:s3+s6], $0x40, s30, s6, $0xb8;
	[tilespmem:$0x1E400] =	vst v63  }
0x444: {  	_ =	swait.ge [sflag:s13], $0x8000  }
0x445: {  	[sflag:s13] =	ssyncset.done $0x0  }
0x446: {  	s31 =	rddreg [dreg:$0xb];
	[sflag:s13] =	ssyncadd.s32 $0xFFFF8000  }
0x447: {  	[hbm4b:s31+s2] =	stream.linear.scatter [tilespmem:s12], [sflag:$0x6], $0x8000, $0x38;
	[tilespmem:$0x1E400] =	vst v63  }
0x448: {  	_ =	swait.ge [sflag:s9], $0x8000  }
0x449: {  	s1 =	sld [smem:$0x7E5]  }
0x44a: {  	[sflag:s9] =	ssyncset.done $0x0  }
0x44b: {  	[sflag:s9] =	ssyncadd.s32 $0xFFFF8000  }
0x44c: {  	[tilespmem:s4], [sflag:$0x2] =	stream.indirect.gather [hbm4b:s3+s6], $0x40, s1, s6, $0xb8;
	[tilespmem:$0x1E400] =	vst v63  }
0x44d: {  	_ =	swait.ge [sflag:s8], $0x8000  }
0x44e: {  	[sflag:s8] =	ssyncset.done $0x0  }
0x44f: {  	s30 =	rddreg [dreg:$0xc];
	[sflag:s8] =	ssyncadd.s32 $0xFFFF8000  }
0x450: {  	[hbm4b:s30+s2] =	stream.linear.scatter [tilespmem:s5], [sflag:$0x4], $0x8000, $0x38;
	[tilespmem:$0x1E400] =	vst v63  }
0x451: {  	_ =	swait.ge [sflag:s11], $0x8000  }
0x452: {  	s31 =	sld [smem:$0x7E6]  }
0x453: {  	[sflag:s11] =	ssyncset.done $0x0  }
0x454: {  	[sflag:s11] =	ssyncadd.s32 $0xFFFF8000  }
0x455: {  	[tilespmem:s12], [sflag:$0x3] =	stream.indirect.gather [hbm4b:s3+s6], $0x40, s31, s6, $0xb8;
	[tilespmem:$0x1E400] =	vst v63  }
0x456: {  	_ =	swait.ge [sflag:s10], $0x8000  }
0x457: {  	[sflag:s10] =	ssyncset.done $0x0  }
0x458: {  	s1 =	rddreg [dreg:$0xd];
	[sflag:s10] =	ssyncadd.s32 $0xFFFF8000  }
0x459: {  	[hbm4b:s1+s2] =	stream.linear.scatter [tilespmem:s4], [sflag:$0x5], $0x8000, $0x38;
	[tilespmem:$0x1E400] =	vst v63  }
0x45a: {  	_ =	swait.ge [sflag:s7], $0x8000  }
0x45b: {  	s30 =	sld [smem:$0x7E7]  }
0x45c: {  	[sflag:s7] =	ssyncset.done $0x0  }
0x45d: {  	[sflag:s7] =	ssyncadd.s32 $0xFFFF8000  }
0x45e: {  	[tilespmem:s5], [sflag:$0x1] =	stream.indirect.gather [hbm4b:s3+s6], $0x40, s30, s6, $0xb8;
	[tilespmem:$0x1E400] =	vst v63  }
0x45f: {  	_ =	swait.ge [sflag:s13], $0x8000  }
0x460: {  	[sflag:s13] =	ssyncset.done $0x0  }
0x461: {  	s31 =	rddreg [dreg:$0xe];
	[sflag:s13] =	ssyncadd.s32 $0xFFFF8000  }
0x462: {  	[hbm4b:s31+s2] =	stream.linear.scatter [tilespmem:s12], [sflag:$0x6], $0x8000, $0x38;
	[tilespmem:$0x1E400] =	vst v63  }
0x463: {  	_ =	swait.ge [sflag:s9], $0x8000  }
0x464: {  	s1 =	sld [smem:$0x7E8]  }
0x465: {  	[sflag:s9] =	ssyncset.done $0x0  }
0x466: {  	[sflag:s9] =	ssyncadd.s32 $0xFFFF8000  }
0x467: {  	[tilespmem:s4], [sflag:$0x2] =	stream.indirect.gather [hbm4b:s3+s6], $0x40, s1, s6, $0xb8;
	[tilespmem:$0x1E400] =	vst v63  }
0x468: {  	_ =	swait.ge [sflag:s8], $0x8000  }
0x469: {  	[sflag:s8] =	ssyncset.done $0x0  }
0x46a: {  	s30 =	rddreg [dreg:$0xf];
	[sflag:s8] =	ssyncadd.s32 $0xFFFF8000  }
0x46b: {  	[hbm4b:s30+s2] =	stream.linear.scatter [tilespmem:s5], [sflag:$0x4], $0x8000, $0x38;
	[tilespmem:$0x1E400] =	vst v63  }
0x46c: {  	_ =	swait.ge [sflag:s11], $0x8000  }
0x46d: {  	s31 =	sld [smem:$0x7E9]  }
0x46e: {  	[sflag:s11] =	ssyncset.done $0x0  }
0x46f: {  	[sflag:s11] =	ssyncadd.s32 $0xFFFF8000  }
0x470: {  	[tilespmem:s12], [sflag:$0x3] =	stream.indirect.gather [hbm4b:s3+s6], $0x40, s31, s6, $0xb8;
	[tilespmem:$0x1E400] =	vst v63  }
0x471: {  	_ =	swait.ge [sflag:s10], $0x8000  }
0x472: {  	[sflag:s10] =	ssyncset.done $0x0  }
0x473: {  	s1 =	rddreg [dreg:$0x10];
	[sflag:s10] =	ssyncadd.s32 $0xFFFF8000  }
0x474: {  	[hbm4b:s1+s2] =	stream.linear.scatter [tilespmem:s4], [sflag:$0x5], $0x8000, $0x38;
	[tilespmem:$0x1E400] =	vst v63  }
0x475: {  	_ =	swait.ge [sflag:s7], $0x8000  }
0x476: {  	s30 =	sld [smem:$0x7EA]  }
0x477: {  	[sflag:s7] =	ssyncset.done $0x0  }
0x478: {  	[sflag:s7] =	ssyncadd.s32 $0xFFFF8000  }
0x479: {  	[tilespmem:s5], [sflag:$0x1] =	stream.indirect.gather [hbm4b:s3+s6], $0x40, s30, s6, $0xb8;
	[tilespmem:$0x1E400] =	vst v63  }
0x47a: {  	_ =	swait.ge [sflag:s13], $0x8000  }
0x47b: {  	[sflag:s13] =	ssyncset.done $0x0  }
0x47c: {  	s31 =	rddreg [dreg:$0x11];
	[sflag:s13] =	ssyncadd.s32 $0xFFFF8000  }
0x47d: {  	[hbm4b:s31+s2] =	stream.linear.scatter [tilespmem:s12], [sflag:$0x6], $0x8000, $0x38;
	[tilespmem:$0x1E400] =	vst v63  }
0x47e: {  	_ =	swait.ge [sflag:s9], $0x8000  }
0x47f: {  	s1 =	sld [smem:$0x7EB]  }
0x480: {  	[sflag:s9] =	ssyncset.done $0x0  }
0x481: {  	[sflag:s9] =	ssyncadd.s32 $0xFFFF8000  }
0x482: {  	[tilespmem:s4], [sflag:$0x2] =	stream.indirect.gather [hbm4b:s3+s6], $0x40, s1, s6, $0xb8;
	[tilespmem:$0x1E400] =	vst v63  }
0x483: {  	_ =	swait.ge [sflag:s8], $0x8000  }
0x484: {  	[sflag:s8] =	ssyncset.done $0x0  }
0x485: {  	s30 =	rddreg [dreg:$0x12];
	[sflag:s8] =	ssyncadd.s32 $0xFFFF8000  }
0x486: {  	[hbm4b:s30+s2] =	stream.linear.scatter [tilespmem:s5], [sflag:$0x4], $0x8000, $0x38;
	[tilespmem:$0x1E400] =	vst v63  }
0x487: {  	_ =	swait.ge [sflag:s11], $0x8000  }
0x488: {  	s31 =	sld [smem:$0x7EC]  }
0x489: {  	[sflag:s11] =	ssyncset.done $0x0  }
0x48a: {  	[sflag:s11] =	ssyncadd.s32 $0xFFFF8000  }
0x48b: {  	[tilespmem:s12], [sflag:$0x3] =	stream.indirect.gather [hbm4b:s3+s6], $0x40, s31, s6, $0xb8;
	[tilespmem:$0x1E400] =	vst v63  }
0x48c: {  	_ =	swait.ge [sflag:s10], $0x8000  }
0x48d: {  	[sflag:s10] =	ssyncset.done $0x0  }
0x48e: {  	s1 =	rddreg [dreg:$0x13];
	[sflag:s10] =	ssyncadd.s32 $0xFFFF8000  }
0x48f: {  	[hbm4b:s1+s2] =	stream.linear.scatter [tilespmem:s4], [sflag:$0x5], $0x8000, $0x38;
	[tilespmem:$0x1E400] =	vst v63  }
0x490: {  	_ =	swait.ge [sflag:s7], $0x8000  }
0x491: {  	s30 =	sld [smem:$0x7ED]  }
0x492: {  	[sflag:s7] =	ssyncset.done $0x0  }
0x493: {  	[sflag:s7] =	ssyncadd.s32 $0xFFFF8000  }
0x494: {  	[tilespmem:s5], [sflag:$0x1] =	stream.indirect.gather [hbm4b:s3+s6], $0x40, s30, s6, $0xb8;
	[tilespmem:$0x1E400] =	vst v63  }
0x495: {  	_ =	swait.ge [sflag:s13], $0x8000  }
0x496: {  	[sflag:s13] =	ssyncset.done $0x0  }
0x497: {  	s31 =	rddreg [dreg:$0x14];
	[sflag:s13] =	ssyncadd.s32 $0xFFFF8000  }
0x498: {  	[hbm4b:s31+s2] =	stream.linear.scatter [tilespmem:s12], [sflag:$0x6], $0x8000, $0x38;
	[tilespmem:$0x1E400] =	vst v63  }
0x499: {  	_ =	swait.ge [sflag:s9], $0x8000  }
0x49a: {  	s1 =	sld [smem:$0x7EE]  }
0x49b: {  	[sflag:s9] =	ssyncset.done $0x0  }
0x49c: {  	[sflag:s9] =	ssyncadd.s32 $0xFFFF8000  }
0x49d: {  	[tilespmem:s4], [sflag:$0x2] =	stream.indirect.gather [hbm4b:s3+s6], $0x40, s1, s6, $0xb8;
	[tilespmem:$0x1E400] =	vst v63  }
0x49e: {  	_ =	swait.ge [sflag:s8], $0x8000  }
0x49f: {  	[sflag:s8] =	ssyncset.done $0x0  }
0x4a0: {  	s30 =	rddreg [dreg:$0x15];
	[sflag:s8] =	ssyncadd.s32 $0xFFFF8000  }
0x4a1: {  	[hbm4b:s30+s2] =	stream.linear.scatter [tilespmem:s5], [sflag:$0x4], $0x8000, $0x38;
	[tilespmem:$0x1E400] =	vst v63  }
0x4a2: {  	_ =	swait.ge [sflag:s11], $0x8000  }
0x4a3: {  	s31 =	sld [smem:$0x7EF]  }
0x4a4: {  	[sflag:s11] =	ssyncset.done $0x0  }
0x4a5: {  	[sflag:s11] =	ssyncadd.s32 $0xFFFF8000  }
0x4a6: {  	[tilespmem:s12], [sflag:$0x3] =	stream.indirect.gather [hbm4b:s3+s6], $0x40, s31, s6, $0xb8;
	[tilespmem:$0x1E400] =	vst v63  }
0x4a7: {  	_ =	swait.ge [sflag:s10], $0x8000  }
0x4a8: {  	[sflag:s10] =	ssyncset.done $0x0  }
0x4a9: {  	s1 =	rddreg [dreg:$0x16];
	[sflag:s10] =	ssyncadd.s32 $0xFFFF8000  }
0x4aa: {  	[hbm4b:s1+s2] =	stream.linear.scatter [tilespmem:s4], [sflag:$0x5], $0x8000, $0x38;
	[tilespmem:$0x1E400] =	vst v63  }
0x4ab: {  	_ =	swait.ge [sflag:s7], $0x8000  }
0x4ac: {  	s30 =	sld [smem:$0x7F0]  }
0x4ad: {  	[sflag:s7] =	ssyncset.done $0x0  }
0x4ae: {  	[sflag:s7] =	ssyncadd.s32 $0xFFFF8000  }
0x4af: {  	[tilespmem:s5], [sflag:$0x1] =	stream.indirect.gather [hbm4b:s3+s6], $0x40, s30, s6, $0xb8;
	[tilespmem:$0x1E400] =	vst v63  }
0x4b0: {  	_ =	swait.ge [sflag:s13], $0x8000  }
0x4b1: {  	[sflag:s13] =	ssyncset.done $0x0  }
0x4b2: {  	s31 =	rddreg [dreg:$0x17];
	[sflag:s13] =	ssyncadd.s32 $0xFFFF8000  }
0x4b3: {  	[hbm4b:s31+s2] =	stream.linear.scatter [tilespmem:s12], [sflag:$0x6], $0x8000, $0x38;
	[tilespmem:$0x1E400] =	vst v63  }
0x4b4: {  	_ =	swait.ge [sflag:s9], $0x8000  }
0x4b5: {  	s1 =	sld [smem:$0x7F1]  }
0x4b6: {  	[sflag:s9] =	ssyncset.done $0x0  }
0x4b7: {  	[sflag:s9] =	ssyncadd.s32 $0xFFFF8000  }
0x4b8: {  	[tilespmem:s4], [sflag:$0x2] =	stream.indirect.gather [hbm4b:s3+s6], $0x40, s1, s6, $0xb8;
	[tilespmem:$0x1E400] =	vst v63  }
0x4b9: {  	_ =	swait.ge [sflag:s8], $0x8000  }
0x4ba: {  	[sflag:s8] =	ssyncset.done $0x0  }
0x4bb: {  	s30 =	rddreg [dreg:$0x18];
	[sflag:s8] =	ssyncadd.s32 $0xFFFF8000  }
0x4bc: {  	[hbm4b:s30+s2] =	stream.linear.scatter [tilespmem:s5], [sflag:$0x4], $0x8000, $0x38;
	[tilespmem:$0x1E400] =	vst v63  }
0x4bd: {  	_ =	swait.ge [sflag:s11], $0x8000  }
0x4be: {  	s31 =	sld [smem:$0x7F2]  }
0x4bf: {  	[sflag:s11] =	ssyncset.done $0x0  }
0x4c0: {  	[sflag:s11] =	ssyncadd.s32 $0xFFFF8000  }
0x4c1: {  	[tilespmem:s12], [sflag:$0x3] =	stream.indirect.gather [hbm4b:s3+s6], $0x40, s31, s6, $0xb8;
	[tilespmem:$0x1E400] =	vst v63  }
0x4c2: {  	_ =	swait.ge [sflag:s10], $0x8000  }
0x4c3: {  	[sflag:s10] =	ssyncset.done $0x0  }
0x4c4: {  	s1 =	rddreg [dreg:$0x19];
	[sflag:s10] =	ssyncadd.s32 $0xFFFF8000  }
0x4c5: {  	[hbm4b:s1+s2] =	stream.linear.scatter [tilespmem:s4], [sflag:$0x5], $0x8000, $0x38;
	[tilespmem:$0x1E400] =	vst v63  }
0x4c6: {  	_ =	swait.ge [sflag:s7], $0x8000  }
0x4c7: {  	s30 =	sld [smem:$0x7F3]  }
0x4c8: {  	[sflag:s7] =	ssyncset.done $0x0  }
0x4c9: {  	[sflag:s7] =	ssyncadd.s32 $0xFFFF8000  }
0x4ca: {  	[tilespmem:s5], [sflag:$0x1] =	stream.indirect.gather [hbm4b:s3+s6], $0x40, s30, s6, $0xb8;
	[tilespmem:$0x1E400] =	vst v63  }
0x4cb: {  	_ =	swait.ge [sflag:s13], $0x8000  }
0x4cc: {  	[sflag:s13] =	ssyncset.done $0x0  }
0x4cd: {  	s31 =	rddreg [dreg:$0x1a];
	[sflag:s13] =	ssyncadd.s32 $0xFFFF8000  }
0x4ce: {  	[hbm4b:s31+s2] =	stream.linear.scatter [tilespmem:s12], [sflag:$0x6], $0x8000, $0x38;
	[tilespmem:$0x1E400] =	vst v63  }
0x4cf: {  	_ =	swait.ge [sflag:s9], $0x8000  }
0x4d0: {  	s1 =	sld [smem:$0x7F4]  }
0x4d1: {  	[sflag:s9] =	ssyncset.done $0x0  }
0x4d2: {  	[sflag:s9] =	ssyncadd.s32 $0xFFFF8000  }
0x4d3: {  	[tilespmem:s4], [sflag:$0x2] =	stream.indirect.gather [hbm4b:s3+s6], $0x40, s1, s6, $0xb8;
	[tilespmem:$0x1E400] =	vst v63  }
0x4d4: {  	_ =	swait.ge [sflag:s8], $0x8000  }
0x4d5: {  	[sflag:s8] =	ssyncset.done $0x0  }
0x4d6: {  	s30 =	rddreg [dreg:$0x1b];
	[sflag:s8] =	ssyncadd.s32 $0xFFFF8000  }
0x4d7: {  	[hbm4b:s30+s2] =	stream.linear.scatter [tilespmem:s5], [sflag:$0x4], $0x8000, $0x38;
	[tilespmem:$0x1E400] =	vst v63  }
0x4d8: {  	_ =	swait.ge [sflag:s11], $0x8000  }
0x4d9: {  	s31 =	sld [smem:$0x7F5]  }
0x4da: {  	[sflag:s11] =	ssyncset.done $0x0  }
0x4db: {  	[sflag:s11] =	ssyncadd.s32 $0xFFFF8000  }
0x4dc: {  	[tilespmem:s12], [sflag:$0x3] =	stream.indirect.gather [hbm4b:s3+s6], $0x40, s31, s6, $0xb8;
	[tilespmem:$0x1E400] =	vst v63  }
0x4dd: {  	_ =	swait.ge [sflag:s10], $0x8000  }
0x4de: {  	[sflag:s10] =	ssyncset.done $0x0  }
0x4df: {  	s1 =	rddreg [dreg:$0x1c];
	[sflag:s10] =	ssyncadd.s32 $0xFFFF8000  }
0x4e0: {  	[hbm4b:s1+s2] =	stream.linear.scatter [tilespmem:s4], [sflag:$0x5], $0x8000, $0x38;
	[tilespmem:$0x1E400] =	vst v63  }
0x4e1: {  	_ =	swait.ge [sflag:s7], $0x8000  }
0x4e2: {  	s30 =	sld [smem:$0x7F6]  }
0x4e3: {  	[sflag:s7] =	ssyncset.done $0x0  }
0x4e4: {  	[sflag:s7] =	ssyncadd.s32 $0xFFFF8000  }
0x4e5: {  	[tilespmem:s5], [sflag:$0x1] =	stream.indirect.gather [hbm4b:s3+s6], $0x40, s30, s6, $0xb8;
	[tilespmem:$0x1E400] =	vst v63  }
0x4e6: {  	_ =	swait.ge [sflag:s13], $0x8000  }
0x4e7: {  	[sflag:s13] =	ssyncset.done $0x0  }
0x4e8: {  	s31 =	rddreg [dreg:$0x1d];
	[sflag:s13] =	ssyncadd.s32 $0xFFFF8000  }
0x4e9: {  	[hbm4b:s31+s2] =	stream.linear.scatter [tilespmem:s12], [sflag:$0x6], $0x8000, $0x38;
	[tilespmem:$0x1E400] =	vst v63  }
0x4ea: {  	_ =	swait.ge [sflag:s9], $0x8000  }
0x4eb: {  	s1 =	sld [smem:$0x7F7]  }
0x4ec: {  	[sflag:s9] =	ssyncset.done $0x0  }
0x4ed: {  	[sflag:s9] =	ssyncadd.s32 $0xFFFF8000  }
0x4ee: {  	[tilespmem:s4], [sflag:$0x2] =	stream.indirect.gather [hbm4b:s3+s6], $0x40, s1, s6, $0xb8;
	[tilespmem:$0x1E400] =	vst v63  }
0x4ef: {  	_ =	swait.ge [sflag:s8], $0x8000  }
0x4f0: {  	[sflag:s8] =	ssyncset.done $0x0  }
0x4f1: {  	s30 =	rddreg [dreg:$0x1e];
	[sflag:s8] =	ssyncadd.s32 $0xFFFF8000  }
0x4f2: {  	[hbm4b:s30+s2] =	stream.linear.scatter [tilespmem:s5], [sflag:$0x4], $0x8000, $0x38;
	[tilespmem:$0x1E400] =	vst v63  }
0x4f3: {  	_ =	swait.ge [sflag:s11], $0x8000  }
0x4f4: {  	s31 =	sld [smem:$0x7F8]  }
0x4f5: {  	[sflag:s11] =	ssyncset.done $0x0  }
0x4f6: {  	[sflag:s11] =	ssyncadd.s32 $0xFFFF8000  }
0x4f7: {  	[tilespmem:s12], [sflag:$0x3] =	stream.indirect.gather [hbm4b:s3+s6], $0x40, s31, s6, $0xb8;
	[tilespmem:$0x1E400] =	vst v63  }
0x4f8: {  	_ =	swait.ge [sflag:s10], $0x8000  }
0x4f9: {  	[sflag:s10] =	ssyncset.done $0x0  }
0x4fa: {  	s1 =	rddreg [dreg:$0x1f];
	[sflag:s10] =	ssyncadd.s32 $0xFFFF8000  }
0x4fb: {  	[hbm4b:s1+s2] =	stream.linear.scatter [tilespmem:s4], [sflag:$0x5], $0x8000, $0x38;
	[tilespmem:$0x1E400] =	vst v63  }
0x4fc: {  	_ =	swait.ge [sflag:s7], $0x8000  }
0x4fd: {  	s30 =	sld [smem:$0x7F9]  }
0x4fe: {  	[sflag:s7] =	ssyncset.done $0x0  }
0x4ff: {  	[sflag:s7] =	ssyncadd.s32 $0xFFFF8000  }
0x500: {  	[tilespmem:s5], [sflag:$0x1] =	stream.indirect.gather [hbm4b:s3+s6], $0x40, s30, s6, $0xb8;
	[tilespmem:$0x1E400] =	vst v63  }
0x501: {  	_ =	swait.ge [sflag:s13], $0x8000  }
0x502: {  	s31 =	sld [smem:$0x7C8]  }
0x503: {  	[sflag:s13] =	ssyncset.done $0x0  }
0x504: {  	[sflag:s13] =	ssyncadd.s32 $0xFFFF8000  }
0x505: {  	[hbm4b:s31+s2] =	stream.linear.scatter [tilespmem:s12], [sflag:$0x6], $0x8000, $0x38;
	[tilespmem:$0x1E400] =	vst v63  }
0x506: {  	_ =	swait.ge [sflag:s9], $0x8000  }
0x507: {  	s1 =	sld [smem:$0x7FA]  }
0x508: {  	[sflag:s9] =	ssyncset.done $0x0  }
0x509: {  	[sflag:s9] =	ssyncadd.s32 $0xFFFF8000  }
0x50a: {  	[tilespmem:s4], [sflag:$0x2] =	stream.indirect.gather [hbm4b:s3+s6], $0x40, s1, s6, $0xb8;
	[tilespmem:$0x1E400] =	vst v63  }
0x50b: {  	_ =	swait.ge [sflag:s8], $0x8000  }
0x50c: {  	s30 =	sld [smem:$0x7C9]  }
0x50d: {  	[sflag:s8] =	ssyncset.done $0x0  }
0x50e: {  	[sflag:s8] =	ssyncadd.s32 $0xFFFF8000  }
0x50f: {  	[hbm4b:s30+s2] =	stream.linear.scatter [tilespmem:s5], [sflag:$0x4], $0x8000, $0x38;
	[tilespmem:$0x1E400] =	vst v63  }
0x510: {  	_ =	swait.ge [sflag:s11], $0x8000  }
0x511: {  	s31 =	sld [smem:$0x7FB]  }
0x512: {  	[sflag:s11] =	ssyncset.done $0x0  }
0x513: {  	[sflag:s11] =	ssyncadd.s32 $0xFFFF8000  }
0x514: {  	[tilespmem:s12], [sflag:$0x3] =	stream.indirect.gather [hbm4b:s3+s6], $0x40, s31, s6, $0xb8;
	[tilespmem:$0x1E400] =	vst v63  }
0x515: {  	_ =	swait.ge [sflag:s10], $0x8000  }
0x516: {  	s1 =	sld [smem:$0x7CA]  }
0x517: {  	[sflag:s10] =	ssyncset.done $0x0  }
0x518: {  	[sflag:s10] =	ssyncadd.s32 $0xFFFF8000  }
0x519: {  	[hbm4b:s1+s2] =	stream.linear.scatter [tilespmem:s4], [sflag:$0x5], $0x8000, $0x38;
	[tilespmem:$0x1E400] =	vst v63  }
0x51a: {  	_ =	swait.ge [sflag:s7], $0x8000  }
0x51b: {  	s30 =	sld [smem:$0x7FC]  }
0x51c: {  	[sflag:s7] =	ssyncset.done $0x0  }
0x51d: {  	[sflag:s7] =	ssyncadd.s32 $0xFFFF8000  }
0x51e: {  	[tilespmem:s5], [sflag:$0x1] =	stream.indirect.gather [hbm4b:s3+s6], $0x40, s30, s6, $0xb8;
	[tilespmem:$0x1E400] =	vst v63  }
0x51f: {  	_ =	swait.ge [sflag:s13], $0x8000  }
0x520: {  	s31 =	sld [smem:$0x7CB]  }
0x521: {  	[sflag:s13] =	ssyncset.done $0x0  }
0x522: {  	[sflag:s13] =	ssyncadd.s32 $0xFFFF8000  }
0x523: {  	[hbm4b:s31+s2] =	stream.linear.scatter [tilespmem:s12], [sflag:$0x6], $0x8000, $0x38;
	[tilespmem:$0x1E400] =	vst v63  }
0x524: {  	_ =	swait.ge [sflag:s9], $0x8000  }
0x525: {  	s1 =	sld [smem:$0x7FD]  }
0x526: {  	[sflag:s9] =	ssyncset.done $0x0  }
0x527: {  	[sflag:s9] =	ssyncadd.s32 $0xFFFF8000  }
0x528: {  	[tilespmem:s4], [sflag:$0x2] =	stream.indirect.gather [hbm4b:s3+s6], $0x40, s1, s6, $0xb8;
	[tilespmem:$0x1E400] =	vst v63  }
0x529: {  	_ =	swait.ge [sflag:s8], $0x8000  }
0x52a: {  	s30 =	sld [smem:$0x7CC]  }
0x52b: {  	[sflag:s8] =	ssyncset.done $0x0  }
0x52c: {  	[sflag:s8] =	ssyncadd.s32 $0xFFFF8000  }
0x52d: {  	[hbm4b:s30+s2] =	stream.linear.scatter [tilespmem:s5], [sflag:$0x4], $0x8000, $0x38;
	[tilespmem:$0x1E400] =	vst v63  }
0x52e: {  	_ =	swait.ge [sflag:s11], $0x8000  }
0x52f: {  	[sflag:s11] =	ssyncset.done $0x0  }
0x530: {  	[sflag:s11] =	ssyncadd.s32 $0xFFFF8000  }
0x531: {  	[tilespmem:s12], [sflag:$0x3] =	stream.indirect.gather [hbm4b:s3+s6], $0x40, s29, s6, $0xb8;
	[tilespmem:$0x1E400] =	vst v63  }
0x532: {  	_ =	swait.ge [sflag:s10], $0x8000  }
0x533: {  	s31 =	sld [smem:$0x7CD]  }
0x534: {  	[sflag:s10] =	ssyncset.done $0x0  }
0x535: {  	[sflag:s10] =	ssyncadd.s32 $0xFFFF8000  }
0x536: {  	[hbm4b:s31+s2] =	stream.linear.scatter [tilespmem:s4], [sflag:$0x5], $0x8000, $0x38;
	[tilespmem:$0x1E400] =	vst v63  }
0x537: {  	_ =	swait.ge [sflag:s7], $0x8000  }
0x538: {  	[sflag:s7] =	ssyncset.done $0x0  }
0x539: {  	[sflag:s7] =	ssyncadd.s32 $0xFFFF8000  }
0x53a: {  	[tilespmem:s5], [sflag:$0x1] =	stream.indirect.gather [hbm4b:s3+s6], $0x40, s28, s6, $0xb8;
	[tilespmem:$0x1E400] =	vst v63  }
0x53b: {  	_ =	swait.ge [sflag:s13], $0x8000  }
0x53c: {  	s1 =	sld [smem:$0x7CE]  }
0x53d: {  	[sflag:s13] =	ssyncset.done $0x0  }
0x53e: {  	[sflag:s13] =	ssyncadd.s32 $0xFFFF8000  }
0x53f: {  	[hbm4b:s1+s2] =	stream.linear.scatter [tilespmem:s12], [sflag:$0x6], $0x8000, $0x38;
	[tilespmem:$0x1E400] =	vst v63  }
0x540: {  	_ =	swait.ge [sflag:s9], $0x8000  }
0x541: {  	[sflag:s9] =	ssyncset.done $0x0  }
0x542: {  	[sflag:s9] =	ssyncadd.s32 $0xFFFF8000  }
0x543: {  	[tilespmem:s4], [sflag:$0x2] =	stream.indirect.gather [hbm4b:s3+s6], $0x40, s26, s6, $0xb8;
	[tilespmem:$0x1E400] =	vst v63  }
0x544: {  	_ =	swait.ge [sflag:s8], $0x8000  }
0x545: {  	s28 =	sld [smem:$0x7CF]  }
0x546: {  	[sflag:s8] =	ssyncset.done $0x0  }
0x547: {  	[sflag:s8] =	ssyncadd.s32 $0xFFFF8000  }
0x548: {  	[hbm4b:s28+s2] =	stream.linear.scatter [tilespmem:s5], [sflag:$0x4], $0x8000, $0x38;
	[tilespmem:$0x1E400] =	vst v63  }
0x549: {  	_ =	swait.ge [sflag:s11], $0x8000  }
0x54a: {  	[sflag:s11] =	ssyncset.done $0x0  }
0x54b: {  	[sflag:s11] =	ssyncadd.s32 $0xFFFF8000  }
0x54c: {  	[tilespmem:s12], [sflag:$0x3] =	stream.indirect.gather [hbm4b:s3+s6], $0x40, s25, s6, $0xb8;
	[tilespmem:$0x1E400] =	vst v63  }
0x54d: {  	_ =	swait.ge [sflag:s10], $0x8000  }
0x54e: {  	s29 =	sld [smem:$0x7D0]  }
0x54f: {  	[sflag:s10] =	ssyncset.done $0x0  }
0x550: {  	[sflag:s10] =	ssyncadd.s32 $0xFFFF8000  }
0x551: {  	[hbm4b:s29+s2] =	stream.linear.scatter [tilespmem:s4], [sflag:$0x5], $0x8000, $0x38;
	[tilespmem:$0x1E400] =	vst v63  }
0x552: {  	_ =	swait.ge [sflag:s7], $0x8000  }
0x553: {  	[sflag:s7] =	ssyncset.done $0x0  }
0x554: {  	[sflag:s7] =	ssyncadd.s32 $0xFFFF8000  }
0x555: {  	[tilespmem:s5], [sflag:$0x1] =	stream.indirect.gather [hbm4b:s3+s6], $0x40, s24, s6, $0xb8;
	[tilespmem:$0x1E400] =	vst v63  }
0x556: {  	_ =	swait.ge [sflag:s13], $0x8000  }
0x557: {  	s30 =	sld [smem:$0x7D1]  }
0x558: {  	[sflag:s13] =	ssyncset.done $0x0  }
0x559: {  	[sflag:s13] =	ssyncadd.s32 $0xFFFF8000  }
0x55a: {  	[hbm4b:s30+s2] =	stream.linear.scatter [tilespmem:s12], [sflag:$0x6], $0x8000, $0x38;
	[tilespmem:$0x1E400] =	vst v63  }
0x55b: {  	_ =	swait.ge [sflag:s9], $0x8000  }
0x55c: {  	[sflag:s9] =	ssyncset.done $0x0  }
0x55d: {  	[sflag:s9] =	ssyncadd.s32 $0xFFFF8000  }
0x55e: {  	[tilespmem:s4], [sflag:$0x2] =	stream.indirect.gather [hbm4b:s3+s6], $0x40, s23, s6, $0xb8;
	[tilespmem:$0x1E400] =	vst v63  }
0x55f: {  	_ =	swait.ge [sflag:s8], $0x8000  }
0x560: {  	s31 =	sld [smem:$0x7D2]  }
0x561: {  	[sflag:s8] =	ssyncset.done $0x0  }
0x562: {  	[sflag:s8] =	ssyncadd.s32 $0xFFFF8000  }
0x563: {  	[hbm4b:s31+s2] =	stream.linear.scatter [tilespmem:s5], [sflag:$0x4], $0x8000, $0x38;
	[tilespmem:$0x1E400] =	vst v63  }
0x564: {  	_ =	swait.ge [sflag:s11], $0x8000  }
0x565: {  	[sflag:s11] =	ssyncset.done $0x0  }
0x566: {  	[sflag:s11] =	ssyncadd.s32 $0xFFFF8000  }
0x567: {  	[tilespmem:s12], [sflag:$0x3] =	stream.indirect.gather [hbm4b:s3+s6], $0x40, s22, s6, $0xb8;
	[tilespmem:$0x1E400] =	vst v63  }
0x568: {  	_ =	swait.ge [sflag:s10], $0x8000  }
0x569: {  	s1 =	sld [smem:$0x7D3]  }
0x56a: {  	[sflag:s10] =	ssyncset.done $0x0  }
0x56b: {  	[sflag:s10] =	ssyncadd.s32 $0xFFFF8000  }
0x56c: {  	[hbm4b:s1+s2] =	stream.linear.scatter [tilespmem:s4], [sflag:$0x5], $0x8000, $0x38;
	[tilespmem:$0x1E400] =	vst v63  }
0x56d: {  	_ =	swait.ge [sflag:s7], $0x8000  }
0x56e: {  	[sflag:s7] =	ssyncset.done $0x0  }
0x56f: {  	[sflag:s7] =	ssyncadd.s32 $0xFFFF8000  }
0x570: {  	[tilespmem:s5], [sflag:$0x1] =	stream.indirect.gather [hbm4b:s3+s6], $0x40, s21, s6, $0xb8;
	[tilespmem:$0x1E400] =	vst v63  }
0x571: {  	_ =	swait.ge [sflag:s13], $0x8000  }
0x572: {  	s21 =	sld [smem:$0x7D4]  }
0x573: {  	[sflag:s13] =	ssyncset.done $0x0  }
0x574: {  	[sflag:s13] =	ssyncadd.s32 $0xFFFF8000  }
0x575: {  	[hbm4b:s21+s2] =	stream.linear.scatter [tilespmem:s12], [sflag:$0x6], $0x8000, $0x38;
	[tilespmem:$0x1E400] =	vst v63  }
0x576: {  	_ =	swait.ge [sflag:s9], $0x8000  }
0x577: {  	[sflag:s9] =	ssyncset.done $0x0  }
0x578: {  	[sflag:s9] =	ssyncadd.s32 $0xFFFF8000  }
0x579: {  	[tilespmem:s4], [sflag:$0x2] =	stream.indirect.gather [hbm4b:s3+s6], $0x40, s20, s6, $0xb8;
	[tilespmem:$0x1E400] =	vst v63  }
0x57a: {  	_ =	swait.ge [sflag:s8], $0x8000  }
0x57b: {  	s22 =	sld [smem:$0x7D5]  }
0x57c: {  	[sflag:s8] =	ssyncset.done $0x0  }
0x57d: {  	[sflag:s8] =	ssyncadd.s32 $0xFFFF8000  }
0x57e: {  	[hbm4b:s22+s2] =	stream.linear.scatter [tilespmem:s5], [sflag:$0x4], $0x8000, $0x38;
	[tilespmem:$0x1E400] =	vst v63  }
0x57f: {  	_ =	swait.ge [sflag:s11], $0x8000  }
0x580: {  	[sflag:s11] =	ssyncset.done $0x0  }
0x581: {  	[sflag:s11] =	ssyncadd.s32 $0xFFFF8000  }
0x582: {  	[tilespmem:s12], [sflag:$0x3] =	stream.indirect.gather [hbm4b:s3+s6], $0x40, s19, s6, $0xb8;
	[tilespmem:$0x1E400] =	vst v63  }
0x583: {  	_ =	swait.ge [sflag:s10], $0x8000  }
0x584: {  	s23 =	sld [smem:$0x7D6]  }
0x585: {  	[sflag:s10] =	ssyncset.done $0x0  }
0x586: {  	[sflag:s10] =	ssyncadd.s32 $0xFFFF8000  }
0x587: {  	[hbm4b:s23+s2] =	stream.linear.scatter [tilespmem:s4], [sflag:$0x5], $0x8000, $0x38;
	[tilespmem:$0x1E400] =	vst v63  }
0x588: {  	_ =	swait.ge [sflag:s7], $0x8000  }
0x589: {  	[sflag:s7] =	ssyncset.done $0x0  }
0x58a: {  	[sflag:s7] =	ssyncadd.s32 $0xFFFF8000  }
0x58b: {  	[tilespmem:s5], [sflag:$0x1] =	stream.indirect.gather [hbm4b:s3+s6], $0x40, s18, s6, $0xb8;
	[tilespmem:$0x1E400] =	vst v63  }
0x58c: {  	_ =	swait.ge [sflag:s13], $0x8000  }
0x58d: {  	s24 =	sld [smem:$0x7D7]  }
0x58e: {  	[sflag:s13] =	ssyncset.done $0x0  }
0x58f: {  	[sflag:s13] =	ssyncadd.s32 $0xFFFF8000  }
0x590: {  	[hbm4b:s24+s2] =	stream.linear.scatter [tilespmem:s12], [sflag:$0x6], $0x8000, $0x38;
	[tilespmem:$0x1E400] =	vst v63  }
0x591: {  	_ =	swait.ge [sflag:s9], $0x8000  }
0x592: {  	[sflag:s9] =	ssyncset.done $0x0  }
0x593: {  	[sflag:s9] =	ssyncadd.s32 $0xFFFF8000  }
0x594: {  	[tilespmem:s4], [sflag:$0x2] =	stream.indirect.gather [hbm4b:s3+s6], $0x40, s17, s6, $0xb8;
	[tilespmem:$0x1E400] =	vst v63  }
0x595: {  	_ =	swait.ge [sflag:s8], $0x8000  }
0x596: {  	s25 =	sld [smem:$0x7D8]  }
0x597: {  	[sflag:s8] =	ssyncset.done $0x0  }
0x598: {  	[sflag:s8] =	ssyncadd.s32 $0xFFFF8000  }
0x599: {  	[hbm4b:s25+s2] =	stream.linear.scatter [tilespmem:s5], [sflag:$0x4], $0x8000, $0x38;
	[tilespmem:$0x1E400] =	vst v63  }
0x59a: {  	_ =	swait.ge [sflag:s11], $0x8000  }
0x59b: {  	[sflag:s11] =	ssyncset.done $0x0  }
0x59c: {  	[sflag:s11] =	ssyncadd.s32 $0xFFFF8000  }
0x59d: {  	[tilespmem:s12], [sflag:$0x3] =	stream.indirect.gather [hbm4b:s3+s6], $0x40, s16, s6, $0xb8;
	[tilespmem:$0x1E400] =	vst v63  }
0x59e: {  	_ =	swait.ge [sflag:s10], $0x8000  }
0x59f: {  	s26 =	sld [smem:$0x7D9]  }
0x5a0: {  	[sflag:s10] =	ssyncset.done $0x0  }
0x5a1: {  	[sflag:s10] =	ssyncadd.s32 $0xFFFF8000  }
0x5a2: {  	[hbm4b:s26+s2] =	stream.linear.scatter [tilespmem:s4], [sflag:$0x5], $0x8000, $0x38;
	[tilespmem:$0x1E400] =	vst v63  }
0x5a3: {  	_ =	swait.ge [sflag:s7], $0x8000  }
0x5a4: {  	[sflag:s7] =	ssyncset.done $0x0  }
0x5a5: {  	[sflag:s7] =	ssyncadd.s32 $0xFFFF8000  }
0x5a6: {  	[tilespmem:s5], [sflag:$0x1] =	stream.indirect.gather [hbm4b:s3+s6], $0x40, s15, s6, $0xb8;
	[tilespmem:$0x1E400] =	vst v63  }
0x5a7: {  	_ =	swait.ge [sflag:s13], $0x8000  }
0x5a8: {  	s28 =	sld [smem:$0x7DA]  }
0x5a9: {  	[sflag:s13] =	ssyncset.done $0x0  }
0x5aa: {  	[sflag:s13] =	ssyncadd.s32 $0xFFFF8000  }
0x5ab: {  	[hbm4b:s28+s2] =	stream.linear.scatter [tilespmem:s12], [sflag:$0x6], $0x8000, $0x38;
	[tilespmem:$0x1E400] =	vst v63  }
0x5ac: {  	_ =	swait.ge [sflag:s9], $0x8000  }
0x5ad: {  	[sflag:s9] =	ssyncset.done $0x0  }
0x5ae: {  	[sflag:s9] =	ssyncadd.s32 $0xFFFF8000  }
0x5af: {  	[tilespmem:s4], [sflag:$0x2] =	stream.indirect.gather [hbm4b:s3+s6], $0x40, s14, s6, $0xb8;
	[tilespmem:$0x1E400] =	vst v63  }
0x5b0: {  	_ =	swait.ge [sflag:s8], $0x8000  }
0x5b1: {  	s29 =	sld [smem:$0x7DB]  }
0x5b2: {  	[sflag:s8] =	ssyncset.done $0x0  }
0x5b3: {  	[sflag:s8] =	ssyncadd.s32 $0xFFFF8000  }
0x5b4: {  	[hbm4b:s29+s2] =	stream.linear.scatter [tilespmem:s5], [sflag:$0x4], $0x8000, $0x38;
	[tilespmem:$0x1E400] =	vst v63  }
0x5b5: {  	_ =	swait.ge [sflag:s10], $0x8000  }
0x5b6: {  	s30 =	sld [smem:$0x7DC]  }
0x5b7: {  	[sflag:s10] =	ssyncset.done $0x0  }
0x5b8: {  	[sflag:s10] =	ssyncadd.s32 $0xFFFF8000  }
0x5b9: {  	[hbm4b:s30+s2] =	stream.linear.scatter [tilespmem:s4], [sflag:$0x5], $0x8000, $0x38;
	[tilespmem:$0x1E400] =	vst v63  }
0x5ba: {  	_ =	swait.ge [sflag:s11], $0x8000  }
0x5bb: {  	[sflag:s11] =	ssyncset.done $0x0  }
0x5bc: {  	[sflag:s11] =	ssyncadd.s32 $0xFFFF8000  }
0x5bd: {  	_ =	swait.ge [sflag:s7], $0x8000  }
0x5be: {  	[sflag:s7] =	ssyncset.done $0x0  }
0x5bf: {  	[sflag:s7] =	ssyncadd.s32 $0xFFFF8000  }
0x5c0: {  	_ =	swait.ge [sflag:s9], $0x8000  }
0x5c1: {  	[sflag:s9] =	ssyncset.done $0x0  }
0x5c2: {  	[sflag:s9] =	ssyncadd.s32 $0xFFFF8000  }
0x5c3: {  	_ =	sfence.sel $0x180000  }
0x5c4: {  	[bflag:$0x0] =	sbarrier.arrive $0xFFFF  }
0x5c5: {  	_ =	strace $0x90000047  }
0x5c6: {  	s31 =	stileid.u32;
	[bflag:$0x2] =	sbarrier.arrive $0xFFFF  }
0x5c7: {  	p0 =	sne.s32 s31, $0x0;
	s0 =	rddreg [dreg:$0x2]  }
0x5c8: {  	s0 =	sadd.s32 @!p0 $0x100000, s0  }
0x5c9: {  	[sflag:s0] =	ssyncadd.tile.s32 @!p0 $0x1;
	_ =	shalt  }
.Lfunc_end2:
_tile_overlayer_lowered:
.L_overlay_start_2:
0x5ca: {  	(tag) =	ssettag $0x2  }
0x5cb: {  	s0 =	rddreg [dreg:$0x0];
	s2 =	stileid.u32  }
0x5cc: {  	s1 =	rddreg [dreg:$0x1];
	p0 =	sne.s32 s2, $0x0  }
0x5cd: {  	s3 =	rddreg [dreg:$0x2];
	[bflag:$0x3] =	sbarrier.arrive $0xFFFF;
	s2 =	simm.s32 @!p0 $0x1C07  }
0x5ce: {  	[timem:s3], [sflag:s2] =	dma.local @!p0 [hbm:s0], s1  }
0x5cf: {  	s0 =	simm.s32 @!p0 $0x7  }
0x5d0: {  	_ =	swait.ge @!p0 [sflag:s0], s1  }
0x5d1: {  	s1 =	ssub.s32 @!p0 $0x0, s1;
	[sflag:s0] =	ssyncset.done @!p0 $0x0  }
0x5d2: {  	[sflag:s0] =	ssyncadd.s32 @!p0 s1  }
0x5d3: {  	[bflag:$0x3] =	sbarrier.arrive $0xFFFF  }
0x5d4: {  	_ =	shalt  }

// kernel: sparse-core-data-format-call.cloned.1.call-start
scs
called_computation_lowered:
.L_overlay_start_0:
0x0: {  	s2 =	sld [smem:$0x3FD9]  }
0x1: {  	s3 =	sld [smem:$0x3FFE];
	_ =	sdelay $0x1  }
0x2: {  	s1 =	srdreg.scid  }
0x3: {  	s0 =	sand.u32 $0x1, s1  }
0x4: {  	s18 =	sshll.u32 s0, $0xA;
	s2 =	sadd.s32 s3, s2  }
0x5: {  	s2 =	sadd.s32 s2, s18  }
0x6: {  	[smem:$0x3FC6] =	sst s2  }
0x7: {  	_ = 	snop  }
0x8: {  	s2 =	sld [smem:$0x3FD0];
	(tm) =	ssettm $0x1  }
0x9: {  	s19 =	sld [smem:$0x3FFB];
	_ =	sdelay $0x3  }
0xa: {  	_ =	strace s19  }
0xb: {  	s3 =	sld [smem:$0x3FFC];
	_ =	sdelay $0x3  }
0xc: {  	_ =	strace s3  }
0xd: {  	s3 =	sld [smem:$0x3FFD];
	_ =	sdelay $0x3  }
0xe: {  	_ =	strace s3  }
0xf: {  	_ =	strace $0x8FFFFFFF  }
0x10: {  	s20 =	sld [smem:$0x3FDB];
	_ =	sdelay $0x1  }
0x11: {  	s4 =	simm.s32 $_scs_section_size  }
0x12: {  	s5 =	simm.s32 $_size__tile_overlayer_lowered;
	s6 =	simm.s32 $_tile_overlayer_lowered  }
0x13: {  	s23 =	simm.s32 $0x1BFF;
	s22 =	sshll.u32 s6, $0x1;
	s3 =	sadd.s32 s4, s20  }
0x14: {  	s7 =	simm.s32 $0x0;
	s21 =	sshll.u32 s5, $0x1;
	s5 =	sadd.s32 s22, s3  }
0x15: {  	[timem:s7], [sflag:s23] =	dma.local [hbm:s5], s21  }
0x16: {  	_ =	swait.ge [sflag:s23], s21  }
0x17: {  	s4 =	ssub.s32 $0x0, s21;
	[sflag:s23] =	ssyncset.done $0x0  }
0x18: {  	[sflag:s23] =	ssyncadd.s32 s4;
	_ =	sdelay $0x1  }
0x19: {  	s24 =	simm.s32 $0x1B8B  }
0x1a: {  	_ =	swait.ge [sflag:s24], $0x1  }
0x1b: {  	[sflag:s24] =	ssyncset.done $0x0  }
0x1c: {  	s26 =	simm.s32 $0x1B8E;
	s25 =	sld [smem:$0x3FFE];
	[sflag:s24] =	ssyncadd.s32 $0xFFFFFFFF  }
0x1d: {  	s27 =	simm.s32 $execute0_lowered;
	[smem:$0x3FD2] =	sst s26  }
0x1e: {  	s5 =	sshll.u32 s27, $0x1;
	_ =	strace $0x80000049;
	[dreg:$0x1] =	wrdreg $0xFFFFFFFF  }
0x1f: {  	s28 =	simm.s32 $_size_execute0_lowered;
	s3 =	sadd.s32 s3, s5;
	[dreg:$0x0] =	wrdreg $0x0  }
0x20: {  	s5 =	sshll.u32 s28, $0x1;
	[dreg:$0x2] =	wrdreg s3  }
0x21: {  	[dreg:$0x3] =	wrdreg s5  }
0x22: {  	[dreg:$0x4] =	wrdreg $0xC0  }
0x23: {  	_ =	task [dreg:s7], $0x5FFFF  }
0x24: {  	[dreg:$0x1] =	wrdreg $0xFFFFFFFF  }
0x25: {  	[dreg:$0x0] =	wrdreg $0x60  }
0x26: {  	[dreg:$0x2] =	wrdreg s25  }
0x27: {  	[dreg:$0x3] =	wrdreg s2  }
0x28: {  	[dreg:$0x4] =	wrdreg $0x9  }
0x29: {  	_ =	task.clear_ibuf [dreg:s7], $0x5FFFF;
	_ =	strace $0x90000049  }
0x2a: {  	s29 =	simm.s32 $0x9;
	_ =	strace $0x8000004B  }
0x2b: {  	_ =	swait.ge [sflag:s29], $0x1  }
0x2c: {  	[sflag:s29] =	ssyncadd.s32 $0xFFFFFFFF  }
0x2d: {  	_ =	strace $0x9000004B  }
0x2e: {  	_ =	sfence  }
0x2f: {  	s30 =	sld [smem:$0x0];
	_ =	sdelay $0x2  }
0x30: {  	s31 =	sshll.u32 s1, $0xD;
	s1 =	sshrl.u32 s1, $0x2  }
0x31: {  	s3 =	sand.u32 $0x4000, s31;
	s1 =	sadd.s32 s1, s30  }
0x32: {  	s0 =	sor.u32 s3, s0;
	s1 =	sshll.u32 s1, $0x11  }
0x33: {  	s0 =	sor.u32 s1, s0  }
0x34: {  	s0 =	sadd.s32 $0x8F2B, s0  }
0x35: {  	[sflag:s0] =	ssyncadd.remote.s32 $0x1  }
0x36: {  	_ =	sfence.sel $0xFFFF  }
0x37: {  	[dreg:$0x0] =	wrdreg $0xFFFFFFFF;
	(pc) =	sbr.abs _section_cstart, $3  }
0x38: {  	[dreg:$0x1] =	wrdreg $0xFFFFFFFF  }
0x39: {  	_ =	task.clear_ibuf [dreg:s7], $0x2FFFF;
	_ =	strace $0x9FFFFFFF  }
0x3a: {  	(tm) =	ssettm $0x7FFFFFFF  }
0x3b: {  	_ =	shalt  }
tec
execute0_lowered:
.L_overlay_start_1:
0x0: {  	(tag) =	ssettag $0x1  }
0x1: {  	s0 =	srdreg.scid  }
0x2: {  	s1 =	sshll.u32 s0, $0x4  }
0x3: {  	s0 =	stileid.u32;
	s1 =	sand.u32 $0x10, s1  }
0x4: {  	s1 =	sor.u32 s0, s1  }
0x5: {  	s6 =	rddreg [dreg:$0x0];
	s4 =	simm.s32 $0x1;
	s2 =	sshll.u32 s1, $0x7  }
0x6: {  	s7 =	simm.s32 $0x2;
	s12 =	simm.s32 $0x0;
	s1 =	ssub.s32 $0x1000, s2  }
0x7: {  	s8 =	simm.s32 $0x8000;
	s13 =	simm.s32 $0x0;
	s3 =	sand.u32 $0xF80, s1  }
0x8: {  	s9 =	simm.s32 $0x0;
	s5 =	sshrl.u32 s1, $0xC;
	p0 =	sne.s32 s3, $0x0  }
.Ltmp0:
0x9: {  	s1 =	rddreg [dreg:$0x2];
	s4 =	simm.s32 @!p0 $0x0;
	(pc) =	sbr.rel .LBB1_1-.Ltmp0, $4  }
0xa: {  	s11 =	simm.s32 $0x0;
	s3 =	rddreg [dreg:$0x1];
	s5 =	sadd.s32 s4, s5  }
0xb: {  	_ =	strace $0x8000004A;
	s4 =	simm.s32 $0x1;
	s5 =	smul.u32 $0xC8, s5  }
0xc: {  	s6 =	sadd.s32 $0xA00, s6;
	s10 =	smov.u32 s2;
	[sflag:s4] =	ssyncpa.u1 $0x0  }
0xd: {  	p0 =	por $0x0, $0x0;
	[sflag:s7] =	ssyncpa.u1 $0x0;
	s7 =	sor.u32 $0x1, s5  }
.LBB1_4:
0xe: {  	s16 =	sshll.u32 s13, $0x3;
	s17 =	sand.u32 $0x78, s13  }
0xf: {  	s30 =	sand.u32 $0x7E00, s13;
	s12 =	sshll.u32 s12, $0xF;
	s16 =	sand.u32 $0xC00, s16  }
0x10: {  	[tilespmem:s15+$0x810 ss:$0x81] =	vst.msk $0xffff, v2;
	s31 =	sand.u32 $0x7, s13;
	s16 =	sor.u32 s17, s16;
	s17 =	sadd.s32 s3, s30  }
0x11: {  	[tilespmem:s15+$0x1020 ss:$0x81] =	vst.msk $0xffff, v0;
	s13 =	sshll.u32 s31, $0x12;
	s12 =	sadd.s32 s12, s17;
	s16 =	sshrl.u32 s16, $0x3  }
0x12: {  	[tilespmem:s15+$0x0 ss:$0x81] =	vst.msk $0xffff, v1;
	s13 =	sor.u32 $0x400, s13;
	s12 =	sadd.s32 s16, s12  }
0x13: {  	[hbm4b:s12+s13] =	stream.strided.scatter [tilespmem:s14], [sflag:$0x2], $0x2000, s8, s13, $0x20;
	[tilespmem:$0x8080] =	vst v63  }
.LBB1_5:
0x14: {  	s14 =	sadd.s32 $0x1, s9  }
0x15: {  	s12 =	sadd.s32 $0x1000, s10;
	s16 =	smov.u32 s10;
	p2 =	sgt.s32 s14, $0xC7  }
0x16: {  	s16 =	smov.u32 @p2 s12  }
0x17: {  	s14 =	simm.s32 @p2 $0x0;
	p2 =	sgt.s32 s16, $0xFFF  }
0x18: {  	s16 =	smov.u32 @p2 s2;
	p2 =	sne.s32 s11, s7  }
.Ltmp1:
0x19: {  	p1 =	slt.u32 s11, $0x2;
	(pc) =	sbr.rel @!p2 .LBB1_6-.Ltmp1, $4  }
0x1a: {  	s15 =	simm.s32 @!p1 $0x2  }
0x1b: {  	s13 =	smov.u32 s10;
	p0 =	por !p0, !p0;
	_ =	swait.ge @!p1 [sflag:s15], $0x2000  }
0x1c: {  	s12 =	smov.u32 s9;
	[sflag:s15] =	ssyncset.done @!p1 $0x0;
	s9 =	smov.u32 s14  }
0x1d: {  	s11 =	sadd.s32 $0x1, s11;
	[sflag:s15] =	ssyncadd.s32 @!p1 $0xFFFFE000;
	s10 =	smov.u32 s16  }
.LBB1_1:
0x1e: {  	p1 =	sge.u32 s11, s5  }
0x1f: {  	s14 =	sand.u32 @!p1 $0x1FFFFFF, s9  }
0x20: {  	s15 =	smulhi.u32 @!p1 $0x147AE15, s14;
	_ =	sdelay $0x1  }
0x21: {  	s15 =	smul.u32 @!p1 $0xC8, s15  }
0x22: {  	s16 =	sxor.u32 @!p1 $0xFFFFFFFF, s11;
	s17 =	smul.u32 @!p1 $0xC80, s10  }
0x23: {  	s31 =	sadd.s32 $0xFFFFFFFF, s11;
	s16 =	sshll.u32 @!p1 s16, $0xD;
	s14 =	ssub.s32 @!p1 s14, s15  }
0x24: {  	s15 =	sand.u32 @!p1 $0x2000, s16;
	s16 =	sadd.s32 @!p1 s6, s17;
	s14 =	sshll.u32 @!p1 s14, $0x4  }
0x25: {  	s17 =	simm.s32 @!p1 $0x6400;
	s14 =	sadd.s32 @!p1 s14, s16;
	s16 =	simm.s32 @!p1 $0x40  }
0x26: {  	[tilespmem:s15], [sflag:$0x1] =	stream.strided.gather @!p1 [hbm4b:s14+s16], $0x2000, s17, s16, $0x38;
	[tilespmem:$0x8080] =	vst v63  }
0x27: {  	p1 =	sge.u32 s31, s5  }
.Ltmp2:
0x28: {  	_ = 	snop;
	(pc) =	sbr.rel @p1 .LBB1_5-.Ltmp2, $1  }
0x29: {  	_ =	sdelay $0x3  }
0x2a: {  	s14 =	simm.s32 $0x1  }
0x2b: {  	_ =	swait.ge [sflag:s4], $0x2000;
	s14 =	simm.s32 @!p0 $0x0  }
0x2c: {  	[sflag:s4] =	ssyncset.done $0x0;
	s15 =	sshll.u32 s14, $0xD  }
0x2d: {  	[sflag:s4] =	ssyncadd.s32 $0xFFFFE000;
	s18 =	sor.u32 $0x20, s15  }
0x2e: {  	s14 =	smul.u32 $0x8100, s14;
	v3 =	vld [tilespmem:s18+$0x10]  }
0x2f: {  	s30 =	sand.u32 $0x1, s11;
	v2 =	vld [tilespmem:s18+$0xFFFFFFF0]  }
0x30: {  	s15 =	smul.u32 $0x8100, s30;
	s14 =	sshrl.u32 s14, $0x2;
	v0 =	vld [tilespmem:s18+$0x0]  }
0x31: {  	v1 =	vld [tilespmem:s18+$0xFFFFFFE0];
	s16 =	sor.u32 $0x4000, s14  }
0x32: {  	s31 =	sshrl.u32 s15, $0x2;
	s15 =	sadd.s32 $0x0, s16  }
0x33: {  	s17 =	simm.s32 $0x4;
	s18 =	sadd.s32 $0x40, s18;
	s14 =	sor.u32 $0x4000, s31;
	[tilespmem:s15+$0x1830 ss:$0x81] =	vst.msk $0xffff, v3  }
.LBB1_3:
0x34: {  	v3 =	vld [tilespmem:s18+$0x10];
	p1 =	sne.s32 s17, $0x1FC;
	[tilespmem:s15+$0x810 ss:$0x81] =	vst.msk $0xffff, v2;
	s19 =	smov.u32 s17;
	s17 =	sadd.s32 $0x4, s17  }
.Ltmp3:
0x35: {  	v2 =	vld [tilespmem:s18+$0xFFFFFFF0];
	[tilespmem:s15+$0x1020 ss:$0x81] =	vst.msk $0xffff, v0;
	(pc) =	sbr.rel @p1 .LBB1_3-.Ltmp3, $4  }
0x36: {  	v0 =	vld [tilespmem:s18+$0x0];
	[tilespmem:s15+$0x0 ss:$0x81] =	vst.msk $0xffff, v1  }
0x37: {  	s15 =	sshra.s32 s19, $0x2;
	v1 =	vld [tilespmem:s18+$0xFFFFFFE0]  }
0x38: {  	s15 =	sadd.s32 s15, s16  }
0x39: {  	s18 =	sadd.s32 $0x40, s18;
	[tilespmem:s15+$0x1830 ss:$0x81] =	vst.msk $0xffff, v3  }
.Ltmp4:
0x3a: {  	_ = 	snop;
	(pc) =	sbr.rel .LBB1_4-.Ltmp4, $1  }
0x3b: {  	_ =	sdelay $0x3  }
.LBB1_6:
0x3c: {  	_ =	sfence.sel $0x180000  }
0x3d: {  	s2 =	simm.s32 $0x1;
	[bflag:$0x0] =	sbarrier.arrive $0xFFFF  }
0x3e: {  	s31 =	simm.s32 $0x2;
	[sflag:s2] =	ssyncpa.u1 $0x1  }
0x3f: {  	[sflag:s31] =	ssyncpa.u1 $0x1  }
0x40: {  	p0 =	sne.s32 s0, $0x0;
	_ =	strace $0x9000004A  }
0x41: {  	s0 =	sadd.s32 @!p0 $0x100000, s1;
	[bflag:$0x2] =	sbarrier.arrive $0xFFFF  }
0x42: {  	[sflag:s0] =	ssyncadd.tile.s32 @!p0 $0x1;
	_ =	shalt  }
.Lfunc_end1:
_tile_overlayer_lowered:
.L_overlay_start_2:
0x43: {  	(tag) =	ssettag $0x2  }
0x44: {  	s0 =	rddreg [dreg:$0x0];
	s2 =	stileid.u32  }
0x45: {  	s1 =	rddreg [dreg:$0x1];
	p0 =	sne.s32 s2, $0x0  }
0x46: {  	s3 =	rddreg [dreg:$0x2];
	[bflag:$0x3] =	sbarrier.arrive $0xFFFF;
	s2 =	simm.s32 @!p0 $0x1C01  }
0x47: {  	[timem:s3], [sflag:s2] =	dma.local @!p0 [hbm:s0], s1  }
0x48: {  	s0 =	simm.s32 @!p0 $0x1  }
0x49: {  	_ =	swait.ge @!p0 [sflag:s0], s1  }
0x4a: {  	s1 =	ssub.s32 @!p0 $0x0, s1;
	[sflag:s0] =	ssyncset.done @!p0 $0x0  }
0x4b: {  	[sflag:s0] =	ssyncadd.s32 @!p0 s1  }
0x4c: {  	[bflag:$0x3] =	sbarrier.arrive $0xFFFF  }
0x4d: {  	_ =	shalt  }

</sc_bundles>
